<compile_context>
chip_gen: v7x
topology: tpu7x:2x2x1
jax: 0.10.2.dev20260603
libtpu: 0.0.44.dev20260713+nightly
codegen_flags: <defaults>
</compile_context>

<pallas_src>
import functools

import jax
import jax.numpy as jnp
from jax import lax
from jax.experimental import pallas as pl
from jax.experimental.pallas import tpu as pltpu
from jax.experimental.pallas import tpu_sc as plsc

_N = 10000
_M = 32
_AF = 64
_NF = 16
_H = 128
_B = 100
_PER = 100
_E = _N * _M
_GF = 2 * _AF

_NA = 5600
_NB = _N - _NA

_BA = 200

_NC, _NS = 2, 16
_NW = _NC * _NS
_CH = 80
_NBUF = 5


def _sp(v):
    return jnp.maximum(v, 0.0) + jnp.log1p(jnp.exp(-jnp.abs(v)))


def _sc_gather(tab, idx1, e_off, n_edges):
    epw = n_edges // _NW
    cpw = epw // _CH
    assert epw % _CH == 0 and cpw % _NBUF == 0
    mesh = plsc.VectorSubcoreMesh(core_axis_name="c", subcore_axis_name="s")

    @functools.partial(
        pl.kernel,
        mesh=mesh,
        out_type=jax.ShapeDtypeStruct((n_edges, _GF), jnp.float32),
        scratch_types=(
            [pltpu.VMEM((epw,), jnp.int32)]
            + [pltpu.VMEM((_CH, _GF), jnp.float32) for _ in range(_NBUF)]
            + [pltpu.SemaphoreType.DMA for _ in range(_NBUF)]
        ),
    )
    def k(tab_hbm, idx_hbm, out_hbm, idx_slab, *rest):
        bufs = rest[:_NBUF]
        sems = rest[_NBUF:]
        w = lax.axis_index("s") * _NC + lax.axis_index("c")
        pltpu.sync_copy(idx_hbm.at[pl.ds(e_off + w * epw, epw)], idx_slab)

        def group(g, carry):
            base = g * _NBUF
            cps = []
            for b in range(_NBUF):
                cps.append(
                    pltpu.async_copy(
                        tab_hbm.at[idx_slab.at[pl.ds((base + b) * _CH, _CH)]],
                        bufs[b],
                        sems[b],
                    )
                )
            for b in range(_NBUF):
                cps[b].wait()
                pltpu.sync_copy(
                    bufs[b],
                    out_hbm.at[pl.ds((w * cpw + base + b) * _CH, _CH)],
                )
            return carry

        lax.fori_loop(0, cpw // _NBUF, group, 0)

    return k(tab, idx1)


def _embed_body(a_ref, we_ref, be_ref, ws_ref, bf_ref, wn_ref,
                x_ref, s_ref, p_ref):
    x = (
        jnp.dot(a_ref[...], we_ref[...], preferred_element_type=jnp.float32)
        + be_ref[...]
    )
    x_ref[...] = x
    s_ref[...] = (
        jnp.dot(x, ws_ref[...], preferred_element_type=jnp.float32) + bf_ref[...]
    )
    p_ref[...] = jnp.dot(x, wn_ref[...], preferred_element_type=jnp.float32)


def _embed_prep(atom_fea, W_emb, b_emb, Ws, bf, Wn):
    return pl.pallas_call(
        _embed_body,
        out_shape=[
            jax.ShapeDtypeStruct((_N, _AF), jnp.float32),
            jax.ShapeDtypeStruct((_N, _GF), jnp.float32),
            jax.ShapeDtypeStruct((_N, _GF), jnp.float32),
        ],
    )(atom_fea, W_emb, b_emb, Ws, bf, Wn)


def _p1_body(s_ref, g_ref, nf_ref, we_ref, o_ref):
    i = pl.program_id(0)
    Ee = lax.dot_general(nf_ref[...], we_ref[...],
                         dimension_numbers=(((0,), (0,)), ((), ())),
                         preferred_element_type=jnp.float32)
    gated = (
        (g_ref[...] + Ee).reshape(_BA, _M, _GF) + s_ref[...][:, None, :]
    ).reshape(_BA * _M, _GF)

    @pl.when(i == 0)
    def _init():
        o_ref[...] = jnp.zeros_like(o_ref)

    o_ref[0:1, :] += jnp.sum(gated, axis=0, keepdims=True)
    o_ref[1:2, :] += jnp.sum(gated * gated, axis=0, keepdims=True)


def _p1(S, G, nfT, We, a0, na):
    blk0 = a0 // _BA
    return pl.pallas_call(
        _p1_body,
        grid=(na // _BA,),
        in_specs=[
            pl.BlockSpec((_BA, _GF), lambda i: (i + blk0, 0)),
            pl.BlockSpec((_BA * _M, _GF), lambda i: (i, 0)),
            pl.BlockSpec((_NF, _BA * _M), lambda i: (0, i + blk0)),
            pl.BlockSpec((_NF, _GF), lambda i: (0, 0)),
        ],
        out_specs=pl.BlockSpec((8, _GF), lambda i: (0, 0)),
        out_shape=jax.ShapeDtypeStruct((8, _GF), jnp.float32),
    )(S, G, nfT, We)


def _p2_body(s_ref, g_ref, nf_ref, we_ref, sa_ref, sb_ref, g1_ref, b1_ref,
             ns_ref, o_ref):
    i = pl.program_id(0)
    cnt = float(_E)
    s1 = sa_ref[0:1, :] + sb_ref[0:1, :]
    s2 = sa_ref[1:2, :] + sb_ref[1:2, :]
    mean = s1 / cnt
    var = s2 / cnt - mean * mean
    scale = g1_ref[...] * lax.rsqrt(var + 1e-5)
    shift = b1_ref[...] - mean * scale
    we_s = we_ref[...] * scale
    s_s = s_ref[...] * scale + shift
    Ee = lax.dot_general(nf_ref[...], we_s,
                         dimension_numbers=(((0,), (0,)), ((), ())),
                         preferred_element_type=jnp.float32)
    gn = (
        g_ref[...] * scale + Ee
    ).reshape(_BA, _M, _GF) + s_s[:, None, :]
    sig = 0.5 * jnp.tanh(0.5 * gn) + 0.5
    spv = _sp(gn)
    prod = sig * pltpu.roll(spv, _AF, axis=2)
    ns = jnp.sum(prod, axis=1)[:, 0:_AF]
    ns_ref[...] = ns

    @pl.when(i == 0)
    def _init():
        o_ref[...] = jnp.zeros_like(o_ref)

    o_ref[0:1, :] += jnp.sum(ns, axis=0, keepdims=True)
    o_ref[1:2, :] += jnp.sum(ns * ns, axis=0, keepdims=True)


def _p2(S, G, nfT, We, sumsA, sumsB, g1, b1, a0, na):
    blk0 = a0 // _BA
    return pl.pallas_call(
        _p2_body,
        grid=(na // _BA,),
        in_specs=[
            pl.BlockSpec((_BA, _GF), lambda i: (i + blk0, 0)),
            pl.BlockSpec((_BA * _M, _GF), lambda i: (i, 0)),
            pl.BlockSpec((_NF, _BA * _M), lambda i: (0, i + blk0)),
            pl.BlockSpec((_NF, _GF), lambda i: (0, 0)),
            pl.BlockSpec((8, _GF), lambda i: (0, 0)),
            pl.BlockSpec((8, _GF), lambda i: (0, 0)),
            pl.BlockSpec((1, _GF), lambda i: (0, 0)),
            pl.BlockSpec((1, _GF), lambda i: (0, 0)),
        ],
        out_specs=[
            pl.BlockSpec((_BA, _AF), lambda i: (i, 0)),
            pl.BlockSpec((8, _AF), lambda i: (0, 0)),
        ],
        out_shape=[
            jax.ShapeDtypeStruct((na, _AF), jnp.float32),
            jax.ShapeDtypeStruct((8, _AF), jnp.float32),
        ],
    )(S, G, nfT, We, sumsA, sumsB, g1, b1)


def _bn2_scale_shift(sa_ref, sb_ref, g2_ref, b2_ref):
    cnt = float(_N)
    s1 = sa_ref[0:1, :] + sb_ref[0:1, :]
    s2 = sa_ref[1:2, :] + sb_ref[1:2, :]
    mean = s1 / cnt
    var = s2 / cnt - mean * mean
    scale = g2_ref[...] * lax.rsqrt(var + 1e-5)
    shift = b2_ref[...] - mean * scale
    return scale, shift


def _p3_body(x_ref, nsa_ref, nsb_ref, sa_ref, sb_ref, g2_ref, b2_ref,
             ws_ref, bf_ref, wn_ref, x2_ref, s_ref, p_ref):
    scale, shift = _bn2_scale_shift(sa_ref, sb_ref, g2_ref, b2_ref)
    ns = jnp.concatenate([nsa_ref[...], nsb_ref[...]], axis=0)
    x = _sp(x_ref[...] + ns * scale + shift)
    x2_ref[...] = x
    s_ref[...] = (
        jnp.dot(x, ws_ref[...], preferred_element_type=jnp.float32) + bf_ref[...]
    )
    p_ref[...] = jnp.dot(x, wn_ref[...], preferred_element_type=jnp.float32)


def _p3_prep(x, nsA, nsB, sumsA, sumsB, g2, b2, Ws, bf, Wn):
    return pl.pallas_call(
        _p3_body,
        out_shape=[
            jax.ShapeDtypeStruct((_N, _AF), jnp.float32),
            jax.ShapeDtypeStruct((_N, _GF), jnp.float32),
            jax.ShapeDtypeStruct((_N, _GF), jnp.float32),
        ],
    )(x, nsA, nsB, sumsA, sumsB, g2, b2, Ws, bf, Wn)


def _p3_last_body(x_ref, nsa_ref, nsb_ref, sa_ref, sb_ref, g2_ref, b2_ref,
                  o_ref):
    scale, shift = _bn2_scale_shift(sa_ref, sb_ref, g2_ref, b2_ref)
    ns = jnp.concatenate([nsa_ref[...], nsb_ref[...]], axis=0)
    o_ref[...] = _sp(x_ref[...] + ns * scale + shift)


def _p3_last(x, nsA, nsB, sumsA, sumsB, g2, b2):
    return pl.pallas_call(
        _p3_last_body,
        out_shape=jax.ShapeDtypeStruct((_N, _AF), jnp.float32),
    )(x, nsA, nsB, sumsA, sumsB, g2, b2)


def _head_body(x_ref, wfc_ref, bfc_ref, wo_ref, bo_ref, out_ref, crys_ref):
    xm = jnp.sum(x_ref[...].reshape(_B, _PER, _AF), axis=1) * (1.0 / _PER)
    h = _sp(
        jnp.dot(xm, wfc_ref[...], preferred_element_type=jnp.float32)
        + bfc_ref[...]
    )
    crys_ref[...] = h
    out_ref[...] = (
        jnp.dot(h, wo_ref[...], preferred_element_type=jnp.float32) + bo_ref[...]
    )


def _head(x, Wfc, bfc, Wo, bo):
    return pl.pallas_call(
        _head_body,
        out_shape=[
            jax.ShapeDtypeStruct((_B, 1), jnp.float32),
            jax.ShapeDtypeStruct((_B, _H), jnp.float32),
        ],
    )(x, Wfc, bfc, Wo, bo)


def kernel(atom_fea, nbr_fea, nbr_fea_idx, crystal_atom_idx,
           W_emb, b_emb,
           W_full0, b_full0, bn1_g0, bn1_b0, bn2_g0, bn2_b0,
           W_full1, b_full1, bn1_g1, bn1_b1, bn2_g1, bn2_b1,
           W_full2, b_full2, bn1_g2, bn1_b2, bn2_g2, bn2_b2,
           W_fc, b_fc, W_out, b_out):
    del crystal_atom_idx
    nfT = nbr_fea.reshape(_E, _NF).T
    idx1 = nbr_fea_idx.astype(jnp.int32).reshape(_E)
    layers = [
        (W_full0, b_full0, bn1_g0, bn1_b0, bn2_g0, bn2_b0),
        (W_full1, b_full1, bn1_g1, bn1_b1, bn2_g1, bn2_b1),
        (W_full2, b_full2, bn1_g2, bn1_b2, bn2_g2, bn2_b2),
    ]
    Ws = [w[0:_AF] for (w, *_) in layers]
    Wn = [w[_AF:2 * _AF] for (w, *_) in layers]
    We = [w[2 * _AF:] for (w, *_) in layers]
    bf = [b.reshape(1, _GF) for (_, b, *_) in layers]

    x, S, P = _embed_prep(atom_fea, W_emb, b_emb.reshape(1, _AF),
                          Ws[0], bf[0], Wn[0])
    eA = _NA * _M
    for li, (_, _, g1, b1, g2, b2) in enumerate(layers):
        GA = _sc_gather(P, idx1, 0, eA)
        GB = _sc_gather(P, idx1, eA, _E - eA)
        sumsA = _p1(S, GA, nfT, We[li], 0, _NA)
        sumsB = _p1(S, GB, nfT, We[li], _NA, _NB)
        nsA, s2A = _p2(S, GA, nfT, We[li], sumsA, sumsB,
                       g1.reshape(1, _GF), b1.reshape(1, _GF), 0, _NA)
        nsB, s2B = _p2(S, GB, nfT, We[li], sumsA, sumsB,
                       g1.reshape(1, _GF), b1.reshape(1, _GF), _NA, _NB)
        if li < 2:
            x, S, P = _p3_prep(x, nsA, nsB, s2A, s2B,
                               g2.reshape(1, _AF), b2.reshape(1, _AF),
                               Ws[li + 1], bf[li + 1], Wn[li + 1])
        else:
            x = _p3_last(x, nsA, nsB, s2A, s2B,
                         g2.reshape(1, _AF), b2.reshape(1, _AF))
    out, crys_fea = _head(x, W_fc, b_fc.reshape(1, _H), W_out, b_out.reshape(1, 1))
    return (out, crys_fea)

# --- scband reference (transcript-rebuilt; emitter-appended) ---
"""Pipeline reference for scband-crystal-graph-conv-net-27341761806838 (READ-ONLY COPY).

The authoritative reference and input builder live on the scoring server;
editing this copy changes nothing except your own understanding.
"""

import jax, jax.numpy as jnp
import numpy as np

N = 10000
M = 32
ORIG = 128
AF = 64
NF = 16
H = 128
B = 100
PER = 100
N_CONV = 3


def _bn(x, g, b, eps=1e-5):
    m = jnp.mean(x, axis=0)
    v = jnp.mean((x - m) ** 2, axis=0)
    return g * (x - m) / jnp.sqrt(v + eps) + b


def setup_inputs(seed: int = 0) -> dict:
    key = jax.random.key(seed)
    ks = jax.random.split(key, 64)
    inp = {}
    inp['atom_fea'] = jax.random.normal(ks[0], (N, ORIG), dtype=jnp.float32)
    inp['nbr_fea'] = jax.random.normal(ks[1], (N, M, NF), dtype=jnp.float32)
    inp['nbr_fea_idx'] = jax.random.randint(ks[2], (N, M), 0, N)
    inp['crystal_atom_idx'] = jnp.arange(N).reshape(B, PER)
    inp['W_emb'] = jax.random.normal(ks[3], (ORIG, AF), dtype=jnp.float32) * 0.05
    inp['b_emb'] = jnp.zeros((AF,), dtype=jnp.float32)
    kidx = 4
    for i in range(N_CONV):
        inp[f'W_full{i}'] = jax.random.normal(ks[kidx], (2 * AF + NF, 2 * AF), dtype=jnp.float32) * 0.05
        inp[f'b_full{i}'] = jnp.zeros((2 * AF,), dtype=jnp.float32)
        inp[f'bn1_g{i}'] = jnp.ones((2 * AF,), dtype=jnp.float32)
        inp[f'bn1_b{i}'] = jnp.zeros((2 * AF,), dtype=jnp.float32)
        inp[f'bn2_g{i}'] = jnp.ones((AF,), dtype=jnp.float32)
        inp[f'bn2_b{i}'] = jnp.zeros((AF,), dtype=jnp.float32)
        kidx += 1
    inp['W_fc'] = jax.random.normal(ks[kidx], (AF, H), dtype=jnp.float32) * 0.05
    inp['b_fc'] = jnp.zeros((H,), dtype=jnp.float32)
    inp['W_out'] = jax.random.normal(ks[kidx + 1], (H, 1), dtype=jnp.float32) * 0.05
    inp['b_out'] = jnp.zeros((1,), dtype=jnp.float32)
    return inp


def _conv_layer(atom_in, nbr_fea, nbr_idx, W_full, b_full, g1, be1, g2, be2):
    n, m = nbr_idx.shape
    af = atom_in.shape[1]
    atom_nbr = atom_in[nbr_idx, :]
    self_fea = jnp.broadcast_to(atom_in[:, None, :], (n, m, af))
    total = jnp.concatenate([self_fea, atom_nbr, nbr_fea], axis=2)
    gated = total @ W_full + b_full
    gated = _bn(gated.reshape(-1, 2 * af), g1, be1).reshape(n, m, 2 * af)
    nbr_filter, nbr_core = jnp.split(gated, 2, axis=2)
    nbr_filter = jax.nn.sigmoid(nbr_filter)
    nbr_core = jax.nn.softplus(nbr_core)
    nbr_sumed = jnp.sum(nbr_filter * nbr_core, axis=1)
    nbr_sumed = _bn(nbr_sumed, g2, be2)
    return jax.nn.softplus(atom_in + nbr_sumed)


def reference(atom_fea, nbr_fea, nbr_fea_idx, crystal_atom_idx,
              W_emb, b_emb,
              W_full0, b_full0, bn1_g0, bn1_b0, bn2_g0, bn2_b0,
              W_full1, b_full1, bn1_g1, bn1_b1, bn2_g1, bn2_b1,
              W_full2, b_full2, bn1_g2, bn1_b2, bn2_g2, bn2_b2,
              W_fc, b_fc, W_out, b_out):
    x = atom_fea @ W_emb + b_emb
    conv_params = [
        (W_full0, b_full0, bn1_g0, bn1_b0, bn2_g0, bn2_b0),
        (W_full1, b_full1, bn1_g1, bn1_b1, bn2_g1, bn2_b1),
        (W_full2, b_full2, bn1_g2, bn1_b2, bn2_g2, bn2_b2),
    ]
    for p in conv_params:
        x = _conv_layer(x, nbr_fea, nbr_fea_idx, *p)
    crys = jnp.mean(x[crystal_atom_idx, :], axis=1)
    crys_fea = jax.nn.softplus(crys @ W_fc + b_fc)
    out = crys_fea @ W_out + b_out
    return (out, crys_fea)

if __name__ == "__main__":
    import jax
    _d = setup_inputs()
    print(jax.jit(kernel)(*tuple(_d.values())))

</pallas_src>

<mosaic_0001>
#map = affine_map<(d0, d1) -> (0, 0)>
#map1 = affine_map<(d0, d1) -> (0)>
module attributes {stable_mosaic.version = 14 : i64} {
  func.func @k(%arg0: i32, %arg1: i32, %arg2: memref<10000x128xf32, #tpu.memory_space<hbm>>, %arg3: memref<320000xi32, #tpu.memory_space<hbm>>, %arg4: memref<179200x128xf32, #tpu.memory_space<hbm>>, %arg5: memref<5600xi32, #tpu.memory_space<vmem>>, %arg6: memref<80x128xf32, #tpu.memory_space<vmem>>, %arg7: memref<80x128xf32, #tpu.memory_space<vmem>>, %arg8: memref<80x128xf32, #tpu.memory_space<vmem>>, %arg9: memref<80x128xf32, #tpu.memory_space<vmem>>, %arg10: memref<80x128xf32, #tpu.memory_space<vmem>>, %arg11: memref<!tpu.dma_semaphore, #tpu.memory_space<semaphore_mem>>, %arg12: memref<!tpu.dma_semaphore, #tpu.memory_space<semaphore_mem>>, %arg13: memref<!tpu.dma_semaphore, #tpu.memory_space<semaphore_mem>>, %arg14: memref<!tpu.dma_semaphore, #tpu.memory_space<semaphore_mem>>, %arg15: memref<!tpu.dma_semaphore, #tpu.memory_space<semaphore_mem>>) attributes {dimension_semantics = [#tpu.dimension_semantics<core_parallel>, #tpu.dimension_semantics<subcore_parallel>], iteration_bounds = array<i64: 2, 16>, scalar_prefetch = 0 : i64, scratch_operands = 11 : i64, tpu.core_type = #tpu.core_type<sc_vector_subcore>, window_params = [{transform_indices = #map}, {transform_indices = #map1}, {transform_indices = #map}]} {
    %mul3A = arith.constant 2 : i32
    %mul3A_0 = arith.muli %arg1, %mul3A : i32
    %add3A = arith.addi %mul3A_0, %arg0 : i32
    %mul3A_1 = arith.constant 5600 : i32
    %mul3A_2 = arith.muli %add3A, %mul3A_1 : i32
    %add3A_3 = arith.constant 0 : i32
    %add3A_4 = arith.addi %add3A_3, %mul3A_2 : i32
    "tpu.region"() ({
      %run_scoped3A = tpu.sem_alloc : memref<!tpu.dma_semaphore, #tpu.memory_space<semaphore_mem>>
      %dma_start3A = tpu.memref_slice %arg3[%add3A_4] : memref<320000xi32, #tpu.memory_space<hbm>> -> memref<5600xi32, #tpu.memory_space<hbm>>
      %dma_start3A_10 = tpu.memref_slice %arg3[%add3A_4] : memref<320000xi32, #tpu.memory_space<hbm>> -> memref<5600xi32, #tpu.memory_space<hbm>>
      tpu.enqueue_dma source(%dma_start3A_10 : memref<5600xi32, #tpu.memory_space<hbm>>) target(%arg5 : memref<5600xi32, #tpu.memory_space<vmem>>) target_semaphore(%run_scoped3A : memref<!tpu.dma_semaphore, #tpu.memory_space<semaphore_mem>>)
      %dma_wait3A = tpu.memref_slice %arg3[%add3A_4] : memref<320000xi32, #tpu.memory_space<hbm>> -> memref<5600xi32, #tpu.memory_space<hbm>>
      %dma_wait3A_11 = tpu.memref_slice %arg3[%add3A_4] : memref<320000xi32, #tpu.memory_space<hbm>> -> memref<5600xi32, #tpu.memory_space<hbm>>
      tpu.wait_dma2 semaphore(%run_scoped3A : memref<!tpu.dma_semaphore, #tpu.memory_space<semaphore_mem>>) src(%dma_wait3A_11 : memref<5600xi32, #tpu.memory_space<hbm>>) dst(%arg5 : memref<5600xi32, #tpu.memory_space<vmem>>)
      tpu.yield
    }) : () -> ()
    %scan3A = arith.constant 0 : i32
    %scan3A_5 = arith.constant 0 : i32
    %scan3A_6 = arith.constant 14 : i32
    %scan3A_7 = arith.addi %scan3A_5, %scan3A_6 : i32
    %scan3A_8 = arith.constant 1 : i32
    scf.for %scan3A_10 = %scan3A_5 to %scan3A_7 step %scan3A_8  : i32 {
      %mul3A_11 = arith.constant 5 : i32
      %mul3A_12 = arith.muli %scan3A_10, %mul3A_11 : i32
      %add3A_13 = arith.constant 0 : i32
      %add3A_14 = arith.addi %mul3A_12, %add3A_13 : i32
      %mul3A_15 = arith.constant 80 : i32
      %mul3A_16 = arith.muli %add3A_14, %mul3A_15 : i32
      %dma_start3A = tpu.memref_slice %arg5[%mul3A_16] : memref<5600xi32, #tpu.memory_space<vmem>> -> memref<80xi32, #tpu.memory_space<vmem>>
      %dma_start3A_17 = arith.constant 0 : i32
      %dma_start3A_18 = arith.constant 0 : i32
      %dma_start3A_19 = tpu.memref_slice %arg2[%dma_start3A_17, %dma_start3A_18] : memref<10000x128xf32, #tpu.memory_space<hbm>> -> memref<10000x128xf32, #tpu.memory_space<hbm>>
      tpu.enqueue_indirect_dma source(%dma_start3A_19 : memref<10000x128xf32, #tpu.memory_space<hbm>>) target(%arg6 : memref<80x128xf32, #tpu.memory_space<vmem>>) offsets(%dma_start3A : memref<80xi32, #tpu.memory_space<vmem>>) semaphore(%arg11 : memref<!tpu.dma_semaphore, #tpu.memory_space<semaphore_mem>>)
      %add3A_20 = arith.constant 1 : i32
      %add3A_21 = arith.addi %mul3A_12, %add3A_20 : i32
      %mul3A_22 = arith.constant 80 : i32
      %mul3A_23 = arith.muli %add3A_21, %mul3A_22 : i32
      %dma_start3A_24 = tpu.memref_slice %arg5[%mul3A_23] : memref<5600xi32, #tpu.memory_space<vmem>> -> memref<80xi32, #tpu.memory_space<vmem>>
      %dma_start3A_25 = arith.constant 0 : i32
      %dma_start3A_26 = arith.constant 0 : i32
      %dma_start3A_27 = tpu.memref_slice %arg2[%dma_start3A_25, %dma_start3A_26] : memref<10000x128xf32, #tpu.memory_space<hbm>> -> memref<10000x128xf32, #tpu.memory_space<hbm>>
      tpu.enqueue_indirect_dma source(%dma_start3A_27 : memref<10000x128xf32, #tpu.memory_space<hbm>>) target(%arg7 : memref<80x128xf32, #tpu.memory_space<vmem>>) offsets(%dma_start3A_24 : memref<80xi32, #tpu.memory_space<vmem>>) semaphore(%arg12 : memref<!tpu.dma_semaphore, #tpu.memory_space<semaphore_mem>>)
      %add3A_28 = arith.constant 2 : i32
      %add3A_29 = arith.addi %mul3A_12, %add3A_28 : i32
      %mul3A_30 = arith.constant 80 : i32
      %mul3A_31 = arith.muli %add3A_29, %mul3A_30 : i32
      %dma_start3A_32 = tpu.memref_slice %arg5[%mul3A_31] : memref<5600xi32, #tpu.memory_space<vmem>> -> memref<80xi32, #tpu.memory_space<vmem>>
      %dma_start3A_33 = arith.constant 0 : i32
      %dma_start3A_34 = arith.constant 0 : i32
      %dma_start3A_35 = tpu.memref_slice %arg2[%dma_start3A_33, %dma_start3A_34] : memref<10000x128xf32, #tpu.memory_space<hbm>> -> memref<10000x128xf32, #tpu.memory_space<hbm>>
      tpu.enqueue_indirect_dma source(%dma_start3A_35 : memref<10000x128xf32, #tpu.memory_space<hbm>>) target(%arg8 : memref<80x128xf32, #tpu.memory_space<vmem>>) offsets(%dma_start3A_32 : memref<80xi32, #tpu.memory_space<vmem>>) semaphore(%arg13 : memref<!tpu.dma_semaphore, #tpu.memory_space<semaphore_mem>>)
      %add3A_36 = arith.constant 3 : i32
      %add3A_37 = arith.addi %mul3A_12, %add3A_36 : i32
      %mul3A_38 = arith.constant 80 : i32
      %mul3A_39 = arith.muli %add3A_37, %mul3A_38 : i32
      %dma_start3A_40 = tpu.memref_slice %arg5[%mul3A_39] : memref<5600xi32, #tpu.memory_space<vmem>> -> memref<80xi32, #tpu.memory_space<vmem>>
      %dma_start3A_41 = arith.constant 0 : i32
      %dma_start3A_42 = arith.constant 0 : i32
      %dma_start3A_43 = tpu.memref_slice %arg2[%dma_start3A_41, %dma_start3A_42] : memref<10000x128xf32, #tpu.memory_space<hbm>> -> memref<10000x128xf32, #tpu.memory_space<hbm>>
      tpu.enqueue_indirect_dma source(%dma_start3A_43 : memref<10000x128xf32, #tpu.memory_space<hbm>>) target(%arg9 : memref<80x128xf32, #tpu.memory_space<vmem>>) offsets(%dma_start3A_40 : memref<80xi32, #tpu.memory_space<vmem>>) semaphore(%arg14 : memref<!tpu.dma_semaphore, #tpu.memory_space<semaphore_mem>>)
      %add3A_44 = arith.constant 4 : i32
      %add3A_45 = arith.addi %mul3A_12, %add3A_44 : i32
      %mul3A_46 = arith.constant 80 : i32
      %mul3A_47 = arith.muli %add3A_45, %mul3A_46 : i32
      %dma_start3A_48 = tpu.memref_slice %arg5[%mul3A_47] : memref<5600xi32, #tpu.memory_space<vmem>> -> memref<80xi32, #tpu.memory_space<vmem>>
      %dma_start3A_49 = arith.constant 0 : i32
      %dma_start3A_50 = arith.constant 0 : i32
      %dma_start3A_51 = tpu.memref_slice %arg2[%dma_start3A_49, %dma_start3A_50] : memref<10000x128xf32, #tpu.memory_space<hbm>> -> memref<10000x128xf32, #tpu.memory_space<hbm>>
      tpu.enqueue_indirect_dma source(%dma_start3A_51 : memref<10000x128xf32, #tpu.memory_space<hbm>>) target(%arg10 : memref<80x128xf32, #tpu.memory_space<vmem>>) offsets(%dma_start3A_48 : memref<80xi32, #tpu.memory_space<vmem>>) semaphore(%arg15 : memref<!tpu.dma_semaphore, #tpu.memory_space<semaphore_mem>>)
      %dma_wait3A = tpu.memref_slice %arg5[%mul3A_16] : memref<5600xi32, #tpu.memory_space<vmem>> -> memref<80xi32, #tpu.memory_space<vmem>>
      %dma_wait3A_52 = arith.constant 0 : i32
      %dma_wait3A_53 = arith.constant 0 : i32
      %dma_wait3A_54 = tpu.memref_slice %arg2[%dma_wait3A_52, %dma_wait3A_53] : memref<10000x128xf32, #tpu.memory_space<hbm>> -> memref<10000x128xf32, #tpu.memory_space<hbm>>
      tpu.wait_indirect_dma semaphore(%arg11 : memref<!tpu.dma_semaphore, #tpu.memory_space<semaphore_mem>>) src(%dma_wait3A_54 : memref<10000x128xf32, #tpu.memory_space<hbm>>) dst(%arg6 : memref<80x128xf32, #tpu.memory_space<vmem>>)
      %mul3A_55 = arith.constant 70 : i32
      %mul3A_56 = arith.muli %add3A, %mul3A_55 : i32
      %add3A_57 = arith.addi %mul3A_56, %mul3A_12 : i32
      %add3A_58 = arith.constant 0 : i32
      %add3A_59 = arith.addi %add3A_57, %add3A_58 : i32
      %mul3A_60 = arith.constant 80 : i32
      %mul3A_61 = arith.muli %add3A_59, %mul3A_60 : i32
      "tpu.region"() ({
        %run_scoped3A = tpu.sem_alloc : memref<!tpu.dma_semaphore, #tpu.memory_space<semaphore_mem>>
        %dma_start3A_106 = arith.constant 0 : i32
        %dma_start3A_107 = tpu.memref_slice %arg4[%mul3A_61, %dma_start3A_106] : memref<179200x128xf32, #tpu.memory_space<hbm>> -> memref<80x128xf32, #tpu.memory_space<hbm>>
        %dma_start3A_108 = arith.constant 0 : i32
        %dma_start3A_109 = tpu.memref_slice %arg4[%mul3A_61, %dma_start3A_108] : memref<179200x128xf32, #tpu.memory_space<hbm>> -> memref<80x128xf32, #tpu.memory_space<hbm>>
        tpu.enqueue_dma source(%arg6 : memref<80x128xf32, #tpu.memory_space<vmem>>) target(%dma_start3A_109 : memref<80x128xf32, #tpu.memory_space<hbm>>) target_semaphore(%run_scoped3A : memref<!tpu.dma_semaphore, #tpu.memory_space<semaphore_mem>>)
        %dma_wait3A_110 = arith.constant 0 : i32
        %dma_wait3A_111 = tpu.memref_slice %arg4[%mul3A_61, %dma_wait3A_110] : memref<179200x128xf32, #tpu.memory_space<hbm>> -> memref<80x128xf32, #tpu.memory_space<hbm>>
        %dma_wait3A_112 = arith.constant 0 : i32
        %dma_wait3A_113 = tpu.memref_slice %arg4[%mul3A_61, %dma_wait3A_112] : memref<179200x128xf32, #tpu.memory_space<hbm>> -> memref<80x128xf32, #tpu.memory_space<hbm>>
        tpu.wait_dma2 semaphore(%run_scoped3A : memref<!tpu.dma_semaphore, #tpu.memory_space<semaphore_mem>>) src(%arg6 : memref<80x128xf32, #tpu.memory_space<vmem>>) dst(%dma_wait3A_113 : memref<80x128xf32, #tpu.memory_space<hbm>>)
        tpu.yield
      }) : () -> ()
      %dma_wait3A_62 = tpu.memref_slice %arg5[%mul3A_23] : memref<5600xi32, #tpu.memory_space<vmem>> -> memref<80xi32, #tpu.memory_space<vmem>>
      %dma_wait3A_63 = arith.constant 0 : i32
      %dma_wait3A_64 = arith.constant 0 : i32
      %dma_wait3A_65 = tpu.memref_slice %arg2[%dma_wait3A_63, %dma_wait3A_64] : memref<10000x128xf32, #tpu.memory_space<hbm>> -> memref<10000x128xf32, #tpu.memory_space<hbm>>
      tpu.wait_indirect_dma semaphore(%arg12 : memref<!tpu.dma_semaphore, #tpu.memory_space<semaphore_mem>>) src(%dma_wait3A_65 : memref<10000x128xf32, #tpu.memory_space<hbm>>) dst(%arg7 : memref<80x128xf32, #tpu.memory_space<vmem>>)
      %mul3A_66 = arith.constant 70 : i32
      %mul3A_67 = arith.muli %add3A, %mul3A_66 : i32
      %add3A_68 = arith.addi %mul3A_67, %mul3A_12 : i32
      %add3A_69 = arith.constant 1 : i32
      %add3A_70 = arith.addi %add3A_68, %add3A_69 : i32
      %mul3A_71 = arith.constant 80 : i32
      %mul3A_72 = arith.muli %add3A_70, %mul3A_71 : i32
      "tpu.region"() ({
        %run_scoped3A = tpu.sem_alloc : memref<!tpu.dma_semaphore, #tpu.memory_space<semaphore_mem>>
        %dma_start3A_106 = arith.constant 0 : i32
        %dma_start3A_107 = tpu.memref_slice %arg4[%mul3A_72, %dma_start3A_106] : memref<179200x128xf32, #tpu.memory_space<hbm>> -> memref<80x128xf32, #tpu.memory_space<hbm>>
        %dma_start3A_108 = arith.constant 0 : i32
        %dma_start3A_109 = tpu.memref_slice %arg4[%mul3A_72, %dma_start3A_108] : memref<179200x128xf32, #tpu.memory_space<hbm>> -> memref<80x128xf32, #tpu.memory_space<hbm>>
        tpu.enqueue_dma source(%arg7 : memref<80x128xf32, #tpu.memory_space<vmem>>) target(%dma_start3A_109 : memref<80x128xf32, #tpu.memory_space<hbm>>) target_semaphore(%run_scoped3A : memref<!tpu.dma_semaphore, #tpu.memory_space<semaphore_mem>>)
        %dma_wait3A_110 = arith.constant 0 : i32
        %dma_wait3A_111 = tpu.memref_slice %arg4[%mul3A_72, %dma_wait3A_110] : memref<179200x128xf32, #tpu.memory_space<hbm>> -> memref<80x128xf32, #tpu.memory_space<hbm>>
        %dma_wait3A_112 = arith.constant 0 : i32
        %dma_wait3A_113 = tpu.memref_slice %arg4[%mul3A_72, %dma_wait3A_112] : memref<179200x128xf32, #tpu.memory_space<hbm>> -> memref<80x128xf32, #tpu.memory_space<hbm>>
        tpu.wait_dma2 semaphore(%run_scoped3A : memref<!tpu.dma_semaphore, #tpu.memory_space<semaphore_mem>>) src(%arg7 : memref<80x128xf32, #tpu.memory_space<vmem>>) dst(%dma_wait3A_113 : memref<80x128xf32, #tpu.memory_space<hbm>>)
        tpu.yield
      }) : () -> ()
      %dma_wait3A_73 = tpu.memref_slice %arg5[%mul3A_31] : memref<5600xi32, #tpu.memory_space<vmem>> -> memref<80xi32, #tpu.memory_space<vmem>>
      %dma_wait3A_74 = arith.constant 0 : i32
      %dma_wait3A_75 = arith.constant 0 : i32
      %dma_wait3A_76 = tpu.memref_slice %arg2[%dma_wait3A_74, %dma_wait3A_75] : memref<10000x128xf32, #tpu.memory_space<hbm>> -> memref<10000x128xf32, #tpu.memory_space<hbm>>
      tpu.wait_indirect_dma semaphore(%arg13 : memref<!tpu.dma_semaphore, #tpu.memory_space<semaphore_mem>>) src(%dma_wait3A_76 : memref<10000x128xf32, #tpu.memory_space<hbm>>) dst(%arg8 : memref<80x128xf32, #tpu.memory_space<vmem>>)
      %mul3A_77 = arith.constant 70 : i32
      %mul3A_78 = arith.muli %add3A, %mul3A_77 : i32
      %add3A_79 = arith.addi %mul3A_78, %mul3A_12 : i32
      %add3A_80 = arith.constant 2 : i32
      %add3A_81 = arith.addi %add3A_79, %add3A_80 : i32
      %mul3A_82 = arith.constant 80 : i32
      %mul3A_83 = arith.muli %add3A_81, %mul3A_82 : i32
      "tpu.region"() ({
        %run_scoped3A = tpu.sem_alloc : memref<!tpu.dma_semaphore, #tpu.memory_space<semaphore_mem>>
        %dma_start3A_106 = arith.constant 0 : i32
        %dma_start3A_107 = tpu.memref_slice %arg4[%mul3A_83, %dma_start3A_106] : memref<179200x128xf32, #tpu.memory_space<hbm>> -> memref<80x128xf32, #tpu.memory_space<hbm>>
        %dma_start3A_108 = arith.constant 0 : i32
        %dma_start3A_109 = tpu.memref_slice %arg4[%mul3A_83, %dma_start3A_108] : memref<179200x128xf32, #tpu.memory_space<hbm>> -> memref<80x128xf32, #tpu.memory_space<hbm>>
        tpu.enqueue_dma source(%arg8 : memref<80x128xf32, #tpu.memory_space<vmem>>) target(%dma_start3A_109 : memref<80x128xf32, #tpu.memory_space<hbm>>) target_semaphore(%run_scoped3A : memref<!tpu.dma_semaphore, #tpu.memory_space<semaphore_mem>>)
        %dma_wait3A_110 = arith.constant 0 : i32
        %dma_wait3A_111 = tpu.memref_slice %arg4[%mul3A_83, %dma_wait3A_110] : memref<179200x128xf32, #tpu.memory_space<hbm>> -> memref<80x128xf32, #tpu.memory_space<hbm>>
        %dma_wait3A_112 = arith.constant 0 : i32
        %dma_wait3A_113 = tpu.memref_slice %arg4[%mul3A_83, %dma_wait3A_112] : memref<179200x128xf32, #tpu.memory_space<hbm>> -> memref<80x128xf32, #tpu.memory_space<hbm>>
        tpu.wait_dma2 semaphore(%run_scoped3A : memref<!tpu.dma_semaphore, #tpu.memory_space<semaphore_mem>>) src(%arg8 : memref<80x128xf32, #tpu.memory_space<vmem>>) dst(%dma_wait3A_113 : memref<80x128xf32, #tpu.memory_space<hbm>>)
        tpu.yield
      }) : () -> ()
      %dma_wait3A_84 = tpu.memref_slice %arg5[%mul3A_39] : memref<5600xi32, #tpu.memory_space<vmem>> -> memref<80xi32, #tpu.memory_space<vmem>>
      %dma_wait3A_85 = arith.constant 0 : i32
      %dma_wait3A_86 = arith.constant 0 : i32
      %dma_wait3A_87 = tpu.memref_slice %arg2[%dma_wait3A_85, %dma_wait3A_86] : memref<10000x128xf32, #tpu.memory_space<hbm>> -> memref<10000x128xf32, #tpu.memory_space<hbm>>
      tpu.wait_indirect_dma semaphore(%arg14 : memref<!tpu.dma_semaphore, #tpu.memory_space<semaphore_mem>>) src(%dma_wait3A_87 : memref<10000x128xf32, #tpu.memory_space<hbm>>) dst(%arg9 : memref<80x128xf32, #tpu.memory_space<vmem>>)
      %mul3A_88 = arith.constant 70 : i32
      %mul3A_89 = arith.muli %add3A, %mul3A_88 : i32
      %add3A_90 = arith.addi %mul3A_89, %mul3A_12 : i32
      %add3A_91 = arith.constant 3 : i32
      %add3A_92 = arith.addi %add3A_90, %add3A_91 : i32
      %mul3A_93 = arith.constant 80 : i32
      %mul3A_94 = arith.muli %add3A_92, %mul3A_93 : i32
      "tpu.region"() ({
        %run_scoped3A = tpu.sem_alloc : memref<!tpu.dma_semaphore, #tpu.memory_space<semaphore_mem>>
        %dma_start3A_106 = arith.constant 0 : i32
        %dma_start3A_107 = tpu.memref_slice %arg4[%mul3A_94, %dma_start3A_106] : memref<179200x128xf32, #tpu.memory_space<hbm>> -> memref<80x128xf32, #tpu.memory_space<hbm>>
        %dma_start3A_108 = arith.constant 0 : i32
        %dma_start3A_109 = tpu.memref_slice %arg4[%mul3A_94, %dma_start3A_108] : memref<179200x128xf32, #tpu.memory_space<hbm>> -> memref<80x128xf32, #tpu.memory_space<hbm>>
        tpu.enqueue_dma source(%arg9 : memref<80x128xf32, #tpu.memory_space<vmem>>) target(%dma_start3A_109 : memref<80x128xf32, #tpu.memory_space<hbm>>) target_semaphore(%run_scoped3A : memref<!tpu.dma_semaphore, #tpu.memory_space<semaphore_mem>>)
        %dma_wait3A_110 = arith.constant 0 : i32
        %dma_wait3A_111 = tpu.memref_slice %arg4[%mul3A_94, %dma_wait3A_110] : memref<179200x128xf32, #tpu.memory_space<hbm>> -> memref<80x128xf32, #tpu.memory_space<hbm>>
        %dma_wait3A_112 = arith.constant 0 : i32
        %dma_wait3A_113 = tpu.memref_slice %arg4[%mul3A_94, %dma_wait3A_112] : memref<179200x128xf32, #tpu.memory_space<hbm>> -> memref<80x128xf32, #tpu.memory_space<hbm>>
        tpu.wait_dma2 semaphore(%run_scoped3A : memref<!tpu.dma_semaphore, #tpu.memory_space<semaphore_mem>>) src(%arg9 : memref<80x128xf32, #tpu.memory_space<vmem>>) dst(%dma_wait3A_113 : memref<80x128xf32, #tpu.memory_space<hbm>>)
        tpu.yield
      }) : () -> ()
      %dma_wait3A_95 = tpu.memref_slice %arg5[%mul3A_47] : memref<5600xi32, #tpu.memory_space<vmem>> -> memref<80xi32, #tpu.memory_space<vmem>>
      %dma_wait3A_96 = arith.constant 0 : i32
      %dma_wait3A_97 = arith.constant 0 : i32
      %dma_wait3A_98 = tpu.memref_slice %arg2[%dma_wait3A_96, %dma_wait3A_97] : memref<10000x128xf32, #tpu.memory_space<hbm>> -> memref<10000x128xf32, #tpu.memory_space<hbm>>
      tpu.wait_indirect_dma semaphore(%arg15 : memref<!tpu.dma_semaphore, #tpu.memory_space<semaphore_mem>>) src(%dma_wait3A_98 : memref<10000x128xf32, #tpu.memory_space<hbm>>) dst(%arg10 : memref<80x128xf32, #tpu.memory_space<vmem>>)
      %mul3A_99 = arith.constant 70 : i32
      %mul3A_100 = arith.muli %add3A, %mul3A_99 : i32
      %add3A_101 = arith.addi %mul3A_100, %mul3A_12 : i32
      %add3A_102 = arith.constant 4 : i32
      %add3A_103 = arith.addi %add3A_101, %add3A_102 : i32
      %mul3A_104 = arith.constant 80 : i32
      %mul3A_105 = arith.muli %add3A_103, %mul3A_104 : i32
      "tpu.region"() ({
        %run_scoped3A = tpu.sem_alloc : memref<!tpu.dma_semaphore, #tpu.memory_space<semaphore_mem>>
        %dma_start3A_106 = arith.constant 0 : i32
        %dma_start3A_107 = tpu.memref_slice %arg4[%mul3A_105, %dma_start3A_106] : memref<179200x128xf32, #tpu.memory_space<hbm>> -> memref<80x128xf32, #tpu.memory_space<hbm>>
        %dma_start3A_108 = arith.constant 0 : i32
        %dma_start3A_109 = tpu.memref_slice %arg4[%mul3A_105, %dma_start3A_108] : memref<179200x128xf32, #tpu.memory_space<hbm>> -> memref<80x128xf32, #tpu.memory_space<hbm>>
        tpu.enqueue_dma source(%arg10 : memref<80x128xf32, #tpu.memory_space<vmem>>) target(%dma_start3A_109 : memref<80x128xf32, #tpu.memory_space<hbm>>) target_semaphore(%run_scoped3A : memref<!tpu.dma_semaphore, #tpu.memory_space<semaphore_mem>>)
        %dma_wait3A_110 = arith.constant 0 : i32
        %dma_wait3A_111 = tpu.memref_slice %arg4[%mul3A_105, %dma_wait3A_110] : memref<179200x128xf32, #tpu.memory_space<hbm>> -> memref<80x128xf32, #tpu.memory_space<hbm>>
        %dma_wait3A_112 = arith.constant 0 : i32
        %dma_wait3A_113 = tpu.memref_slice %arg4[%mul3A_105, %dma_wait3A_112] : memref<179200x128xf32, #tpu.memory_space<hbm>> -> memref<80x128xf32, #tpu.memory_space<hbm>>
        tpu.wait_dma2 semaphore(%run_scoped3A : memref<!tpu.dma_semaphore, #tpu.memory_space<semaphore_mem>>) src(%arg10 : memref<80x128xf32, #tpu.memory_space<vmem>>) dst(%dma_wait3A_113 : memref<80x128xf32, #tpu.memory_space<hbm>>)
        tpu.yield
      }) : () -> ()
    }
    %scan3A_9 = arith.constant 14 : i32
    return
  }
}

#map = affine_map<(d0, d1) -> (0, 0)>
#map1 = affine_map<(d0, d1) -> (0)>
module attributes {stable_mosaic.version = 14 : i64} {
  func.func @k(%arg0: i32, %arg1: i32, %arg2: memref<10000x128xf32, #tpu.memory_space<hbm>>, %arg3: memref<320000xi32, #tpu.memory_space<hbm>>, %arg4: memref<140800x128xf32, #tpu.memory_space<hbm>>, %arg5: memref<4400xi32, #tpu.memory_space<vmem>>, %arg6: memref<80x128xf32, #tpu.memory_space<vmem>>, %arg7: memref<80x128xf32, #tpu.memory_space<vmem>>, %arg8: memref<80x128xf32, #tpu.memory_space<vmem>>, %arg9: memref<80x128xf32, #tpu.memory_space<vmem>>, %arg10: memref<80x128xf32, #tpu.memory_space<vmem>>, %arg11: memref<!tpu.dma_semaphore, #tpu.memory_space<semaphore_mem>>, %arg12: memref<!tpu.dma_semaphore, #tpu.memory_space<semaphore_mem>>, %arg13: memref<!tpu.dma_semaphore, #tpu.memory_space<semaphore_mem>>, %arg14: memref<!tpu.dma_semaphore, #tpu.memory_space<semaphore_mem>>, %arg15: memref<!tpu.dma_semaphore, #tpu.memory_space<semaphore_mem>>) attributes {dimension_semantics = [#tpu.dimension_semantics<core_parallel>, #tpu.dimension_semantics<subcore_parallel>], iteration_bounds = array<i64: 2, 16>, scalar_prefetch = 0 : i64, scratch_operands = 11 : i64, tpu.core_type = #tpu.core_type<sc_vector_subcore>, window_params = [{transform_indices = #map}, {transform_indices = #map1}, {transform_indices = #map}]} {
    %mul3A = arith.constant 2 : i32
    %mul3A_0 = arith.muli %arg1, %mul3A : i32
    %add3A = arith.addi %mul3A_0, %arg0 : i32
    %mul3A_1 = arith.constant 4400 : i32
    %mul3A_2 = arith.muli %add3A, %mul3A_1 : i32
    %add3A_3 = arith.constant 179200 : i32
    %add3A_4 = arith.addi %add3A_3, %mul3A_2 : i32
    "tpu.region"() ({
      %run_scoped3A = tpu.sem_alloc : memref<!tpu.dma_semaphore, #tpu.memory_space<semaphore_mem>>
      %dma_start3A = tpu.memref_slice %arg3[%add3A_4] : memref<320000xi32, #tpu.memory_space<hbm>> -> memref<4400xi32, #tpu.memory_space<hbm>>
      %dma_start3A_10 = tpu.memref_slice %arg3[%add3A_4] : memref<320000xi32, #tpu.memory_space<hbm>> -> memref<4400xi32, #tpu.memory_space<hbm>>
      tpu.enqueue_dma source(%dma_start3A_10 : memref<4400xi32, #tpu.memory_space<hbm>>) target(%arg5 : memref<4400xi32, #tpu.memory_space<vmem>>) target_semaphore(%run_scoped3A : memref<!tpu.dma_semaphore, #tpu.memory_space<semaphore_mem>>)
      %dma_wait3A = tpu.memref_slice %arg3[%add3A_4] : memref<320000xi32, #tpu.memory_space<hbm>> -> memref<4400xi32, #tpu.memory_space<hbm>>
      %dma_wait3A_11 = tpu.memref_slice %arg3[%add3A_4] : memref<320000xi32, #tpu.memory_space<hbm>> -> memref<4400xi32, #tpu.memory_space<hbm>>
      tpu.wait_dma2 semaphore(%run_scoped3A : memref<!tpu.dma_semaphore, #tpu.memory_space<semaphore_mem>>) src(%dma_wait3A_11 : memref<4400xi32, #tpu.memory_space<hbm>>) dst(%arg5 : memref<4400xi32, #tpu.memory_space<vmem>>)
      tpu.yield
    }) : () -> ()
    %scan3A = arith.constant 0 : i32
    %scan3A_5 = arith.constant 0 : i32
    %scan3A_6 = arith.constant 11 : i32
    %scan3A_7 = arith.addi %scan3A_5, %scan3A_6 : i32
    %scan3A_8 = arith.constant 1 : i32
    scf.for %scan3A_10 = %scan3A_5 to %scan3A_7 step %scan3A_8  : i32 {
      %mul3A_11 = arith.constant 5 : i32
      %mul3A_12 = arith.muli %scan3A_10, %mul3A_11 : i32
      %add3A_13 = arith.constant 0 : i32
      %add3A_14 = arith.addi %mul3A_12, %add3A_13 : i32
      %mul3A_15 = arith.constant 80 : i32
      %mul3A_16 = arith.muli %add3A_14, %mul3A_15 : i32
      %dma_start3A = tpu.memref_slice %arg5[%mul3A_16] : memref<4400xi32, #tpu.memory_space<vmem>> -> memref<80xi32, #tpu.memory_space<vmem>>
      %dma_start3A_17 = arith.constant 0 : i32
      %dma_start3A_18 = arith.constant 0 : i32
      %dma_start3A_19 = tpu.memref_slice %arg2[%dma_start3A_17, %dma_start3A_18] : memref<10000x128xf32, #tpu.memory_space<hbm>> -> memref<10000x128xf32, #tpu.memory_space<hbm>>
      tpu.enqueue_indirect_dma source(%dma_start3A_19 : memref<10000x128xf32, #tpu.memory_space<hbm>>) target(%arg6 : memref<80x128xf32, #tpu.memory_space<vmem>>) offsets(%dma_start3A : memref<80xi32, #tpu.memory_space<vmem>>) semaphore(%arg11 : memref<!tpu.dma_semaphore, #tpu.memory_space<semaphore_mem>>)
      %add3A_20 = arith.constant 1 : i32
      %add3A_21 = arith.addi %mul3A_12, %add3A_20 : i32
      %mul3A_22 = arith.constant 80 : i32
      %mul3A_23 = arith.muli %add3A_21, %mul3A_22 : i32
      %dma_start3A_24 = tpu.memref_slice %arg5[%mul3A_23] : memref<4400xi32, #tpu.memory_space<vmem>> -> memref<80xi32, #tpu.memory_space<vmem>>
      %dma_start3A_25 = arith.constant 0 : i32
      %dma_start3A_26 = arith.constant 0 : i32
      %dma_start3A_27 = tpu.memref_slice %arg2[%dma_start3A_25, %dma_start3A_26] : memref<10000x128xf32, #tpu.memory_space<hbm>> -> memref<10000x128xf32, #tpu.memory_space<hbm>>
      tpu.enqueue_indirect_dma source(%dma_start3A_27 : memref<10000x128xf32, #tpu.memory_space<hbm>>) target(%arg7 : memref<80x128xf32, #tpu.memory_space<vmem>>) offsets(%dma_start3A_24 : memref<80xi32, #tpu.memory_space<vmem>>) semaphore(%arg12 : memref<!tpu.dma_semaphore, #tpu.memory_space<semaphore_mem>>)
      %add3A_28 = arith.constant 2 : i32
      %add3A_29 = arith.addi %mul3A_12, %add3A_28 : i32
      %mul3A_30 = arith.constant 80 : i32
      %mul3A_31 = arith.muli %add3A_29, %mul3A_30 : i32
      %dma_start3A_32 = tpu.memref_slice %arg5[%mul3A_31] : memref<4400xi32, #tpu.memory_space<vmem>> -> memref<80xi32, #tpu.memory_space<vmem>>
      %dma_start3A_33 = arith.constant 0 : i32
      %dma_start3A_34 = arith.constant 0 : i32
      %dma_start3A_35 = tpu.memref_slice %arg2[%dma_start3A_33, %dma_start3A_34] : memref<10000x128xf32, #tpu.memory_space<hbm>> -> memref<10000x128xf32, #tpu.memory_space<hbm>>
      tpu.enqueue_indirect_dma source(%dma_start3A_35 : memref<10000x128xf32, #tpu.memory_space<hbm>>) target(%arg8 : memref<80x128xf32, #tpu.memory_space<vmem>>) offsets(%dma_start3A_32 : memref<80xi32, #tpu.memory_space<vmem>>) semaphore(%arg13 : memref<!tpu.dma_semaphore, #tpu.memory_space<semaphore_mem>>)
      %add3A_36 = arith.constant 3 : i32
      %add3A_37 = arith.addi %mul3A_12, %add3A_36 : i32
      %mul3A_38 = arith.constant 80 : i32
      %mul3A_39 = arith.muli %add3A_37, %mul3A_38 : i32
      %dma_start3A_40 = tpu.memref_slice %arg5[%mul3A_39] : memref<4400xi32, #tpu.memory_space<vmem>> -> memref<80xi32, #tpu.memory_space<vmem>>
      %dma_start3A_41 = arith.constant 0 : i32
      %dma_start3A_42 = arith.constant 0 : i32
      %dma_start3A_43 = tpu.memref_slice %arg2[%dma_start3A_41, %dma_start3A_42] : memref<10000x128xf32, #tpu.memory_space<hbm>> -> memref<10000x128xf32, #tpu.memory_space<hbm>>
      tpu.enqueue_indirect_dma source(%dma_start3A_43 : memref<10000x128xf32, #tpu.memory_space<hbm>>) target(%arg9 : memref<80x128xf32, #tpu.memory_space<vmem>>) offsets(%dma_start3A_40 : memref<80xi32, #tpu.memory_space<vmem>>) semaphore(%arg14 : memref<!tpu.dma_semaphore, #tpu.memory_space<semaphore_mem>>)
      %add3A_44 = arith.constant 4 : i32
      %add3A_45 = arith.addi %mul3A_12, %add3A_44 : i32
      %mul3A_46 = arith.constant 80 : i32
      %mul3A_47 = arith.muli %add3A_45, %mul3A_46 : i32
      %dma_start3A_48 = tpu.memref_slice %arg5[%mul3A_47] : memref<4400xi32, #tpu.memory_space<vmem>> -> memref<80xi32, #tpu.memory_space<vmem>>
      %dma_start3A_49 = arith.constant 0 : i32
      %dma_start3A_50 = arith.constant 0 : i32
      %dma_start3A_51 = tpu.memref_slice %arg2[%dma_start3A_49, %dma_start3A_50] : memref<10000x128xf32, #tpu.memory_space<hbm>> -> memref<10000x128xf32, #tpu.memory_space<hbm>>
      tpu.enqueue_indirect_dma source(%dma_start3A_51 : memref<10000x128xf32, #tpu.memory_space<hbm>>) target(%arg10 : memref<80x128xf32, #tpu.memory_space<vmem>>) offsets(%dma_start3A_48 : memref<80xi32, #tpu.memory_space<vmem>>) semaphore(%arg15 : memref<!tpu.dma_semaphore, #tpu.memory_space<semaphore_mem>>)
      %dma_wait3A = tpu.memref_slice %arg5[%mul3A_16] : memref<4400xi32, #tpu.memory_space<vmem>> -> memref<80xi32, #tpu.memory_space<vmem>>
      %dma_wait3A_52 = arith.constant 0 : i32
      %dma_wait3A_53 = arith.constant 0 : i32
      %dma_wait3A_54 = tpu.memref_slice %arg2[%dma_wait3A_52, %dma_wait3A_53] : memref<10000x128xf32, #tpu.memory_space<hbm>> -> memref<10000x128xf32, #tpu.memory_space<hbm>>
      tpu.wait_indirect_dma semaphore(%arg11 : memref<!tpu.dma_semaphore, #tpu.memory_space<semaphore_mem>>) src(%dma_wait3A_54 : memref<10000x128xf32, #tpu.memory_space<hbm>>) dst(%arg6 : memref<80x128xf32, #tpu.memory_space<vmem>>)
      %mul3A_55 = arith.constant 55 : i32
      %mul3A_56 = arith.muli %add3A, %mul3A_55 : i32
      %add3A_57 = arith.addi %mul3A_56, %mul3A_12 : i32
      %add3A_58 = arith.constant 0 : i32
      %add3A_59 = arith.addi %add3A_57, %add3A_58 : i32
      %mul3A_60 = arith.constant 80 : i32
      %mul3A_61 = arith.muli %add3A_59, %mul3A_60 : i32
      "tpu.region"() ({
        %run_scoped3A = tpu.sem_alloc : memref<!tpu.dma_semaphore, #tpu.memory_space<semaphore_mem>>
        %dma_start3A_106 = arith.constant 0 : i32
        %dma_start3A_107 = tpu.memref_slice %arg4[%mul3A_61, %dma_start3A_106] : memref<140800x128xf32, #tpu.memory_space<hbm>> -> memref<80x128xf32, #tpu.memory_space<hbm>>
        %dma_start3A_108 = arith.constant 0 : i32
        %dma_start3A_109 = tpu.memref_slice %arg4[%mul3A_61, %dma_start3A_108] : memref<140800x128xf32, #tpu.memory_space<hbm>> -> memref<80x128xf32, #tpu.memory_space<hbm>>
        tpu.enqueue_dma source(%arg6 : memref<80x128xf32, #tpu.memory_space<vmem>>) target(%dma_start3A_109 : memref<80x128xf32, #tpu.memory_space<hbm>>) target_semaphore(%run_scoped3A : memref<!tpu.dma_semaphore, #tpu.memory_space<semaphore_mem>>)
        %dma_wait3A_110 = arith.constant 0 : i32
        %dma_wait3A_111 = tpu.memref_slice %arg4[%mul3A_61, %dma_wait3A_110] : memref<140800x128xf32, #tpu.memory_space<hbm>> -> memref<80x128xf32, #tpu.memory_space<hbm>>
        %dma_wait3A_112 = arith.constant 0 : i32
        %dma_wait3A_113 = tpu.memref_slice %arg4[%mul3A_61, %dma_wait3A_112] : memref<140800x128xf32, #tpu.memory_space<hbm>> -> memref<80x128xf32, #tpu.memory_space<hbm>>
        tpu.wait_dma2 semaphore(%run_scoped3A : memref<!tpu.dma_semaphore, #tpu.memory_space<semaphore_mem>>) src(%arg6 : memref<80x128xf32, #tpu.memory_space<vmem>>) dst(%dma_wait3A_113 : memref<80x128xf32, #tpu.memory_space<hbm>>)
        tpu.yield
      }) : () -> ()
      %dma_wait3A_62 = tpu.memref_slice %arg5[%mul3A_23] : memref<4400xi32, #tpu.memory_space<vmem>> -> memref<80xi32, #tpu.memory_space<vmem>>
      %dma_wait3A_63 = arith.constant 0 : i32
      %dma_wait3A_64 = arith.constant 0 : i32
      %dma_wait3A_65 = tpu.memref_slice %arg2[%dma_wait3A_63, %dma_wait3A_64] : memref<10000x128xf32, #tpu.memory_space<hbm>> -> memref<10000x128xf32, #tpu.memory_space<hbm>>
      tpu.wait_indirect_dma semaphore(%arg12 : memref<!tpu.dma_semaphore, #tpu.memory_space<semaphore_mem>>) src(%dma_wait3A_65 : memref<10000x128xf32, #tpu.memory_space<hbm>>) dst(%arg7 : memref<80x128xf32, #tpu.memory_space<vmem>>)
      %mul3A_66 = arith.constant 55 : i32
      %mul3A_67 = arith.muli %add3A, %mul3A_66 : i32
      %add3A_68 = arith.addi %mul3A_67, %mul3A_12 : i32
      %add3A_69 = arith.constant 1 : i32
      %add3A_70 = arith.addi %add3A_68, %add3A_69 : i32
      %mul3A_71 = arith.constant 80 : i32
      %mul3A_72 = arith.muli %add3A_70, %mul3A_71 : i32
      "tpu.region"() ({
        %run_scoped3A = tpu.sem_alloc : memref<!tpu.dma_semaphore, #tpu.memory_space<semaphore_mem>>
        %dma_start3A_106 = arith.constant 0 : i32
        %dma_start3A_107 = tpu.memref_slice %arg4[%mul3A_72, %dma_start3A_106] : memref<140800x128xf32, #tpu.memory_space<hbm>> -> memref<80x128xf32, #tpu.memory_space<hbm>>
        %dma_start3A_108 = arith.constant 0 : i32
        %dma_start3A_109 = tpu.memref_slice %arg4[%mul3A_72, %dma_start3A_108] : memref<140800x128xf32, #tpu.memory_space<hbm>> -> memref<80x128xf32, #tpu.memory_space<hbm>>
        tpu.enqueue_dma source(%arg7 : memref<80x128xf32, #tpu.memory_space<vmem>>) target(%dma_start3A_109 : memref<80x128xf32, #tpu.memory_space<hbm>>) target_semaphore(%run_scoped3A : memref<!tpu.dma_semaphore, #tpu.memory_space<semaphore_mem>>)
        %dma_wait3A_110 = arith.constant 0 : i32
        %dma_wait3A_111 = tpu.memref_slice %arg4[%mul3A_72, %dma_wait3A_110] : memref<140800x128xf32, #tpu.memory_space<hbm>> -> memref<80x128xf32, #tpu.memory_space<hbm>>
        %dma_wait3A_112 = arith.constant 0 : i32
        %dma_wait3A_113 = tpu.memref_slice %arg4[%mul3A_72, %dma_wait3A_112] : memref<140800x128xf32, #tpu.memory_space<hbm>> -> memref<80x128xf32, #tpu.memory_space<hbm>>
        tpu.wait_dma2 semaphore(%run_scoped3A : memref<!tpu.dma_semaphore, #tpu.memory_space<semaphore_mem>>) src(%arg7 : memref<80x128xf32, #tpu.memory_space<vmem>>) dst(%dma_wait3A_113 : memref<80x128xf32, #tpu.memory_space<hbm>>)
        tpu.yield
      }) : () -> ()
      %dma_wait3A_73 = tpu.memref_slice %arg5[%mul3A_31] : memref<4400xi32, #tpu.memory_space<vmem>> -> memref<80xi32, #tpu.memory_space<vmem>>
      %dma_wait3A_74 = arith.constant 0 : i32
      %dma_wait3A_75 = arith.constant 0 : i32
      %dma_wait3A_76 = tpu.memref_slice %arg2[%dma_wait3A_74, %dma_wait3A_75] : memref<10000x128xf32, #tpu.memory_space<hbm>> -> memref<10000x128xf32, #tpu.memory_space<hbm>>
      tpu.wait_indirect_dma semaphore(%arg13 : memref<!tpu.dma_semaphore, #tpu.memory_space<semaphore_mem>>) src(%dma_wait3A_76 : memref<10000x128xf32, #tpu.memory_space<hbm>>) dst(%arg8 : memref<80x128xf32, #tpu.memory_space<vmem>>)
      %mul3A_77 = arith.constant 55 : i32
      %mul3A_78 = arith.muli %add3A, %mul3A_77 : i32
      %add3A_79 = arith.addi %mul3A_78, %mul3A_12 : i32
      %add3A_80 = arith.constant 2 : i32
      %add3A_81 = arith.addi %add3A_79, %add3A_80 : i32
      %mul3A_82 = arith.constant 80 : i32
      %mul3A_83 = arith.muli %add3A_81, %mul3A_82 : i32
      "tpu.region"() ({
        %run_scoped3A = tpu.sem_alloc : memref<!tpu.dma_semaphore, #tpu.memory_space<semaphore_mem>>
        %dma_start3A_106 = arith.constant 0 : i32
        %dma_start3A_107 = tpu.memref_slice %arg4[%mul3A_83, %dma_start3A_106] : memref<140800x128xf32, #tpu.memory_space<hbm>> -> memref<80x128xf32, #tpu.memory_space<hbm>>
        %dma_start3A_108 = arith.constant 0 : i32
        %dma_start3A_109 = tpu.memref_slice %arg4[%mul3A_83, %dma_start3A_108] : memref<140800x128xf32, #tpu.memory_space<hbm>> -> memref<80x128xf32, #tpu.memory_space<hbm>>
        tpu.enqueue_dma source(%arg8 : memref<80x128xf32, #tpu.memory_space<vmem>>) target(%dma_start3A_109 : memref<80x128xf32, #tpu.memory_space<hbm>>) target_semaphore(%run_scoped3A : memref<!tpu.dma_semaphore, #tpu.memory_space<semaphore_mem>>)
        %dma_wait3A_110 = arith.constant 0 : i32
        %dma_wait3A_111 = tpu.memref_slice %arg4[%mul3A_83, %dma_wait3A_110] : memref<140800x128xf32, #tpu.memory_space<hbm>> -> memref<80x128xf32, #tpu.memory_space<hbm>>
        %dma_wait3A_112 = arith.constant 0 : i32
        %dma_wait3A_113 = tpu.memref_slice %arg4[%mul3A_83, %dma_wait3A_112] : memref<140800x128xf32, #tpu.memory_space<hbm>> -> memref<80x128xf32, #tpu.memory_space<hbm>>
        tpu.wait_dma2 semaphore(%run_scoped3A : memref<!tpu.dma_semaphore, #tpu.memory_space<semaphore_mem>>) src(%arg8 : memref<80x128xf32, #tpu.memory_space<vmem>>) dst(%dma_wait3A_113 : memref<80x128xf32, #tpu.memory_space<hbm>>)
        tpu.yield
      }) : () -> ()
      %dma_wait3A_84 = tpu.memref_slice %arg5[%mul3A_39] : memref<4400xi32, #tpu.memory_space<vmem>> -> memref<80xi32, #tpu.memory_space<vmem>>
      %dma_wait3A_85 = arith.constant 0 : i32
      %dma_wait3A_86 = arith.constant 0 : i32
      %dma_wait3A_87 = tpu.memref_slice %arg2[%dma_wait3A_85, %dma_wait3A_86] : memref<10000x128xf32, #tpu.memory_space<hbm>> -> memref<10000x128xf32, #tpu.memory_space<hbm>>
      tpu.wait_indirect_dma semaphore(%arg14 : memref<!tpu.dma_semaphore, #tpu.memory_space<semaphore_mem>>) src(%dma_wait3A_87 : memref<10000x128xf32, #tpu.memory_space<hbm>>) dst(%arg9 : memref<80x128xf32, #tpu.memory_space<vmem>>)
      %mul3A_88 = arith.constant 55 : i32
      %mul3A_89 = arith.muli %add3A, %mul3A_88 : i32
      %add3A_90 = arith.addi %mul3A_89, %mul3A_12 : i32
      %add3A_91 = arith.constant 3 : i32
      %add3A_92 = arith.addi %add3A_90, %add3A_91 : i32
      %mul3A_93 = arith.constant 80 : i32
      %mul3A_94 = arith.muli %add3A_92, %mul3A_93 : i32
      "tpu.region"() ({
        %run_scoped3A = tpu.sem_alloc : memref<!tpu.dma_semaphore, #tpu.memory_space<semaphore_mem>>
        %dma_start3A_106 = arith.constant 0 : i32
        %dma_start3A_107 = tpu.memref_slice %arg4[%mul3A_94, %dma_start3A_106] : memref<140800x128xf32, #tpu.memory_space<hbm>> -> memref<80x128xf32, #tpu.memory_space<hbm>>
        %dma_start3A_108 = arith.constant 0 : i32
        %dma_start3A_109 = tpu.memref_slice %arg4[%mul3A_94, %dma_start3A_108] : memref<140800x128xf32, #tpu.memory_space<hbm>> -> memref<80x128xf32, #tpu.memory_space<hbm>>
        tpu.enqueue_dma source(%arg9 : memref<80x128xf32, #tpu.memory_space<vmem>>) target(%dma_start3A_109 : memref<80x128xf32, #tpu.memory_space<hbm>>) target_semaphore(%run_scoped3A : memref<!tpu.dma_semaphore, #tpu.memory_space<semaphore_mem>>)
        %dma_wait3A_110 = arith.constant 0 : i32
        %dma_wait3A_111 = tpu.memref_slice %arg4[%mul3A_94, %dma_wait3A_110] : memref<140800x128xf32, #tpu.memory_space<hbm>> -> memref<80x128xf32, #tpu.memory_space<hbm>>
        %dma_wait3A_112 = arith.constant 0 : i32
        %dma_wait3A_113 = tpu.memref_slice %arg4[%mul3A_94, %dma_wait3A_112] : memref<140800x128xf32, #tpu.memory_space<hbm>> -> memref<80x128xf32, #tpu.memory_space<hbm>>
        tpu.wait_dma2 semaphore(%run_scoped3A : memref<!tpu.dma_semaphore, #tpu.memory_space<semaphore_mem>>) src(%arg9 : memref<80x128xf32, #tpu.memory_space<vmem>>) dst(%dma_wait3A_113 : memref<80x128xf32, #tpu.memory_space<hbm>>)
        tpu.yield
      }) : () -> ()
      %dma_wait3A_95 = tpu.memref_slice %arg5[%mul3A_47] : memref<4400xi32, #tpu.memory_space<vmem>> -> memref<80xi32, #tpu.memory_space<vmem>>
      %dma_wait3A_96 = arith.constant 0 : i32
      %dma_wait3A_97 = arith.constant 0 : i32
      %dma_wait3A_98 = tpu.memref_slice %arg2[%dma_wait3A_96, %dma_wait3A_97] : memref<10000x128xf32, #tpu.memory_space<hbm>> -> memref<10000x128xf32, #tpu.memory_space<hbm>>
      tpu.wait_indirect_dma semaphore(%arg15 : memref<!tpu.dma_semaphore, #tpu.memory_space<semaphore_mem>>) src(%dma_wait3A_98 : memref<10000x128xf32, #tpu.memory_space<hbm>>) dst(%arg10 : memref<80x128xf32, #tpu.memory_space<vmem>>)
      %mul3A_99 = arith.constant 55 : i32
      %mul3A_100 = arith.muli %add3A, %mul3A_99 : i32
      %add3A_101 = arith.addi %mul3A_100, %mul3A_12 : i32
      %add3A_102 = arith.constant 4 : i32
      %add3A_103 = arith.addi %add3A_101, %add3A_102 : i32
      %mul3A_104 = arith.constant 80 : i32
      %mul3A_105 = arith.muli %add3A_103, %mul3A_104 : i32
      "tpu.region"() ({
        %run_scoped3A = tpu.sem_alloc : memref<!tpu.dma_semaphore, #tpu.memory_space<semaphore_mem>>
        %dma_start3A_106 = arith.constant 0 : i32
        %dma_start3A_107 = tpu.memref_slice %arg4[%mul3A_105, %dma_start3A_106] : memref<140800x128xf32, #tpu.memory_space<hbm>> -> memref<80x128xf32, #tpu.memory_space<hbm>>
        %dma_start3A_108 = arith.constant 0 : i32
        %dma_start3A_109 = tpu.memref_slice %arg4[%mul3A_105, %dma_start3A_108] : memref<140800x128xf32, #tpu.memory_space<hbm>> -> memref<80x128xf32, #tpu.memory_space<hbm>>
        tpu.enqueue_dma source(%arg10 : memref<80x128xf32, #tpu.memory_space<vmem>>) target(%dma_start3A_109 : memref<80x128xf32, #tpu.memory_space<hbm>>) target_semaphore(%run_scoped3A : memref<!tpu.dma_semaphore, #tpu.memory_space<semaphore_mem>>)
        %dma_wait3A_110 = arith.constant 0 : i32
        %dma_wait3A_111 = tpu.memref_slice %arg4[%mul3A_105, %dma_wait3A_110] : memref<140800x128xf32, #tpu.memory_space<hbm>> -> memref<80x128xf32, #tpu.memory_space<hbm>>
        %dma_wait3A_112 = arith.constant 0 : i32
        %dma_wait3A_113 = tpu.memref_slice %arg4[%mul3A_105, %dma_wait3A_112] : memref<140800x128xf32, #tpu.memory_space<hbm>> -> memref<80x128xf32, #tpu.memory_space<hbm>>
        tpu.wait_dma2 semaphore(%run_scoped3A : memref<!tpu.dma_semaphore, #tpu.memory_space<semaphore_mem>>) src(%arg10 : memref<80x128xf32, #tpu.memory_space<vmem>>) dst(%dma_wait3A_113 : memref<80x128xf32, #tpu.memory_space<hbm>>)
        tpu.yield
      }) : () -> ()
    }
    %scan3A_9 = arith.constant 11 : i32
    return
  }
}

#map = affine_map<(d0, d1) -> (0, 0)>
#map1 = affine_map<(d0, d1) -> (0)>
module attributes {stable_mosaic.version = 14 : i64} {
  func.func @k(%arg0: i32, %arg1: i32, %arg2: memref<10000x128xf32, #tpu.memory_space<hbm>>, %arg3: memref<320000xi32, #tpu.memory_space<hbm>>, %arg4: memref<179200x128xf32, #tpu.memory_space<hbm>>, %arg5: memref<5600xi32, #tpu.memory_space<vmem>>, %arg6: memref<80x128xf32, #tpu.memory_space<vmem>>, %arg7: memref<80x128xf32, #tpu.memory_space<vmem>>, %arg8: memref<80x128xf32, #tpu.memory_space<vmem>>, %arg9: memref<80x128xf32, #tpu.memory_space<vmem>>, %arg10: memref<80x128xf32, #tpu.memory_space<vmem>>, %arg11: memref<!tpu.dma_semaphore, #tpu.memory_space<semaphore_mem>>, %arg12: memref<!tpu.dma_semaphore, #tpu.memory_space<semaphore_mem>>, %arg13: memref<!tpu.dma_semaphore, #tpu.memory_space<semaphore_mem>>, %arg14: memref<!tpu.dma_semaphore, #tpu.memory_space<semaphore_mem>>, %arg15: memref<!tpu.dma_semaphore, #tpu.memory_space<semaphore_mem>>) attributes {dimension_semantics = [#tpu.dimension_semantics<core_parallel>, #tpu.dimension_semantics<subcore_parallel>], iteration_bounds = array<i64: 2, 16>, scalar_prefetch = 0 : i64, scratch_operands = 11 : i64, tpu.core_type = #tpu.core_type<sc_vector_subcore>, window_params = [{transform_indices = #map}, {transform_indices = #map1}, {transform_indices = #map}]} {
    %mul3A = arith.constant 2 : i32
    %mul3A_0 = arith.muli %arg1, %mul3A : i32
    %add3A = arith.addi %mul3A_0, %arg0 : i32
    %mul3A_1 = arith.constant 5600 : i32
    %mul3A_2 = arith.muli %add3A, %mul3A_1 : i32
    %add3A_3 = arith.constant 0 : i32
    %add3A_4 = arith.addi %add3A_3, %mul3A_2 : i32
    "tpu.region"() ({
      %run_scoped3A = tpu.sem_alloc : memref<!tpu.dma_semaphore, #tpu.memory_space<semaphore_mem>>
      %dma_start3A = tpu.memref_slice %arg3[%add3A_4] : memref<320000xi32, #tpu.memory_space<hbm>> -> memref<5600xi32, #tpu.memory_space<hbm>>
      %dma_start3A_10 = tpu.memref_slice %arg3[%add3A_4] : memref<320000xi32, #tpu.memory_space<hbm>> -> memref<5600xi32, #tpu.memory_space<hbm>>
      tpu.enqueue_dma source(%dma_start3A_10 : memref<5600xi32, #tpu.memory_space<hbm>>) target(%arg5 : memref<5600xi32, #tpu.memory_space<vmem>>) target_semaphore(%run_scoped3A : memref<!tpu.dma_semaphore, #tpu.memory_space<semaphore_mem>>)
      %dma_wait3A = tpu.memref_slice %arg3[%add3A_4] : memref<320000xi32, #tpu.memory_space<hbm>> -> memref<5600xi32, #tpu.memory_space<hbm>>
      %dma_wait3A_11 = tpu.memref_slice %arg3[%add3A_4] : memref<320000xi32, #tpu.memory_space<hbm>> -> memref<5600xi32, #tpu.memory_space<hbm>>
      tpu.wait_dma2 semaphore(%run_scoped3A : memref<!tpu.dma_semaphore, #tpu.memory_space<semaphore_mem>>) src(%dma_wait3A_11 : memref<5600xi32, #tpu.memory_space<hbm>>) dst(%arg5 : memref<5600xi32, #tpu.memory_space<vmem>>)
      tpu.yield
    }) : () -> ()
    %scan3A = arith.constant 0 : i32
    %scan3A_5 = arith.constant 0 : i32
    %scan3A_6 = arith.constant 14 : i32
    %scan3A_7 = arith.addi %scan3A_5, %scan3A_6 : i32
    %scan3A_8 = arith.constant 1 : i32
    scf.for %scan3A_10 = %scan3A_5 to %scan3A_7 step %scan3A_8  : i32 {
      %mul3A_11 = arith.constant 5 : i32
      %mul3A_12 = arith.muli %scan3A_10, %mul3A_11 : i32
      %add3A_13 = arith.constant 0 : i32
      %add3A_14 = arith.addi %mul3A_12, %add3A_13 : i32
      %mul3A_15 = arith.constant 80 : i32
      %mul3A_16 = arith.muli %add3A_14, %mul3A_15 : i32
      %dma_start3A = tpu.memref_slice %arg5[%mul3A_16] : memref<5600xi32, #tpu.memory_space<vmem>> -> memref<80xi32, #tpu.memory_space<vmem>>
      %dma_start3A_17 = arith.constant 0 : i32
      %dma_start3A_18 = arith.constant 0 : i32
      %dma_start3A_19 = tpu.memref_slice %arg2[%dma_start3A_17, %dma_start3A_18] : memref<10000x128xf32, #tpu.memory_space<hbm>> -> memref<10000x128xf32, #tpu.memory_space<hbm>>
      tpu.enqueue_indirect_dma source(%dma_start3A_19 : memref<10000x128xf32, #tpu.memory_space<hbm>>) target(%arg6 : memref<80x128xf32, #tpu.memory_space<vmem>>) offsets(%dma_start3A : memref<80xi32, #tpu.memory_space<vmem>>) semaphore(%arg11 : memref<!tpu.dma_semaphore, #tpu.memory_space<semaphore_mem>>)
      %add3A_20 = arith.constant 1 : i32
      %add3A_21 = arith.addi %mul3A_12, %add3A_20 : i32
      %mul3A_22 = arith.constant 80 : i32
      %mul3A_23 = arith.muli %add3A_21, %mul3A_22 : i32
      %dma_start3A_24 = tpu.memref_slice %arg5[%mul3A_23] : memref<5600xi32, #tpu.memory_space<vmem>> -> memref<80xi32, #tpu.memory_space<vmem>>
      %dma_start3A_25 = arith.constant 0 : i32
      %dma_start3A_26 = arith.constant 0 : i32
      %dma_start3A_27 = tpu.memref_slice %arg2[%dma_start3A_25, %dma_start3A_26] : memref<10000x128xf32, #tpu.memory_space<hbm>> -> memref<10000x128xf32, #tpu.memory_space<hbm>>
      tpu.enqueue_indirect_dma source(%dma_start3A_27 : memref<10000x128xf32, #tpu.memory_space<hbm>>) target(%arg7 : memref<80x128xf32, #tpu.memory_space<vmem>>) offsets(%dma_start3A_24 : memref<80xi32, #tpu.memory_space<vmem>>) semaphore(%arg12 : memref<!tpu.dma_semaphore, #tpu.memory_space<semaphore_mem>>)
      %add3A_28 = arith.constant 2 : i32
      %add3A_29 = arith.addi %mul3A_12, %add3A_28 : i32
      %mul3A_30 = arith.constant 80 : i32
      %mul3A_31 = arith.muli %add3A_29, %mul3A_30 : i32
      %dma_start3A_32 = tpu.memref_slice %arg5[%mul3A_31] : memref<5600xi32, #tpu.memory_space<vmem>> -> memref<80xi32, #tpu.memory_space<vmem>>
      %dma_start3A_33 = arith.constant 0 : i32
      %dma_start3A_34 = arith.constant 0 : i32
      %dma_start3A_35 = tpu.memref_slice %arg2[%dma_start3A_33, %dma_start3A_34] : memref<10000x128xf32, #tpu.memory_space<hbm>> -> memref<10000x128xf32, #tpu.memory_space<hbm>>
      tpu.enqueue_indirect_dma source(%dma_start3A_35 : memref<10000x128xf32, #tpu.memory_space<hbm>>) target(%arg8 : memref<80x128xf32, #tpu.memory_space<vmem>>) offsets(%dma_start3A_32 : memref<80xi32, #tpu.memory_space<vmem>>) semaphore(%arg13 : memref<!tpu.dma_semaphore, #tpu.memory_space<semaphore_mem>>)
      %add3A_36 = arith.constant 3 : i32
      %add3A_37 = arith.addi %mul3A_12, %add3A_36 : i32
      %mul3A_38 = arith.constant 80 : i32
      %mul3A_39 = arith.muli %add3A_37, %mul3A_38 : i32
      %dma_start3A_40 = tpu.memref_slice %arg5[%mul3A_39] : memref<5600xi32, #tpu.memory_space<vmem>> -> memref<80xi32, #tpu.memory_space<vmem>>
      %dma_start3A_41 = arith.constant 0 : i32
      %dma_start3A_42 = arith.constant 0 : i32
      %dma_start3A_43 = tpu.memref_slice %arg2[%dma_start3A_41, %dma_start3A_42] : memref<10000x128xf32, #tpu.memory_space<hbm>> -> memref<10000x128xf32, #tpu.memory_space<hbm>>
      tpu.enqueue_indirect_dma source(%dma_start3A_43 : memref<10000x128xf32, #tpu.memory_space<hbm>>) target(%arg9 : memref<80x128xf32, #tpu.memory_space<vmem>>) offsets(%dma_start3A_40 : memref<80xi32, #tpu.memory_space<vmem>>) semaphore(%arg14 : memref<!tpu.dma_semaphore, #tpu.memory_space<semaphore_mem>>)
      %add3A_44 = arith.constant 4 : i32
      %add3A_45 = arith.addi %mul3A_12, %add3A_44 : i32
      %mul3A_46 = arith.constant 80 : i32
      %mul3A_47 = arith.muli %add3A_45, %mul3A_46 : i32
      %dma_start3A_48 = tpu.memref_slice %arg5[%mul3A_47] : memref<5600xi32, #tpu.memory_space<vmem>> -> memref<80xi32, #tpu.memory_space<vmem>>
      %dma_start3A_49 = arith.constant 0 : i32
      %dma_start3A_50 = arith.constant 0 : i32
      %dma_start3A_51 = tpu.memref_slice %arg2[%dma_start3A_49, %dma_start3A_50] : memref<10000x128xf32, #tpu.memory_space<hbm>> -> memref<10000x128xf32, #tpu.memory_space<hbm>>
      tpu.enqueue_indirect_dma source(%dma_start3A_51 : memref<10000x128xf32, #tpu.memory_space<hbm>>) target(%arg10 : memref<80x128xf32, #tpu.memory_space<vmem>>) offsets(%dma_start3A_48 : memref<80xi32, #tpu.memory_space<vmem>>) semaphore(%arg15 : memref<!tpu.dma_semaphore, #tpu.memory_space<semaphore_mem>>)
      %dma_wait3A = tpu.memref_slice %arg5[%mul3A_16] : memref<5600xi32, #tpu.memory_space<vmem>> -> memref<80xi32, #tpu.memory_space<vmem>>
      %dma_wait3A_52 = arith.constant 0 : i32
      %dma_wait3A_53 = arith.constant 0 : i32
      %dma_wait3A_54 = tpu.memref_slice %arg2[%dma_wait3A_52, %dma_wait3A_53] : memref<10000x128xf32, #tpu.memory_space<hbm>> -> memref<10000x128xf32, #tpu.memory_space<hbm>>
      tpu.wait_indirect_dma semaphore(%arg11 : memref<!tpu.dma_semaphore, #tpu.memory_space<semaphore_mem>>) src(%dma_wait3A_54 : memref<10000x128xf32, #tpu.memory_space<hbm>>) dst(%arg6 : memref<80x128xf32, #tpu.memory_space<vmem>>)
      %mul3A_55 = arith.constant 70 : i32
      %mul3A_56 = arith.muli %add3A, %mul3A_55 : i32
      %add3A_57 = arith.addi %mul3A_56, %mul3A_12 : i32
      %add3A_58 = arith.constant 0 : i32
      %add3A_59 = arith.addi %add3A_57, %add3A_58 : i32
      %mul3A_60 = arith.constant 80 : i32
      %mul3A_61 = arith.muli %add3A_59, %mul3A_60 : i32
      "tpu.region"() ({
        %run_scoped3A = tpu.sem_alloc : memref<!tpu.dma_semaphore, #tpu.memory_space<semaphore_mem>>
        %dma_start3A_106 = arith.constant 0 : i32
        %dma_start3A_107 = tpu.memref_slice %arg4[%mul3A_61, %dma_start3A_106] : memref<179200x128xf32, #tpu.memory_space<hbm>> -> memref<80x128xf32, #tpu.memory_space<hbm>>
        %dma_start3A_108 = arith.constant 0 : i32
        %dma_start3A_109 = tpu.memref_slice %arg4[%mul3A_61, %dma_start3A_108] : memref<179200x128xf32, #tpu.memory_space<hbm>> -> memref<80x128xf32, #tpu.memory_space<hbm>>
        tpu.enqueue_dma source(%arg6 : memref<80x128xf32, #tpu.memory_space<vmem>>) target(%dma_start3A_109 : memref<80x128xf32, #tpu.memory_space<hbm>>) target_semaphore(%run_scoped3A : memref<!tpu.dma_semaphore, #tpu.memory_space<semaphore_mem>>)
        %dma_wait3A_110 = arith.constant 0 : i32
        %dma_wait3A_111 = tpu.memref_slice %arg4[%mul3A_61, %dma_wait3A_110] : memref<179200x128xf32, #tpu.memory_space<hbm>> -> memref<80x128xf32, #tpu.memory_space<hbm>>
        %dma_wait3A_112 = arith.constant 0 : i32
        %dma_wait3A_113 = tpu.memref_slice %arg4[%mul3A_61, %dma_wait3A_112] : memref<179200x128xf32, #tpu.memory_space<hbm>> -> memref<80x128xf32, #tpu.memory_space<hbm>>
        tpu.wait_dma2 semaphore(%run_scoped3A : memref<!tpu.dma_semaphore, #tpu.memory_space<semaphore_mem>>) src(%arg6 : memref<80x128xf32, #tpu.memory_space<vmem>>) dst(%dma_wait3A_113 : memref<80x128xf32, #tpu.memory_space<hbm>>)
        tpu.yield
      }) : () -> ()
      %dma_wait3A_62 = tpu.memref_slice %arg5[%mul3A_23] : memref<5600xi32, #tpu.memory_space<vmem>> -> memref<80xi32, #tpu.memory_space<vmem>>
      %dma_wait3A_63 = arith.constant 0 : i32
      %dma_wait3A_64 = arith.constant 0 : i32
      %dma_wait3A_65 = tpu.memref_slice %arg2[%dma_wait3A_63, %dma_wait3A_64] : memref<10000x128xf32, #tpu.memory_space<hbm>> -> memref<10000x128xf32, #tpu.memory_space<hbm>>
      tpu.wait_indirect_dma semaphore(%arg12 : memref<!tpu.dma_semaphore, #tpu.memory_space<semaphore_mem>>) src(%dma_wait3A_65 : memref<10000x128xf32, #tpu.memory_space<hbm>>) dst(%arg7 : memref<80x128xf32, #tpu.memory_space<vmem>>)
      %mul3A_66 = arith.constant 70 : i32
      %mul3A_67 = arith.muli %add3A, %mul3A_66 : i32
      %add3A_68 = arith.addi %mul3A_67, %mul3A_12 : i32
      %add3A_69 = arith.constant 1 : i32
      %add3A_70 = arith.addi %add3A_68, %add3A_69 : i32
      %mul3A_71 = arith.constant 80 : i32
      %mul3A_72 = arith.muli %add3A_70, %mul3A_71 : i32
      "tpu.region"() ({
        %run_scoped3A = tpu.sem_alloc : memref<!tpu.dma_semaphore, #tpu.memory_space<semaphore_mem>>
        %dma_start3A_106 = arith.constant 0 : i32
        %dma_start3A_107 = tpu.memref_slice %arg4[%mul3A_72, %dma_start3A_106] : memref<179200x128xf32, #tpu.memory_space<hbm>> -> memref<80x128xf32, #tpu.memory_space<hbm>>
        %dma_start3A_108 = arith.constant 0 : i32
        %dma_start3A_109 = tpu.memref_slice %arg4[%mul3A_72, %dma_start3A_108] : memref<179200x128xf32, #tpu.memory_space<hbm>> -> memref<80x128xf32, #tpu.memory_space<hbm>>
        tpu.enqueue_dma source(%arg7 : memref<80x128xf32, #tpu.memory_space<vmem>>) target(%dma_start3A_109 : memref<80x128xf32, #tpu.memory_space<hbm>>) target_semaphore(%run_scoped3A : memref<!tpu.dma_semaphore, #tpu.memory_space<semaphore_mem>>)
        %dma_wait3A_110 = arith.constant 0 : i32
        %dma_wait3A_111 = tpu.memref_slice %arg4[%mul3A_72, %dma_wait3A_110] : memref<179200x128xf32, #tpu.memory_space<hbm>> -> memref<80x128xf32, #tpu.memory_space<hbm>>
        %dma_wait3A_112 = arith.constant 0 : i32
        %dma_wait3A_113 = tpu.memref_slice %arg4[%mul3A_72, %dma_wait3A_112] : memref<179200x128xf32, #tpu.memory_space<hbm>> -> memref<80x128xf32, #tpu.memory_space<hbm>>
        tpu.wait_dma2 semaphore(%run_scoped3A : memref<!tpu.dma_semaphore, #tpu.memory_space<semaphore_mem>>) src(%arg7 : memref<80x128xf32, #tpu.memory_space<vmem>>) dst(%dma_wait3A_113 : memref<80x128xf32, #tpu.memory_space<hbm>>)
        tpu.yield
      }) : () -> ()
      %dma_wait3A_73 = tpu.memref_slice %arg5[%mul3A_31] : memref<5600xi32, #tpu.memory_space<vmem>> -> memref<80xi32, #tpu.memory_space<vmem>>
      %dma_wait3A_74 = arith.constant 0 : i32
      %dma_wait3A_75 = arith.constant 0 : i32
      %dma_wait3A_76 = tpu.memref_slice %arg2[%dma_wait3A_74, %dma_wait3A_75] : memref<10000x128xf32, #tpu.memory_space<hbm>> -> memref<10000x128xf32, #tpu.memory_space<hbm>>
      tpu.wait_indirect_dma semaphore(%arg13 : memref<!tpu.dma_semaphore, #tpu.memory_space<semaphore_mem>>) src(%dma_wait3A_76 : memref<10000x128xf32, #tpu.memory_space<hbm>>) dst(%arg8 : memref<80x128xf32, #tpu.memory_space<vmem>>)
      %mul3A_77 = arith.constant 70 : i32
      %mul3A_78 = arith.muli %add3A, %mul3A_77 : i32
      %add3A_79 = arith.addi %mul3A_78, %mul3A_12 : i32
      %add3A_80 = arith.constant 2 : i32
      %add3A_81 = arith.addi %add3A_79, %add3A_80 : i32
      %mul3A_82 = arith.constant 80 : i32
      %mul3A_83 = arith.muli %add3A_81, %mul3A_82 : i32
      "tpu.region"() ({
        %run_scoped3A = tpu.sem_alloc : memref<!tpu.dma_semaphore, #tpu.memory_space<semaphore_mem>>
        %dma_start3A_106 = arith.constant 0 : i32
        %dma_start3A_107 = tpu.memref_slice %arg4[%mul3A_83, %dma_start3A_106] : memref<179200x128xf32, #tpu.memory_space<hbm>> -> memref<80x128xf32, #tpu.memory_space<hbm>>
        %dma_start3A_108 = arith.constant 0 : i32
        %dma_start3A_109 = tpu.memref_slice %arg4[%mul3A_83, %dma_start3A_108] : memref<179200x128xf32, #tpu.memory_space<hbm>> -> memref<80x128xf32, #tpu.memory_space<hbm>>
        tpu.enqueue_dma source(%arg8 : memref<80x128xf32, #tpu.memory_space<vmem>>) target(%dma_start3A_109 : memref<80x128xf32, #tpu.memory_space<hbm>>) target_semaphore(%run_scoped3A : memref<!tpu.dma_semaphore, #tpu.memory_space<semaphore_mem>>)
        %dma_wait3A_110 = arith.constant 0 : i32
        %dma_wait3A_111 = tpu.memref_slice %arg4[%mul3A_83, %dma_wait3A_110] : memref<179200x128xf32, #tpu.memory_space<hbm>> -> memref<80x128xf32, #tpu.memory_space<hbm>>
        %dma_wait3A_112 = arith.constant 0 : i32
        %dma_wait3A_113 = tpu.memref_slice %arg4[%mul3A_83, %dma_wait3A_112] : memref<179200x128xf32, #tpu.memory_space<hbm>> -> memref<80x128xf32, #tpu.memory_space<hbm>>
        tpu.wait_dma2 semaphore(%run_scoped3A : memref<!tpu.dma_semaphore, #tpu.memory_space<semaphore_mem>>) src(%arg8 : memref<80x128xf32, #tpu.memory_space<vmem>>) dst(%dma_wait3A_113 : memref<80x128xf32, #tpu.memory_space<hbm>>)
        tpu.yield
      }) : () -> ()
      %dma_wait3A_84 = tpu.memref_slice %arg5[%mul3A_39] : memref<5600xi32, #tpu.memory_space<vmem>> -> memref<80xi32, #tpu.memory_space<vmem>>
      %dma_wait3A_85 = arith.constant 0 : i32
      %dma_wait3A_86 = arith.constant 0 : i32
      %dma_wait3A_87 = tpu.memref_slice %arg2[%dma_wait3A_85, %dma_wait3A_86] : memref<10000x128xf32, #tpu.memory_space<hbm>> -> memref<10000x128xf32, #tpu.memory_space<hbm>>
      tpu.wait_indirect_dma semaphore(%arg14 : memref<!tpu.dma_semaphore, #tpu.memory_space<semaphore_mem>>) src(%dma_wait3A_87 : memref<10000x128xf32, #tpu.memory_space<hbm>>) dst(%arg9 : memref<80x128xf32, #tpu.memory_space<vmem>>)
      %mul3A_88 = arith.constant 70 : i32
      %mul3A_89 = arith.muli %add3A, %mul3A_88 : i32
      %add3A_90 = arith.addi %mul3A_89, %mul3A_12 : i32
      %add3A_91 = arith.constant 3 : i32
      %add3A_92 = arith.addi %add3A_90, %add3A_91 : i32
      %mul3A_93 = arith.constant 80 : i32
      %mul3A_94 = arith.muli %add3A_92, %mul3A_93 : i32
      "tpu.region"() ({
        %run_scoped3A = tpu.sem_alloc : memref<!tpu.dma_semaphore, #tpu.memory_space<semaphore_mem>>
        %dma_start3A_106 = arith.constant 0 : i32
        %dma_start3A_107 = tpu.memref_slice %arg4[%mul3A_94, %dma_start3A_106] : memref<179200x128xf32, #tpu.memory_space<hbm>> -> memref<80x128xf32, #tpu.memory_space<hbm>>
        %dma_start3A_108 = arith.constant 0 : i32
        %dma_start3A_109 = tpu.memref_slice %arg4[%mul3A_94, %dma_start3A_108] : memref<179200x128xf32, #tpu.memory_space<hbm>> -> memref<80x128xf32, #tpu.memory_space<hbm>>
        tpu.enqueue_dma source(%arg9 : memref<80x128xf32, #tpu.memory_space<vmem>>) target(%dma_start3A_109 : memref<80x128xf32, #tpu.memory_space<hbm>>) target_semaphore(%run_scoped3A : memref<!tpu.dma_semaphore, #tpu.memory_space<semaphore_mem>>)
        %dma_wait3A_110 = arith.constant 0 : i32
        %dma_wait3A_111 = tpu.memref_slice %arg4[%mul3A_94, %dma_wait3A_110] : memref<179200x128xf32, #tpu.memory_space<hbm>> -> memref<80x128xf32, #tpu.memory_space<hbm>>
        %dma_wait3A_112 = arith.constant 0 : i32
        %dma_wait3A_113 = tpu.memref_slice %arg4[%mul3A_94, %dma_wait3A_112] : memref<179200x128xf32, #tpu.memory_space<hbm>> -> memref<80x128xf32, #tpu.memory_space<hbm>>
        tpu.wait_dma2 semaphore(%run_scoped3A : memref<!tpu.dma_semaphore, #tpu.memory_space<semaphore_mem>>) src(%arg9 : memref<80x128xf32, #tpu.memory_space<vmem>>) dst(%dma_wait3A_113 : memref<80x128xf32, #tpu.memory_space<hbm>>)
        tpu.yield
      }) : () -> ()
      %dma_wait3A_95 = tpu.memref_slice %arg5[%mul3A_47] : memref<5600xi32, #tpu.memory_space<vmem>> -> memref<80xi32, #tpu.memory_space<vmem>>
      %dma_wait3A_96 = arith.constant 0 : i32
      %dma_wait3A_97 = arith.constant 0 : i32
      %dma_wait3A_98 = tpu.memref_slice %arg2[%dma_wait3A_96, %dma_wait3A_97] : memref<10000x128xf32, #tpu.memory_space<hbm>> -> memref<10000x128xf32, #tpu.memory_space<hbm>>
      tpu.wait_indirect_dma semaphore(%arg15 : memref<!tpu.dma_semaphore, #tpu.memory_space<semaphore_mem>>) src(%dma_wait3A_98 : memref<10000x128xf32, #tpu.memory_space<hbm>>) dst(%arg10 : memref<80x128xf32, #tpu.memory_space<vmem>>)
      %mul3A_99 = arith.constant 70 : i32
      %mul3A_100 = arith.muli %add3A, %mul3A_99 : i32
      %add3A_101 = arith.addi %mul3A_100, %mul3A_12 : i32
      %add3A_102 = arith.constant 4 : i32
      %add3A_103 = arith.addi %add3A_101, %add3A_102 : i32
      %mul3A_104 = arith.constant 80 : i32
      %mul3A_105 = arith.muli %add3A_103, %mul3A_104 : i32
      "tpu.region"() ({
        %run_scoped3A = tpu.sem_alloc : memref<!tpu.dma_semaphore, #tpu.memory_space<semaphore_mem>>
        %dma_start3A_106 = arith.constant 0 : i32
        %dma_start3A_107 = tpu.memref_slice %arg4[%mul3A_105, %dma_start3A_106] : memref<179200x128xf32, #tpu.memory_space<hbm>> -> memref<80x128xf32, #tpu.memory_space<hbm>>
        %dma_start3A_108 = arith.constant 0 : i32
        %dma_start3A_109 = tpu.memref_slice %arg4[%mul3A_105, %dma_start3A_108] : memref<179200x128xf32, #tpu.memory_space<hbm>> -> memref<80x128xf32, #tpu.memory_space<hbm>>
        tpu.enqueue_dma source(%arg10 : memref<80x128xf32, #tpu.memory_space<vmem>>) target(%dma_start3A_109 : memref<80x128xf32, #tpu.memory_space<hbm>>) target_semaphore(%run_scoped3A : memref<!tpu.dma_semaphore, #tpu.memory_space<semaphore_mem>>)
        %dma_wait3A_110 = arith.constant 0 : i32
        %dma_wait3A_111 = tpu.memref_slice %arg4[%mul3A_105, %dma_wait3A_110] : memref<179200x128xf32, #tpu.memory_space<hbm>> -> memref<80x128xf32, #tpu.memory_space<hbm>>
        %dma_wait3A_112 = arith.constant 0 : i32
        %dma_wait3A_113 = tpu.memref_slice %arg4[%mul3A_105, %dma_wait3A_112] : memref<179200x128xf32, #tpu.memory_space<hbm>> -> memref<80x128xf32, #tpu.memory_space<hbm>>
        tpu.wait_dma2 semaphore(%run_scoped3A : memref<!tpu.dma_semaphore, #tpu.memory_space<semaphore_mem>>) src(%arg10 : memref<80x128xf32, #tpu.memory_space<vmem>>) dst(%dma_wait3A_113 : memref<80x128xf32, #tpu.memory_space<hbm>>)
        tpu.yield
      }) : () -> ()
    }
    %scan3A_9 = arith.constant 14 : i32
    return
  }
}

#map = affine_map<(d0, d1) -> (0, 0)>
#map1 = affine_map<(d0, d1) -> (0)>
module attributes {stable_mosaic.version = 14 : i64} {
  func.func @k(%arg0: i32, %arg1: i32, %arg2: memref<10000x128xf32, #tpu.memory_space<hbm>>, %arg3: memref<320000xi32, #tpu.memory_space<hbm>>, %arg4: memref<140800x128xf32, #tpu.memory_space<hbm>>, %arg5: memref<4400xi32, #tpu.memory_space<vmem>>, %arg6: memref<80x128xf32, #tpu.memory_space<vmem>>, %arg7: memref<80x128xf32, #tpu.memory_space<vmem>>, %arg8: memref<80x128xf32, #tpu.memory_space<vmem>>, %arg9: memref<80x128xf32, #tpu.memory_space<vmem>>, %arg10: memref<80x128xf32, #tpu.memory_space<vmem>>, %arg11: memref<!tpu.dma_semaphore, #tpu.memory_space<semaphore_mem>>, %arg12: memref<!tpu.dma_semaphore, #tpu.memory_space<semaphore_mem>>, %arg13: memref<!tpu.dma_semaphore, #tpu.memory_space<semaphore_mem>>, %arg14: memref<!tpu.dma_semaphore, #tpu.memory_space<semaphore_mem>>, %arg15: memref<!tpu.dma_semaphore, #tpu.memory_space<semaphore_mem>>) attributes {dimension_semantics = [#tpu.dimension_semantics<core_parallel>, #tpu.dimension_semantics<subcore_parallel>], iteration_bounds = array<i64: 2, 16>, scalar_prefetch = 0 : i64, scratch_operands = 11 : i64, tpu.core_type = #tpu.core_type<sc_vector_subcore>, window_params = [{transform_indices = #map}, {transform_indices = #map1}, {transform_indices = #map}]} {
    %mul3A = arith.constant 2 : i32
    %mul3A_0 = arith.muli %arg1, %mul3A : i32
    %add3A = arith.addi %mul3A_0, %arg0 : i32
    %mul3A_1 = arith.constant 4400 : i32
    %mul3A_2 = arith.muli %add3A, %mul3A_1 : i32
    %add3A_3 = arith.constant 179200 : i32
    %add3A_4 = arith.addi %add3A_3, %mul3A_2 : i32
    "tpu.region"() ({
      %run_scoped3A = tpu.sem_alloc : memref<!tpu.dma_semaphore, #tpu.memory_space<semaphore_mem>>
      %dma_start3A = tpu.memref_slice %arg3[%add3A_4] : memref<320000xi32, #tpu.memory_space<hbm>> -> memref<4400xi32, #tpu.memory_space<hbm>>
      %dma_start3A_10 = tpu.memref_slice %arg3[%add3A_4] : memref<320000xi32, #tpu.memory_space<hbm>> -> memref<4400xi32, #tpu.memory_space<hbm>>
      tpu.enqueue_dma source(%dma_start3A_10 : memref<4400xi32, #tpu.memory_space<hbm>>) target(%arg5 : memref<4400xi32, #tpu.memory_space<vmem>>) target_semaphore(%run_scoped3A : memref<!tpu.dma_semaphore, #tpu.memory_space<semaphore_mem>>)
      %dma_wait3A = tpu.memref_slice %arg3[%add3A_4] : memref<320000xi32, #tpu.memory_space<hbm>> -> memref<4400xi32, #tpu.memory_space<hbm>>
      %dma_wait3A_11 = tpu.memref_slice %arg3[%add3A_4] : memref<320000xi32, #tpu.memory_space<hbm>> -> memref<4400xi32, #tpu.memory_space<hbm>>
      tpu.wait_dma2 semaphore(%run_scoped3A : memref<!tpu.dma_semaphore, #tpu.memory_space<semaphore_mem>>) src(%dma_wait3A_11 : memref<4400xi32, #tpu.memory_space<hbm>>) dst(%arg5 : memref<4400xi32, #tpu.memory_space<vmem>>)
      tpu.yield
    }) : () -> ()
    %scan3A = arith.constant 0 : i32
    %scan3A_5 = arith.constant 0 : i32
    %scan3A_6 = arith.constant 11 : i32
    %scan3A_7 = arith.addi %scan3A_5, %scan3A_6 : i32
    %scan3A_8 = arith.constant 1 : i32
    scf.for %scan3A_10 = %scan3A_5 to %scan3A_7 step %scan3A_8  : i32 {
      %mul3A_11 = arith.constant 5 : i32
      %mul3A_12 = arith.muli %scan3A_10, %mul3A_11 : i32
      %add3A_13 = arith.constant 0 : i32
      %add3A_14 = arith.addi %mul3A_12, %add3A_13 : i32
      %mul3A_15 = arith.constant 80 : i32
      %mul3A_16 = arith.muli %add3A_14, %mul3A_15 : i32
      %dma_start3A = tpu.memref_slice %arg5[%mul3A_16] : memref<4400xi32, #tpu.memory_space<vmem>> -> memref<80xi32, #tpu.memory_space<vmem>>
      %dma_start3A_17 = arith.constant 0 : i32
      %dma_start3A_18 = arith.constant 0 : i32
      %dma_start3A_19 = tpu.memref_slice %arg2[%dma_start3A_17, %dma_start3A_18] : memref<10000x128xf32, #tpu.memory_space<hbm>> -> memref<10000x128xf32, #tpu.memory_space<hbm>>
      tpu.enqueue_indirect_dma source(%dma_start3A_19 : memref<10000x128xf32, #tpu.memory_space<hbm>>) target(%arg6 : memref<80x128xf32, #tpu.memory_space<vmem>>) offsets(%dma_start3A : memref<80xi32, #tpu.memory_space<vmem>>) semaphore(%arg11 : memref<!tpu.dma_semaphore, #tpu.memory_space<semaphore_mem>>)
      %add3A_20 = arith.constant 1 : i32
      %add3A_21 = arith.addi %mul3A_12, %add3A_20 : i32
      %mul3A_22 = arith.constant 80 : i32
      %mul3A_23 = arith.muli %add3A_21, %mul3A_22 : i32
      %dma_start3A_24 = tpu.memref_slice %arg5[%mul3A_23] : memref<4400xi32, #tpu.memory_space<vmem>> -> memref<80xi32, #tpu.memory_space<vmem>>
      %dma_start3A_25 = arith.constant 0 : i32
      %dma_start3A_26 = arith.constant 0 : i32
      %dma_start3A_27 = tpu.memref_slice %arg2[%dma_start3A_25, %dma_start3A_26] : memref<10000x128xf32, #tpu.memory_space<hbm>> -> memref<10000x128xf32, #tpu.memory_space<hbm>>
      tpu.enqueue_indirect_dma source(%dma_start3A_27 : memref<10000x128xf32, #tpu.memory_space<hbm>>) target(%arg7 : memref<80x128xf32, #tpu.memory_space<vmem>>) offsets(%dma_start3A_24 : memref<80xi32, #tpu.memory_space<vmem>>) semaphore(%arg12 : memref<!tpu.dma_semaphore, #tpu.memory_space<semaphore_mem>>)
      %add3A_28 = arith.constant 2 : i32
      %add3A_29 = arith.addi %mul3A_12, %add3A_28 : i32
      %mul3A_30 = arith.constant 80 : i32
      %mul3A_31 = arith.muli %add3A_29, %mul3A_30 : i32
      %dma_start3A_32 = tpu.memref_slice %arg5[%mul3A_31] : memref<4400xi32, #tpu.memory_space<vmem>> -> memref<80xi32, #tpu.memory_space<vmem>>
      %dma_start3A_33 = arith.constant 0 : i32
      %dma_start3A_34 = arith.constant 0 : i32
      %dma_start3A_35 = tpu.memref_slice %arg2[%dma_start3A_33, %dma_start3A_34] : memref<10000x128xf32, #tpu.memory_space<hbm>> -> memref<10000x128xf32, #tpu.memory_space<hbm>>
      tpu.enqueue_indirect_dma source(%dma_start3A_35 : memref<10000x128xf32, #tpu.memory_space<hbm>>) target(%arg8 : memref<80x128xf32, #tpu.memory_space<vmem>>) offsets(%dma_start3A_32 : memref<80xi32, #tpu.memory_space<vmem>>) semaphore(%arg13 : memref<!tpu.dma_semaphore, #tpu.memory_space<semaphore_mem>>)
      %add3A_36 = arith.constant 3 : i32
      %add3A_37 = arith.addi %mul3A_12, %add3A_36 : i32
      %mul3A_38 = arith.constant 80 : i32
      %mul3A_39 = arith.muli %add3A_37, %mul3A_38 : i32
      %dma_start3A_40 = tpu.memref_slice %arg5[%mul3A_39] : memref<4400xi32, #tpu.memory_space<vmem>> -> memref<80xi32, #tpu.memory_space<vmem>>
      %dma_start3A_41 = arith.constant 0 : i32
      %dma_start3A_42 = arith.constant 0 : i32
      %dma_start3A_43 = tpu.memref_slice %arg2[%dma_start3A_41, %dma_start3A_42] : memref<10000x128xf32, #tpu.memory_space<hbm>> -> memref<10000x128xf32, #tpu.memory_space<hbm>>
      tpu.enqueue_indirect_dma source(%dma_start3A_43 : memref<10000x128xf32, #tpu.memory_space<hbm>>) target(%arg9 : memref<80x128xf32, #tpu.memory_space<vmem>>) offsets(%dma_start3A_40 : memref<80xi32, #tpu.memory_space<vmem>>) semaphore(%arg14 : memref<!tpu.dma_semaphore, #tpu.memory_space<semaphore_mem>>)
      %add3A_44 = arith.constant 4 : i32
      %add3A_45 = arith.addi %mul3A_12, %add3A_44 : i32
      %mul3A_46 = arith.constant 80 : i32
      %mul3A_47 = arith.muli %add3A_45, %mul3A_46 : i32
      %dma_start3A_48 = tpu.memref_slice %arg5[%mul3A_47] : memref<4400xi32, #tpu.memory_space<vmem>> -> memref<80xi32, #tpu.memory_space<vmem>>
      %dma_start3A_49 = arith.constant 0 : i32
      %dma_start3A_50 = arith.constant 0 : i32
      %dma_start3A_51 = tpu.memref_slice %arg2[%dma_start3A_49, %dma_start3A_50] : memref<10000x128xf32, #tpu.memory_space<hbm>> -> memref<10000x128xf32, #tpu.memory_space<hbm>>
      tpu.enqueue_indirect_dma source(%dma_start3A_51 : memref<10000x128xf32, #tpu.memory_space<hbm>>) target(%arg10 : memref<80x128xf32, #tpu.memory_space<vmem>>) offsets(%dma_start3A_48 : memref<80xi32, #tpu.memory_space<vmem>>) semaphore(%arg15 : memref<!tpu.dma_semaphore, #tpu.memory_space<semaphore_mem>>)
      %dma_wait3A = tpu.memref_slice %arg5[%mul3A_16] : memref<4400xi32, #tpu.memory_space<vmem>> -> memref<80xi32, #tpu.memory_space<vmem>>
      %dma_wait3A_52 = arith.constant 0 : i32
      %dma_wait3A_53 = arith.constant 0 : i32
      %dma_wait3A_54 = tpu.memref_slice %arg2[%dma_wait3A_52, %dma_wait3A_53] : memref<10000x128xf32, #tpu.memory_space<hbm>> -> memref<10000x128xf32, #tpu.memory_space<hbm>>
      tpu.wait_indirect_dma semaphore(%arg11 : memref<!tpu.dma_semaphore, #tpu.memory_space<semaphore_mem>>) src(%dma_wait3A_54 : memref<10000x128xf32, #tpu.memory_space<hbm>>) dst(%arg6 : memref<80x128xf32, #tpu.memory_space<vmem>>)
      %mul3A_55 = arith.constant 55 : i32
      %mul3A_56 = arith.muli %add3A, %mul3A_55 : i32
      %add3A_57 = arith.addi %mul3A_56, %mul3A_12 : i32
      %add3A_58 = arith.constant 0 : i32
      %add3A_59 = arith.addi %add3A_57, %add3A_58 : i32
      %mul3A_60 = arith.constant 80 : i32
      %mul3A_61 = arith.muli %add3A_59, %mul3A_60 : i32
      "tpu.region"() ({
        %run_scoped3A = tpu.sem_alloc : memref<!tpu.dma_semaphore, #tpu.memory_space<semaphore_mem>>
        %dma_start3A_106 = arith.constant 0 : i32
        %dma_start3A_107 = tpu.memref_slice %arg4[%mul3A_61, %dma_start3A_106] : memref<140800x128xf32, #tpu.memory_space<hbm>> -> memref<80x128xf32, #tpu.memory_space<hbm>>
        %dma_start3A_108 = arith.constant 0 : i32
        %dma_start3A_109 = tpu.memref_slice %arg4[%mul3A_61, %dma_start3A_108] : memref<140800x128xf32, #tpu.memory_space<hbm>> -> memref<80x128xf32, #tpu.memory_space<hbm>>
        tpu.enqueue_dma source(%arg6 : memref<80x128xf32, #tpu.memory_space<vmem>>) target(%dma_start3A_109 : memref<80x128xf32, #tpu.memory_space<hbm>>) target_semaphore(%run_scoped3A : memref<!tpu.dma_semaphore, #tpu.memory_space<semaphore_mem>>)
        %dma_wait3A_110 = arith.constant 0 : i32
        %dma_wait3A_111 = tpu.memref_slice %arg4[%mul3A_61, %dma_wait3A_110] : memref<140800x128xf32, #tpu.memory_space<hbm>> -> memref<80x128xf32, #tpu.memory_space<hbm>>
        %dma_wait3A_112 = arith.constant 0 : i32
        %dma_wait3A_113 = tpu.memref_slice %arg4[%mul3A_61, %dma_wait3A_112] : memref<140800x128xf32, #tpu.memory_space<hbm>> -> memref<80x128xf32, #tpu.memory_space<hbm>>
        tpu.wait_dma2 semaphore(%run_scoped3A : memref<!tpu.dma_semaphore, #tpu.memory_space<semaphore_mem>>) src(%arg6 : memref<80x128xf32, #tpu.memory_space<vmem>>) dst(%dma_wait3A_113 : memref<80x128xf32, #tpu.memory_space<hbm>>)
        tpu.yield
      }) : () -> ()
      %dma_wait3A_62 = tpu.memref_slice %arg5[%mul3A_23] : memref<4400xi32, #tpu.memory_space<vmem>> -> memref<80xi32, #tpu.memory_space<vmem>>
      %dma_wait3A_63 = arith.constant 0 : i32
      %dma_wait3A_64 = arith.constant 0 : i32
      %dma_wait3A_65 = tpu.memref_slice %arg2[%dma_wait3A_63, %dma_wait3A_64] : memref<10000x128xf32, #tpu.memory_space<hbm>> -> memref<10000x128xf32, #tpu.memory_space<hbm>>
      tpu.wait_indirect_dma semaphore(%arg12 : memref<!tpu.dma_semaphore, #tpu.memory_space<semaphore_mem>>) src(%dma_wait3A_65 : memref<10000x128xf32, #tpu.memory_space<hbm>>) dst(%arg7 : memref<80x128xf32, #tpu.memory_space<vmem>>)
      %mul3A_66 = arith.constant 55 : i32
      %mul3A_67 = arith.muli %add3A, %mul3A_66 : i32
      %add3A_68 = arith.addi %mul3A_67, %mul3A_12 : i32
      %add3A_69 = arith.constant 1 : i32
      %add3A_70 = arith.addi %add3A_68, %add3A_69 : i32
      %mul3A_71 = arith.constant 80 : i32
      %mul3A_72 = arith.muli %add3A_70, %mul3A_71 : i32
      "tpu.region"() ({
        %run_scoped3A = tpu.sem_alloc : memref<!tpu.dma_semaphore, #tpu.memory_space<semaphore_mem>>
        %dma_start3A_106 = arith.constant 0 : i32
        %dma_start3A_107 = tpu.memref_slice %arg4[%mul3A_72, %dma_start3A_106] : memref<140800x128xf32, #tpu.memory_space<hbm>> -> memref<80x128xf32, #tpu.memory_space<hbm>>
        %dma_start3A_108 = arith.constant 0 : i32
        %dma_start3A_109 = tpu.memref_slice %arg4[%mul3A_72, %dma_start3A_108] : memref<140800x128xf32, #tpu.memory_space<hbm>> -> memref<80x128xf32, #tpu.memory_space<hbm>>
        tpu.enqueue_dma source(%arg7 : memref<80x128xf32, #tpu.memory_space<vmem>>) target(%dma_start3A_109 : memref<80x128xf32, #tpu.memory_space<hbm>>) target_semaphore(%run_scoped3A : memref<!tpu.dma_semaphore, #tpu.memory_space<semaphore_mem>>)
        %dma_wait3A_110 = arith.constant 0 : i32
        %dma_wait3A_111 = tpu.memref_slice %arg4[%mul3A_72, %dma_wait3A_110] : memref<140800x128xf32, #tpu.memory_space<hbm>> -> memref<80x128xf32, #tpu.memory_space<hbm>>
        %dma_wait3A_112 = arith.constant 0 : i32
        %dma_wait3A_113 = tpu.memref_slice %arg4[%mul3A_72, %dma_wait3A_112] : memref<140800x128xf32, #tpu.memory_space<hbm>> -> memref<80x128xf32, #tpu.memory_space<hbm>>
        tpu.wait_dma2 semaphore(%run_scoped3A : memref<!tpu.dma_semaphore, #tpu.memory_space<semaphore_mem>>) src(%arg7 : memref<80x128xf32, #tpu.memory_space<vmem>>) dst(%dma_wait3A_113 : memref<80x128xf32, #tpu.memory_space<hbm>>)
        tpu.yield
      }) : () -> ()
      %dma_wait3A_73 = tpu.memref_slice %arg5[%mul3A_31] : memref<4400xi32, #tpu.memory_space<vmem>> -> memref<80xi32, #tpu.memory_space<vmem>>
      %dma_wait3A_74 = arith.constant 0 : i32
      %dma_wait3A_75 = arith.constant 0 : i32
      %dma_wait3A_76 = tpu.memref_slice %arg2[%dma_wait3A_74, %dma_wait3A_75] : memref<10000x128xf32, #tpu.memory_space<hbm>> -> memref<10000x128xf32, #tpu.memory_space<hbm>>
      tpu.wait_indirect_dma semaphore(%arg13 : memref<!tpu.dma_semaphore, #tpu.memory_space<semaphore_mem>>) src(%dma_wait3A_76 : memref<10000x128xf32, #tpu.memory_space<hbm>>) dst(%arg8 : memref<80x128xf32, #tpu.memory_space<vmem>>)
      %mul3A_77 = arith.constant 55 : i32
      %mul3A_78 = arith.muli %add3A, %mul3A_77 : i32
      %add3A_79 = arith.addi %mul3A_78, %mul3A_12 : i32
      %add3A_80 = arith.constant 2 : i32
      %add3A_81 = arith.addi %add3A_79, %add3A_80 : i32
      %mul3A_82 = arith.constant 80 : i32
      %mul3A_83 = arith.muli %add3A_81, %mul3A_82 : i32
      "tpu.region"() ({
        %run_scoped3A = tpu.sem_alloc : memref<!tpu.dma_semaphore, #tpu.memory_space<semaphore_mem>>
        %dma_start3A_106 = arith.constant 0 : i32
        %dma_start3A_107 = tpu.memref_slice %arg4[%mul3A_83, %dma_start3A_106] : memref<140800x128xf32, #tpu.memory_space<hbm>> -> memref<80x128xf32, #tpu.memory_space<hbm>>
        %dma_start3A_108 = arith.constant 0 : i32
        %dma_start3A_109 = tpu.memref_slice %arg4[%mul3A_83, %dma_start3A_108] : memref<140800x128xf32, #tpu.memory_space<hbm>> -> memref<80x128xf32, #tpu.memory_space<hbm>>
        tpu.enqueue_dma source(%arg8 : memref<80x128xf32, #tpu.memory_space<vmem>>) target(%dma_start3A_109 : memref<80x128xf32, #tpu.memory_space<hbm>>) target_semaphore(%run_scoped3A : memref<!tpu.dma_semaphore, #tpu.memory_space<semaphore_mem>>)
        %dma_wait3A_110 = arith.constant 0 : i32
        %dma_wait3A_111 = tpu.memref_slice %arg4[%mul3A_83, %dma_wait3A_110] : memref<140800x128xf32, #tpu.memory_space<hbm>> -> memref<80x128xf32, #tpu.memory_space<hbm>>
        %dma_wait3A_112 = arith.constant 0 : i32
        %dma_wait3A_113 = tpu.memref_slice %arg4[%mul3A_83, %dma_wait3A_112] : memref<140800x128xf32, #tpu.memory_space<hbm>> -> memref<80x128xf32, #tpu.memory_space<hbm>>
        tpu.wait_dma2 semaphore(%run_scoped3A : memref<!tpu.dma_semaphore, #tpu.memory_space<semaphore_mem>>) src(%arg8 : memref<80x128xf32, #tpu.memory_space<vmem>>) dst(%dma_wait3A_113 : memref<80x128xf32, #tpu.memory_space<hbm>>)
        tpu.yield
      }) : () -> ()
      %dma_wait3A_84 = tpu.memref_slice %arg5[%mul3A_39] : memref<4400xi32, #tpu.memory_space<vmem>> -> memref<80xi32, #tpu.memory_space<vmem>>
      %dma_wait3A_85 = arith.constant 0 : i32
      %dma_wait3A_86 = arith.constant 0 : i32
      %dma_wait3A_87 = tpu.memref_slice %arg2[%dma_wait3A_85, %dma_wait3A_86] : memref<10000x128xf32, #tpu.memory_space<hbm>> -> memref<10000x128xf32, #tpu.memory_space<hbm>>
      tpu.wait_indirect_dma semaphore(%arg14 : memref<!tpu.dma_semaphore, #tpu.memory_space<semaphore_mem>>) src(%dma_wait3A_87 : memref<10000x128xf32, #tpu.memory_space<hbm>>) dst(%arg9 : memref<80x128xf32, #tpu.memory_space<vmem>>)
      %mul3A_88 = arith.constant 55 : i32
      %mul3A_89 = arith.muli %add3A, %mul3A_88 : i32
      %add3A_90 = arith.addi %mul3A_89, %mul3A_12 : i32
      %add3A_91 = arith.constant 3 : i32
      %add3A_92 = arith.addi %add3A_90, %add3A_91 : i32
      %mul3A_93 = arith.constant 80 : i32
      %mul3A_94 = arith.muli %add3A_92, %mul3A_93 : i32
      "tpu.region"() ({
        %run_scoped3A = tpu.sem_alloc : memref<!tpu.dma_semaphore, #tpu.memory_space<semaphore_mem>>
        %dma_start3A_106 = arith.constant 0 : i32
        %dma_start3A_107 = tpu.memref_slice %arg4[%mul3A_94, %dma_start3A_106] : memref<140800x128xf32, #tpu.memory_space<hbm>> -> memref<80x128xf32, #tpu.memory_space<hbm>>
        %dma_start3A_108 = arith.constant 0 : i32
        %dma_start3A_109 = tpu.memref_slice %arg4[%mul3A_94, %dma_start3A_108] : memref<140800x128xf32, #tpu.memory_space<hbm>> -> memref<80x128xf32, #tpu.memory_space<hbm>>
        tpu.enqueue_dma source(%arg9 : memref<80x128xf32, #tpu.memory_space<vmem>>) target(%dma_start3A_109 : memref<80x128xf32, #tpu.memory_space<hbm>>) target_semaphore(%run_scoped3A : memref<!tpu.dma_semaphore, #tpu.memory_space<semaphore_mem>>)
        %dma_wait3A_110 = arith.constant 0 : i32
        %dma_wait3A_111 = tpu.memref_slice %arg4[%mul3A_94, %dma_wait3A_110] : memref<140800x128xf32, #tpu.memory_space<hbm>> -> memref<80x128xf32, #tpu.memory_space<hbm>>
        %dma_wait3A_112 = arith.constant 0 : i32
        %dma_wait3A_113 = tpu.memref_slice %arg4[%mul3A_94, %dma_wait3A_112] : memref<140800x128xf32, #tpu.memory_space<hbm>> -> memref<80x128xf32, #tpu.memory_space<hbm>>
        tpu.wait_dma2 semaphore(%run_scoped3A : memref<!tpu.dma_semaphore, #tpu.memory_space<semaphore_mem>>) src(%arg9 : memref<80x128xf32, #tpu.memory_space<vmem>>) dst(%dma_wait3A_113 : memref<80x128xf32, #tpu.memory_space<hbm>>)
        tpu.yield
      }) : () -> ()
      %dma_wait3A_95 = tpu.memref_slice %arg5[%mul3A_47] : memref<4400xi32, #tpu.memory_space<vmem>> -> memref<80xi32, #tpu.memory_space<vmem>>
      %dma_wait3A_96 = arith.constant 0 : i32
      %dma_wait3A_97 = arith.constant 0 : i32
      %dma_wait3A_98 = tpu.memref_slice %arg2[%dma_wait3A_96, %dma_wait3A_97] : memref<10000x128xf32, #tpu.memory_space<hbm>> -> memref<10000x128xf32, #tpu.memory_space<hbm>>
      tpu.wait_indirect_dma semaphore(%arg15 : memref<!tpu.dma_semaphore, #tpu.memory_space<semaphore_mem>>) src(%dma_wait3A_98 : memref<10000x128xf32, #tpu.memory_space<hbm>>) dst(%arg10 : memref<80x128xf32, #tpu.memory_space<vmem>>)
      %mul3A_99 = arith.constant 55 : i32
      %mul3A_100 = arith.muli %add3A, %mul3A_99 : i32
      %add3A_101 = arith.addi %mul3A_100, %mul3A_12 : i32
      %add3A_102 = arith.constant 4 : i32
      %add3A_103 = arith.addi %add3A_101, %add3A_102 : i32
      %mul3A_104 = arith.constant 80 : i32
      %mul3A_105 = arith.muli %add3A_103, %mul3A_104 : i32
      "tpu.region"() ({
        %run_scoped3A = tpu.sem_alloc : memref<!tpu.dma_semaphore, #tpu.memory_space<semaphore_mem>>
        %dma_start3A_106 = arith.constant 0 : i32
        %dma_start3A_107 = tpu.memref_slice %arg4[%mul3A_105, %dma_start3A_106] : memref<140800x128xf32, #tpu.memory_space<hbm>> -> memref<80x128xf32, #tpu.memory_space<hbm>>
        %dma_start3A_108 = arith.constant 0 : i32
        %dma_start3A_109 = tpu.memref_slice %arg4[%mul3A_105, %dma_start3A_108] : memref<140800x128xf32, #tpu.memory_space<hbm>> -> memref<80x128xf32, #tpu.memory_space<hbm>>
        tpu.enqueue_dma source(%arg10 : memref<80x128xf32, #tpu.memory_space<vmem>>) target(%dma_start3A_109 : memref<80x128xf32, #tpu.memory_space<hbm>>) target_semaphore(%run_scoped3A : memref<!tpu.dma_semaphore, #tpu.memory_space<semaphore_mem>>)
        %dma_wait3A_110 = arith.constant 0 : i32
        %dma_wait3A_111 = tpu.memref_slice %arg4[%mul3A_105, %dma_wait3A_110] : memref<140800x128xf32, #tpu.memory_space<hbm>> -> memref<80x128xf32, #tpu.memory_space<hbm>>
        %dma_wait3A_112 = arith.constant 0 : i32
        %dma_wait3A_113 = tpu.memref_slice %arg4[%mul3A_105, %dma_wait3A_112] : memref<140800x128xf32, #tpu.memory_space<hbm>> -> memref<80x128xf32, #tpu.memory_space<hbm>>
        tpu.wait_dma2 semaphore(%run_scoped3A : memref<!tpu.dma_semaphore, #tpu.memory_space<semaphore_mem>>) src(%arg10 : memref<80x128xf32, #tpu.memory_space<vmem>>) dst(%dma_wait3A_113 : memref<80x128xf32, #tpu.memory_space<hbm>>)
        tpu.yield
      }) : () -> ()
    }
    %scan3A_9 = arith.constant 11 : i32
    return
  }
}

#map = affine_map<(d0, d1) -> (0, 0)>
#map1 = affine_map<(d0, d1) -> (0)>
module attributes {stable_mosaic.version = 14 : i64} {
  func.func @k(%arg0: i32, %arg1: i32, %arg2: memref<10000x128xf32, #tpu.memory_space<hbm>>, %arg3: memref<320000xi32, #tpu.memory_space<hbm>>, %arg4: memref<179200x128xf32, #tpu.memory_space<hbm>>, %arg5: memref<5600xi32, #tpu.memory_space<vmem>>, %arg6: memref<80x128xf32, #tpu.memory_space<vmem>>, %arg7: memref<80x128xf32, #tpu.memory_space<vmem>>, %arg8: memref<80x128xf32, #tpu.memory_space<vmem>>, %arg9: memref<80x128xf32, #tpu.memory_space<vmem>>, %arg10: memref<80x128xf32, #tpu.memory_space<vmem>>, %arg11: memref<!tpu.dma_semaphore, #tpu.memory_space<semaphore_mem>>, %arg12: memref<!tpu.dma_semaphore, #tpu.memory_space<semaphore_mem>>, %arg13: memref<!tpu.dma_semaphore, #tpu.memory_space<semaphore_mem>>, %arg14: memref<!tpu.dma_semaphore, #tpu.memory_space<semaphore_mem>>, %arg15: memref<!tpu.dma_semaphore, #tpu.memory_space<semaphore_mem>>) attributes {dimension_semantics = [#tpu.dimension_semantics<core_parallel>, #tpu.dimension_semantics<subcore_parallel>], iteration_bounds = array<i64: 2, 16>, scalar_prefetch = 0 : i64, scratch_operands = 11 : i64, tpu.core_type = #tpu.core_type<sc_vector_subcore>, window_params = [{transform_indices = #map}, {transform_indices = #map1}, {transform_indices = #map}]} {
    %mul3A = arith.constant 2 : i32
    %mul3A_0 = arith.muli %arg1, %mul3A : i32
    %add3A = arith.addi %mul3A_0, %arg0 : i32
    %mul3A_1 = arith.constant 5600 : i32
    %mul3A_2 = arith.muli %add3A, %mul3A_1 : i32
    %add3A_3 = arith.constant 0 : i32
    %add3A_4 = arith.addi %add3A_3, %mul3A_2 : i32
    "tpu.region"() ({
      %run_scoped3A = tpu.sem_alloc : memref<!tpu.dma_semaphore, #tpu.memory_space<semaphore_mem>>
      %dma_start3A = tpu.memref_slice %arg3[%add3A_4] : memref<320000xi32, #tpu.memory_space<hbm>> -> memref<5600xi32, #tpu.memory_space<hbm>>
      %dma_start3A_10 = tpu.memref_slice %arg3[%add3A_4] : memref<320000xi32, #tpu.memory_space<hbm>> -> memref<5600xi32, #tpu.memory_space<hbm>>
      tpu.enqueue_dma source(%dma_start3A_10 : memref<5600xi32, #tpu.memory_space<hbm>>) target(%arg5 : memref<5600xi32, #tpu.memory_space<vmem>>) target_semaphore(%run_scoped3A : memref<!tpu.dma_semaphore, #tpu.memory_space<semaphore_mem>>)
      %dma_wait3A = tpu.memref_slice %arg3[%add3A_4] : memref<320000xi32, #tpu.memory_space<hbm>> -> memref<5600xi32, #tpu.memory_space<hbm>>
      %dma_wait3A_11 = tpu.memref_slice %arg3[%add3A_4] : memref<320000xi32, #tpu.memory_space<hbm>> -> memref<5600xi32, #tpu.memory_space<hbm>>
      tpu.wait_dma2 semaphore(%run_scoped3A : memref<!tpu.dma_semaphore, #tpu.memory_space<semaphore_mem>>) src(%dma_wait3A_11 : memref<5600xi32, #tpu.memory_space<hbm>>) dst(%arg5 : memref<5600xi32, #tpu.memory_space<vmem>>)
      tpu.yield
    }) : () -> ()
    %scan3A = arith.constant 0 : i32
    %scan3A_5 = arith.constant 0 : i32
    %scan3A_6 = arith.constant 14 : i32
    %scan3A_7 = arith.addi %scan3A_5, %scan3A_6 : i32
    %scan3A_8 = arith.constant 1 : i32
    scf.for %scan3A_10 = %scan3A_5 to %scan3A_7 step %scan3A_8  : i32 {
      %mul3A_11 = arith.constant 5 : i32
      %mul3A_12 = arith.muli %scan3A_10, %mul3A_11 : i32
      %add3A_13 = arith.constant 0 : i32
      %add3A_14 = arith.addi %mul3A_12, %add3A_13 : i32
      %mul3A_15 = arith.constant 80 : i32
      %mul3A_16 = arith.muli %add3A_14, %mul3A_15 : i32
      %dma_start3A = tpu.memref_slice %arg5[%mul3A_16] : memref<5600xi32, #tpu.memory_space<vmem>> -> memref<80xi32, #tpu.memory_space<vmem>>
      %dma_start3A_17 = arith.constant 0 : i32
      %dma_start3A_18 = arith.constant 0 : i32
      %dma_start3A_19 = tpu.memref_slice %arg2[%dma_start3A_17, %dma_start3A_18] : memref<10000x128xf32, #tpu.memory_space<hbm>> -> memref<10000x128xf32, #tpu.memory_space<hbm>>
      tpu.enqueue_indirect_dma source(%dma_start3A_19 : memref<10000x128xf32, #tpu.memory_space<hbm>>) target(%arg6 : memref<80x128xf32, #tpu.memory_space<vmem>>) offsets(%dma_start3A : memref<80xi32, #tpu.memory_space<vmem>>) semaphore(%arg11 : memref<!tpu.dma_semaphore, #tpu.memory_space<semaphore_mem>>)
      %add3A_20 = arith.constant 1 : i32
      %add3A_21 = arith.addi %mul3A_12, %add3A_20 : i32
      %mul3A_22 = arith.constant 80 : i32
      %mul3A_23 = arith.muli %add3A_21, %mul3A_22 : i32
      %dma_start3A_24 = tpu.memref_slice %arg5[%mul3A_23] : memref<5600xi32, #tpu.memory_space<vmem>> -> memref<80xi32, #tpu.memory_space<vmem>>
      %dma_start3A_25 = arith.constant 0 : i32
      %dma_start3A_26 = arith.constant 0 : i32
      %dma_start3A_27 = tpu.memref_slice %arg2[%dma_start3A_25, %dma_start3A_26] : memref<10000x128xf32, #tpu.memory_space<hbm>> -> memref<10000x128xf32, #tpu.memory_space<hbm>>
      tpu.enqueue_indirect_dma source(%dma_start3A_27 : memref<10000x128xf32, #tpu.memory_space<hbm>>) target(%arg7 : memref<80x128xf32, #tpu.memory_space<vmem>>) offsets(%dma_start3A_24 : memref<80xi32, #tpu.memory_space<vmem>>) semaphore(%arg12 : memref<!tpu.dma_semaphore, #tpu.memory_space<semaphore_mem>>)
      %add3A_28 = arith.constant 2 : i32
      %add3A_29 = arith.addi %mul3A_12, %add3A_28 : i32
      %mul3A_30 = arith.constant 80 : i32
      %mul3A_31 = arith.muli %add3A_29, %mul3A_30 : i32
      %dma_start3A_32 = tpu.memref_slice %arg5[%mul3A_31] : memref<5600xi32, #tpu.memory_space<vmem>> -> memref<80xi32, #tpu.memory_space<vmem>>
      %dma_start3A_33 = arith.constant 0 : i32
      %dma_start3A_34 = arith.constant 0 : i32
      %dma_start3A_35 = tpu.memref_slice %arg2[%dma_start3A_33, %dma_start3A_34] : memref<10000x128xf32, #tpu.memory_space<hbm>> -> memref<10000x128xf32, #tpu.memory_space<hbm>>
      tpu.enqueue_indirect_dma source(%dma_start3A_35 : memref<10000x128xf32, #tpu.memory_space<hbm>>) target(%arg8 : memref<80x128xf32, #tpu.memory_space<vmem>>) offsets(%dma_start3A_32 : memref<80xi32, #tpu.memory_space<vmem>>) semaphore(%arg13 : memref<!tpu.dma_semaphore, #tpu.memory_space<semaphore_mem>>)
      %add3A_36 = arith.constant 3 : i32
      %add3A_37 = arith.addi %mul3A_12, %add3A_36 : i32
      %mul3A_38 = arith.constant 80 : i32
      %mul3A_39 = arith.muli %add3A_37, %mul3A_38 : i32
      %dma_start3A_40 = tpu.memref_slice %arg5[%mul3A_39] : memref<5600xi32, #tpu.memory_space<vmem>> -> memref<80xi32, #tpu.memory_space<vmem>>
      %dma_start3A_41 = arith.constant 0 : i32
      %dma_start3A_42 = arith.constant 0 : i32
      %dma_start3A_43 = tpu.memref_slice %arg2[%dma_start3A_41, %dma_start3A_42] : memref<10000x128xf32, #tpu.memory_space<hbm>> -> memref<10000x128xf32, #tpu.memory_space<hbm>>
      tpu.enqueue_indirect_dma source(%dma_start3A_43 : memref<10000x128xf32, #tpu.memory_space<hbm>>) target(%arg9 : memref<80x128xf32, #tpu.memory_space<vmem>>) offsets(%dma_start3A_40 : memref<80xi32, #tpu.memory_space<vmem>>) semaphore(%arg14 : memref<!tpu.dma_semaphore, #tpu.memory_space<semaphore_mem>>)
      %add3A_44 = arith.constant 4 : i32
      %add3A_45 = arith.addi %mul3A_12, %add3A_44 : i32
      %mul3A_46 = arith.constant 80 : i32
      %mul3A_47 = arith.muli %add3A_45, %mul3A_46 : i32
      %dma_start3A_48 = tpu.memref_slice %arg5[%mul3A_47] : memref<5600xi32, #tpu.memory_space<vmem>> -> memref<80xi32, #tpu.memory_space<vmem>>
      %dma_start3A_49 = arith.constant 0 : i32
      %dma_start3A_50 = arith.constant 0 : i32
      %dma_start3A_51 = tpu.memref_slice %arg2[%dma_start3A_49, %dma_start3A_50] : memref<10000x128xf32, #tpu.memory_space<hbm>> -> memref<10000x128xf32, #tpu.memory_space<hbm>>
      tpu.enqueue_indirect_dma source(%dma_start3A_51 : memref<10000x128xf32, #tpu.memory_space<hbm>>) target(%arg10 : memref<80x128xf32, #tpu.memory_space<vmem>>) offsets(%dma_start3A_48 : memref<80xi32, #tpu.memory_space<vmem>>) semaphore(%arg15 : memref<!tpu.dma_semaphore, #tpu.memory_space<semaphore_mem>>)
      %dma_wait3A = tpu.memref_slice %arg5[%mul3A_16] : memref<5600xi32, #tpu.memory_space<vmem>> -> memref<80xi32, #tpu.memory_space<vmem>>
      %dma_wait3A_52 = arith.constant 0 : i32
      %dma_wait3A_53 = arith.constant 0 : i32
      %dma_wait3A_54 = tpu.memref_slice %arg2[%dma_wait3A_52, %dma_wait3A_53] : memref<10000x128xf32, #tpu.memory_space<hbm>> -> memref<10000x128xf32, #tpu.memory_space<hbm>>
      tpu.wait_indirect_dma semaphore(%arg11 : memref<!tpu.dma_semaphore, #tpu.memory_space<semaphore_mem>>) src(%dma_wait3A_54 : memref<10000x128xf32, #tpu.memory_space<hbm>>) dst(%arg6 : memref<80x128xf32, #tpu.memory_space<vmem>>)
      %mul3A_55 = arith.constant 70 : i32
      %mul3A_56 = arith.muli %add3A, %mul3A_55 : i32
      %add3A_57 = arith.addi %mul3A_56, %mul3A_12 : i32
      %add3A_58 = arith.constant 0 : i32
      %add3A_59 = arith.addi %add3A_57, %add3A_58 : i32
      %mul3A_60 = arith.constant 80 : i32
      %mul3A_61 = arith.muli %add3A_59, %mul3A_60 : i32
      "tpu.region"() ({
        %run_scoped3A = tpu.sem_alloc : memref<!tpu.dma_semaphore, #tpu.memory_space<semaphore_mem>>
        %dma_start3A_106 = arith.constant 0 : i32
        %dma_start3A_107 = tpu.memref_slice %arg4[%mul3A_61, %dma_start3A_106] : memref<179200x128xf32, #tpu.memory_space<hbm>> -> memref<80x128xf32, #tpu.memory_space<hbm>>
        %dma_start3A_108 = arith.constant 0 : i32
        %dma_start3A_109 = tpu.memref_slice %arg4[%mul3A_61, %dma_start3A_108] : memref<179200x128xf32, #tpu.memory_space<hbm>> -> memref<80x128xf32, #tpu.memory_space<hbm>>
        tpu.enqueue_dma source(%arg6 : memref<80x128xf32, #tpu.memory_space<vmem>>) target(%dma_start3A_109 : memref<80x128xf32, #tpu.memory_space<hbm>>) target_semaphore(%run_scoped3A : memref<!tpu.dma_semaphore, #tpu.memory_space<semaphore_mem>>)
        %dma_wait3A_110 = arith.constant 0 : i32
        %dma_wait3A_111 = tpu.memref_slice %arg4[%mul3A_61, %dma_wait3A_110] : memref<179200x128xf32, #tpu.memory_space<hbm>> -> memref<80x128xf32, #tpu.memory_space<hbm>>
        %dma_wait3A_112 = arith.constant 0 : i32
        %dma_wait3A_113 = tpu.memref_slice %arg4[%mul3A_61, %dma_wait3A_112] : memref<179200x128xf32, #tpu.memory_space<hbm>> -> memref<80x128xf32, #tpu.memory_space<hbm>>
        tpu.wait_dma2 semaphore(%run_scoped3A : memref<!tpu.dma_semaphore, #tpu.memory_space<semaphore_mem>>) src(%arg6 : memref<80x128xf32, #tpu.memory_space<vmem>>) dst(%dma_wait3A_113 : memref<80x128xf32, #tpu.memory_space<hbm>>)
        tpu.yield
      }) : () -> ()
      %dma_wait3A_62 = tpu.memref_slice %arg5[%mul3A_23] : memref<5600xi32, #tpu.memory_space<vmem>> -> memref<80xi32, #tpu.memory_space<vmem>>
      %dma_wait3A_63 = arith.constant 0 : i32
      %dma_wait3A_64 = arith.constant 0 : i32
      %dma_wait3A_65 = tpu.memref_slice %arg2[%dma_wait3A_63, %dma_wait3A_64] : memref<10000x128xf32, #tpu.memory_space<hbm>> -> memref<10000x128xf32, #tpu.memory_space<hbm>>
      tpu.wait_indirect_dma semaphore(%arg12 : memref<!tpu.dma_semaphore, #tpu.memory_space<semaphore_mem>>) src(%dma_wait3A_65 : memref<10000x128xf32, #tpu.memory_space<hbm>>) dst(%arg7 : memref<80x128xf32, #tpu.memory_space<vmem>>)
      %mul3A_66 = arith.constant 70 : i32
      %mul3A_67 = arith.muli %add3A, %mul3A_66 : i32
      %add3A_68 = arith.addi %mul3A_67, %mul3A_12 : i32
      %add3A_69 = arith.constant 1 : i32
      %add3A_70 = arith.addi %add3A_68, %add3A_69 : i32
      %mul3A_71 = arith.constant 80 : i32
      %mul3A_72 = arith.muli %add3A_70, %mul3A_71 : i32
      "tpu.region"() ({
        %run_scoped3A = tpu.sem_alloc : memref<!tpu.dma_semaphore, #tpu.memory_space<semaphore_mem>>
        %dma_start3A_106 = arith.constant 0 : i32
        %dma_start3A_107 = tpu.memref_slice %arg4[%mul3A_72, %dma_start3A_106] : memref<179200x128xf32, #tpu.memory_space<hbm>> -> memref<80x128xf32, #tpu.memory_space<hbm>>
        %dma_start3A_108 = arith.constant 0 : i32
        %dma_start3A_109 = tpu.memref_slice %arg4[%mul3A_72, %dma_start3A_108] : memref<179200x128xf32, #tpu.memory_space<hbm>> -> memref<80x128xf32, #tpu.memory_space<hbm>>
        tpu.enqueue_dma source(%arg7 : memref<80x128xf32, #tpu.memory_space<vmem>>) target(%dma_start3A_109 : memref<80x128xf32, #tpu.memory_space<hbm>>) target_semaphore(%run_scoped3A : memref<!tpu.dma_semaphore, #tpu.memory_space<semaphore_mem>>)
        %dma_wait3A_110 = arith.constant 0 : i32
        %dma_wait3A_111 = tpu.memref_slice %arg4[%mul3A_72, %dma_wait3A_110] : memref<179200x128xf32, #tpu.memory_space<hbm>> -> memref<80x128xf32, #tpu.memory_space<hbm>>
        %dma_wait3A_112 = arith.constant 0 : i32
        %dma_wait3A_113 = tpu.memref_slice %arg4[%mul3A_72, %dma_wait3A_112] : memref<179200x128xf32, #tpu.memory_space<hbm>> -> memref<80x128xf32, #tpu.memory_space<hbm>>
        tpu.wait_dma2 semaphore(%run_scoped3A : memref<!tpu.dma_semaphore, #tpu.memory_space<semaphore_mem>>) src(%arg7 : memref<80x128xf32, #tpu.memory_space<vmem>>) dst(%dma_wait3A_113 : memref<80x128xf32, #tpu.memory_space<hbm>>)
        tpu.yield
      }) : () -> ()
      %dma_wait3A_73 = tpu.memref_slice %arg5[%mul3A_31] : memref<5600xi32, #tpu.memory_space<vmem>> -> memref<80xi32, #tpu.memory_space<vmem>>
      %dma_wait3A_74 = arith.constant 0 : i32
      %dma_wait3A_75 = arith.constant 0 : i32
      %dma_wait3A_76 = tpu.memref_slice %arg2[%dma_wait3A_74, %dma_wait3A_75] : memref<10000x128xf32, #tpu.memory_space<hbm>> -> memref<10000x128xf32, #tpu.memory_space<hbm>>
      tpu.wait_indirect_dma semaphore(%arg13 : memref<!tpu.dma_semaphore, #tpu.memory_space<semaphore_mem>>) src(%dma_wait3A_76 : memref<10000x128xf32, #tpu.memory_space<hbm>>) dst(%arg8 : memref<80x128xf32, #tpu.memory_space<vmem>>)
      %mul3A_77 = arith.constant 70 : i32
      %mul3A_78 = arith.muli %add3A, %mul3A_77 : i32
      %add3A_79 = arith.addi %mul3A_78, %mul3A_12 : i32
      %add3A_80 = arith.constant 2 : i32
      %add3A_81 = arith.addi %add3A_79, %add3A_80 : i32
      %mul3A_82 = arith.constant 80 : i32
      %mul3A_83 = arith.muli %add3A_81, %mul3A_82 : i32
      "tpu.region"() ({
        %run_scoped3A = tpu.sem_alloc : memref<!tpu.dma_semaphore, #tpu.memory_space<semaphore_mem>>
        %dma_start3A_106 = arith.constant 0 : i32
        %dma_start3A_107 = tpu.memref_slice %arg4[%mul3A_83, %dma_start3A_106] : memref<179200x128xf32, #tpu.memory_space<hbm>> -> memref<80x128xf32, #tpu.memory_space<hbm>>
        %dma_start3A_108 = arith.constant 0 : i32
        %dma_start3A_109 = tpu.memref_slice %arg4[%mul3A_83, %dma_start3A_108] : memref<179200x128xf32, #tpu.memory_space<hbm>> -> memref<80x128xf32, #tpu.memory_space<hbm>>
        tpu.enqueue_dma source(%arg8 : memref<80x128xf32, #tpu.memory_space<vmem>>) target(%dma_start3A_109 : memref<80x128xf32, #tpu.memory_space<hbm>>) target_semaphore(%run_scoped3A : memref<!tpu.dma_semaphore, #tpu.memory_space<semaphore_mem>>)
        %dma_wait3A_110 = arith.constant 0 : i32
        %dma_wait3A_111 = tpu.memref_slice %arg4[%mul3A_83, %dma_wait3A_110] : memref<179200x128xf32, #tpu.memory_space<hbm>> -> memref<80x128xf32, #tpu.memory_space<hbm>>
        %dma_wait3A_112 = arith.constant 0 : i32
        %dma_wait3A_113 = tpu.memref_slice %arg4[%mul3A_83, %dma_wait3A_112] : memref<179200x128xf32, #tpu.memory_space<hbm>> -> memref<80x128xf32, #tpu.memory_space<hbm>>
        tpu.wait_dma2 semaphore(%run_scoped3A : memref<!tpu.dma_semaphore, #tpu.memory_space<semaphore_mem>>) src(%arg8 : memref<80x128xf32, #tpu.memory_space<vmem>>) dst(%dma_wait3A_113 : memref<80x128xf32, #tpu.memory_space<hbm>>)
        tpu.yield
      }) : () -> ()
      %dma_wait3A_84 = tpu.memref_slice %arg5[%mul3A_39] : memref<5600xi32, #tpu.memory_space<vmem>> -> memref<80xi32, #tpu.memory_space<vmem>>
      %dma_wait3A_85 = arith.constant 0 : i32
      %dma_wait3A_86 = arith.constant 0 : i32
      %dma_wait3A_87 = tpu.memref_slice %arg2[%dma_wait3A_85, %dma_wait3A_86] : memref<10000x128xf32, #tpu.memory_space<hbm>> -> memref<10000x128xf32, #tpu.memory_space<hbm>>
      tpu.wait_indirect_dma semaphore(%arg14 : memref<!tpu.dma_semaphore, #tpu.memory_space<semaphore_mem>>) src(%dma_wait3A_87 : memref<10000x128xf32, #tpu.memory_space<hbm>>) dst(%arg9 : memref<80x128xf32, #tpu.memory_space<vmem>>)
      %mul3A_88 = arith.constant 70 : i32
      %mul3A_89 = arith.muli %add3A, %mul3A_88 : i32
      %add3A_90 = arith.addi %mul3A_89, %mul3A_12 : i32
      %add3A_91 = arith.constant 3 : i32
      %add3A_92 = arith.addi %add3A_90, %add3A_91 : i32
      %mul3A_93 = arith.constant 80 : i32
      %mul3A_94 = arith.muli %add3A_92, %mul3A_93 : i32
      "tpu.region"() ({
        %run_scoped3A = tpu.sem_alloc : memref<!tpu.dma_semaphore, #tpu.memory_space<semaphore_mem>>
        %dma_start3A_106 = arith.constant 0 : i32
        %dma_start3A_107 = tpu.memref_slice %arg4[%mul3A_94, %dma_start3A_106] : memref<179200x128xf32, #tpu.memory_space<hbm>> -> memref<80x128xf32, #tpu.memory_space<hbm>>
        %dma_start3A_108 = arith.constant 0 : i32
        %dma_start3A_109 = tpu.memref_slice %arg4[%mul3A_94, %dma_start3A_108] : memref<179200x128xf32, #tpu.memory_space<hbm>> -> memref<80x128xf32, #tpu.memory_space<hbm>>
        tpu.enqueue_dma source(%arg9 : memref<80x128xf32, #tpu.memory_space<vmem>>) target(%dma_start3A_109 : memref<80x128xf32, #tpu.memory_space<hbm>>) target_semaphore(%run_scoped3A : memref<!tpu.dma_semaphore, #tpu.memory_space<semaphore_mem>>)
        %dma_wait3A_110 = arith.constant 0 : i32
        %dma_wait3A_111 = tpu.memref_slice %arg4[%mul3A_94, %dma_wait3A_110] : memref<179200x128xf32, #tpu.memory_space<hbm>> -> memref<80x128xf32, #tpu.memory_space<hbm>>
        %dma_wait3A_112 = arith.constant 0 : i32
        %dma_wait3A_113 = tpu.memref_slice %arg4[%mul3A_94, %dma_wait3A_112] : memref<179200x128xf32, #tpu.memory_space<hbm>> -> memref<80x128xf32, #tpu.memory_space<hbm>>
        tpu.wait_dma2 semaphore(%run_scoped3A : memref<!tpu.dma_semaphore, #tpu.memory_space<semaphore_mem>>) src(%arg9 : memref<80x128xf32, #tpu.memory_space<vmem>>) dst(%dma_wait3A_113 : memref<80x128xf32, #tpu.memory_space<hbm>>)
        tpu.yield
      }) : () -> ()
      %dma_wait3A_95 = tpu.memref_slice %arg5[%mul3A_47] : memref<5600xi32, #tpu.memory_space<vmem>> -> memref<80xi32, #tpu.memory_space<vmem>>
      %dma_wait3A_96 = arith.constant 0 : i32
      %dma_wait3A_97 = arith.constant 0 : i32
      %dma_wait3A_98 = tpu.memref_slice %arg2[%dma_wait3A_96, %dma_wait3A_97] : memref<10000x128xf32, #tpu.memory_space<hbm>> -> memref<10000x128xf32, #tpu.memory_space<hbm>>
      tpu.wait_indirect_dma semaphore(%arg15 : memref<!tpu.dma_semaphore, #tpu.memory_space<semaphore_mem>>) src(%dma_wait3A_98 : memref<10000x128xf32, #tpu.memory_space<hbm>>) dst(%arg10 : memref<80x128xf32, #tpu.memory_space<vmem>>)
      %mul3A_99 = arith.constant 70 : i32
      %mul3A_100 = arith.muli %add3A, %mul3A_99 : i32
      %add3A_101 = arith.addi %mul3A_100, %mul3A_12 : i32
      %add3A_102 = arith.constant 4 : i32
      %add3A_103 = arith.addi %add3A_101, %add3A_102 : i32
      %mul3A_104 = arith.constant 80 : i32
      %mul3A_105 = arith.muli %add3A_103, %mul3A_104 : i32
      "tpu.region"() ({
        %run_scoped3A = tpu.sem_alloc : memref<!tpu.dma_semaphore, #tpu.memory_space<semaphore_mem>>
        %dma_start3A_106 = arith.constant 0 : i32
        %dma_start3A_107 = tpu.memref_slice %arg4[%mul3A_105, %dma_start3A_106] : memref<179200x128xf32, #tpu.memory_space<hbm>> -> memref<80x128xf32, #tpu.memory_space<hbm>>
        %dma_start3A_108 = arith.constant 0 : i32
        %dma_start3A_109 = tpu.memref_slice %arg4[%mul3A_105, %dma_start3A_108] : memref<179200x128xf32, #tpu.memory_space<hbm>> -> memref<80x128xf32, #tpu.memory_space<hbm>>
        tpu.enqueue_dma source(%arg10 : memref<80x128xf32, #tpu.memory_space<vmem>>) target(%dma_start3A_109 : memref<80x128xf32, #tpu.memory_space<hbm>>) target_semaphore(%run_scoped3A : memref<!tpu.dma_semaphore, #tpu.memory_space<semaphore_mem>>)
        %dma_wait3A_110 = arith.constant 0 : i32
        %dma_wait3A_111 = tpu.memref_slice %arg4[%mul3A_105, %dma_wait3A_110] : memref<179200x128xf32, #tpu.memory_space<hbm>> -> memref<80x128xf32, #tpu.memory_space<hbm>>
        %dma_wait3A_112 = arith.constant 0 : i32
        %dma_wait3A_113 = tpu.memref_slice %arg4[%mul3A_105, %dma_wait3A_112] : memref<179200x128xf32, #tpu.memory_space<hbm>> -> memref<80x128xf32, #tpu.memory_space<hbm>>
        tpu.wait_dma2 semaphore(%run_scoped3A : memref<!tpu.dma_semaphore, #tpu.memory_space<semaphore_mem>>) src(%arg10 : memref<80x128xf32, #tpu.memory_space<vmem>>) dst(%dma_wait3A_113 : memref<80x128xf32, #tpu.memory_space<hbm>>)
        tpu.yield
      }) : () -> ()
    }
    %scan3A_9 = arith.constant 14 : i32
    return
  }
}

#map = affine_map<(d0, d1) -> (0, 0)>
#map1 = affine_map<(d0, d1) -> (0)>
module attributes {stable_mosaic.version = 14 : i64} {
  func.func @k(%arg0: i32, %arg1: i32, %arg2: memref<10000x128xf32, #tpu.memory_space<hbm>>, %arg3: memref<320000xi32, #tpu.memory_space<hbm>>, %arg4: memref<140800x128xf32, #tpu.memory_space<hbm>>, %arg5: memref<4400xi32, #tpu.memory_space<vmem>>, %arg6: memref<80x128xf32, #tpu.memory_space<vmem>>, %arg7: memref<80x128xf32, #tpu.memory_space<vmem>>, %arg8: memref<80x128xf32, #tpu.memory_space<vmem>>, %arg9: memref<80x128xf32, #tpu.memory_space<vmem>>, %arg10: memref<80x128xf32, #tpu.memory_space<vmem>>, %arg11: memref<!tpu.dma_semaphore, #tpu.memory_space<semaphore_mem>>, %arg12: memref<!tpu.dma_semaphore, #tpu.memory_space<semaphore_mem>>, %arg13: memref<!tpu.dma_semaphore, #tpu.memory_space<semaphore_mem>>, %arg14: memref<!tpu.dma_semaphore, #tpu.memory_space<semaphore_mem>>, %arg15: memref<!tpu.dma_semaphore, #tpu.memory_space<semaphore_mem>>) attributes {dimension_semantics = [#tpu.dimension_semantics<core_parallel>, #tpu.dimension_semantics<subcore_parallel>], iteration_bounds = array<i64: 2, 16>, scalar_prefetch = 0 : i64, scratch_operands = 11 : i64, tpu.core_type = #tpu.core_type<sc_vector_subcore>, window_params = [{transform_indices = #map}, {transform_indices = #map1}, {transform_indices = #map}]} {
    %mul3A = arith.constant 2 : i32
    %mul3A_0 = arith.muli %arg1, %mul3A : i32
    %add3A = arith.addi %mul3A_0, %arg0 : i32
    %mul3A_1 = arith.constant 4400 : i32
    %mul3A_2 = arith.muli %add3A, %mul3A_1 : i32
    %add3A_3 = arith.constant 179200 : i32
    %add3A_4 = arith.addi %add3A_3, %mul3A_2 : i32
    "tpu.region"() ({
      %run_scoped3A = tpu.sem_alloc : memref<!tpu.dma_semaphore, #tpu.memory_space<semaphore_mem>>
      %dma_start3A = tpu.memref_slice %arg3[%add3A_4] : memref<320000xi32, #tpu.memory_space<hbm>> -> memref<4400xi32, #tpu.memory_space<hbm>>
      %dma_start3A_10 = tpu.memref_slice %arg3[%add3A_4] : memref<320000xi32, #tpu.memory_space<hbm>> -> memref<4400xi32, #tpu.memory_space<hbm>>
      tpu.enqueue_dma source(%dma_start3A_10 : memref<4400xi32, #tpu.memory_space<hbm>>) target(%arg5 : memref<4400xi32, #tpu.memory_space<vmem>>) target_semaphore(%run_scoped3A : memref<!tpu.dma_semaphore, #tpu.memory_space<semaphore_mem>>)
      %dma_wait3A = tpu.memref_slice %arg3[%add3A_4] : memref<320000xi32, #tpu.memory_space<hbm>> -> memref<4400xi32, #tpu.memory_space<hbm>>
      %dma_wait3A_11 = tpu.memref_slice %arg3[%add3A_4] : memref<320000xi32, #tpu.memory_space<hbm>> -> memref<4400xi32, #tpu.memory_space<hbm>>
      tpu.wait_dma2 semaphore(%run_scoped3A : memref<!tpu.dma_semaphore, #tpu.memory_space<semaphore_mem>>) src(%dma_wait3A_11 : memref<4400xi32, #tpu.memory_space<hbm>>) dst(%arg5 : memref<4400xi32, #tpu.memory_space<vmem>>)
      tpu.yield
    }) : () -> ()
    %scan3A = arith.constant 0 : i32
    %scan3A_5 = arith.constant 0 : i32
    %scan3A_6 = arith.constant 11 : i32
    %scan3A_7 = arith.addi %scan3A_5, %scan3A_6 : i32
    %scan3A_8 = arith.constant 1 : i32
    scf.for %scan3A_10 = %scan3A_5 to %scan3A_7 step %scan3A_8  : i32 {
      %mul3A_11 = arith.constant 5 : i32
      %mul3A_12 = arith.muli %scan3A_10, %mul3A_11 : i32
      %add3A_13 = arith.constant 0 : i32
      %add3A_14 = arith.addi %mul3A_12, %add3A_13 : i32
      %mul3A_15 = arith.constant 80 : i32
      %mul3A_16 = arith.muli %add3A_14, %mul3A_15 : i32
      %dma_start3A = tpu.memref_slice %arg5[%mul3A_16] : memref<4400xi32, #tpu.memory_space<vmem>> -> memref<80xi32, #tpu.memory_space<vmem>>
      %dma_start3A_17 = arith.constant 0 : i32
      %dma_start3A_18 = arith.constant 0 : i32
      %dma_start3A_19 = tpu.memref_slice %arg2[%dma_start3A_17, %dma_start3A_18] : memref<10000x128xf32, #tpu.memory_space<hbm>> -> memref<10000x128xf32, #tpu.memory_space<hbm>>
      tpu.enqueue_indirect_dma source(%dma_start3A_19 : memref<10000x128xf32, #tpu.memory_space<hbm>>) target(%arg6 : memref<80x128xf32, #tpu.memory_space<vmem>>) offsets(%dma_start3A : memref<80xi32, #tpu.memory_space<vmem>>) semaphore(%arg11 : memref<!tpu.dma_semaphore, #tpu.memory_space<semaphore_mem>>)
      %add3A_20 = arith.constant 1 : i32
      %add3A_21 = arith.addi %mul3A_12, %add3A_20 : i32
      %mul3A_22 = arith.constant 80 : i32
      %mul3A_23 = arith.muli %add3A_21, %mul3A_22 : i32
      %dma_start3A_24 = tpu.memref_slice %arg5[%mul3A_23] : memref<4400xi32, #tpu.memory_space<vmem>> -> memref<80xi32, #tpu.memory_space<vmem>>
      %dma_start3A_25 = arith.constant 0 : i32
      %dma_start3A_26 = arith.constant 0 : i32
      %dma_start3A_27 = tpu.memref_slice %arg2[%dma_start3A_25, %dma_start3A_26] : memref<10000x128xf32, #tpu.memory_space<hbm>> -> memref<10000x128xf32, #tpu.memory_space<hbm>>
      tpu.enqueue_indirect_dma source(%dma_start3A_27 : memref<10000x128xf32, #tpu.memory_space<hbm>>) target(%arg7 : memref<80x128xf32, #tpu.memory_space<vmem>>) offsets(%dma_start3A_24 : memref<80xi32, #tpu.memory_space<vmem>>) semaphore(%arg12 : memref<!tpu.dma_semaphore, #tpu.memory_space<semaphore_mem>>)
      %add3A_28 = arith.constant 2 : i32
      %add3A_29 = arith.addi %mul3A_12, %add3A_28 : i32
      %mul3A_30 = arith.constant 80 : i32
      %mul3A_31 = arith.muli %add3A_29, %mul3A_30 : i32
      %dma_start3A_32 = tpu.memref_slice %arg5[%mul3A_31] : memref<4400xi32, #tpu.memory_space<vmem>> -> memref<80xi32, #tpu.memory_space<vmem>>
      %dma_start3A_33 = arith.constant 0 : i32
      %dma_start3A_34 = arith.constant 0 : i32
      %dma_start3A_35 = tpu.memref_slice %arg2[%dma_start3A_33, %dma_start3A_34] : memref<10000x128xf32, #tpu.memory_space<hbm>> -> memref<10000x128xf32, #tpu.memory_space<hbm>>
      tpu.enqueue_indirect_dma source(%dma_start3A_35 : memref<10000x128xf32, #tpu.memory_space<hbm>>) target(%arg8 : memref<80x128xf32, #tpu.memory_space<vmem>>) offsets(%dma_start3A_32 : memref<80xi32, #tpu.memory_space<vmem>>) semaphore(%arg13 : memref<!tpu.dma_semaphore, #tpu.memory_space<semaphore_mem>>)
      %add3A_36 = arith.constant 3 : i32
      %add3A_37 = arith.addi %mul3A_12, %add3A_36 : i32
      %mul3A_38 = arith.constant 80 : i32
      %mul3A_39 = arith.muli %add3A_37, %mul3A_38 : i32
      %dma_start3A_40 = tpu.memref_slice %arg5[%mul3A_39] : memref<4400xi32, #tpu.memory_space<vmem>> -> memref<80xi32, #tpu.memory_space<vmem>>
      %dma_start3A_41 = arith.constant 0 : i32
      %dma_start3A_42 = arith.constant 0 : i32
      %dma_start3A_43 = tpu.memref_slice %arg2[%dma_start3A_41, %dma_start3A_42] : memref<10000x128xf32, #tpu.memory_space<hbm>> -> memref<10000x128xf32, #tpu.memory_space<hbm>>
      tpu.enqueue_indirect_dma source(%dma_start3A_43 : memref<10000x128xf32, #tpu.memory_space<hbm>>) target(%arg9 : memref<80x128xf32, #tpu.memory_space<vmem>>) offsets(%dma_start3A_40 : memref<80xi32, #tpu.memory_space<vmem>>) semaphore(%arg14 : memref<!tpu.dma_semaphore, #tpu.memory_space<semaphore_mem>>)
      %add3A_44 = arith.constant 4 : i32
      %add3A_45 = arith.addi %mul3A_12, %add3A_44 : i32
      %mul3A_46 = arith.constant 80 : i32
      %mul3A_47 = arith.muli %add3A_45, %mul3A_46 : i32
      %dma_start3A_48 = tpu.memref_slice %arg5[%mul3A_47] : memref<4400xi32, #tpu.memory_space<vmem>> -> memref<80xi32, #tpu.memory_space<vmem>>
      %dma_start3A_49 = arith.constant 0 : i32
      %dma_start3A_50 = arith.constant 0 : i32
      %dma_start3A_51 = tpu.memref_slice %arg2[%dma_start3A_49, %dma_start3A_50] : memref<10000x128xf32, #tpu.memory_space<hbm>> -> memref<10000x128xf32, #tpu.memory_space<hbm>>
      tpu.enqueue_indirect_dma source(%dma_start3A_51 : memref<10000x128xf32, #tpu.memory_space<hbm>>) target(%arg10 : memref<80x128xf32, #tpu.memory_space<vmem>>) offsets(%dma_start3A_48 : memref<80xi32, #tpu.memory_space<vmem>>) semaphore(%arg15 : memref<!tpu.dma_semaphore, #tpu.memory_space<semaphore_mem>>)
      %dma_wait3A = tpu.memref_slice %arg5[%mul3A_16] : memref<4400xi32, #tpu.memory_space<vmem>> -> memref<80xi32, #tpu.memory_space<vmem>>
      %dma_wait3A_52 = arith.constant 0 : i32
      %dma_wait3A_53 = arith.constant 0 : i32
      %dma_wait3A_54 = tpu.memref_slice %arg2[%dma_wait3A_52, %dma_wait3A_53] : memref<10000x128xf32, #tpu.memory_space<hbm>> -> memref<10000x128xf32, #tpu.memory_space<hbm>>
      tpu.wait_indirect_dma semaphore(%arg11 : memref<!tpu.dma_semaphore, #tpu.memory_space<semaphore_mem>>) src(%dma_wait3A_54 : memref<10000x128xf32, #tpu.memory_space<hbm>>) dst(%arg6 : memref<80x128xf32, #tpu.memory_space<vmem>>)
      %mul3A_55 = arith.constant 55 : i32
      %mul3A_56 = arith.muli %add3A, %mul3A_55 : i32
      %add3A_57 = arith.addi %mul3A_56, %mul3A_12 : i32
      %add3A_58 = arith.constant 0 : i32
      %add3A_59 = arith.addi %add3A_57, %add3A_58 : i32
      %mul3A_60 = arith.constant 80 : i32
      %mul3A_61 = arith.muli %add3A_59, %mul3A_60 : i32
      "tpu.region"() ({
        %run_scoped3A = tpu.sem_alloc : memref<!tpu.dma_semaphore, #tpu.memory_space<semaphore_mem>>
        %dma_start3A_106 = arith.constant 0 : i32
        %dma_start3A_107 = tpu.memref_slice %arg4[%mul3A_61, %dma_start3A_106] : memref<140800x128xf32, #tpu.memory_space<hbm>> -> memref<80x128xf32, #tpu.memory_space<hbm>>
        %dma_start3A_108 = arith.constant 0 : i32
        %dma_start3A_109 = tpu.memref_slice %arg4[%mul3A_61, %dma_start3A_108] : memref<140800x128xf32, #tpu.memory_space<hbm>> -> memref<80x128xf32, #tpu.memory_space<hbm>>
        tpu.enqueue_dma source(%arg6 : memref<80x128xf32, #tpu.memory_space<vmem>>) target(%dma_start3A_109 : memref<80x128xf32, #tpu.memory_space<hbm>>) target_semaphore(%run_scoped3A : memref<!tpu.dma_semaphore, #tpu.memory_space<semaphore_mem>>)
        %dma_wait3A_110 = arith.constant 0 : i32
        %dma_wait3A_111 = tpu.memref_slice %arg4[%mul3A_61, %dma_wait3A_110] : memref<140800x128xf32, #tpu.memory_space<hbm>> -> memref<80x128xf32, #tpu.memory_space<hbm>>
        %dma_wait3A_112 = arith.constant 0 : i32
        %dma_wait3A_113 = tpu.memref_slice %arg4[%mul3A_61, %dma_wait3A_112] : memref<140800x128xf32, #tpu.memory_space<hbm>> -> memref<80x128xf32, #tpu.memory_space<hbm>>
        tpu.wait_dma2 semaphore(%run_scoped3A : memref<!tpu.dma_semaphore, #tpu.memory_space<semaphore_mem>>) src(%arg6 : memref<80x128xf32, #tpu.memory_space<vmem>>) dst(%dma_wait3A_113 : memref<80x128xf32, #tpu.memory_space<hbm>>)
        tpu.yield
      }) : () -> ()
      %dma_wait3A_62 = tpu.memref_slice %arg5[%mul3A_23] : memref<4400xi32, #tpu.memory_space<vmem>> -> memref<80xi32, #tpu.memory_space<vmem>>
      %dma_wait3A_63 = arith.constant 0 : i32
      %dma_wait3A_64 = arith.constant 0 : i32
      %dma_wait3A_65 = tpu.memref_slice %arg2[%dma_wait3A_63, %dma_wait3A_64] : memref<10000x128xf32, #tpu.memory_space<hbm>> -> memref<10000x128xf32, #tpu.memory_space<hbm>>
      tpu.wait_indirect_dma semaphore(%arg12 : memref<!tpu.dma_semaphore, #tpu.memory_space<semaphore_mem>>) src(%dma_wait3A_65 : memref<10000x128xf32, #tpu.memory_space<hbm>>) dst(%arg7 : memref<80x128xf32, #tpu.memory_space<vmem>>)
      %mul3A_66 = arith.constant 55 : i32
      %mul3A_67 = arith.muli %add3A, %mul3A_66 : i32
      %add3A_68 = arith.addi %mul3A_67, %mul3A_12 : i32
      %add3A_69 = arith.constant 1 : i32
      %add3A_70 = arith.addi %add3A_68, %add3A_69 : i32
      %mul3A_71 = arith.constant 80 : i32
      %mul3A_72 = arith.muli %add3A_70, %mul3A_71 : i32
      "tpu.region"() ({
        %run_scoped3A = tpu.sem_alloc : memref<!tpu.dma_semaphore, #tpu.memory_space<semaphore_mem>>
        %dma_start3A_106 = arith.constant 0 : i32
        %dma_start3A_107 = tpu.memref_slice %arg4[%mul3A_72, %dma_start3A_106] : memref<140800x128xf32, #tpu.memory_space<hbm>> -> memref<80x128xf32, #tpu.memory_space<hbm>>
        %dma_start3A_108 = arith.constant 0 : i32
        %dma_start3A_109 = tpu.memref_slice %arg4[%mul3A_72, %dma_start3A_108] : memref<140800x128xf32, #tpu.memory_space<hbm>> -> memref<80x128xf32, #tpu.memory_space<hbm>>
        tpu.enqueue_dma source(%arg7 : memref<80x128xf32, #tpu.memory_space<vmem>>) target(%dma_start3A_109 : memref<80x128xf32, #tpu.memory_space<hbm>>) target_semaphore(%run_scoped3A : memref<!tpu.dma_semaphore, #tpu.memory_space<semaphore_mem>>)
        %dma_wait3A_110 = arith.constant 0 : i32
        %dma_wait3A_111 = tpu.memref_slice %arg4[%mul3A_72, %dma_wait3A_110] : memref<140800x128xf32, #tpu.memory_space<hbm>> -> memref<80x128xf32, #tpu.memory_space<hbm>>
        %dma_wait3A_112 = arith.constant 0 : i32
        %dma_wait3A_113 = tpu.memref_slice %arg4[%mul3A_72, %dma_wait3A_112] : memref<140800x128xf32, #tpu.memory_space<hbm>> -> memref<80x128xf32, #tpu.memory_space<hbm>>
        tpu.wait_dma2 semaphore(%run_scoped3A : memref<!tpu.dma_semaphore, #tpu.memory_space<semaphore_mem>>) src(%arg7 : memref<80x128xf32, #tpu.memory_space<vmem>>) dst(%dma_wait3A_113 : memref<80x128xf32, #tpu.memory_space<hbm>>)
        tpu.yield
      }) : () -> ()
      %dma_wait3A_73 = tpu.memref_slice %arg5[%mul3A_31] : memref<4400xi32, #tpu.memory_space<vmem>> -> memref<80xi32, #tpu.memory_space<vmem>>
      %dma_wait3A_74 = arith.constant 0 : i32
      %dma_wait3A_75 = arith.constant 0 : i32
      %dma_wait3A_76 = tpu.memref_slice %arg2[%dma_wait3A_74, %dma_wait3A_75] : memref<10000x128xf32, #tpu.memory_space<hbm>> -> memref<10000x128xf32, #tpu.memory_space<hbm>>
      tpu.wait_indirect_dma semaphore(%arg13 : memref<!tpu.dma_semaphore, #tpu.memory_space<semaphore_mem>>) src(%dma_wait3A_76 : memref<10000x128xf32, #tpu.memory_space<hbm>>) dst(%arg8 : memref<80x128xf32, #tpu.memory_space<vmem>>)
      %mul3A_77 = arith.constant 55 : i32
      %mul3A_78 = arith.muli %add3A, %mul3A_77 : i32
      %add3A_79 = arith.addi %mul3A_78, %mul3A_12 : i32
      %add3A_80 = arith.constant 2 : i32
      %add3A_81 = arith.addi %add3A_79, %add3A_80 : i32
      %mul3A_82 = arith.constant 80 : i32
      %mul3A_83 = arith.muli %add3A_81, %mul3A_82 : i32
      "tpu.region"() ({
        %run_scoped3A = tpu.sem_alloc : memref<!tpu.dma_semaphore, #tpu.memory_space<semaphore_mem>>
        %dma_start3A_106 = arith.constant 0 : i32
        %dma_start3A_107 = tpu.memref_slice %arg4[%mul3A_83, %dma_start3A_106] : memref<140800x128xf32, #tpu.memory_space<hbm>> -> memref<80x128xf32, #tpu.memory_space<hbm>>
        %dma_start3A_108 = arith.constant 0 : i32
        %dma_start3A_109 = tpu.memref_slice %arg4[%mul3A_83, %dma_start3A_108] : memref<140800x128xf32, #tpu.memory_space<hbm>> -> memref<80x128xf32, #tpu.memory_space<hbm>>
        tpu.enqueue_dma source(%arg8 : memref<80x128xf32, #tpu.memory_space<vmem>>) target(%dma_start3A_109 : memref<80x128xf32, #tpu.memory_space<hbm>>) target_semaphore(%run_scoped3A : memref<!tpu.dma_semaphore, #tpu.memory_space<semaphore_mem>>)
        %dma_wait3A_110 = arith.constant 0 : i32
        %dma_wait3A_111 = tpu.memref_slice %arg4[%mul3A_83, %dma_wait3A_110] : memref<140800x128xf32, #tpu.memory_space<hbm>> -> memref<80x128xf32, #tpu.memory_space<hbm>>
        %dma_wait3A_112 = arith.constant 0 : i32
        %dma_wait3A_113 = tpu.memref_slice %arg4[%mul3A_83, %dma_wait3A_112] : memref<140800x128xf32, #tpu.memory_space<hbm>> -> memref<80x128xf32, #tpu.memory_space<hbm>>
        tpu.wait_dma2 semaphore(%run_scoped3A : memref<!tpu.dma_semaphore, #tpu.memory_space<semaphore_mem>>) src(%arg8 : memref<80x128xf32, #tpu.memory_space<vmem>>) dst(%dma_wait3A_113 : memref<80x128xf32, #tpu.memory_space<hbm>>)
        tpu.yield
      }) : () -> ()
      %dma_wait3A_84 = tpu.memref_slice %arg5[%mul3A_39] : memref<4400xi32, #tpu.memory_space<vmem>> -> memref<80xi32, #tpu.memory_space<vmem>>
      %dma_wait3A_85 = arith.constant 0 : i32
      %dma_wait3A_86 = arith.constant 0 : i32
      %dma_wait3A_87 = tpu.memref_slice %arg2[%dma_wait3A_85, %dma_wait3A_86] : memref<10000x128xf32, #tpu.memory_space<hbm>> -> memref<10000x128xf32, #tpu.memory_space<hbm>>
      tpu.wait_indirect_dma semaphore(%arg14 : memref<!tpu.dma_semaphore, #tpu.memory_space<semaphore_mem>>) src(%dma_wait3A_87 : memref<10000x128xf32, #tpu.memory_space<hbm>>) dst(%arg9 : memref<80x128xf32, #tpu.memory_space<vmem>>)
      %mul3A_88 = arith.constant 55 : i32
      %mul3A_89 = arith.muli %add3A, %mul3A_88 : i32
      %add3A_90 = arith.addi %mul3A_89, %mul3A_12 : i32
      %add3A_91 = arith.constant 3 : i32
      %add3A_92 = arith.addi %add3A_90, %add3A_91 : i32
      %mul3A_93 = arith.constant 80 : i32
      %mul3A_94 = arith.muli %add3A_92, %mul3A_93 : i32
      "tpu.region"() ({
        %run_scoped3A = tpu.sem_alloc : memref<!tpu.dma_semaphore, #tpu.memory_space<semaphore_mem>>
        %dma_start3A_106 = arith.constant 0 : i32
        %dma_start3A_107 = tpu.memref_slice %arg4[%mul3A_94, %dma_start3A_106] : memref<140800x128xf32, #tpu.memory_space<hbm>> -> memref<80x128xf32, #tpu.memory_space<hbm>>
        %dma_start3A_108 = arith.constant 0 : i32
        %dma_start3A_109 = tpu.memref_slice %arg4[%mul3A_94, %dma_start3A_108] : memref<140800x128xf32, #tpu.memory_space<hbm>> -> memref<80x128xf32, #tpu.memory_space<hbm>>
        tpu.enqueue_dma source(%arg9 : memref<80x128xf32, #tpu.memory_space<vmem>>) target(%dma_start3A_109 : memref<80x128xf32, #tpu.memory_space<hbm>>) target_semaphore(%run_scoped3A : memref<!tpu.dma_semaphore, #tpu.memory_space<semaphore_mem>>)
        %dma_wait3A_110 = arith.constant 0 : i32
        %dma_wait3A_111 = tpu.memref_slice %arg4[%mul3A_94, %dma_wait3A_110] : memref<140800x128xf32, #tpu.memory_space<hbm>> -> memref<80x128xf32, #tpu.memory_space<hbm>>
        %dma_wait3A_112 = arith.constant 0 : i32
        %dma_wait3A_113 = tpu.memref_slice %arg4[%mul3A_94, %dma_wait3A_112] : memref<140800x128xf32, #tpu.memory_space<hbm>> -> memref<80x128xf32, #tpu.memory_space<hbm>>
        tpu.wait_dma2 semaphore(%run_scoped3A : memref<!tpu.dma_semaphore, #tpu.memory_space<semaphore_mem>>) src(%arg9 : memref<80x128xf32, #tpu.memory_space<vmem>>) dst(%dma_wait3A_113 : memref<80x128xf32, #tpu.memory_space<hbm>>)
        tpu.yield
      }) : () -> ()
      %dma_wait3A_95 = tpu.memref_slice %arg5[%mul3A_47] : memref<4400xi32, #tpu.memory_space<vmem>> -> memref<80xi32, #tpu.memory_space<vmem>>
      %dma_wait3A_96 = arith.constant 0 : i32
      %dma_wait3A_97 = arith.constant 0 : i32
      %dma_wait3A_98 = tpu.memref_slice %arg2[%dma_wait3A_96, %dma_wait3A_97] : memref<10000x128xf32, #tpu.memory_space<hbm>> -> memref<10000x128xf32, #tpu.memory_space<hbm>>
      tpu.wait_indirect_dma semaphore(%arg15 : memref<!tpu.dma_semaphore, #tpu.memory_space<semaphore_mem>>) src(%dma_wait3A_98 : memref<10000x128xf32, #tpu.memory_space<hbm>>) dst(%arg10 : memref<80x128xf32, #tpu.memory_space<vmem>>)
      %mul3A_99 = arith.constant 55 : i32
      %mul3A_100 = arith.muli %add3A, %mul3A_99 : i32
      %add3A_101 = arith.addi %mul3A_100, %mul3A_12 : i32
      %add3A_102 = arith.constant 4 : i32
      %add3A_103 = arith.addi %add3A_101, %add3A_102 : i32
      %mul3A_104 = arith.constant 80 : i32
      %mul3A_105 = arith.muli %add3A_103, %mul3A_104 : i32
      "tpu.region"() ({
        %run_scoped3A = tpu.sem_alloc : memref<!tpu.dma_semaphore, #tpu.memory_space<semaphore_mem>>
        %dma_start3A_106 = arith.constant 0 : i32
        %dma_start3A_107 = tpu.memref_slice %arg4[%mul3A_105, %dma_start3A_106] : memref<140800x128xf32, #tpu.memory_space<hbm>> -> memref<80x128xf32, #tpu.memory_space<hbm>>
        %dma_start3A_108 = arith.constant 0 : i32
        %dma_start3A_109 = tpu.memref_slice %arg4[%mul3A_105, %dma_start3A_108] : memref<140800x128xf32, #tpu.memory_space<hbm>> -> memref<80x128xf32, #tpu.memory_space<hbm>>
        tpu.enqueue_dma source(%arg10 : memref<80x128xf32, #tpu.memory_space<vmem>>) target(%dma_start3A_109 : memref<80x128xf32, #tpu.memory_space<hbm>>) target_semaphore(%run_scoped3A : memref<!tpu.dma_semaphore, #tpu.memory_space<semaphore_mem>>)
        %dma_wait3A_110 = arith.constant 0 : i32
        %dma_wait3A_111 = tpu.memref_slice %arg4[%mul3A_105, %dma_wait3A_110] : memref<140800x128xf32, #tpu.memory_space<hbm>> -> memref<80x128xf32, #tpu.memory_space<hbm>>
        %dma_wait3A_112 = arith.constant 0 : i32
        %dma_wait3A_113 = tpu.memref_slice %arg4[%mul3A_105, %dma_wait3A_112] : memref<140800x128xf32, #tpu.memory_space<hbm>> -> memref<80x128xf32, #tpu.memory_space<hbm>>
        tpu.wait_dma2 semaphore(%run_scoped3A : memref<!tpu.dma_semaphore, #tpu.memory_space<semaphore_mem>>) src(%arg10 : memref<80x128xf32, #tpu.memory_space<vmem>>) dst(%dma_wait3A_113 : memref<80x128xf32, #tpu.memory_space<hbm>>)
        tpu.yield
      }) : () -> ()
    }
    %scan3A_9 = arith.constant 11 : i32
    return
  }
}

module attributes {stable_mosaic.version = 14 : i64} {
  func.func @_embed_body(%arg0: memref<10000x128xf32, #tpu.memory_space<vmem>>, %arg1: memref<128x64xf32, #tpu.memory_space<vmem>>, %arg2: memref<1x64xf32, #tpu.memory_space<vmem>>, %arg3: memref<64x128xf32, #tpu.memory_space<vmem>>, %arg4: memref<1x128xf32, #tpu.memory_space<vmem>>, %arg5: memref<64x128xf32, #tpu.memory_space<vmem>>, %arg6: memref<10000x64xf32, #tpu.memory_space<vmem>>, %arg7: memref<10000x128xf32, #tpu.memory_space<vmem>>, %arg8: memref<10000x128xf32, #tpu.memory_space<vmem>>) attributes {dimension_semantics = [], scalar_prefetch = 0 : i64, scratch_operands = 0 : i64, tpu.core_type = #tpu.core_type<tc>} {
    %get3A = arith.constant 0 : index
    %get3A_0 = arith.constant 0 : index
    %get3A_1 = vector.load %arg0[%get3A, %get3A_0] : memref<10000x128xf32, #tpu.memory_space<vmem>>, vector<10000x128xf32>
    %get3A_2 = arith.constant 0 : index
    %get3A_3 = arith.constant 0 : index
    %get3A_4 = vector.load %arg1[%get3A_2, %get3A_3] : memref<128x64xf32, #tpu.memory_space<vmem>>, vector<128x64xf32>
    %dot_general3A = arith.constant dense<0.000000e+00> : vector<10000x64xf32>
    %dot_general3A_5 = tpu.matmul %get3A_1, %get3A_4, %dot_general3A {dimension_numbers = #tpu.dot_dimension_numbers<[1], [0], [0], [1], [0, 0, 1, 1], [], []>, transpose_lhs_hint = false} : vector<10000x128xf32>, vector<128x64xf32>, vector<10000x64xf32> -> vector<10000x64xf32>
    %get3A_6 = arith.constant 0 : index
    %get3A_7 = arith.constant 0 : index
    %get3A_8 = vector.load %arg2[%get3A_6, %get3A_7] : memref<1x64xf32, #tpu.memory_space<vmem>>, vector<1x64xf32>
    %add3A = vector.broadcast %get3A_8 : vector<1x64xf32> to vector<10000x64xf32>
    %add3A_9 = arith.addf %dot_general3A_5, %add3A : vector<10000x64xf32>
    %swap3A = arith.constant 0 : index
    %swap3A_10 = arith.constant 0 : index
    %swap3A_11 = vector.load %arg6[%swap3A, %swap3A_10] : memref<10000x64xf32, #tpu.memory_space<vmem>>, vector<10000x64xf32>
    tpu.vector_store %arg6[%swap3A, %swap3A_10], %add3A_9 {strides = array<i32>} : memref<10000x64xf32, #tpu.memory_space<vmem>>, vector<10000x64xf32>,
    %get3A_12 = arith.constant 0 : index
    %get3A_13 = arith.constant 0 : index
    %get3A_14 = vector.load %arg3[%get3A_12, %get3A_13] : memref<64x128xf32, #tpu.memory_space<vmem>>, vector<64x128xf32>
    %dot_general3A_15 = arith.constant dense<0.000000e+00> : vector<10000x128xf32>
    %dot_general3A_16 = tpu.matmul %add3A_9, %get3A_14, %dot_general3A_15 {dimension_numbers = #tpu.dot_dimension_numbers<[1], [0], [0], [1], [0, 0, 1, 1], [], []>, transpose_lhs_hint = false} : vector<10000x64xf32>, vector<64x128xf32>, vector<10000x128xf32> -> vector<10000x128xf32>
    %get3A_17 = arith.constant 0 : index
    %get3A_18 = arith.constant 0 : index
    %get3A_19 = vector.load %arg4[%get3A_17, %get3A_18] : memref<1x128xf32, #tpu.memory_space<vmem>>, vector<1x128xf32>
    %add3A_20 = vector.broadcast %get3A_19 : vector<1x128xf32> to vector<10000x128xf32>
    %add3A_21 = arith.addf %dot_general3A_16, %add3A_20 : vector<10000x128xf32>
    %swap3A_22 = arith.constant 0 : index
    %swap3A_23 = arith.constant 0 : index
    %swap3A_24 = vector.load %arg7[%swap3A_22, %swap3A_23] : memref<10000x128xf32, #tpu.memory_space<vmem>>, vector<10000x128xf32>
    tpu.vector_store %arg7[%swap3A_22, %swap3A_23], %add3A_21 {strides = array<i32>} : memref<10000x128xf32, #tpu.memory_space<vmem>>, vector<10000x128xf32>,
    %get3A_25 = arith.constant 0 : index
    %get3A_26 = arith.constant 0 : index
    %get3A_27 = vector.load %arg5[%get3A_25, %get3A_26] : memref<64x128xf32, #tpu.memory_space<vmem>>, vector<64x128xf32>
    %dot_general3A_28 = arith.constant dense<0.000000e+00> : vector<10000x128xf32>
    %dot_general3A_29 = tpu.matmul %add3A_9, %get3A_27, %dot_general3A_28 {dimension_numbers = #tpu.dot_dimension_numbers<[1], [0], [0], [1], [0, 0, 1, 1], [], []>, transpose_lhs_hint = false} : vector<10000x64xf32>, vector<64x128xf32>, vector<10000x128xf32> -> vector<10000x128xf32>
    %swap3A_30 = arith.constant 0 : index
    %swap3A_31 = arith.constant 0 : index
    %swap3A_32 = vector.load %arg8[%swap3A_30, %swap3A_31] : memref<10000x128xf32, #tpu.memory_space<vmem>>, vector<10000x128xf32>
    tpu.vector_store %arg8[%swap3A_30, %swap3A_31], %dot_general3A_29 {strides = array<i32>} : memref<10000x128xf32, #tpu.memory_space<vmem>>, vector<10000x128xf32>,
    return
  }
}

module attributes {stable_mosaic.version = 14 : i64} {
  func.func @_p1_body(%arg0: i32, %arg1: memref<200x128xf32, #tpu.memory_space<vmem>>, %arg2: memref<6400x128xf32, #tpu.memory_space<vmem>>, %arg3: memref<16x6400xf32, #tpu.memory_space<vmem>>, %arg4: memref<16x128xf32, #tpu.memory_space<vmem>>, %arg5: memref<8x128xf32, #tpu.memory_space<vmem>>) attributes {dimension_semantics = [#tpu.dimension_semantics<arbitrary>], iteration_bounds = array<i64: 22>, scalar_prefetch = 0 : i64, scratch_operands = 0 : i64, tpu.core_type = #tpu.core_type<tc>, window_params = [{transform_indices = @transform_0, window_bounds = array<i64: 200, 128>}, {transform_indices = @transform_1, window_bounds = array<i64: 6400, 128>}, {transform_indices = @transform_2, window_bounds = array<i64: 16, 6400>}, {pipeline_mode = #tpu.pipeline_mode<synchronous>, transform_indices = @transform_3, window_bounds = array<i64: 16, 128>}, {pipeline_mode = #tpu.pipeline_mode<synchronous>, transform_indices = @transform_4, window_bounds = array<i64: 8, 128>}]} {
    %get3A = arith.constant 0 : index
    %get3A_0 = arith.constant 0 : index
    %get3A_1 = vector.load %arg3[%get3A, %get3A_0] : memref<16x6400xf32, #tpu.memory_space<vmem>>, vector<16x6400xf32>
    %get3A_2 = arith.constant 0 : index
    %get3A_3 = arith.constant 0 : index
    %get3A_4 = vector.load %arg4[%get3A_2, %get3A_3] : memref<16x128xf32, #tpu.memory_space<vmem>>, vector<16x128xf32>
    %dot_general3A = arith.constant dense<0.000000e+00> : vector<6400x128xf32>
    %dot_general3A_5 = tpu.matmul %get3A_1, %get3A_4, %dot_general3A {dimension_numbers = #tpu.dot_dimension_numbers<[0], [0], [1], [1], [0, 1, 1, 1], [], []>, transpose_lhs_hint = false} : vector<16x6400xf32>, vector<16x128xf32>, vector<6400x128xf32> -> vector<6400x128xf32>
    %get3A_6 = arith.constant 0 : index
    %get3A_7 = arith.constant 0 : index
    %get3A_8 = vector.load %arg2[%get3A_6, %get3A_7] : memref<6400x128xf32, #tpu.memory_space<vmem>>, vector<6400x128xf32>
    %add3A = arith.addf %get3A_8, %dot_general3A_5 : vector<6400x128xf32>
    %reshape3A = vector.shape_cast %add3A : vector<6400x128xf32> to vector<200x32x128xf32>
    %get3A_9 = arith.constant 0 : index
    %get3A_10 = arith.constant 0 : index
    %get3A_11 = vector.load %arg1[%get3A_9, %get3A_10] : memref<200x128xf32, #tpu.memory_space<vmem>>, vector<200x128xf32>
    %broadcast_in_dim3A = vector.shape_cast %get3A_11 : vector<200x128xf32> to vector<200x1x128xf32>
    %add3A_12 = vector.broadcast %broadcast_in_dim3A : vector<200x1x128xf32> to vector<200x32x128xf32>
    %add3A_13 = arith.addf %reshape3A, %add3A_12 : vector<200x32x128xf32>
    %reshape3A_14 = vector.shape_cast %add3A_13 : vector<200x32x128xf32> to vector<6400x128xf32>
    %eq3A = arith.constant 0 : i32
    %eq3A_15 = arith.cmpi eq, %arg0, %eq3A : i32
    %convert_element_type3A = arith.extui %eq3A_15 : i1 to i32
    %cond3A = arith.constant 0 : i32
    %cond3A_16 = arith.cmpi ne, %convert_element_type3A, %cond3A : i32
    scf.if %cond3A_16 {
      %broadcast_in_dim3A_35 = arith.constant 0.000000e+00 : f32
      %broadcast_in_dim3A_36 = vector.broadcast %broadcast_in_dim3A_35 : f32 to vector<8x128xf32>
      %swap3A_37 = arith.constant 0 : index
      %swap3A_38 = arith.constant 0 : index
      %swap3A_39 = vector.load %arg5[%swap3A_37, %swap3A_38] : memref<8x128xf32, #tpu.memory_space<vmem>>, vector<8x128xf32>
      tpu.vector_store %arg5[%swap3A_37, %swap3A_38], %broadcast_in_dim3A_36 {strides = array<i32>} : memref<8x128xf32, #tpu.memory_space<vmem>>, vector<8x128xf32>,
    } else {
    }
    %get3A_17 = arith.constant 0 : index
    %get3A_18 = arith.constant 0 : index
    %get3A_19 = vector.load %arg5[%get3A_17, %get3A_18] : memref<8x128xf32, #tpu.memory_space<vmem>>, vector<1x128xf32>
    %reduce_sum3A = arith.constant dense<0.000000e+00> : vector<128xf32>
    %reduce_sum3A_20 = vector.multi_reduction <add>, %reshape3A_14, %reduce_sum3A [0] : vector<6400x128xf32> to vector<128xf32>
    %broadcast_in_dim3A_21 = vector.shape_cast %reduce_sum3A_20 : vector<128xf32> to vector<1x128xf32>
    %add3A_22 = arith.addf %get3A_19, %broadcast_in_dim3A_21 : vector<1x128xf32>
    %swap3A = arith.constant 0 : index
    %swap3A_23 = arith.constant 0 : index
    %swap3A_24 = vector.load %arg5[%swap3A, %swap3A_23] : memref<8x128xf32, #tpu.memory_space<vmem>>, vector<1x128xf32>
    tpu.vector_store %arg5[%swap3A, %swap3A_23], %add3A_22 {strides = array<i32>} : memref<8x128xf32, #tpu.memory_space<vmem>>, vector<1x128xf32>,
    %get3A_25 = arith.constant 1 : index
    %get3A_26 = arith.constant 0 : index
    %get3A_27 = vector.load %arg5[%get3A_25, %get3A_26] : memref<8x128xf32, #tpu.memory_space<vmem>>, vector<1x128xf32>
    %mul3A = arith.mulf %reshape3A_14, %reshape3A_14 : vector<6400x128xf32>
    %reduce_sum3A_28 = arith.constant dense<0.000000e+00> : vector<128xf32>
    %reduce_sum3A_29 = vector.multi_reduction <add>, %mul3A, %reduce_sum3A_28 [0] : vector<6400x128xf32> to vector<128xf32>
    %broadcast_in_dim3A_30 = vector.shape_cast %reduce_sum3A_29 : vector<128xf32> to vector<1x128xf32>
    %add3A_31 = arith.addf %get3A_27, %broadcast_in_dim3A_30 : vector<1x128xf32>
    %swap3A_32 = arith.constant 1 : index
    %swap3A_33 = arith.constant 0 : index
    %swap3A_34 = vector.load %arg5[%swap3A_32, %swap3A_33] : memref<8x128xf32, #tpu.memory_space<vmem>>, vector<1x128xf32>
    tpu.vector_store %arg5[%swap3A_32, %swap3A_33], %add3A_31 {strides = array<i32>} : memref<8x128xf32, #tpu.memory_space<vmem>>, vector<1x128xf32>,
    return
  }
  func.func @transform_0(%arg0: i32) -> (i32, i32) {
    %add3A = arith.constant 28 : i32
    %add3A_0 = arith.addi %arg0, %add3A : i32
    %c0_i32 = arith.constant 0 : i32
    %c0_i32_1 = arith.constant 0 : i32
    return %add3A_0, %c0_i32 : i32, i32
  }
  func.func @transform_1(%arg0: i32) -> (i32, i32) {
    %c0_i32 = arith.constant 0 : i32
    %c0_i32_0 = arith.constant 0 : i32
    return %arg0, %c0_i32 : i32, i32
  }
  func.func @transform_2(%arg0: i32) -> (i32, i32) {
    %add3A = arith.constant 28 : i32
    %add3A_0 = arith.addi %arg0, %add3A : i32
    %c0_i32 = arith.constant 0 : i32
    %c0_i32_1 = arith.constant 0 : i32
    return %c0_i32, %add3A_0 : i32, i32
  }
  func.func @transform_3(%arg0: i32) -> (i32, i32) {
    %c0_i32 = arith.constant 0 : i32
    %c0_i32_0 = arith.constant 0 : i32
    %c0_i32_1 = arith.constant 0 : i32
    return %c0_i32, %c0_i32_0 : i32, i32
  }
  func.func @transform_4(%arg0: i32) -> (i32, i32) {
    %c0_i32 = arith.constant 0 : i32
    %c0_i32_0 = arith.constant 0 : i32
    %c0_i32_1 = arith.constant 0 : i32
    return %c0_i32, %c0_i32_0 : i32, i32
  }
}

module attributes {stable_mosaic.version = 14 : i64} {
  func.func @_p1_body(%arg0: i32, %arg1: memref<200x128xf32, #tpu.memory_space<vmem>>, %arg2: memref<6400x128xf32, #tpu.memory_space<vmem>>, %arg3: memref<16x6400xf32, #tpu.memory_space<vmem>>, %arg4: memref<16x128xf32, #tpu.memory_space<vmem>>, %arg5: memref<8x128xf32, #tpu.memory_space<vmem>>) attributes {dimension_semantics = [#tpu.dimension_semantics<arbitrary>], iteration_bounds = array<i64: 28>, scalar_prefetch = 0 : i64, scratch_operands = 0 : i64, tpu.core_type = #tpu.core_type<tc>, window_params = [{transform_indices = @transform_0, window_bounds = array<i64: 200, 128>}, {transform_indices = @transform_1, window_bounds = array<i64: 6400, 128>}, {transform_indices = @transform_2, window_bounds = array<i64: 16, 6400>}, {pipeline_mode = #tpu.pipeline_mode<synchronous>, transform_indices = @transform_3, window_bounds = array<i64: 16, 128>}, {pipeline_mode = #tpu.pipeline_mode<synchronous>, transform_indices = @transform_4, window_bounds = array<i64: 8, 128>}]} {
    %get3A = arith.constant 0 : index
    %get3A_0 = arith.constant 0 : index
    %get3A_1 = vector.load %arg3[%get3A, %get3A_0] : memref<16x6400xf32, #tpu.memory_space<vmem>>, vector<16x6400xf32>
    %get3A_2 = arith.constant 0 : index
    %get3A_3 = arith.constant 0 : index
    %get3A_4 = vector.load %arg4[%get3A_2, %get3A_3] : memref<16x128xf32, #tpu.memory_space<vmem>>, vector<16x128xf32>
    %dot_general3A = arith.constant dense<0.000000e+00> : vector<6400x128xf32>
    %dot_general3A_5 = tpu.matmul %get3A_1, %get3A_4, %dot_general3A {dimension_numbers = #tpu.dot_dimension_numbers<[0], [0], [1], [1], [0, 1, 1, 1], [], []>, transpose_lhs_hint = false} : vector<16x6400xf32>, vector<16x128xf32>, vector<6400x128xf32> -> vector<6400x128xf32>
    %get3A_6 = arith.constant 0 : index
    %get3A_7 = arith.constant 0 : index
    %get3A_8 = vector.load %arg2[%get3A_6, %get3A_7] : memref<6400x128xf32, #tpu.memory_space<vmem>>, vector<6400x128xf32>
    %add3A = arith.addf %get3A_8, %dot_general3A_5 : vector<6400x128xf32>
    %reshape3A = vector.shape_cast %add3A : vector<6400x128xf32> to vector<200x32x128xf32>
    %get3A_9 = arith.constant 0 : index
    %get3A_10 = arith.constant 0 : index
    %get3A_11 = vector.load %arg1[%get3A_9, %get3A_10] : memref<200x128xf32, #tpu.memory_space<vmem>>, vector<200x128xf32>
    %broadcast_in_dim3A = vector.shape_cast %get3A_11 : vector<200x128xf32> to vector<200x1x128xf32>
    %add3A_12 = vector.broadcast %broadcast_in_dim3A : vector<200x1x128xf32> to vector<200x32x128xf32>
    %add3A_13 = arith.addf %reshape3A, %add3A_12 : vector<200x32x128xf32>
    %reshape3A_14 = vector.shape_cast %add3A_13 : vector<200x32x128xf32> to vector<6400x128xf32>
    %eq3A = arith.constant 0 : i32
    %eq3A_15 = arith.cmpi eq, %arg0, %eq3A : i32
    %convert_element_type3A = arith.extui %eq3A_15 : i1 to i32
    %cond3A = arith.constant 0 : i32
    %cond3A_16 = arith.cmpi ne, %convert_element_type3A, %cond3A : i32
    scf.if %cond3A_16 {
      %broadcast_in_dim3A_35 = arith.constant 0.000000e+00 : f32
      %broadcast_in_dim3A_36 = vector.broadcast %broadcast_in_dim3A_35 : f32 to vector<8x128xf32>
      %swap3A_37 = arith.constant 0 : index
      %swap3A_38 = arith.constant 0 : index
      %swap3A_39 = vector.load %arg5[%swap3A_37, %swap3A_38] : memref<8x128xf32, #tpu.memory_space<vmem>>, vector<8x128xf32>
      tpu.vector_store %arg5[%swap3A_37, %swap3A_38], %broadcast_in_dim3A_36 {strides = array<i32>} : memref<8x128xf32, #tpu.memory_space<vmem>>, vector<8x128xf32>,
    } else {
    }
    %get3A_17 = arith.constant 0 : index
    %get3A_18 = arith.constant 0 : index
    %get3A_19 = vector.load %arg5[%get3A_17, %get3A_18] : memref<8x128xf32, #tpu.memory_space<vmem>>, vector<1x128xf32>
    %reduce_sum3A = arith.constant dense<0.000000e+00> : vector<128xf32>
    %reduce_sum3A_20 = vector.multi_reduction <add>, %reshape3A_14, %reduce_sum3A [0] : vector<6400x128xf32> to vector<128xf32>
    %broadcast_in_dim3A_21 = vector.shape_cast %reduce_sum3A_20 : vector<128xf32> to vector<1x128xf32>
    %add3A_22 = arith.addf %get3A_19, %broadcast_in_dim3A_21 : vector<1x128xf32>
    %swap3A = arith.constant 0 : index
    %swap3A_23 = arith.constant 0 : index
    %swap3A_24 = vector.load %arg5[%swap3A, %swap3A_23] : memref<8x128xf32, #tpu.memory_space<vmem>>, vector<1x128xf32>
    tpu.vector_store %arg5[%swap3A, %swap3A_23], %add3A_22 {strides = array<i32>} : memref<8x128xf32, #tpu.memory_space<vmem>>, vector<1x128xf32>,
    %get3A_25 = arith.constant 1 : index
    %get3A_26 = arith.constant 0 : index
    %get3A_27 = vector.load %arg5[%get3A_25, %get3A_26] : memref<8x128xf32, #tpu.memory_space<vmem>>, vector<1x128xf32>
    %mul3A = arith.mulf %reshape3A_14, %reshape3A_14 : vector<6400x128xf32>
    %reduce_sum3A_28 = arith.constant dense<0.000000e+00> : vector<128xf32>
    %reduce_sum3A_29 = vector.multi_reduction <add>, %mul3A, %reduce_sum3A_28 [0] : vector<6400x128xf32> to vector<128xf32>
    %broadcast_in_dim3A_30 = vector.shape_cast %reduce_sum3A_29 : vector<128xf32> to vector<1x128xf32>
    %add3A_31 = arith.addf %get3A_27, %broadcast_in_dim3A_30 : vector<1x128xf32>
    %swap3A_32 = arith.constant 1 : index
    %swap3A_33 = arith.constant 0 : index
    %swap3A_34 = vector.load %arg5[%swap3A_32, %swap3A_33] : memref<8x128xf32, #tpu.memory_space<vmem>>, vector<1x128xf32>
    tpu.vector_store %arg5[%swap3A_32, %swap3A_33], %add3A_31 {strides = array<i32>} : memref<8x128xf32, #tpu.memory_space<vmem>>, vector<1x128xf32>,
    return
  }
  func.func @transform_0(%arg0: i32) -> (i32, i32) {
    %add3A = arith.constant 0 : i32
    %add3A_0 = arith.addi %arg0, %add3A : i32
    %c0_i32 = arith.constant 0 : i32
    %c0_i32_1 = arith.constant 0 : i32
    return %add3A_0, %c0_i32 : i32, i32
  }
  func.func @transform_1(%arg0: i32) -> (i32, i32) {
    %c0_i32 = arith.constant 0 : i32
    %c0_i32_0 = arith.constant 0 : i32
    return %arg0, %c0_i32 : i32, i32
  }
  func.func @transform_2(%arg0: i32) -> (i32, i32) {
    %add3A = arith.constant 0 : i32
    %add3A_0 = arith.addi %arg0, %add3A : i32
    %c0_i32 = arith.constant 0 : i32
    %c0_i32_1 = arith.constant 0 : i32
    return %c0_i32, %add3A_0 : i32, i32
  }
  func.func @transform_3(%arg0: i32) -> (i32, i32) {
    %c0_i32 = arith.constant 0 : i32
    %c0_i32_0 = arith.constant 0 : i32
    %c0_i32_1 = arith.constant 0 : i32
    return %c0_i32, %c0_i32_0 : i32, i32
  }
  func.func @transform_4(%arg0: i32) -> (i32, i32) {
    %c0_i32 = arith.constant 0 : i32
    %c0_i32_0 = arith.constant 0 : i32
    %c0_i32_1 = arith.constant 0 : i32
    return %c0_i32, %c0_i32_0 : i32, i32
  }
}

module attributes {stable_mosaic.version = 14 : i64} {
  func.func @_p2_body(%arg0: i32, %arg1: memref<200x128xf32, #tpu.memory_space<vmem>>, %arg2: memref<6400x128xf32, #tpu.memory_space<vmem>>, %arg3: memref<16x6400xf32, #tpu.memory_space<vmem>>, %arg4: memref<16x128xf32, #tpu.memory_space<vmem>>, %arg5: memref<8x128xf32, #tpu.memory_space<vmem>>, %arg6: memref<8x128xf32, #tpu.memory_space<vmem>>, %arg7: memref<1x128xf32, #tpu.memory_space<vmem>>, %arg8: memref<1x128xf32, #tpu.memory_space<vmem>>, %arg9: memref<200x64xf32, #tpu.memory_space<vmem>>, %arg10: memref<8x64xf32, #tpu.memory_space<vmem>>) attributes {dimension_semantics = [#tpu.dimension_semantics<arbitrary>], iteration_bounds = array<i64: 22>, scalar_prefetch = 0 : i64, scratch_operands = 0 : i64, tpu.core_type = #tpu.core_type<tc>, window_params = [{transform_indices = @transform_0, window_bounds = array<i64: 200, 128>}, {transform_indices = @transform_1, window_bounds = array<i64: 6400, 128>}, {transform_indices = @transform_2, window_bounds = array<i64: 16, 6400>}, {pipeline_mode = #tpu.pipeline_mode<synchronous>, transform_indices = @transform_3, window_bounds = array<i64: 16, 128>}, {pipeline_mode = #tpu.pipeline_mode<synchronous>, transform_indices = @transform_4, window_bounds = array<i64: 8, 128>}, {pipeline_mode = #tpu.pipeline_mode<synchronous>, transform_indices = @transform_5, window_bounds = array<i64: 8, 128>}, {pipeline_mode = #tpu.pipeline_mode<synchronous>, transform_indices = @transform_6, window_bounds = array<i64: 1, 128>}, {pipeline_mode = #tpu.pipeline_mode<synchronous>, transform_indices = @transform_7, window_bounds = array<i64: 1, 128>}, {transform_indices = @transform_8, window_bounds = array<i64: 200, 64>}, {pipeline_mode = #tpu.pipeline_mode<synchronous>, transform_indices = @transform_9, window_bounds = array<i64: 8, 64>}]} {
    %get3A = arith.constant 0 : index
    %get3A_0 = arith.constant 0 : index
    %get3A_1 = vector.load %arg5[%get3A, %get3A_0] : memref<8x128xf32, #tpu.memory_space<vmem>>, vector<1x128xf32>
    %get3A_2 = arith.constant 0 : index
    %get3A_3 = arith.constant 0 : index
    %get3A_4 = vector.load %arg6[%get3A_2, %get3A_3] : memref<8x128xf32, #tpu.memory_space<vmem>>, vector<1x128xf32>
    %add3A = arith.addf %get3A_1, %get3A_4 : vector<1x128xf32>
    %get3A_5 = arith.constant 1 : index
    %get3A_6 = arith.constant 0 : index
    %get3A_7 = vector.load %arg5[%get3A_5, %get3A_6] : memref<8x128xf32, #tpu.memory_space<vmem>>, vector<1x128xf32>
    %get3A_8 = arith.constant 1 : index
    %get3A_9 = arith.constant 0 : index
    %get3A_10 = vector.load %arg6[%get3A_8, %get3A_9] : memref<8x128xf32, #tpu.memory_space<vmem>>, vector<1x128xf32>
    %add3A_11 = arith.addf %get3A_7, %get3A_10 : vector<1x128xf32>
    %div3A = arith.constant 3.200000e+05 : f32
    %div3A_12 = vector.broadcast %div3A : f32 to vector<1x128xf32>
    %div3A_13 = arith.divf %add3A, %div3A_12 : vector<1x128xf32>
    %div3A_14 = arith.constant 3.200000e+05 : f32
    %div3A_15 = vector.broadcast %div3A_14 : f32 to vector<1x128xf32>
    %div3A_16 = arith.divf %add3A_11, %div3A_15 : vector<1x128xf32>
    %mul3A = arith.mulf %div3A_13, %div3A_13 : vector<1x128xf32>
    %sub3A = arith.subf %div3A_16, %mul3A : vector<1x128xf32>
    %get3A_17 = arith.constant 0 : index
    %get3A_18 = arith.constant 0 : index
    %get3A_19 = vector.load %arg7[%get3A_17, %get3A_18] : memref<1x128xf32, #tpu.memory_space<vmem>>, vector<1x128xf32>
    %add3A_20 = arith.constant 9.99999974E-6 : f32
    %add3A_21 = vector.broadcast %add3A_20 : f32 to vector<1x128xf32>
    %add3A_22 = arith.addf %sub3A, %add3A_21 : vector<1x128xf32>
    %rsqrt3A = math.rsqrt %add3A_22 : vector<1x128xf32>
    %mul3A_23 = arith.mulf %get3A_19, %rsqrt3A : vector<1x128xf32>
    %get3A_24 = arith.constant 0 : index
    %get3A_25 = arith.constant 0 : index
    %get3A_26 = vector.load %arg8[%get3A_24, %get3A_25] : memref<1x128xf32, #tpu.memory_space<vmem>>, vector<1x128xf32>
    %mul3A_27 = arith.mulf %div3A_13, %mul3A_23 : vector<1x128xf32>
    %sub3A_28 = arith.subf %get3A_26, %mul3A_27 : vector<1x128xf32>
    %get3A_29 = arith.constant 0 : index
    %get3A_30 = arith.constant 0 : index
    %get3A_31 = vector.load %arg4[%get3A_29, %get3A_30] : memref<16x128xf32, #tpu.memory_space<vmem>>, vector<16x128xf32>
    %mul3A_32 = vector.broadcast %mul3A_23 : vector<1x128xf32> to vector<16x128xf32>
    %mul3A_33 = arith.mulf %get3A_31, %mul3A_32 : vector<16x128xf32>
    %get3A_34 = arith.constant 0 : index
    %get3A_35 = arith.constant 0 : index
    %get3A_36 = vector.load %arg1[%get3A_34, %get3A_35] : memref<200x128xf32, #tpu.memory_space<vmem>>, vector<200x128xf32>
    %mul3A_37 = vector.broadcast %mul3A_23 : vector<1x128xf32> to vector<200x128xf32>
    %mul3A_38 = arith.mulf %get3A_36, %mul3A_37 : vector<200x128xf32>
    %add3A_39 = vector.broadcast %sub3A_28 : vector<1x128xf32> to vector<200x128xf32>
    %add3A_40 = arith.addf %mul3A_38, %add3A_39 : vector<200x128xf32>
    %get3A_41 = arith.constant 0 : index
    %get3A_42 = arith.constant 0 : index
    %get3A_43 = vector.load %arg3[%get3A_41, %get3A_42] : memref<16x6400xf32, #tpu.memory_space<vmem>>, vector<16x6400xf32>
    %dot_general3A = arith.constant dense<0.000000e+00> : vector<6400x128xf32>
    %dot_general3A_44 = tpu.matmul %get3A_43, %mul3A_33, %dot_general3A {dimension_numbers = #tpu.dot_dimension_numbers<[0], [0], [1], [1], [0, 1, 1, 1], [], []>, transpose_lhs_hint = false} : vector<16x6400xf32>, vector<16x128xf32>, vector<6400x128xf32> -> vector<6400x128xf32>
    %get3A_45 = arith.constant 0 : index
    %get3A_46 = arith.constant 0 : index
    %get3A_47 = vector.load %arg2[%get3A_45, %get3A_46] : memref<6400x128xf32, #tpu.memory_space<vmem>>, vector<6400x128xf32>
    %mul3A_48 = vector.broadcast %mul3A_23 : vector<1x128xf32> to vector<6400x128xf32>
    %mul3A_49 = arith.mulf %get3A_47, %mul3A_48 : vector<6400x128xf32>
    %add3A_50 = arith.addf %mul3A_49, %dot_general3A_44 : vector<6400x128xf32>
    %reshape3A = vector.shape_cast %add3A_50 : vector<6400x128xf32> to vector<200x32x128xf32>
    %broadcast_in_dim3A = vector.shape_cast %add3A_40 : vector<200x128xf32> to vector<200x1x128xf32>
    %add3A_51 = vector.broadcast %broadcast_in_dim3A : vector<200x1x128xf32> to vector<200x32x128xf32>
    %add3A_52 = arith.addf %reshape3A, %add3A_51 : vector<200x32x128xf32>
    %mul3A_53 = arith.constant 5.000000e-01 : f32
    %mul3A_54 = vector.broadcast %mul3A_53 : f32 to vector<200x32x128xf32>
    %mul3A_55 = arith.mulf %mul3A_54, %add3A_52 : vector<200x32x128xf32>
    %tanh3A = math.tanh %mul3A_55 : vector<200x32x128xf32>
    %mul3A_56 = arith.constant 5.000000e-01 : f32
    %mul3A_57 = vector.broadcast %mul3A_56 : f32 to vector<200x32x128xf32>
    %mul3A_58 = arith.mulf %mul3A_57, %tanh3A : vector<200x32x128xf32>
    %add3A_59 = arith.constant 5.000000e-01 : f32
    %add3A_60 = vector.broadcast %add3A_59 : f32 to vector<200x32x128xf32>
    %add3A_61 = arith.addf %mul3A_58, %add3A_60 : vector<200x32x128xf32>
    %max3A = arith.constant 0.000000e+00 : f32
    %max3A_62 = vector.broadcast %max3A : f32 to vector<200x32x128xf32>
    %max3A_63 = arith.maximumf %add3A_52, %max3A_62 : vector<200x32x128xf32>
    %abs3A = math.absf %add3A_52 : vector<200x32x128xf32>
    %neg3A = arith.constant 0.000000e+00 : f32
    %neg3A_64 = vector.broadcast %neg3A : f32 to vector<200x32x128xf32>
    %neg3A_65 = arith.subf %neg3A_64, %abs3A : vector<200x32x128xf32>
    %exp3A = math.exp %neg3A_65 : vector<200x32x128xf32>
    %log1p3A = math.log1p %exp3A : vector<200x32x128xf32>
    %add3A_66 = arith.addf %max3A_63, %log1p3A : vector<200x32x128xf32>
    %roll3A = arith.constant 64 : i32
    %roll3A_67 = tpu.dynamic_rotate %add3A_66 by %roll3A dim 2 : vector<200x32x128xf32>, i32 -> vector<200x32x128xf32>
    %mul3A_68 = arith.mulf %add3A_61, %roll3A_67 : vector<200x32x128xf32>
    %reduce_sum3A = arith.constant dense<0.000000e+00> : vector<200x128xf32>
    %reduce_sum3A_69 = vector.multi_reduction <add>, %mul3A_68, %reduce_sum3A [1] : vector<200x32x128xf32> to vector<200x128xf32>
    %slice3A = vector.extract_strided_slice %reduce_sum3A_69 {offsets = [0, 0], sizes = [200, 64], strides = [1, 1]} : vector<200x128xf32> to vector<200x64xf32>
    %swap3A = arith.constant 0 : index
    %swap3A_70 = arith.constant 0 : index
    %swap3A_71 = vector.load %arg9[%swap3A, %swap3A_70] : memref<200x64xf32, #tpu.memory_space<vmem>>, vector<200x64xf32>
    tpu.vector_store %arg9[%swap3A, %swap3A_70], %slice3A {strides = array<i32>} : memref<200x64xf32, #tpu.memory_space<vmem>>, vector<200x64xf32>,
    %eq3A = arith.constant 0 : i32
    %eq3A_72 = arith.cmpi eq, %arg0, %eq3A : i32
    %convert_element_type3A = arith.extui %eq3A_72 : i1 to i32
    %cond3A = arith.constant 0 : i32
    %cond3A_73 = arith.cmpi ne, %convert_element_type3A, %cond3A : i32
    scf.if %cond3A_73 {
      %broadcast_in_dim3A_95 = arith.constant 0.000000e+00 : f32
      %broadcast_in_dim3A_96 = vector.broadcast %broadcast_in_dim3A_95 : f32 to vector<8x64xf32>
      %swap3A_97 = arith.constant 0 : index
      %swap3A_98 = arith.constant 0 : index
      %swap3A_99 = vector.load %arg10[%swap3A_97, %swap3A_98] : memref<8x64xf32, #tpu.memory_space<vmem>>, vector<8x64xf32>
      tpu.vector_store %arg10[%swap3A_97, %swap3A_98], %broadcast_in_dim3A_96 {strides = array<i32>} : memref<8x64xf32, #tpu.memory_space<vmem>>, vector<8x64xf32>,
    } else {
    }
    %get3A_74 = arith.constant 0 : index
    %get3A_75 = arith.constant 0 : index
    %get3A_76 = vector.load %arg10[%get3A_74, %get3A_75] : memref<8x64xf32, #tpu.memory_space<vmem>>, vector<1x64xf32>
    %reduce_sum3A_77 = arith.constant dense<0.000000e+00> : vector<64xf32>
    %reduce_sum3A_78 = vector.multi_reduction <add>, %slice3A, %reduce_sum3A_77 [0] : vector<200x64xf32> to vector<64xf32>
    %broadcast_in_dim3A_79 = vector.shape_cast %reduce_sum3A_78 : vector<64xf32> to vector<1x64xf32>
    %add3A_80 = arith.addf %get3A_76, %broadcast_in_dim3A_79 : vector<1x64xf32>
    %swap3A_81 = arith.constant 0 : index
    %swap3A_82 = arith.constant 0 : index
    %swap3A_83 = vector.load %arg10[%swap3A_81, %swap3A_82] : memref<8x64xf32, #tpu.memory_space<vmem>>, vector<1x64xf32>
    tpu.vector_store %arg10[%swap3A_81, %swap3A_82], %add3A_80 {strides = array<i32>} : memref<8x64xf32, #tpu.memory_space<vmem>>, vector<1x64xf32>,
    %get3A_84 = arith.constant 1 : index
    %get3A_85 = arith.constant 0 : index
    %get3A_86 = vector.load %arg10[%get3A_84, %get3A_85] : memref<8x64xf32, #tpu.memory_space<vmem>>, vector<1x64xf32>
    %mul3A_87 = arith.mulf %slice3A, %slice3A : vector<200x64xf32>
    %reduce_sum3A_88 = arith.constant dense<0.000000e+00> : vector<64xf32>
    %reduce_sum3A_89 = vector.multi_reduction <add>, %mul3A_87, %reduce_sum3A_88 [0] : vector<200x64xf32> to vector<64xf32>
    %broadcast_in_dim3A_90 = vector.shape_cast %reduce_sum3A_89 : vector<64xf32> to vector<1x64xf32>
    %add3A_91 = arith.addf %get3A_86, %broadcast_in_dim3A_90 : vector<1x64xf32>
    %swap3A_92 = arith.constant 1 : index
    %swap3A_93 = arith.constant 0 : index
    %swap3A_94 = vector.load %arg10[%swap3A_92, %swap3A_93] : memref<8x64xf32, #tpu.memory_space<vmem>>, vector<1x64xf32>
    tpu.vector_store %arg10[%swap3A_92, %swap3A_93], %add3A_91 {strides = array<i32>} : memref<8x64xf32, #tpu.memory_space<vmem>>, vector<1x64xf32>,
    return
  }
  func.func @transform_0(%arg0: i32) -> (i32, i32) {
    %add3A = arith.constant 28 : i32
    %add3A_0 = arith.addi %arg0, %add3A : i32
    %c0_i32 = arith.constant 0 : i32
    %c0_i32_1 = arith.constant 0 : i32
    return %add3A_0, %c0_i32 : i32, i32
  }
  func.func @transform_1(%arg0: i32) -> (i32, i32) {
    %c0_i32 = arith.constant 0 : i32
    %c0_i32_0 = arith.constant 0 : i32
    return %arg0, %c0_i32 : i32, i32
  }
  func.func @transform_2(%arg0: i32) -> (i32, i32) {
    %add3A = arith.constant 28 : i32
    %add3A_0 = arith.addi %arg0, %add3A : i32
    %c0_i32 = arith.constant 0 : i32
    %c0_i32_1 = arith.constant 0 : i32
    return %c0_i32, %add3A_0 : i32, i32
  }
  func.func @transform_3(%arg0: i32) -> (i32, i32) {
    %c0_i32 = arith.constant 0 : i32
    %c0_i32_0 = arith.constant 0 : i32
    %c0_i32_1 = arith.constant 0 : i32
    return %c0_i32, %c0_i32_0 : i32, i32
  }
  func.func @transform_4(%arg0: i32) -> (i32, i32) {
    %c0_i32 = arith.constant 0 : i32
    %c0_i32_0 = arith.constant 0 : i32
    %c0_i32_1 = arith.constant 0 : i32
    return %c0_i32, %c0_i32_0 : i32, i32
  }
  func.func @transform_5(%arg0: i32) -> (i32, i32) {
    %c0_i32 = arith.constant 0 : i32
    %c0_i32_0 = arith.constant 0 : i32
    %c0_i32_1 = arith.constant 0 : i32
    return %c0_i32, %c0_i32_0 : i32, i32
  }
  func.func @transform_6(%arg0: i32) -> (i32, i32) {
    %c0_i32 = arith.constant 0 : i32
    %c0_i32_0 = arith.constant 0 : i32
    %c0_i32_1 = arith.constant 0 : i32
    return %c0_i32, %c0_i32_0 : i32, i32
  }
  func.func @transform_7(%arg0: i32) -> (i32, i32) {
    %c0_i32 = arith.constant 0 : i32
    %c0_i32_0 = arith.constant 0 : i32
    %c0_i32_1 = arith.constant 0 : i32
    return %c0_i32, %c0_i32_0 : i32, i32
  }
  func.func @transform_8(%arg0: i32) -> (i32, i32) {
    %c0_i32 = arith.constant 0 : i32
    %c0_i32_0 = arith.constant 0 : i32
    return %arg0, %c0_i32 : i32, i32
  }
  func.func @transform_9(%arg0: i32) -> (i32, i32) {
    %c0_i32 = arith.constant 0 : i32
    %c0_i32_0 = arith.constant 0 : i32
    %c0_i32_1 = arith.constant 0 : i32
    return %c0_i32, %c0_i32_0 : i32, i32
  }
}

module attributes {stable_mosaic.version = 14 : i64} {
  func.func @_p2_body(%arg0: i32, %arg1: memref<200x128xf32, #tpu.memory_space<vmem>>, %arg2: memref<6400x128xf32, #tpu.memory_space<vmem>>, %arg3: memref<16x6400xf32, #tpu.memory_space<vmem>>, %arg4: memref<16x128xf32, #tpu.memory_space<vmem>>, %arg5: memref<8x128xf32, #tpu.memory_space<vmem>>, %arg6: memref<8x128xf32, #tpu.memory_space<vmem>>, %arg7: memref<1x128xf32, #tpu.memory_space<vmem>>, %arg8: memref<1x128xf32, #tpu.memory_space<vmem>>, %arg9: memref<200x64xf32, #tpu.memory_space<vmem>>, %arg10: memref<8x64xf32, #tpu.memory_space<vmem>>) attributes {dimension_semantics = [#tpu.dimension_semantics<arbitrary>], iteration_bounds = array<i64: 28>, scalar_prefetch = 0 : i64, scratch_operands = 0 : i64, tpu.core_type = #tpu.core_type<tc>, window_params = [{transform_indices = @transform_0, window_bounds = array<i64: 200, 128>}, {transform_indices = @transform_1, window_bounds = array<i64: 6400, 128>}, {transform_indices = @transform_2, window_bounds = array<i64: 16, 6400>}, {pipeline_mode = #tpu.pipeline_mode<synchronous>, transform_indices = @transform_3, window_bounds = array<i64: 16, 128>}, {pipeline_mode = #tpu.pipeline_mode<synchronous>, transform_indices = @transform_4, window_bounds = array<i64: 8, 128>}, {pipeline_mode = #tpu.pipeline_mode<synchronous>, transform_indices = @transform_5, window_bounds = array<i64: 8, 128>}, {pipeline_mode = #tpu.pipeline_mode<synchronous>, transform_indices = @transform_6, window_bounds = array<i64: 1, 128>}, {pipeline_mode = #tpu.pipeline_mode<synchronous>, transform_indices = @transform_7, window_bounds = array<i64: 1, 128>}, {transform_indices = @transform_8, window_bounds = array<i64: 200, 64>}, {pipeline_mode = #tpu.pipeline_mode<synchronous>, transform_indices = @transform_9, window_bounds = array<i64: 8, 64>}]} {
    %get3A = arith.constant 0 : index
    %get3A_0 = arith.constant 0 : index
    %get3A_1 = vector.load %arg5[%get3A, %get3A_0] : memref<8x128xf32, #tpu.memory_space<vmem>>, vector<1x128xf32>
    %get3A_2 = arith.constant 0 : index
    %get3A_3 = arith.constant 0 : index
    %get3A_4 = vector.load %arg6[%get3A_2, %get3A_3] : memref<8x128xf32, #tpu.memory_space<vmem>>, vector<1x128xf32>
    %add3A = arith.addf %get3A_1, %get3A_4 : vector<1x128xf32>
    %get3A_5 = arith.constant 1 : index
    %get3A_6 = arith.constant 0 : index
    %get3A_7 = vector.load %arg5[%get3A_5, %get3A_6] : memref<8x128xf32, #tpu.memory_space<vmem>>, vector<1x128xf32>
    %get3A_8 = arith.constant 1 : index
    %get3A_9 = arith.constant 0 : index
    %get3A_10 = vector.load %arg6[%get3A_8, %get3A_9] : memref<8x128xf32, #tpu.memory_space<vmem>>, vector<1x128xf32>
    %add3A_11 = arith.addf %get3A_7, %get3A_10 : vector<1x128xf32>
    %div3A = arith.constant 3.200000e+05 : f32
    %div3A_12 = vector.broadcast %div3A : f32 to vector<1x128xf32>
    %div3A_13 = arith.divf %add3A, %div3A_12 : vector<1x128xf32>
    %div3A_14 = arith.constant 3.200000e+05 : f32
    %div3A_15 = vector.broadcast %div3A_14 : f32 to vector<1x128xf32>
    %div3A_16 = arith.divf %add3A_11, %div3A_15 : vector<1x128xf32>
    %mul3A = arith.mulf %div3A_13, %div3A_13 : vector<1x128xf32>
    %sub3A = arith.subf %div3A_16, %mul3A : vector<1x128xf32>
    %get3A_17 = arith.constant 0 : index
    %get3A_18 = arith.constant 0 : index
    %get3A_19 = vector.load %arg7[%get3A_17, %get3A_18] : memref<1x128xf32, #tpu.memory_space<vmem>>, vector<1x128xf32>
    %add3A_20 = arith.constant 9.99999974E-6 : f32
    %add3A_21 = vector.broadcast %add3A_20 : f32 to vector<1x128xf32>
    %add3A_22 = arith.addf %sub3A, %add3A_21 : vector<1x128xf32>
    %rsqrt3A = math.rsqrt %add3A_22 : vector<1x128xf32>
    %mul3A_23 = arith.mulf %get3A_19, %rsqrt3A : vector<1x128xf32>
    %get3A_24 = arith.constant 0 : index
    %get3A_25 = arith.constant 0 : index
    %get3A_26 = vector.load %arg8[%get3A_24, %get3A_25] : memref<1x128xf32, #tpu.memory_space<vmem>>, vector<1x128xf32>
    %mul3A_27 = arith.mulf %div3A_13, %mul3A_23 : vector<1x128xf32>
    %sub3A_28 = arith.subf %get3A_26, %mul3A_27 : vector<1x128xf32>
    %get3A_29 = arith.constant 0 : index
    %get3A_30 = arith.constant 0 : index
    %get3A_31 = vector.load %arg4[%get3A_29, %get3A_30] : memref<16x128xf32, #tpu.memory_space<vmem>>, vector<16x128xf32>
    %mul3A_32 = vector.broadcast %mul3A_23 : vector<1x128xf32> to vector<16x128xf32>
    %mul3A_33 = arith.mulf %get3A_31, %mul3A_32 : vector<16x128xf32>
    %get3A_34 = arith.constant 0 : index
    %get3A_35 = arith.constant 0 : index
    %get3A_36 = vector.load %arg1[%get3A_34, %get3A_35] : memref<200x128xf32, #tpu.memory_space<vmem>>, vector<200x128xf32>
    %mul3A_37 = vector.broadcast %mul3A_23 : vector<1x128xf32> to vector<200x128xf32>
    %mul3A_38 = arith.mulf %get3A_36, %mul3A_37 : vector<200x128xf32>
    %add3A_39 = vector.broadcast %sub3A_28 : vector<1x128xf32> to vector<200x128xf32>
    %add3A_40 = arith.addf %mul3A_38, %add3A_39 : vector<200x128xf32>
    %get3A_41 = arith.constant 0 : index
    %get3A_42 = arith.constant 0 : index
    %get3A_43 = vector.load %arg3[%get3A_41, %get3A_42] : memref<16x6400xf32, #tpu.memory_space<vmem>>, vector<16x6400xf32>
    %dot_general3A = arith.constant dense<0.000000e+00> : vector<6400x128xf32>
    %dot_general3A_44 = tpu.matmul %get3A_43, %mul3A_33, %dot_general3A {dimension_numbers = #tpu.dot_dimension_numbers<[0], [0], [1], [1], [0, 1, 1, 1], [], []>, transpose_lhs_hint = false} : vector<16x6400xf32>, vector<16x128xf32>, vector<6400x128xf32> -> vector<6400x128xf32>
    %get3A_45 = arith.constant 0 : index
    %get3A_46 = arith.constant 0 : index
    %get3A_47 = vector.load %arg2[%get3A_45, %get3A_46] : memref<6400x128xf32, #tpu.memory_space<vmem>>, vector<6400x128xf32>
    %mul3A_48 = vector.broadcast %mul3A_23 : vector<1x128xf32> to vector<6400x128xf32>
    %mul3A_49 = arith.mulf %get3A_47, %mul3A_48 : vector<6400x128xf32>
    %add3A_50 = arith.addf %mul3A_49, %dot_general3A_44 : vector<6400x128xf32>
    %reshape3A = vector.shape_cast %add3A_50 : vector<6400x128xf32> to vector<200x32x128xf32>
    %broadcast_in_dim3A = vector.shape_cast %add3A_40 : vector<200x128xf32> to vector<200x1x128xf32>
    %add3A_51 = vector.broadcast %broadcast_in_dim3A : vector<200x1x128xf32> to vector<200x32x128xf32>
    %add3A_52 = arith.addf %reshape3A, %add3A_51 : vector<200x32x128xf32>
    %mul3A_53 = arith.constant 5.000000e-01 : f32
    %mul3A_54 = vector.broadcast %mul3A_53 : f32 to vector<200x32x128xf32>
    %mul3A_55 = arith.mulf %mul3A_54, %add3A_52 : vector<200x32x128xf32>
    %tanh3A = math.tanh %mul3A_55 : vector<200x32x128xf32>
    %mul3A_56 = arith.constant 5.000000e-01 : f32
    %mul3A_57 = vector.broadcast %mul3A_56 : f32 to vector<200x32x128xf32>
    %mul3A_58 = arith.mulf %mul3A_57, %tanh3A : vector<200x32x128xf32>
    %add3A_59 = arith.constant 5.000000e-01 : f32
    %add3A_60 = vector.broadcast %add3A_59 : f32 to vector<200x32x128xf32>
    %add3A_61 = arith.addf %mul3A_58, %add3A_60 : vector<200x32x128xf32>
    %max3A = arith.constant 0.000000e+00 : f32
    %max3A_62 = vector.broadcast %max3A : f32 to vector<200x32x128xf32>
    %max3A_63 = arith.maximumf %add3A_52, %max3A_62 : vector<200x32x128xf32>
    %abs3A = math.absf %add3A_52 : vector<200x32x128xf32>
    %neg3A = arith.constant 0.000000e+00 : f32
    %neg3A_64 = vector.broadcast %neg3A : f32 to vector<200x32x128xf32>
    %neg3A_65 = arith.subf %neg3A_64, %abs3A : vector<200x32x128xf32>
    %exp3A = math.exp %neg3A_65 : vector<200x32x128xf32>
    %log1p3A = math.log1p %exp3A : vector<200x32x128xf32>
    %add3A_66 = arith.addf %max3A_63, %log1p3A : vector<200x32x128xf32>
    %roll3A = arith.constant 64 : i32
    %roll3A_67 = tpu.dynamic_rotate %add3A_66 by %roll3A dim 2 : vector<200x32x128xf32>, i32 -> vector<200x32x128xf32>
    %mul3A_68 = arith.mulf %add3A_61, %roll3A_67 : vector<200x32x128xf32>
    %reduce_sum3A = arith.constant dense<0.000000e+00> : vector<200x128xf32>
    %reduce_sum3A_69 = vector.multi_reduction <add>, %mul3A_68, %reduce_sum3A [1] : vector<200x32x128xf32> to vector<200x128xf32>
    %slice3A = vector.extract_strided_slice %reduce_sum3A_69 {offsets = [0, 0], sizes = [200, 64], strides = [1, 1]} : vector<200x128xf32> to vector<200x64xf32>
    %swap3A = arith.constant 0 : index
    %swap3A_70 = arith.constant 0 : index
    %swap3A_71 = vector.load %arg9[%swap3A, %swap3A_70] : memref<200x64xf32, #tpu.memory_space<vmem>>, vector<200x64xf32>
    tpu.vector_store %arg9[%swap3A, %swap3A_70], %slice3A {strides = array<i32>} : memref<200x64xf32, #tpu.memory_space<vmem>>, vector<200x64xf32>,
    %eq3A = arith.constant 0 : i32
    %eq3A_72 = arith.cmpi eq, %arg0, %eq3A : i32
    %convert_element_type3A = arith.extui %eq3A_72 : i1 to i32
    %cond3A = arith.constant 0 : i32
    %cond3A_73 = arith.cmpi ne, %convert_element_type3A, %cond3A : i32
    scf.if %cond3A_73 {
      %broadcast_in_dim3A_95 = arith.constant 0.000000e+00 : f32
      %broadcast_in_dim3A_96 = vector.broadcast %broadcast_in_dim3A_95 : f32 to vector<8x64xf32>
      %swap3A_97 = arith.constant 0 : index
      %swap3A_98 = arith.constant 0 : index
      %swap3A_99 = vector.load %arg10[%swap3A_97, %swap3A_98] : memref<8x64xf32, #tpu.memory_space<vmem>>, vector<8x64xf32>
      tpu.vector_store %arg10[%swap3A_97, %swap3A_98], %broadcast_in_dim3A_96 {strides = array<i32>} : memref<8x64xf32, #tpu.memory_space<vmem>>, vector<8x64xf32>,
    } else {
    }
    %get3A_74 = arith.constant 0 : index
    %get3A_75 = arith.constant 0 : index
    %get3A_76 = vector.load %arg10[%get3A_74, %get3A_75] : memref<8x64xf32, #tpu.memory_space<vmem>>, vector<1x64xf32>
    %reduce_sum3A_77 = arith.constant dense<0.000000e+00> : vector<64xf32>
    %reduce_sum3A_78 = vector.multi_reduction <add>, %slice3A, %reduce_sum3A_77 [0] : vector<200x64xf32> to vector<64xf32>
    %broadcast_in_dim3A_79 = vector.shape_cast %reduce_sum3A_78 : vector<64xf32> to vector<1x64xf32>
    %add3A_80 = arith.addf %get3A_76, %broadcast_in_dim3A_79 : vector<1x64xf32>
    %swap3A_81 = arith.constant 0 : index
    %swap3A_82 = arith.constant 0 : index
    %swap3A_83 = vector.load %arg10[%swap3A_81, %swap3A_82] : memref<8x64xf32, #tpu.memory_space<vmem>>, vector<1x64xf32>
    tpu.vector_store %arg10[%swap3A_81, %swap3A_82], %add3A_80 {strides = array<i32>} : memref<8x64xf32, #tpu.memory_space<vmem>>, vector<1x64xf32>,
    %get3A_84 = arith.constant 1 : index
    %get3A_85 = arith.constant 0 : index
    %get3A_86 = vector.load %arg10[%get3A_84, %get3A_85] : memref<8x64xf32, #tpu.memory_space<vmem>>, vector<1x64xf32>
    %mul3A_87 = arith.mulf %slice3A, %slice3A : vector<200x64xf32>
    %reduce_sum3A_88 = arith.constant dense<0.000000e+00> : vector<64xf32>
    %reduce_sum3A_89 = vector.multi_reduction <add>, %mul3A_87, %reduce_sum3A_88 [0] : vector<200x64xf32> to vector<64xf32>
    %broadcast_in_dim3A_90 = vector.shape_cast %reduce_sum3A_89 : vector<64xf32> to vector<1x64xf32>
    %add3A_91 = arith.addf %get3A_86, %broadcast_in_dim3A_90 : vector<1x64xf32>
    %swap3A_92 = arith.constant 1 : index
    %swap3A_93 = arith.constant 0 : index
    %swap3A_94 = vector.load %arg10[%swap3A_92, %swap3A_93] : memref<8x64xf32, #tpu.memory_space<vmem>>, vector<1x64xf32>
    tpu.vector_store %arg10[%swap3A_92, %swap3A_93], %add3A_91 {strides = array<i32>} : memref<8x64xf32, #tpu.memory_space<vmem>>, vector<1x64xf32>,
    return
  }
  func.func @transform_0(%arg0: i32) -> (i32, i32) {
    %add3A = arith.constant 0 : i32
    %add3A_0 = arith.addi %arg0, %add3A : i32
    %c0_i32 = arith.constant 0 : i32
    %c0_i32_1 = arith.constant 0 : i32
    return %add3A_0, %c0_i32 : i32, i32
  }
  func.func @transform_1(%arg0: i32) -> (i32, i32) {
    %c0_i32 = arith.constant 0 : i32
    %c0_i32_0 = arith.constant 0 : i32
    return %arg0, %c0_i32 : i32, i32
  }
  func.func @transform_2(%arg0: i32) -> (i32, i32) {
    %add3A = arith.constant 0 : i32
    %add3A_0 = arith.addi %arg0, %add3A : i32
    %c0_i32 = arith.constant 0 : i32
    %c0_i32_1 = arith.constant 0 : i32
    return %c0_i32, %add3A_0 : i32, i32
  }
  func.func @transform_3(%arg0: i32) -> (i32, i32) {
    %c0_i32 = arith.constant 0 : i32
    %c0_i32_0 = arith.constant 0 : i32
    %c0_i32_1 = arith.constant 0 : i32
    return %c0_i32, %c0_i32_0 : i32, i32
  }
  func.func @transform_4(%arg0: i32) -> (i32, i32) {
    %c0_i32 = arith.constant 0 : i32
    %c0_i32_0 = arith.constant 0 : i32
    %c0_i32_1 = arith.constant 0 : i32
    return %c0_i32, %c0_i32_0 : i32, i32
  }
  func.func @transform_5(%arg0: i32) -> (i32, i32) {
    %c0_i32 = arith.constant 0 : i32
    %c0_i32_0 = arith.constant 0 : i32
    %c0_i32_1 = arith.constant 0 : i32
    return %c0_i32, %c0_i32_0 : i32, i32
  }
  func.func @transform_6(%arg0: i32) -> (i32, i32) {
    %c0_i32 = arith.constant 0 : i32
    %c0_i32_0 = arith.constant 0 : i32
    %c0_i32_1 = arith.constant 0 : i32
    return %c0_i32, %c0_i32_0 : i32, i32
  }
  func.func @transform_7(%arg0: i32) -> (i32, i32) {
    %c0_i32 = arith.constant 0 : i32
    %c0_i32_0 = arith.constant 0 : i32
    %c0_i32_1 = arith.constant 0 : i32
    return %c0_i32, %c0_i32_0 : i32, i32
  }
  func.func @transform_8(%arg0: i32) -> (i32, i32) {
    %c0_i32 = arith.constant 0 : i32
    %c0_i32_0 = arith.constant 0 : i32
    return %arg0, %c0_i32 : i32, i32
  }
  func.func @transform_9(%arg0: i32) -> (i32, i32) {
    %c0_i32 = arith.constant 0 : i32
    %c0_i32_0 = arith.constant 0 : i32
    %c0_i32_1 = arith.constant 0 : i32
    return %c0_i32, %c0_i32_0 : i32, i32
  }
}

module attributes {stable_mosaic.version = 14 : i64} {
  func.func @_p3_body(%arg0: memref<10000x64xf32, #tpu.memory_space<vmem>>, %arg1: memref<5600x64xf32, #tpu.memory_space<vmem>>, %arg2: memref<4400x64xf32, #tpu.memory_space<vmem>>, %arg3: memref<8x64xf32, #tpu.memory_space<vmem>>, %arg4: memref<8x64xf32, #tpu.memory_space<vmem>>, %arg5: memref<1x64xf32, #tpu.memory_space<vmem>>, %arg6: memref<1x64xf32, #tpu.memory_space<vmem>>, %arg7: memref<64x128xf32, #tpu.memory_space<vmem>>, %arg8: memref<1x128xf32, #tpu.memory_space<vmem>>, %arg9: memref<64x128xf32, #tpu.memory_space<vmem>>, %arg10: memref<10000x64xf32, #tpu.memory_space<vmem>>, %arg11: memref<10000x128xf32, #tpu.memory_space<vmem>>, %arg12: memref<10000x128xf32, #tpu.memory_space<vmem>>) attributes {dimension_semantics = [], scalar_prefetch = 0 : i64, scratch_operands = 0 : i64, tpu.core_type = #tpu.core_type<tc>} {
    %get3A = arith.constant 0 : index
    %get3A_0 = arith.constant 0 : index
    %get3A_1 = vector.load %arg3[%get3A, %get3A_0] : memref<8x64xf32, #tpu.memory_space<vmem>>, vector<1x64xf32>
    %get3A_2 = arith.constant 0 : index
    %get3A_3 = arith.constant 0 : index
    %get3A_4 = vector.load %arg4[%get3A_2, %get3A_3] : memref<8x64xf32, #tpu.memory_space<vmem>>, vector<1x64xf32>
    %add3A = arith.addf %get3A_1, %get3A_4 : vector<1x64xf32>
    %get3A_5 = arith.constant 1 : index
    %get3A_6 = arith.constant 0 : index
    %get3A_7 = vector.load %arg3[%get3A_5, %get3A_6] : memref<8x64xf32, #tpu.memory_space<vmem>>, vector<1x64xf32>
    %get3A_8 = arith.constant 1 : index
    %get3A_9 = arith.constant 0 : index
    %get3A_10 = vector.load %arg4[%get3A_8, %get3A_9] : memref<8x64xf32, #tpu.memory_space<vmem>>, vector<1x64xf32>
    %add3A_11 = arith.addf %get3A_7, %get3A_10 : vector<1x64xf32>
    %div3A = arith.constant 1.000000e+04 : f32
    %div3A_12 = vector.broadcast %div3A : f32 to vector<1x64xf32>
    %div3A_13 = arith.divf %add3A, %div3A_12 : vector<1x64xf32>
    %div3A_14 = arith.constant 1.000000e+04 : f32
    %div3A_15 = vector.broadcast %div3A_14 : f32 to vector<1x64xf32>
    %div3A_16 = arith.divf %add3A_11, %div3A_15 : vector<1x64xf32>
    %mul3A = arith.mulf %div3A_13, %div3A_13 : vector<1x64xf32>
    %sub3A = arith.subf %div3A_16, %mul3A : vector<1x64xf32>
    %get3A_17 = arith.constant 0 : index
    %get3A_18 = arith.constant 0 : index
    %get3A_19 = vector.load %arg5[%get3A_17, %get3A_18] : memref<1x64xf32, #tpu.memory_space<vmem>>, vector<1x64xf32>
    %add3A_20 = arith.constant 9.99999974E-6 : f32
    %add3A_21 = vector.broadcast %add3A_20 : f32 to vector<1x64xf32>
    %add3A_22 = arith.addf %sub3A, %add3A_21 : vector<1x64xf32>
    %rsqrt3A = math.rsqrt %add3A_22 : vector<1x64xf32>
    %mul3A_23 = arith.mulf %get3A_19, %rsqrt3A : vector<1x64xf32>
    %get3A_24 = arith.constant 0 : index
    %get3A_25 = arith.constant 0 : index
    %get3A_26 = vector.load %arg6[%get3A_24, %get3A_25] : memref<1x64xf32, #tpu.memory_space<vmem>>, vector<1x64xf32>
    %mul3A_27 = arith.mulf %div3A_13, %mul3A_23 : vector<1x64xf32>
    %sub3A_28 = arith.subf %get3A_26, %mul3A_27 : vector<1x64xf32>
    %get3A_29 = arith.constant 0 : index
    %get3A_30 = arith.constant 0 : index
    %get3A_31 = vector.load %arg1[%get3A_29, %get3A_30] : memref<5600x64xf32, #tpu.memory_space<vmem>>, vector<5600x64xf32>
    %get3A_32 = arith.constant 0 : index
    %get3A_33 = arith.constant 0 : index
    %get3A_34 = vector.load %arg2[%get3A_32, %get3A_33] : memref<4400x64xf32, #tpu.memory_space<vmem>>, vector<4400x64xf32>
    %concatenate3A = tpu.concatenate %get3A_31, %get3A_34 in 0 : vector<5600x64xf32>, vector<4400x64xf32> -> vector<10000x64xf32>
    %get3A_35 = arith.constant 0 : index
    %get3A_36 = arith.constant 0 : index
    %get3A_37 = vector.load %arg0[%get3A_35, %get3A_36] : memref<10000x64xf32, #tpu.memory_space<vmem>>, vector<10000x64xf32>
    %mul3A_38 = vector.broadcast %mul3A_23 : vector<1x64xf32> to vector<10000x64xf32>
    %mul3A_39 = arith.mulf %concatenate3A, %mul3A_38 : vector<10000x64xf32>
    %add3A_40 = arith.addf %get3A_37, %mul3A_39 : vector<10000x64xf32>
    %add3A_41 = vector.broadcast %sub3A_28 : vector<1x64xf32> to vector<10000x64xf32>
    %add3A_42 = arith.addf %add3A_40, %add3A_41 : vector<10000x64xf32>
    %max3A = arith.constant 0.000000e+00 : f32
    %max3A_43 = vector.broadcast %max3A : f32 to vector<10000x64xf32>
    %max3A_44 = arith.maximumf %add3A_42, %max3A_43 : vector<10000x64xf32>
    %abs3A = math.absf %add3A_42 : vector<10000x64xf32>
    %neg3A = arith.constant 0.000000e+00 : f32
    %neg3A_45 = vector.broadcast %neg3A : f32 to vector<10000x64xf32>
    %neg3A_46 = arith.subf %neg3A_45, %abs3A : vector<10000x64xf32>
    %exp3A = math.exp %neg3A_46 : vector<10000x64xf32>
    %log1p3A = math.log1p %exp3A : vector<10000x64xf32>
    %add3A_47 = arith.addf %max3A_44, %log1p3A : vector<10000x64xf32>
    %swap3A = arith.constant 0 : index
    %swap3A_48 = arith.constant 0 : index
    %swap3A_49 = vector.load %arg10[%swap3A, %swap3A_48] : memref<10000x64xf32, #tpu.memory_space<vmem>>, vector<10000x64xf32>
    tpu.vector_store %arg10[%swap3A, %swap3A_48], %add3A_47 {strides = array<i32>} : memref<10000x64xf32, #tpu.memory_space<vmem>>, vector<10000x64xf32>,
    %get3A_50 = arith.constant 0 : index
    %get3A_51 = arith.constant 0 : index
    %get3A_52 = vector.load %arg7[%get3A_50, %get3A_51] : memref<64x128xf32, #tpu.memory_space<vmem>>, vector<64x128xf32>
    %dot_general3A = arith.constant dense<0.000000e+00> : vector<10000x128xf32>
    %dot_general3A_53 = tpu.matmul %add3A_47, %get3A_52, %dot_general3A {dimension_numbers = #tpu.dot_dimension_numbers<[1], [0], [0], [1], [0, 0, 1, 1], [], []>, transpose_lhs_hint = false} : vector<10000x64xf32>, vector<64x128xf32>, vector<10000x128xf32> -> vector<10000x128xf32>
    %get3A_54 = arith.constant 0 : index
    %get3A_55 = arith.constant 0 : index
    %get3A_56 = vector.load %arg8[%get3A_54, %get3A_55] : memref<1x128xf32, #tpu.memory_space<vmem>>, vector<1x128xf32>
    %add3A_57 = vector.broadcast %get3A_56 : vector<1x128xf32> to vector<10000x128xf32>
    %add3A_58 = arith.addf %dot_general3A_53, %add3A_57 : vector<10000x128xf32>
    %swap3A_59 = arith.constant 0 : index
    %swap3A_60 = arith.constant 0 : index
    %swap3A_61 = vector.load %arg11[%swap3A_59, %swap3A_60] : memref<10000x128xf32, #tpu.memory_space<vmem>>, vector<10000x128xf32>
    tpu.vector_store %arg11[%swap3A_59, %swap3A_60], %add3A_58 {strides = array<i32>} : memref<10000x128xf32, #tpu.memory_space<vmem>>, vector<10000x128xf32>,
    %get3A_62 = arith.constant 0 : index
    %get3A_63 = arith.constant 0 : index
    %get3A_64 = vector.load %arg9[%get3A_62, %get3A_63] : memref<64x128xf32, #tpu.memory_space<vmem>>, vector<64x128xf32>
    %dot_general3A_65 = arith.constant dense<0.000000e+00> : vector<10000x128xf32>
    %dot_general3A_66 = tpu.matmul %add3A_47, %get3A_64, %dot_general3A_65 {dimension_numbers = #tpu.dot_dimension_numbers<[1], [0], [0], [1], [0, 0, 1, 1], [], []>, transpose_lhs_hint = false} : vector<10000x64xf32>, vector<64x128xf32>, vector<10000x128xf32> -> vector<10000x128xf32>
    %swap3A_67 = arith.constant 0 : index
    %swap3A_68 = arith.constant 0 : index
    %swap3A_69 = vector.load %arg12[%swap3A_67, %swap3A_68] : memref<10000x128xf32, #tpu.memory_space<vmem>>, vector<10000x128xf32>
    tpu.vector_store %arg12[%swap3A_67, %swap3A_68], %dot_general3A_66 {strides = array<i32>} : memref<10000x128xf32, #tpu.memory_space<vmem>>, vector<10000x128xf32>,
    return
  }
}

module attributes {stable_mosaic.version = 14 : i64} {
  func.func @_p3_last_body(%arg0: memref<10000x64xf32, #tpu.memory_space<vmem>>, %arg1: memref<5600x64xf32, #tpu.memory_space<vmem>>, %arg2: memref<4400x64xf32, #tpu.memory_space<vmem>>, %arg3: memref<8x64xf32, #tpu.memory_space<vmem>>, %arg4: memref<8x64xf32, #tpu.memory_space<vmem>>, %arg5: memref<1x64xf32, #tpu.memory_space<vmem>>, %arg6: memref<1x64xf32, #tpu.memory_space<vmem>>, %arg7: memref<10000x64xf32, #tpu.memory_space<vmem>>) attributes {dimension_semantics = [], scalar_prefetch = 0 : i64, scratch_operands = 0 : i64, tpu.core_type = #tpu.core_type<tc>} {
    %get3A = arith.constant 0 : index
    %get3A_0 = arith.constant 0 : index
    %get3A_1 = vector.load %arg3[%get3A, %get3A_0] : memref<8x64xf32, #tpu.memory_space<vmem>>, vector<1x64xf32>
    %get3A_2 = arith.constant 0 : index
    %get3A_3 = arith.constant 0 : index
    %get3A_4 = vector.load %arg4[%get3A_2, %get3A_3] : memref<8x64xf32, #tpu.memory_space<vmem>>, vector<1x64xf32>
    %add3A = arith.addf %get3A_1, %get3A_4 : vector<1x64xf32>
    %get3A_5 = arith.constant 1 : index
    %get3A_6 = arith.constant 0 : index
    %get3A_7 = vector.load %arg3[%get3A_5, %get3A_6] : memref<8x64xf32, #tpu.memory_space<vmem>>, vector<1x64xf32>
    %get3A_8 = arith.constant 1 : index
    %get3A_9 = arith.constant 0 : index
    %get3A_10 = vector.load %arg4[%get3A_8, %get3A_9] : memref<8x64xf32, #tpu.memory_space<vmem>>, vector<1x64xf32>
    %add3A_11 = arith.addf %get3A_7, %get3A_10 : vector<1x64xf32>
    %div3A = arith.constant 1.000000e+04 : f32
    %div3A_12 = vector.broadcast %div3A : f32 to vector<1x64xf32>
    %div3A_13 = arith.divf %add3A, %div3A_12 : vector<1x64xf32>
    %div3A_14 = arith.constant 1.000000e+04 : f32
    %div3A_15 = vector.broadcast %div3A_14 : f32 to vector<1x64xf32>
    %div3A_16 = arith.divf %add3A_11, %div3A_15 : vector<1x64xf32>
    %mul3A = arith.mulf %div3A_13, %div3A_13 : vector<1x64xf32>
    %sub3A = arith.subf %div3A_16, %mul3A : vector<1x64xf32>
    %get3A_17 = arith.constant 0 : index
    %get3A_18 = arith.constant 0 : index
    %get3A_19 = vector.load %arg5[%get3A_17, %get3A_18] : memref<1x64xf32, #tpu.memory_space<vmem>>, vector<1x64xf32>
    %add3A_20 = arith.constant 9.99999974E-6 : f32
    %add3A_21 = vector.broadcast %add3A_20 : f32 to vector<1x64xf32>
    %add3A_22 = arith.addf %sub3A, %add3A_21 : vector<1x64xf32>
    %rsqrt3A = math.rsqrt %add3A_22 : vector<1x64xf32>
    %mul3A_23 = arith.mulf %get3A_19, %rsqrt3A : vector<1x64xf32>
    %get3A_24 = arith.constant 0 : index
    %get3A_25 = arith.constant 0 : index
    %get3A_26 = vector.load %arg6[%get3A_24, %get3A_25] : memref<1x64xf32, #tpu.memory_space<vmem>>, vector<1x64xf32>
    %mul3A_27 = arith.mulf %div3A_13, %mul3A_23 : vector<1x64xf32>
    %sub3A_28 = arith.subf %get3A_26, %mul3A_27 : vector<1x64xf32>
    %get3A_29 = arith.constant 0 : index
    %get3A_30 = arith.constant 0 : index
    %get3A_31 = vector.load %arg1[%get3A_29, %get3A_30] : memref<5600x64xf32, #tpu.memory_space<vmem>>, vector<5600x64xf32>
    %get3A_32 = arith.constant 0 : index
    %get3A_33 = arith.constant 0 : index
    %get3A_34 = vector.load %arg2[%get3A_32, %get3A_33] : memref<4400x64xf32, #tpu.memory_space<vmem>>, vector<4400x64xf32>
    %concatenate3A = tpu.concatenate %get3A_31, %get3A_34 in 0 : vector<5600x64xf32>, vector<4400x64xf32> -> vector<10000x64xf32>
    %get3A_35 = arith.constant 0 : index
    %get3A_36 = arith.constant 0 : index
    %get3A_37 = vector.load %arg0[%get3A_35, %get3A_36] : memref<10000x64xf32, #tpu.memory_space<vmem>>, vector<10000x64xf32>
    %mul3A_38 = vector.broadcast %mul3A_23 : vector<1x64xf32> to vector<10000x64xf32>
    %mul3A_39 = arith.mulf %concatenate3A, %mul3A_38 : vector<10000x64xf32>
    %add3A_40 = arith.addf %get3A_37, %mul3A_39 : vector<10000x64xf32>
    %add3A_41 = vector.broadcast %sub3A_28 : vector<1x64xf32> to vector<10000x64xf32>
    %add3A_42 = arith.addf %add3A_40, %add3A_41 : vector<10000x64xf32>
    %max3A = arith.constant 0.000000e+00 : f32
    %max3A_43 = vector.broadcast %max3A : f32 to vector<10000x64xf32>
    %max3A_44 = arith.maximumf %add3A_42, %max3A_43 : vector<10000x64xf32>
    %abs3A = math.absf %add3A_42 : vector<10000x64xf32>
    %neg3A = arith.constant 0.000000e+00 : f32
    %neg3A_45 = vector.broadcast %neg3A : f32 to vector<10000x64xf32>
    %neg3A_46 = arith.subf %neg3A_45, %abs3A : vector<10000x64xf32>
    %exp3A = math.exp %neg3A_46 : vector<10000x64xf32>
    %log1p3A = math.log1p %exp3A : vector<10000x64xf32>
    %add3A_47 = arith.addf %max3A_44, %log1p3A : vector<10000x64xf32>
    %swap3A = arith.constant 0 : index
    %swap3A_48 = arith.constant 0 : index
    %swap3A_49 = vector.load %arg7[%swap3A, %swap3A_48] : memref<10000x64xf32, #tpu.memory_space<vmem>>, vector<10000x64xf32>
    tpu.vector_store %arg7[%swap3A, %swap3A_48], %add3A_47 {strides = array<i32>} : memref<10000x64xf32, #tpu.memory_space<vmem>>, vector<10000x64xf32>,
    return
  }
}

module attributes {stable_mosaic.version = 14 : i64} {
  func.func @_head_body(%arg0: memref<10000x64xf32, #tpu.memory_space<vmem>>, %arg1: memref<64x128xf32, #tpu.memory_space<vmem>>, %arg2: memref<1x128xf32, #tpu.memory_space<vmem>>, %arg3: memref<128x1xf32, #tpu.memory_space<vmem>>, %arg4: memref<1x1xf32, #tpu.memory_space<vmem>>, %arg5: memref<100x1xf32, #tpu.memory_space<vmem>>, %arg6: memref<100x128xf32, #tpu.memory_space<vmem>>) attributes {dimension_semantics = [], scalar_prefetch = 0 : i64, scratch_operands = 0 : i64, tpu.core_type = #tpu.core_type<tc>} {
    %get3A = arith.constant 0 : index
    %get3A_0 = arith.constant 0 : index
    %get3A_1 = vector.load %arg0[%get3A, %get3A_0] : memref<10000x64xf32, #tpu.memory_space<vmem>>, vector<10000x64xf32>
    %reshape3A = vector.shape_cast %get3A_1 : vector<10000x64xf32> to vector<100x100x64xf32>
    %reduce_sum3A = arith.constant dense<0.000000e+00> : vector<100x64xf32>
    %reduce_sum3A_2 = vector.multi_reduction <add>, %reshape3A, %reduce_sum3A [1] : vector<100x100x64xf32> to vector<100x64xf32>
    %mul3A = arith.constant 0.00999999977 : f32
    %mul3A_3 = vector.broadcast %mul3A : f32 to vector<100x64xf32>
    %mul3A_4 = arith.mulf %reduce_sum3A_2, %mul3A_3 : vector<100x64xf32>
    %get3A_5 = arith.constant 0 : index
    %get3A_6 = arith.constant 0 : index
    %get3A_7 = vector.load %arg1[%get3A_5, %get3A_6] : memref<64x128xf32, #tpu.memory_space<vmem>>, vector<64x128xf32>
    %dot_general3A = arith.constant dense<0.000000e+00> : vector<100x128xf32>
    %dot_general3A_8 = tpu.matmul %mul3A_4, %get3A_7, %dot_general3A {dimension_numbers = #tpu.dot_dimension_numbers<[1], [0], [0], [1], [0, 0, 1, 1], [], []>, transpose_lhs_hint = false} : vector<100x64xf32>, vector<64x128xf32>, vector<100x128xf32> -> vector<100x128xf32>
    %get3A_9 = arith.constant 0 : index
    %get3A_10 = arith.constant 0 : index
    %get3A_11 = vector.load %arg2[%get3A_9, %get3A_10] : memref<1x128xf32, #tpu.memory_space<vmem>>, vector<1x128xf32>
    %add3A = vector.broadcast %get3A_11 : vector<1x128xf32> to vector<100x128xf32>
    %add3A_12 = arith.addf %dot_general3A_8, %add3A : vector<100x128xf32>
    %max3A = arith.constant 0.000000e+00 : f32
    %max3A_13 = vector.broadcast %max3A : f32 to vector<100x128xf32>
    %max3A_14 = arith.maximumf %add3A_12, %max3A_13 : vector<100x128xf32>
    %abs3A = math.absf %add3A_12 : vector<100x128xf32>
    %neg3A = arith.constant 0.000000e+00 : f32
    %neg3A_15 = vector.broadcast %neg3A : f32 to vector<100x128xf32>
    %neg3A_16 = arith.subf %neg3A_15, %abs3A : vector<100x128xf32>
    %exp3A = math.exp %neg3A_16 : vector<100x128xf32>
    %log1p3A = math.log1p %exp3A : vector<100x128xf32>
    %add3A_17 = arith.addf %max3A_14, %log1p3A : vector<100x128xf32>
    %swap3A = arith.constant 0 : index
    %swap3A_18 = arith.constant 0 : index
    %swap3A_19 = vector.load %arg6[%swap3A, %swap3A_18] : memref<100x128xf32, #tpu.memory_space<vmem>>, vector<100x128xf32>
    tpu.vector_store %arg6[%swap3A, %swap3A_18], %add3A_17 {strides = array<i32>} : memref<100x128xf32, #tpu.memory_space<vmem>>, vector<100x128xf32>,
    %get3A_20 = arith.constant 0 : index
    %get3A_21 = arith.constant 0 : index
    %get3A_22 = vector.load %arg3[%get3A_20, %get3A_21] : memref<128x1xf32, #tpu.memory_space<vmem>>, vector<128x1xf32>
    %dot_general3A_23 = arith.constant dense<0.000000e+00> : vector<100x1xf32>
    %dot_general3A_24 = tpu.matmul %add3A_17, %get3A_22, %dot_general3A_23 {dimension_numbers = #tpu.dot_dimension_numbers<[1], [0], [0], [1], [0, 0, 1, 1], [], []>, transpose_lhs_hint = false} : vector<100x128xf32>, vector<128x1xf32>, vector<100x1xf32> -> vector<100x1xf32>
    %get3A_25 = arith.constant 0 : index
    %get3A_26 = arith.constant 0 : index
    %get3A_27 = vector.load %arg4[%get3A_25, %get3A_26] : memref<1x1xf32, #tpu.memory_space<vmem>>, vector<1x1xf32>
    %add3A_28 = vector.broadcast %get3A_27 : vector<1x1xf32> to vector<100x1xf32>
    %add3A_29 = arith.addf %dot_general3A_24, %add3A_28 : vector<100x1xf32>
    %swap3A_30 = arith.constant 0 : index
    %swap3A_31 = arith.constant 0 : index
    %swap3A_32 = vector.load %arg5[%swap3A_30, %swap3A_31] : memref<100x1xf32, #tpu.memory_space<vmem>>, vector<100x1xf32>
    tpu.vector_store %arg5[%swap3A_30, %swap3A_31], %add3A_29 {strides = array<i32>} : memref<100x1xf32, #tpu.memory_space<vmem>>, vector<100x1xf32>,
    return
  }
}

</mosaic_0001>

<sc_bundles>
// kernel: kernel.25.cloned.1.call-start
scs
__scs_entry_jumppad:
0x0: {  	(pc) =	sbr.rel $0x88, $3  }
0x1: {  	(tag) =	ssettag $0x0;
	lr =	simm.s32 $0x1  }
0x2: {  	[smem:$0x3F86] =	sst lr;
	_ =	strace $0xD0000000  }
0x3: {  	_ = 	snop  }
0x4: {  	_ = 	snop  }
0x5: {  	_ = 	snop  }
0x6: {  	_ = 	snop  }
0x7: {  	_ = 	snop  }
__scs_overlays_trampoline_lowered:
0x8: {  	[smem:$0x3F95] =	sst s0  }
0x9: {  	[smem:$0x3F96] =	sst s1  }
0xa: {  	[smem:$0x3F97] =	sst s2  }
0xb: {  	[smem:$0x3F98] =	sst s3  }
0xc: {  	[smem:$0x3F99] =	sst s4  }
0xd: {  	[smem:$0x3F9A] =	sst s5  }
0xe: {  	[smem:$0x3F9B] =	sst s6  }
0xf: {  	[smem:$0x3F9C] =	sst s7  }
0x10: {  	[smem:$0x3F9D] =	sst s8  }
0x11: {  	[smem:$0x3F9E] =	sst s9;
	s0 =	simm.s32 @!p0 $0x0  }
0x12: {  	s1 =	sld [smem:$0x3F84];
	s0 =	simm.s32 @p0 $0x1  }
0x13: {  	[smem:$0x3F9F] =	sst s0;
	s0 =	simm.s32 @!p1 $0x0  }
0x14: {  	s2 =	sld [smem:$0x3F83];
	s0 =	simm.s32 @p1 $0x1  }
0x15: {  	[smem:$0x3FA0] =	sst s0;
	s0 =	simm.s32 @!p2 $0x0  }
0x16: {  	s3 =	sld [smem:$0x3FDB];
	s0 =	simm.s32 @p2 $0x1  }
0x17: {  	s4 =	simm.s32 $0x1BF5;
	[smem:$0x3FA2] =	sst s0  }
0x18: {  	s0 =	sld [smem:$0x3F85];
	_ =	swait.ge [sflag:s4], $0x0  }
0x19: {  	s7 =	sld [smem:$0x3F86]  }
0x1a: {  	s8 =	sadd.s32 $0xFFFFE003, lr  }
0x1b: {  	s9 =	sadd.s32 $0xFFFFFEF7, lr;
	s5 =	simm.s32 $0xFFFFFFFF;
	p2 =	slt.u32 s8, $0xFFFFF086  }
0x1c: {  	p1 =	slt.u32 s9, $0xF7A;
	s5 =	simm.s32 @!p2 $0x0  }
0x1d: {  	s5 =	simm.s32 @p1 $0x1;
	p0 =	seq.s32 s7, s2  }
0x1e: {  	s7 =	smul.u32 @!p0 $0xF7A, s2;
	p2 =	seq.s32 @!p0 s5, $0x0  }
0x1f: {  	s9 =	smul.u32 $0xF7A, s1;
	s8 =	simm.s32 @!p0 $0x1BF5;
	p2 =	por !p2, p0  }
0x20: {  	[sflag:s8] =	ssyncset.s32 @!p0 $0xFFFFF086;
	s6 =	sadd.s32 @!p0 s3, s7;
	s7 =	simm.s32 @!p0 $0x108  }
0x21: {  	s3 =	sadd.s32 s3, s9;
	s6 =	sadd.s32 @!p0 $0x88, s6;
	s7 =	simm.s32 @p2 $0x1082  }
0x22: {  	[simem:s7], [sflag:s8] =	dma.local @!p0 [hbm:s6], $0xF7A  }
0x23: {  	s9 =	sor.u32 $0xD0000000, s2;
	s6 =	simm.s32 $0x108;
	_ =	swait.ge @!p0 [sflag:s8], $0x0  }
0x24: {  	s3 =	sadd.s32 $0x88, s3;
	s6 =	simm.s32 @!p1 $0x1082;
	[sflag:s4] =	ssyncset.s32 $0xFFFFF086  }
0x25: {  	[simem:s6], [sflag:s4] =	dma.local [hbm:s3], $0xF7A  }
0x26: {  	[smem:$0x3F86] =	sst s1;
	(tag) =	ssettag s2;
	_ =	strace s9  }
0x27: {  	s1 =	sld [smem:$0x3F96]  }
0x28: {  	s2 =	sld [smem:$0x3F97]  }
0x29: {  	s4 =	sld [smem:$0x3F99]  }
0x2a: {  	p0 =	seq.s32 s5, $0x0;
	s5 =	sld [smem:$0x3F9A]  }
0x2b: {  	s6 =	sld [smem:$0x3F9B]  }
0x2c: {  	s7 =	sld [smem:$0x3F9C]  }
0x2d: {  	s3 =	simm.s32 $0x108;
	s8 =	sld [smem:$0x3F9D]  }
0x2e: {  	s3 =	simm.s32 @!p0 $0x1082;
	s9 =	sld [smem:$0x3F9E]  }
0x2f: {  	lr =	sadd.s32 s0, s3;
	s0 =	sld [smem:$0x3F95]  }
0x30: {  	s3 =	sld [smem:$0x3F98]  }
0x31: {  	[smem:$0x3FA1] =	sst s10  }
0x32: {  	s10 =	sld [smem:$0x3F9F];
	_ =	sdelay $0x3  }
0x33: {  	p0 =	seq.s32 s10, $0x1;
	s10 =	sld [smem:$0x3FA1];
	_ =	sdelay $0x3  }
0x34: {  	[smem:$0x3FA1] =	sst s10  }
0x35: {  	s10 =	sld [smem:$0x3FA0];
	_ =	sdelay $0x3  }
0x36: {  	p1 =	seq.s32 s10, $0x1;
	s10 =	sld [smem:$0x3FA1];
	_ =	sdelay $0x3  }
0x37: {  	[smem:$0x3FA1] =	sst s10  }
0x38: {  	s10 =	sld [smem:$0x3FA2]  }
0x39: {  	_ = 	snop;
	(pc) =	sbr.ind lr, $3  }
0x3a: {  	_ = 	snop  }
0x3b: {  	_ = 	snop  }
0x3c: {  	p2 =	seq.s32 s10, $0x1;
	s10 =	sld [smem:$0x3FA1]  }
0x3d: {  	_ =	shalt  }
0x3e: {  	_ =	shalt  }
0x3f: {  	_ =	shalt  }
0x40: {  	_ =	shalt  }
0x41: {  	_ =	shalt  }
0x42: {  	_ =	shalt  }
0x43: {  	_ =	shalt  }
0x44: {  	_ =	shalt  }
0x45: {  	_ =	shalt  }
0x46: {  	_ =	shalt  }
0x47: {  	_ =	shalt  }
0x48: {  	_ =	shalt  }
0x49: {  	_ =	shalt  }
0x4a: {  	_ =	shalt  }
0x4b: {  	_ =	shalt  }
0x4c: {  	_ =	shalt  }
0x4d: {  	_ =	shalt  }
0x4e: {  	_ =	shalt  }
0x4f: {  	_ =	shalt  }
0x50: {  	_ =	shalt  }
0x51: {  	_ =	shalt  }
0x52: {  	_ =	shalt  }
0x53: {  	_ =	shalt  }
0x54: {  	_ =	shalt  }
0x55: {  	_ =	shalt  }
0x56: {  	_ =	shalt  }
0x57: {  	_ =	shalt  }
0x58: {  	_ =	shalt  }
0x59: {  	_ =	shalt  }
0x5a: {  	_ =	shalt  }
0x5b: {  	_ =	shalt  }
0x5c: {  	_ =	shalt  }
0x5d: {  	_ =	shalt  }
0x5e: {  	_ =	shalt  }
0x5f: {  	_ =	shalt  }
0x60: {  	_ =	shalt  }
0x61: {  	_ =	shalt  }
0x62: {  	_ =	shalt  }
0x63: {  	_ =	shalt  }
0x64: {  	_ =	shalt  }
0x65: {  	_ =	shalt  }
0x66: {  	_ =	shalt  }
0x67: {  	_ =	shalt  }
0x68: {  	_ =	shalt  }
0x69: {  	_ =	shalt  }
0x6a: {  	_ =	shalt  }
0x6b: {  	_ =	shalt  }
0x6c: {  	_ =	shalt  }
0x6d: {  	_ =	shalt  }
0x6e: {  	_ =	shalt  }
0x6f: {  	_ =	shalt  }
0x70: {  	_ =	shalt  }
0x71: {  	_ =	shalt  }
0x72: {  	_ =	shalt  }
0x73: {  	_ =	shalt  }
0x74: {  	_ =	shalt  }
0x75: {  	_ =	shalt  }
0x76: {  	_ =	shalt  }
0x77: {  	_ =	shalt  }
0x78: {  	_ =	shalt  }
0x79: {  	_ =	shalt  }
0x7a: {  	_ =	shalt  }
0x7b: {  	_ =	shalt  }
0x7c: {  	_ =	shalt  }
0x7d: {  	_ =	shalt  }
0x7e: {  	_ =	shalt  }
0x7f: {  	_ =	shalt  }
0x80: {  	_ =	shalt  }
0x81: {  	_ =	shalt  }
0x82: {  	_ =	shalt  }
0x83: {  	_ =	shalt  }
0x84: {  	_ =	shalt  }
0x85: {  	_ =	shalt  }
0x86: {  	_ =	shalt  }
0x87: {  	_ =	shalt  }
.Lfunc_end0:
.L_simem_size_0:
called_computation_lowered:
.L_overlay_start_0:
0x88: {  	s2 =	sld [smem:$0x3FD9]  }
0x89: {  	s3 =	sld [smem:$0x3FFE];
	_ =	sdelay $0x1  }
0x8a: {  	s1 =	srdreg.scid  }
0x8b: {  	s0 =	sand.u32 $0x1, s1  }
0x8c: {  	s17 =	sshll.u32 s0, $0xA;
	s2 =	sadd.s32 s3, s2  }
0x8d: {  	s2 =	sadd.s32 s2, s17  }
0x8e: {  	[smem:$0x3FAD] =	sst s2  }
0x8f: {  	_ = 	snop  }
0x90: {  	(tm) =	ssettm $0x1  }
0x91: {  	s18 =	sld [smem:$0x3FFB];
	_ =	sdelay $0x3  }
0x92: {  	_ =	strace s18  }
0x93: {  	s2 =	sld [smem:$0x3FFC];
	_ =	sdelay $0x3  }
0x94: {  	_ =	strace s2  }
0x95: {  	s2 =	sld [smem:$0x3FFD];
	_ =	sdelay $0x3  }
0x96: {  	_ =	strace s2  }
0x97: {  	_ =	strace $0x8FFFFFFF  }
0x98: {  	s19 =	sld [smem:$0x3FDB];
	_ =	sdelay $0x1  }
0x99: {  	s20 =	simm.s32 $_scs_section_size  }
0x9a: {  	s4 =	simm.s32 $_size__tile_overlayer_lowered;
	s5 =	simm.s32 $_tile_overlayer_lowered  }
0x9b: {  	s6 =	simm.s32 $0x1BFF;
	s21 =	sshll.u32 s5, $0x1;
	s3 =	sadd.s32 s20, s19  }
0x9c: {  	s22 =	simm.s32 $0x0;
	s4 =	sshll.u32 s4, $0x1;
	s5 =	sadd.s32 s21, s3  }
0x9d: {  	[timem:s22], [sflag:s6] =	dma.local [hbm:s5], s4  }
0x9e: {  	_ =	swait.ge [sflag:s6], s4  }
0x9f: {  	s4 =	ssub.s32 $0x0, s4;
	[sflag:s6] =	ssyncset.done $0x0  }
0xa0: {  	[sflag:s6] =	ssyncadd.s32 s4;
	_ =	sdelay $0x1  }
0xa1: {  	s23 =	simm.s32 $0x1B8B  }
0xa2: {  	_ =	swait.ge [sflag:s23], $0x1  }
0xa3: {  	[sflag:s23] =	ssyncset.done $0x0  }
0xa4: {  	[sflag:s23] =	ssyncadd.s32 $0xFFFFFFFF  }
0xa5: {  	s4 =	sld [smem:$0x0]  }
0xa6: {  	s5 =	sand.u32 $0xFFFFFFFE, s1  }
0xa7: {  	p0 =	sne.s32 s1, s5  }
0xa8: {  	s5 =	sshll.u32 @p0 s5, $0xE  }
0xa9: {  	s5 =	sadd.s32 @p0 $0x11B8D, s5;
	s6 =	sshll.u32 @p0 s4, $0x11  }
0xaa: {  	s5 =	sor.u32 @p0 s6, s5  }
0xab: {  	[sflag:s5] =	ssyncadd.remote.s32 @p0 $0x1;
	_ =	sdelay $0x1  }
0xac: {  	s5 =	simm.s32 @p0 $0x1B8D  }
0xad: {  	_ =	swait.eq @p0 [sflag:s5], $0x1  }
0xae: {  	[sflag:s5] =	ssyncadd.s32 @p0 $0xFFFFFFFF  }
0xaf: {  	s6 =	sshll.u32 @!p0 s1, $0xE  }
0xb0: {  	s6 =	sor.u32 @!p0 $0x4000, s6;
	s5 =	simm.s32 @!p0 $0x1B8D  }
0xb1: {  	s4 =	sshll.u32 @!p0 s4, $0x11;
	s6 =	sadd.s32 @!p0 $0x11B8D, s6;
	_ =	swait.eq @!p0 [sflag:s5], $0x1  }
0xb2: {  	s4 =	sor.u32 @!p0 s4, s6;
	[sflag:s5] =	ssyncadd.s32 @!p0 $0xFFFFFFFF  }
0xb3: {  	s25 =	simm.s32 $0x1B8E;
	s24 =	sld [smem:$0x3FFE];
	[sflag:s4] =	ssyncadd.remote.s32 @!p0 $0x1  }
0xb4: {  	s26 =	simm.s32 $execute0_lowered;
	[smem:$0x3FD2] =	sst s25  }
0xb5: {  	s5 =	sshll.u32 s26, $0x1;
	_ =	strace $0x80000049;
	[dreg:$0x1] =	wrdreg $0xFFFFFFFF  }
0xb6: {  	s28 =	simm.s32 $_size_execute0_lowered;
	s3 =	sadd.s32 s3, s5;
	[dreg:$0x0] =	wrdreg $0x0  }
0xb7: {  	s5 =	sshll.u32 s28, $0x1;
	[dreg:$0x2] =	wrdreg s3  }
0xb8: {  	[dreg:$0x3] =	wrdreg s5  }
0xb9: {  	[dreg:$0x4] =	wrdreg $0xC0  }
0xba: {  	_ =	task [dreg:s22], $0x5FFFF  }
0xbb: {  	[dreg:$0x1] =	wrdreg $0xFFFFFFFF  }
0xbc: {  	[dreg:$0x0] =	wrdreg $0x60  }
0xbd: {  	[dreg:$0x2] =	wrdreg s24  }
0xbe: {  	[dreg:$0x3] =	wrdreg $0x9  }
0xbf: {  	_ =	task.clear_ibuf [dreg:s22], $0x4FFFF;
	_ =	strace $0x90000049  }
0xc0: {  	s29 =	simm.s32 $0x9;
	_ =	strace $0x8000004B  }
0xc1: {  	_ =	swait.ge [sflag:s29], $0x1  }
0xc2: {  	[sflag:s29] =	ssyncadd.s32 $0xFFFFFFFF  }
0xc3: {  	_ =	strace $0x9000004B  }
0xc4: {  	_ =	sfence  }
0xc5: {  	s30 =	sld [smem:$0x0];
	_ =	sdelay $0x2  }
0xc6: {  	s31 =	sshll.u32 s1, $0xD;
	s1 =	sshrl.u32 s1, $0x2  }
0xc7: {  	s4 =	sand.u32 $0x4000, s31;
	s1 =	sadd.s32 s1, s30  }
0xc8: {  	s0 =	sor.u32 s4, s0;
	s1 =	sshll.u32 s1, $0x11  }
0xc9: {  	s0 =	sor.u32 s1, s0  }
0xca: {  	s0 =	sadd.s32 $0x8F2B, s0  }
0xcb: {  	[sflag:s0] =	ssyncadd.remote.s32 $0x1  }
0xcc: {  	_ =	sfence.sel $0xFFFF  }
0xcd: {  	[dreg:$0x0] =	wrdreg $0xFFFFFFFF;
	(pc) =	sbr.abs _section_cstart, $3  }
0xce: {  	[dreg:$0x1] =	wrdreg $0xFFFFFFFF  }
0xcf: {  	_ =	task.clear_ibuf [dreg:s22], $0x2FFFF;
	_ =	strace $0x9FFFFFFF  }
0xd0: {  	(tm) =	ssettm $0x7FFFFFFF  }
0xd1: {  	_ =	shalt  }
tec
execute0_lowered:
.L_overlay_start_1:
0x0: {  	(tag) =	ssettag $0x1  }
0x1: {  	s1 =	srdreg.scid;
	s0 =	stileid.u32  }
0x2: {  	s4 =	rddreg [dreg:$0x0];
	s2 =	simm.s32 $0x0;
	s12 =	simm.s32 $0x50  }
0x3: {  	s13 =	simm.s32 $0x1600;
	s14 =	simm.s32 $0x3E00;
	s15 =	simm.s32 $0x6600  }
0x4: {  	s16 =	simm.s32 $0x8E00;
	s17 =	simm.s32 $0xB600;
	s18 =	simm.s32 $0x1  }
0x5: {  	s19 =	simm.s32 $0x2;
	s20 =	simm.s32 $0x3;
	s21 =	simm.s32 $0x4  }
0x6: {  	s22 =	simm.s32 $0x5;
	s23 =	simm.s32 $0x0;
	s6 =	smul.u32 $0x15E000, s0  }
0x7: {  	s1 =	sand.u32 $0x1, s1;
	s3 =	sshll.u32 s0, $0x1;
	s9 =	smul.u32 $0x2BC00, s0  }
0x8: {  	[smem:$0x7FF] =	sst s2;
	s10 =	sadd.s32 $0x2AEC00, s4;
	s8 =	smul.u32 $0xAF000, s1  }
0x9: {  	s3 =	sor.u32 s1, s3;
	s7 =	ssub.s32 $0x2, s1;
	s1 =	smul.u32 $0x15E00, s1  }
0xa: {  	_ =	strace $0x8000004A;
	s5 =	smul.u32 $0x2BC, s3;
	s3 =	sadd.s32 $0x13600, s4  }
0xb: {  	s25 =	sshrl.u32 s7, $0x1;
	s26 =	sadd.s32 s9, s10;
	s8 =	sadd.s32 s8, s6  }
0xc: {  	s7 =	ssub.s32 s7, s25;
	s5 =	sadd.s32 s5, s4;
	s6 =	sadd.s32 $0xA000, s8  }
0xd: {  	s29 =	sadd.s32 $0x7800, s8;
	s30 =	sadd.s32 $0x5000, s8;
	s11 =	sadd.s32 $0x2800, s8  }
0xe: {  	s4 =	sadd.s32 $0x9800, s5;
	s5 =	smax.u32 s7, $0x1;
	s28 =	sshrl.u32 s6, $0x3  }
0xf: {  	s6 =	sadd.s32 s1, s26;
	s1 =	sshrl.u32 s29, $0x3;
	s31 =	sshrl.u32 s30, $0x3  }
0x10: {  	s11 =	sshrl.u32 s11, $0x3;
	s7 =	sadd.s32 s28, s10;
	s8 =	sadd.s32 s1, s10  }
0x11: {  	s9 =	sadd.s32 s31, s10;
	s10 =	sadd.s32 s11, s10;
	s11 =	simm.s32 $0x6  }
.LBB2_1:
0x12: {  	[tilespmem:s2], [sflag:$0x6] =	stream.linear.gather [hbm4b:s4+s2], $0x15E0, $0x38;
	[tilespmem:$0xDE00] =	vst v63  }
0x13: {  	_ =	swait.ge [sflag:s11], $0x15E0  }
0x14: {  	[sflag:s11] =	ssyncset.done $0x0  }
0x15: {  	s1 =	simm.s32 $0x0;
	[sflag:s11] =	ssyncadd.s32 $0xFFFFEA20  }
0x16: {  	[tilespmem:s13], [sflag:$0x1] =	stream.indirect.gather [hbm4b:s3+s12], $0x80, s1, s12, $0xb8;
	[tilespmem:$0xDE00] =	vst v63  }
0x17: {  	s0 =	simm.s32 $0x50  }
0x18: {  	[tilespmem:s14], [sflag:$0x2] =	stream.indirect.gather [hbm4b:s3+s12], $0x80, s0, s12, $0xb8;
	[tilespmem:$0xDE00] =	vst v63  }
0x19: {  	s24 =	simm.s32 $0xA0  }
0x1a: {  	[tilespmem:s15], [sflag:$0x3] =	stream.indirect.gather [hbm4b:s3+s12], $0x80, s24, s12, $0xb8;
	[tilespmem:$0xDE00] =	vst v63  }
0x1b: {  	s25 =	simm.s32 $0xF0  }
0x1c: {  	[tilespmem:s16], [sflag:$0x4] =	stream.indirect.gather [hbm4b:s3+s12], $0x80, s25, s12, $0xb8;
	[tilespmem:$0xDE00] =	vst v63  }
0x1d: {  	s26 =	simm.s32 $0x140  }
0x1e: {  	[tilespmem:s17], [sflag:$0x5] =	stream.indirect.gather [hbm4b:s3+s12], $0x80, s26, s12, $0xb8;
	[tilespmem:$0xDE00] =	vst v63  }
0x1f: {  	_ =	swait.ge [sflag:s18], $0x2800  }
0x20: {  	[sflag:s18] =	ssyncset.done $0x0  }
0x21: {  	[sflag:s18] =	ssyncadd.s32 $0xFFFFD800  }
0x22: {  	[hbm4b:s6+s2] =	stream.linear.scatter [tilespmem:s13], [sflag:$0x6], $0x2800, $0x38;
	[tilespmem:$0xDE00] =	vst v63  }
0x23: {  	_ =	swait.ge [sflag:s11], $0x2800  }
0x24: {  	[sflag:s11] =	ssyncset.done $0x0  }
0x25: {  	[sflag:s11] =	ssyncadd.s32 $0xFFFFD800  }
0x26: {  	_ =	swait.ge [sflag:s19], $0x2800  }
0x27: {  	[sflag:s19] =	ssyncset.done $0x0  }
0x28: {  	[sflag:s19] =	ssyncadd.s32 $0xFFFFD800  }
0x29: {  	[hbm4b:s10+s2] =	stream.linear.scatter [tilespmem:s14], [sflag:$0x6], $0x2800, $0x38;
	[tilespmem:$0xDE00] =	vst v63  }
0x2a: {  	_ =	swait.ge [sflag:s11], $0x2800  }
0x2b: {  	[sflag:s11] =	ssyncset.done $0x0  }
0x2c: {  	[sflag:s11] =	ssyncadd.s32 $0xFFFFD800  }
0x2d: {  	_ =	swait.ge [sflag:s20], $0x2800  }
0x2e: {  	[sflag:s20] =	ssyncset.done $0x0  }
0x2f: {  	[sflag:s20] =	ssyncadd.s32 $0xFFFFD800  }
0x30: {  	[hbm4b:s9+s2] =	stream.linear.scatter [tilespmem:s15], [sflag:$0x6], $0x2800, $0x38;
	[tilespmem:$0xDE00] =	vst v63  }
0x31: {  	_ =	swait.ge [sflag:s11], $0x2800  }
0x32: {  	[sflag:s11] =	ssyncset.done $0x0  }
0x33: {  	[sflag:s11] =	ssyncadd.s32 $0xFFFFD800  }
0x34: {  	_ =	swait.ge [sflag:s21], $0x2800  }
0x35: {  	[sflag:s21] =	ssyncset.done $0x0  }
0x36: {  	[sflag:s21] =	ssyncadd.s32 $0xFFFFD800  }
0x37: {  	[hbm4b:s8+s2] =	stream.linear.scatter [tilespmem:s16], [sflag:$0x6], $0x2800, $0x38;
	[tilespmem:$0xDE00] =	vst v63  }
0x38: {  	_ =	swait.ge [sflag:s11], $0x2800  }
0x39: {  	[sflag:s11] =	ssyncset.done $0x0  }
0x3a: {  	[sflag:s11] =	ssyncadd.s32 $0xFFFFD800  }
0x3b: {  	_ =	swait.ge [sflag:s22], $0x2800  }
0x3c: {  	s30 =	simm.s32 $0x640;
	[sflag:s22] =	ssyncset.done $0x0  }
0x3d: {  	s31 =	simm.s32 $0xC80;
	s28 =	sadd.s32 $0x1900, s10;
	[sflag:s22] =	ssyncadd.s32 $0xFFFFD800  }
0x3e: {  	[hbm4b:s7+s2] =	stream.linear.scatter [tilespmem:s17], [sflag:$0x6], $0x2800, $0x38;
	[tilespmem:$0xDE00] =	vst v63  }
0x3f: {  	s29 =	sadd.s32 $0x1900, s6;
	s24 =	sadd.s32 $0x1900, s7;
	_ =	swait.ge [sflag:s11], $0x2800  }
0x40: {  	s25 =	sadd.s32 $0x1900, s8;
	s26 =	sadd.s32 $0x1900, s9;
	[sflag:s11] =	ssyncset.done $0x0  }
.LBB2_2:
0x41: {  	s0 =	sshra.s32 s30, $0x2  }
0x42: {  	[sflag:s11] =	ssyncadd.s32 $0xFFFFD800;
	s30 =	smov.u32 s31;
	s1 =	sadd.s32 $0x640, s31  }
0x43: {  	[tilespmem:s13], [sflag:$0x1] =	stream.indirect.gather [hbm4b:s3+s12], $0x80, s0, s12, $0xb8;
	[tilespmem:$0xDE00] =	vst v63  }
0x44: {  	p0 =	sne.s32 s31, $0x5140;
	s31 =	sadd.s32 $0x50, s0  }
0x45: {  	[tilespmem:s14], [sflag:$0x2] =	stream.indirect.gather [hbm4b:s3+s12], $0x80, s31, s12, $0xb8;
	[tilespmem:$0xDE00] =	vst v63  }
0x46: {  	s31 =	sadd.s32 $0xA0, s0  }
0x47: {  	[tilespmem:s15], [sflag:$0x3] =	stream.indirect.gather [hbm4b:s3+s12], $0x80, s31, s12, $0xb8;
	[tilespmem:$0xDE00] =	vst v63  }
0x48: {  	s31 =	sadd.s32 $0xF0, s0  }
0x49: {  	[tilespmem:s16], [sflag:$0x4] =	stream.indirect.gather [hbm4b:s3+s12], $0x80, s31, s12, $0xb8;
	[tilespmem:$0xDE00] =	vst v63  }
0x4a: {  	s0 =	sadd.s32 $0x140, s0  }
0x4b: {  	[tilespmem:s17], [sflag:$0x5] =	stream.indirect.gather [hbm4b:s3+s12], $0x80, s0, s12, $0xb8;
	[tilespmem:$0xDE00] =	vst v63  }
0x4c: {  	_ =	swait.ge [sflag:s18], $0x2800  }
0x4d: {  	[sflag:s18] =	ssyncset.done $0x0  }
0x4e: {  	[sflag:s18] =	ssyncadd.s32 $0xFFFFD800  }
0x4f: {  	[hbm4b:s29+s2] =	stream.linear.scatter [tilespmem:s13], [sflag:$0x6], $0x2800, $0x38;
	[tilespmem:$0xDE00] =	vst v63  }
0x50: {  	_ =	swait.ge [sflag:s11], $0x2800  }
0x51: {  	[sflag:s11] =	ssyncset.done $0x0  }
0x52: {  	[sflag:s11] =	ssyncadd.s32 $0xFFFFD800  }
0x53: {  	_ =	swait.ge [sflag:s19], $0x2800  }
0x54: {  	[sflag:s19] =	ssyncset.done $0x0  }
0x55: {  	[sflag:s19] =	ssyncadd.s32 $0xFFFFD800  }
0x56: {  	[hbm4b:s28+s2] =	stream.linear.scatter [tilespmem:s14], [sflag:$0x6], $0x2800, $0x38;
	[tilespmem:$0xDE00] =	vst v63  }
0x57: {  	_ =	swait.ge [sflag:s11], $0x2800  }
0x58: {  	[sflag:s11] =	ssyncset.done $0x0  }
0x59: {  	[sflag:s11] =	ssyncadd.s32 $0xFFFFD800  }
0x5a: {  	_ =	swait.ge [sflag:s20], $0x2800  }
0x5b: {  	[sflag:s20] =	ssyncset.done $0x0  }
0x5c: {  	[sflag:s20] =	ssyncadd.s32 $0xFFFFD800  }
0x5d: {  	[hbm4b:s26+s2] =	stream.linear.scatter [tilespmem:s15], [sflag:$0x6], $0x2800, $0x38;
	[tilespmem:$0xDE00] =	vst v63  }
0x5e: {  	_ =	swait.ge [sflag:s11], $0x2800  }
0x5f: {  	[sflag:s11] =	ssyncset.done $0x0  }
0x60: {  	[sflag:s11] =	ssyncadd.s32 $0xFFFFD800  }
0x61: {  	_ =	swait.ge [sflag:s21], $0x2800  }
0x62: {  	[sflag:s21] =	ssyncset.done $0x0  }
0x63: {  	[sflag:s21] =	ssyncadd.s32 $0xFFFFD800  }
0x64: {  	[hbm4b:s25+s2] =	stream.linear.scatter [tilespmem:s16], [sflag:$0x6], $0x2800, $0x38;
	[tilespmem:$0xDE00] =	vst v63  }
0x65: {  	_ =	swait.ge [sflag:s11], $0x2800  }
0x66: {  	[sflag:s11] =	ssyncset.done $0x0  }
0x67: {  	[sflag:s11] =	ssyncadd.s32 $0xFFFFD800  }
0x68: {  	_ =	swait.ge [sflag:s22], $0x2800  }
.Ltmp0:
0x69: {  	[sflag:s22] =	ssyncset.done $0x0;
	(pc) =	sbr.rel @p0 .LBB2_2-.Ltmp0, $4  }
0x6a: {  	s31 =	smov.u32 s1;
	s28 =	sadd.s32 $0x1900, s28;
	[sflag:s22] =	ssyncadd.s32 $0xFFFFD800  }
0x6b: {  	[hbm4b:s24+s2] =	stream.linear.scatter [tilespmem:s17], [sflag:$0x6], $0x2800, $0x38;
	[tilespmem:$0xDE00] =	vst v63  }
0x6c: {  	s26 =	sadd.s32 $0x1900, s26;
	s25 =	sadd.s32 $0x1900, s25;
	_ =	swait.ge [sflag:s11], $0x2800  }
0x6d: {  	s29 =	sadd.s32 $0x1900, s29;
	s24 =	sadd.s32 $0x1900, s24;
	[sflag:s11] =	ssyncset.done $0x0  }
0x6e: {  	s0 =	sshra.s32 s30, $0x2;
	[sflag:s11] =	ssyncadd.s32 $0xFFFFD800  }
0x6f: {  	[tilespmem:s13], [sflag:$0x1] =	stream.indirect.gather [hbm4b:s3+s12], $0x80, s0, s12, $0xb8;
	[tilespmem:$0xDE00] =	vst v63  }
0x70: {  	s1 =	sadd.s32 $0x50, s0  }
0x71: {  	[tilespmem:s14], [sflag:$0x2] =	stream.indirect.gather [hbm4b:s3+s12], $0x80, s1, s12, $0xb8;
	[tilespmem:$0xDE00] =	vst v63  }
0x72: {  	s30 =	sadd.s32 $0xA0, s0  }
0x73: {  	[tilespmem:s15], [sflag:$0x3] =	stream.indirect.gather [hbm4b:s3+s12], $0x80, s30, s12, $0xb8;
	[tilespmem:$0xDE00] =	vst v63  }
0x74: {  	s31 =	sadd.s32 $0xF0, s0  }
0x75: {  	[tilespmem:s16], [sflag:$0x4] =	stream.indirect.gather [hbm4b:s3+s12], $0x80, s31, s12, $0xb8;
	[tilespmem:$0xDE00] =	vst v63  }
0x76: {  	s0 =	sadd.s32 $0x140, s0  }
0x77: {  	[tilespmem:s17], [sflag:$0x5] =	stream.indirect.gather [hbm4b:s3+s12], $0x80, s0, s12, $0xb8;
	[tilespmem:$0xDE00] =	vst v63  }
0x78: {  	_ =	swait.ge [sflag:s18], $0x2800  }
0x79: {  	[sflag:s18] =	ssyncset.done $0x0  }
0x7a: {  	[sflag:s18] =	ssyncadd.s32 $0xFFFFD800  }
0x7b: {  	[hbm4b:s29+s2] =	stream.linear.scatter [tilespmem:s13], [sflag:$0x6], $0x2800, $0x38;
	[tilespmem:$0xDE00] =	vst v63  }
0x7c: {  	_ =	swait.ge [sflag:s11], $0x2800  }
0x7d: {  	[sflag:s11] =	ssyncset.done $0x0  }
0x7e: {  	[sflag:s11] =	ssyncadd.s32 $0xFFFFD800  }
0x7f: {  	_ =	swait.ge [sflag:s19], $0x2800  }
0x80: {  	[sflag:s19] =	ssyncset.done $0x0  }
0x81: {  	[sflag:s19] =	ssyncadd.s32 $0xFFFFD800  }
0x82: {  	[hbm4b:s28+s2] =	stream.linear.scatter [tilespmem:s14], [sflag:$0x6], $0x2800, $0x38;
	[tilespmem:$0xDE00] =	vst v63  }
0x83: {  	_ =	swait.ge [sflag:s11], $0x2800  }
0x84: {  	[sflag:s11] =	ssyncset.done $0x0  }
0x85: {  	[sflag:s11] =	ssyncadd.s32 $0xFFFFD800  }
0x86: {  	_ =	swait.ge [sflag:s20], $0x2800  }
0x87: {  	[sflag:s20] =	ssyncset.done $0x0  }
0x88: {  	[sflag:s20] =	ssyncadd.s32 $0xFFFFD800  }
0x89: {  	[hbm4b:s26+s2] =	stream.linear.scatter [tilespmem:s15], [sflag:$0x6], $0x2800, $0x38;
	[tilespmem:$0xDE00] =	vst v63  }
0x8a: {  	_ =	swait.ge [sflag:s11], $0x2800  }
0x8b: {  	[sflag:s11] =	ssyncset.done $0x0  }
0x8c: {  	[sflag:s11] =	ssyncadd.s32 $0xFFFFD800  }
0x8d: {  	_ =	swait.ge [sflag:s21], $0x2800  }
0x8e: {  	[sflag:s21] =	ssyncset.done $0x0  }
0x8f: {  	[sflag:s21] =	ssyncadd.s32 $0xFFFFD800  }
0x90: {  	[hbm4b:s25+s2] =	stream.linear.scatter [tilespmem:s16], [sflag:$0x6], $0x2800, $0x38;
	[tilespmem:$0xDE00] =	vst v63  }
0x91: {  	_ =	swait.ge [sflag:s11], $0x2800  }
0x92: {  	[sflag:s11] =	ssyncset.done $0x0  }
0x93: {  	[sflag:s11] =	ssyncadd.s32 $0xFFFFD800  }
0x94: {  	s23 =	sadd.s32 $0x1, s23;
	_ =	swait.ge [sflag:s22], $0x2800  }
0x95: {  	p0 =	sne.s32 s23, s5;
	[sflag:s22] =	ssyncset.done $0x0  }
.Ltmp1:
0x96: {  	[sflag:s22] =	ssyncadd.s32 $0xFFFFD800;
	(pc) =	sbr.rel @p0 .LBB2_1-.Ltmp1, $4  }
0x97: {  	[hbm4b:s24+s2] =	stream.linear.scatter [tilespmem:s17], [sflag:$0x6], $0x2800, $0x38;
	[tilespmem:$0xDE00] =	vst v63  }
0x98: {  	_ =	swait.ge [sflag:s11], $0x2800  }
0x99: {  	[sflag:s11] =	ssyncset.done $0x0  }
0x9a: {  	[sflag:s11] =	ssyncadd.s32 $0xFFFFD800  }
0x9b: {  	_ =	sfence.sel $0x180000  }
0x9c: {  	[bflag:$0x0] =	sbarrier.arrive $0xFFFF  }
0x9d: {  	_ =	strace $0x9000004A  }
0x9e: {  	s0 =	stileid.u32;
	[bflag:$0x2] =	sbarrier.arrive $0xFFFF  }
0x9f: {  	p0 =	sne.s32 s0, $0x0;
	s0 =	rddreg [dreg:$0x1]  }
0xa0: {  	s0 =	sadd.s32 @!p0 $0x100000, s0  }
0xa1: {  	[sflag:s0] =	ssyncadd.tile.s32 @!p0 $0x1;
	_ =	shalt  }
.Lfunc_end2:
_tile_overlayer_lowered:
.L_overlay_start_2:
0xa2: {  	(tag) =	ssettag $0x2  }
0xa3: {  	s0 =	rddreg [dreg:$0x0];
	s2 =	stileid.u32  }
0xa4: {  	s1 =	rddreg [dreg:$0x1];
	p0 =	sne.s32 s2, $0x0  }
0xa5: {  	s3 =	rddreg [dreg:$0x2];
	[bflag:$0x3] =	sbarrier.arrive $0xFFFF;
	s2 =	simm.s32 @!p0 $0x1C06  }
0xa6: {  	[timem:s3], [sflag:s2] =	dma.local @!p0 [hbm:s0], s1  }
0xa7: {  	s0 =	simm.s32 @!p0 $0x6  }
0xa8: {  	_ =	swait.ge @!p0 [sflag:s0], s1  }
0xa9: {  	s1 =	ssub.s32 @!p0 $0x0, s1;
	[sflag:s0] =	ssyncset.done @!p0 $0x0  }
0xaa: {  	[sflag:s0] =	ssyncadd.s32 @!p0 s1  }
0xab: {  	[bflag:$0x3] =	sbarrier.arrive $0xFFFF  }
0xac: {  	_ =	shalt  }

// kernel: kernel.28.cloned.1.call-start
scs
__scs_entry_jumppad:
0x0: {  	(pc) =	sbr.rel $0x88, $3  }
0x1: {  	(tag) =	ssettag $0x0;
	lr =	simm.s32 $0x1  }
0x2: {  	[smem:$0x3F86] =	sst lr;
	_ =	strace $0xD0000000  }
0x3: {  	_ = 	snop  }
0x4: {  	_ = 	snop  }
0x5: {  	_ = 	snop  }
0x6: {  	_ = 	snop  }
0x7: {  	_ = 	snop  }
__scs_overlays_trampoline_lowered:
0x8: {  	[smem:$0x3F95] =	sst s0  }
0x9: {  	[smem:$0x3F96] =	sst s1  }
0xa: {  	[smem:$0x3F97] =	sst s2  }
0xb: {  	[smem:$0x3F98] =	sst s3  }
0xc: {  	[smem:$0x3F99] =	sst s4  }
0xd: {  	[smem:$0x3F9A] =	sst s5  }
0xe: {  	[smem:$0x3F9B] =	sst s6  }
0xf: {  	[smem:$0x3F9C] =	sst s7  }
0x10: {  	[smem:$0x3F9D] =	sst s8  }
0x11: {  	[smem:$0x3F9E] =	sst s9;
	s0 =	simm.s32 @!p0 $0x0  }
0x12: {  	s1 =	sld [smem:$0x3F84];
	s0 =	simm.s32 @p0 $0x1  }
0x13: {  	[smem:$0x3F9F] =	sst s0;
	s0 =	simm.s32 @!p1 $0x0  }
0x14: {  	s2 =	sld [smem:$0x3F83];
	s0 =	simm.s32 @p1 $0x1  }
0x15: {  	[smem:$0x3FA0] =	sst s0;
	s0 =	simm.s32 @!p2 $0x0  }
0x16: {  	s3 =	sld [smem:$0x3FDB];
	s0 =	simm.s32 @p2 $0x1  }
0x17: {  	s4 =	simm.s32 $0x1BF5;
	[smem:$0x3FA2] =	sst s0  }
0x18: {  	s0 =	sld [smem:$0x3F85];
	_ =	swait.ge [sflag:s4], $0x0  }
0x19: {  	s7 =	sld [smem:$0x3F86]  }
0x1a: {  	s8 =	sadd.s32 $0xFFFFE003, lr  }
0x1b: {  	s9 =	sadd.s32 $0xFFFFFEF7, lr;
	s5 =	simm.s32 $0xFFFFFFFF;
	p2 =	slt.u32 s8, $0xFFFFF086  }
0x1c: {  	p1 =	slt.u32 s9, $0xF7A;
	s5 =	simm.s32 @!p2 $0x0  }
0x1d: {  	s5 =	simm.s32 @p1 $0x1;
	p0 =	seq.s32 s7, s2  }
0x1e: {  	s7 =	smul.u32 @!p0 $0xF7A, s2;
	p2 =	seq.s32 @!p0 s5, $0x0  }
0x1f: {  	s9 =	smul.u32 $0xF7A, s1;
	s8 =	simm.s32 @!p0 $0x1BF5;
	p2 =	por !p2, p0  }
0x20: {  	[sflag:s8] =	ssyncset.s32 @!p0 $0xFFFFF086;
	s6 =	sadd.s32 @!p0 s3, s7;
	s7 =	simm.s32 @!p0 $0x108  }
0x21: {  	s3 =	sadd.s32 s3, s9;
	s6 =	sadd.s32 @!p0 $0x88, s6;
	s7 =	simm.s32 @p2 $0x1082  }
0x22: {  	[simem:s7], [sflag:s8] =	dma.local @!p0 [hbm:s6], $0xF7A  }
0x23: {  	s9 =	sor.u32 $0xD0000000, s2;
	s6 =	simm.s32 $0x108;
	_ =	swait.ge @!p0 [sflag:s8], $0x0  }
0x24: {  	s3 =	sadd.s32 $0x88, s3;
	s6 =	simm.s32 @!p1 $0x1082;
	[sflag:s4] =	ssyncset.s32 $0xFFFFF086  }
0x25: {  	[simem:s6], [sflag:s4] =	dma.local [hbm:s3], $0xF7A  }
0x26: {  	[smem:$0x3F86] =	sst s1;
	(tag) =	ssettag s2;
	_ =	strace s9  }
0x27: {  	s1 =	sld [smem:$0x3F96]  }
0x28: {  	s2 =	sld [smem:$0x3F97]  }
0x29: {  	s4 =	sld [smem:$0x3F99]  }
0x2a: {  	p0 =	seq.s32 s5, $0x0;
	s5 =	sld [smem:$0x3F9A]  }
0x2b: {  	s6 =	sld [smem:$0x3F9B]  }
0x2c: {  	s7 =	sld [smem:$0x3F9C]  }
0x2d: {  	s3 =	simm.s32 $0x108;
	s8 =	sld [smem:$0x3F9D]  }
0x2e: {  	s3 =	simm.s32 @!p0 $0x1082;
	s9 =	sld [smem:$0x3F9E]  }
0x2f: {  	lr =	sadd.s32 s0, s3;
	s0 =	sld [smem:$0x3F95]  }
0x30: {  	s3 =	sld [smem:$0x3F98]  }
0x31: {  	[smem:$0x3FA1] =	sst s10  }
0x32: {  	s10 =	sld [smem:$0x3F9F];
	_ =	sdelay $0x3  }
0x33: {  	p0 =	seq.s32 s10, $0x1;
	s10 =	sld [smem:$0x3FA1];
	_ =	sdelay $0x3  }
0x34: {  	[smem:$0x3FA1] =	sst s10  }
0x35: {  	s10 =	sld [smem:$0x3FA0];
	_ =	sdelay $0x3  }
0x36: {  	p1 =	seq.s32 s10, $0x1;
	s10 =	sld [smem:$0x3FA1];
	_ =	sdelay $0x3  }
0x37: {  	[smem:$0x3FA1] =	sst s10  }
0x38: {  	s10 =	sld [smem:$0x3FA2]  }
0x39: {  	_ = 	snop;
	(pc) =	sbr.ind lr, $3  }
0x3a: {  	_ = 	snop  }
0x3b: {  	_ = 	snop  }
0x3c: {  	p2 =	seq.s32 s10, $0x1;
	s10 =	sld [smem:$0x3FA1]  }
0x3d: {  	_ =	shalt  }
0x3e: {  	_ =	shalt  }
0x3f: {  	_ =	shalt  }
0x40: {  	_ =	shalt  }
0x41: {  	_ =	shalt  }
0x42: {  	_ =	shalt  }
0x43: {  	_ =	shalt  }
0x44: {  	_ =	shalt  }
0x45: {  	_ =	shalt  }
0x46: {  	_ =	shalt  }
0x47: {  	_ =	shalt  }
0x48: {  	_ =	shalt  }
0x49: {  	_ =	shalt  }
0x4a: {  	_ =	shalt  }
0x4b: {  	_ =	shalt  }
0x4c: {  	_ =	shalt  }
0x4d: {  	_ =	shalt  }
0x4e: {  	_ =	shalt  }
0x4f: {  	_ =	shalt  }
0x50: {  	_ =	shalt  }
0x51: {  	_ =	shalt  }
0x52: {  	_ =	shalt  }
0x53: {  	_ =	shalt  }
0x54: {  	_ =	shalt  }
0x55: {  	_ =	shalt  }
0x56: {  	_ =	shalt  }
0x57: {  	_ =	shalt  }
0x58: {  	_ =	shalt  }
0x59: {  	_ =	shalt  }
0x5a: {  	_ =	shalt  }
0x5b: {  	_ =	shalt  }
0x5c: {  	_ =	shalt  }
0x5d: {  	_ =	shalt  }
0x5e: {  	_ =	shalt  }
0x5f: {  	_ =	shalt  }
0x60: {  	_ =	shalt  }
0x61: {  	_ =	shalt  }
0x62: {  	_ =	shalt  }
0x63: {  	_ =	shalt  }
0x64: {  	_ =	shalt  }
0x65: {  	_ =	shalt  }
0x66: {  	_ =	shalt  }
0x67: {  	_ =	shalt  }
0x68: {  	_ =	shalt  }
0x69: {  	_ =	shalt  }
0x6a: {  	_ =	shalt  }
0x6b: {  	_ =	shalt  }
0x6c: {  	_ =	shalt  }
0x6d: {  	_ =	shalt  }
0x6e: {  	_ =	shalt  }
0x6f: {  	_ =	shalt  }
0x70: {  	_ =	shalt  }
0x71: {  	_ =	shalt  }
0x72: {  	_ =	shalt  }
0x73: {  	_ =	shalt  }
0x74: {  	_ =	shalt  }
0x75: {  	_ =	shalt  }
0x76: {  	_ =	shalt  }
0x77: {  	_ =	shalt  }
0x78: {  	_ =	shalt  }
0x79: {  	_ =	shalt  }
0x7a: {  	_ =	shalt  }
0x7b: {  	_ =	shalt  }
0x7c: {  	_ =	shalt  }
0x7d: {  	_ =	shalt  }
0x7e: {  	_ =	shalt  }
0x7f: {  	_ =	shalt  }
0x80: {  	_ =	shalt  }
0x81: {  	_ =	shalt  }
0x82: {  	_ =	shalt  }
0x83: {  	_ =	shalt  }
0x84: {  	_ =	shalt  }
0x85: {  	_ =	shalt  }
0x86: {  	_ =	shalt  }
0x87: {  	_ =	shalt  }
.Lfunc_end0:
.L_simem_size_0:
called_computation.1_lowered:
.L_overlay_start_0:
0x88: {  	s2 =	sld [smem:$0x3FD9]  }
0x89: {  	s3 =	sld [smem:$0x3FFE];
	_ =	sdelay $0x1  }
0x8a: {  	s1 =	srdreg.scid  }
0x8b: {  	s0 =	sand.u32 $0x1, s1  }
0x8c: {  	s16 =	sshll.u32 s0, $0xA;
	s2 =	sadd.s32 s3, s2  }
0x8d: {  	s2 =	sadd.s32 s2, s16  }
0x8e: {  	[smem:$0x3FAD] =	sst s2  }
0x8f: {  	_ = 	snop  }
0x90: {  	(tm) =	ssettm $0x1  }
0x91: {  	s17 =	sld [smem:$0x3FFB];
	_ =	sdelay $0x3  }
0x92: {  	_ =	strace s17  }
0x93: {  	s2 =	sld [smem:$0x3FFC];
	_ =	sdelay $0x3  }
0x94: {  	_ =	strace s2  }
0x95: {  	s2 =	sld [smem:$0x3FFD];
	_ =	sdelay $0x3  }
0x96: {  	_ =	strace s2  }
0x97: {  	_ =	strace $0x8FFFFFFF  }
0x98: {  	s18 =	sld [smem:$0x3FDB];
	_ =	sdelay $0x1  }
0x99: {  	s19 =	simm.s32 $_scs_section_size  }
0x9a: {  	s4 =	simm.s32 $_size__tile_overlayer_lowered;
	s5 =	simm.s32 $_tile_overlayer_lowered  }
0x9b: {  	s22 =	simm.s32 $0x1BFF;
	s21 =	sshll.u32 s5, $0x1;
	s2 =	sadd.s32 s19, s18  }
0x9c: {  	s6 =	simm.s32 $0x0;
	s20 =	sshll.u32 s4, $0x1;
	s4 =	sadd.s32 s21, s2  }
0x9d: {  	[timem:s6], [sflag:s22] =	dma.local [hbm:s4], s20  }
0x9e: {  	_ =	swait.ge [sflag:s22], s20  }
0x9f: {  	s3 =	ssub.s32 $0x0, s20;
	[sflag:s22] =	ssyncset.done $0x0  }
0xa0: {  	[sflag:s22] =	ssyncadd.s32 s3;
	_ =	sdelay $0x1  }
0xa1: {  	s23 =	simm.s32 $0x1B8B  }
0xa2: {  	_ =	swait.ge [sflag:s23], $0x1  }
0xa3: {  	[sflag:s23] =	ssyncset.done $0x0  }
0xa4: {  	s25 =	simm.s32 $0x1B8E;
	s24 =	sld [smem:$0x3FFE];
	[sflag:s23] =	ssyncadd.s32 $0xFFFFFFFF  }
0xa5: {  	s26 =	simm.s32 $execute0_lowered;
	[smem:$0x3FD2] =	sst s25  }
0xa6: {  	s4 =	sshll.u32 s26, $0x1;
	_ =	strace $0x80000046;
	[dreg:$0x1] =	wrdreg $0xFFFFFFFF  }
0xa7: {  	s28 =	simm.s32 $_size_execute0_lowered;
	s2 =	sadd.s32 s2, s4;
	[dreg:$0x0] =	wrdreg $0x0  }
0xa8: {  	s4 =	sshll.u32 s28, $0x1;
	[dreg:$0x2] =	wrdreg s2  }
0xa9: {  	[dreg:$0x3] =	wrdreg s4  }
0xaa: {  	[dreg:$0x4] =	wrdreg $0xC0  }
0xab: {  	_ =	task [dreg:s6], $0x5FFFF  }
0xac: {  	[dreg:$0x1] =	wrdreg $0xFFFFFFFF  }
0xad: {  	[dreg:$0x0] =	wrdreg $0x60  }
0xae: {  	[dreg:$0x2] =	wrdreg s24  }
0xaf: {  	[dreg:$0x3] =	wrdreg $0xA  }
0xb0: {  	_ =	task.clear_ibuf [dreg:s6], $0x4FFFF;
	_ =	strace $0x90000046  }
0xb1: {  	s29 =	simm.s32 $0xA;
	_ =	strace $0x80000048  }
0xb2: {  	_ =	swait.ge [sflag:s29], $0x1  }
0xb3: {  	[sflag:s29] =	ssyncadd.s32 $0xFFFFFFFF  }
0xb4: {  	_ =	strace $0x90000048  }
0xb5: {  	_ =	sfence  }
0xb6: {  	s30 =	sld [smem:$0x0];
	_ =	sdelay $0x2  }
0xb7: {  	s31 =	sshll.u32 s1, $0xD;
	s1 =	sshrl.u32 s1, $0x2  }
0xb8: {  	s3 =	sand.u32 $0x4000, s31;
	s1 =	sadd.s32 s1, s30  }
0xb9: {  	s0 =	sor.u32 s3, s0;
	s1 =	sshll.u32 s1, $0x11  }
0xba: {  	s0 =	sor.u32 s1, s0  }
0xbb: {  	s0 =	sadd.s32 $0x8F2B, s0  }
0xbc: {  	[sflag:s0] =	ssyncadd.remote.s32 $0x1  }
0xbd: {  	_ =	sfence.sel $0xFFFF  }
0xbe: {  	[dreg:$0x0] =	wrdreg $0xFFFFFFFF;
	(pc) =	sbr.abs _section_cstart, $3  }
0xbf: {  	[dreg:$0x1] =	wrdreg $0xFFFFFFFF  }
0xc0: {  	_ =	task.clear_ibuf [dreg:s6], $0x2FFFF;
	_ =	strace $0x9FFFFFFF  }
0xc1: {  	(tm) =	ssettm $0x7FFFFFFF  }
tec
execute0_lowered:
.L_overlay_start_1:
0x0: {  	(tag) =	ssettag $0x1  }
0x1: {  	s1 =	srdreg.scid  }
0x2: {  	s0 =	stileid.u32;
	s4 =	rddreg [dreg:$0x0]  }
0x3: {  	s2 =	simm.s32 $0x0;
	s12 =	simm.s32 $0x50;
	s13 =	simm.s32 $0x1180  }
0x4: {  	s14 =	simm.s32 $0x3980;
	s15 =	simm.s32 $0x6180;
	s16 =	simm.s32 $0x8980  }
0x5: {  	s17 =	simm.s32 $0xB180;
	s18 =	simm.s32 $0x1;
	s19 =	simm.s32 $0x2  }
0x6: {  	s20 =	simm.s32 $0x3;
	s21 =	simm.s32 $0x4;
	s22 =	simm.s32 $0x5  }
0x7: {  	s23 =	simm.s32 $0x0;
	s1 =	sand.u32 $0x1, s1;
	s7 =	smul.u32 $0x113000, s0  }
0x8: {  	s3 =	sshll.u32 s0, $0x1;
	[smem:$0x7FF] =	sst s2;
	s26 =	smul.u32 $0x22600, s0  }
0x9: {  	s10 =	sadd.s32 $0x88C00, s4;
	s3 =	sor.u32 s1, s3;
	s9 =	smul.u32 $0x89800, s1  }
0xa: {  	_ =	strace $0x80000047;
	s6 =	ssub.s32 $0x2, s1;
	s1 =	smul.u32 $0x11300, s1  }
0xb: {  	s5 =	smul.u32 $0x1130, s3;
	s3 =	sadd.s32 $0x13600, s4;
	s8 =	sshrl.u32 s6, $0x1  }
0xc: {  	s28 =	sadd.s32 s26, s10;
	s6 =	ssub.s32 s6, s8;
	s9 =	sadd.s32 s9, s7  }
0xd: {  	s5 =	sshrl.u32 s5, $0x3;
	s7 =	sadd.s32 $0xA000, s9;
	s29 =	sadd.s32 $0x7800, s9  }
0xe: {  	s11 =	sadd.s32 $0x5000, s9;
	s9 =	sadd.s32 $0x2800, s9;
	s4 =	sadd.s32 s4, s5  }
0xf: {  	s5 =	smax.u32 s6, $0x1;
	s7 =	sshrl.u32 s7, $0x3;
	s6 =	sadd.s32 s1, s28  }
0x10: {  	s1 =	sshrl.u32 s29, $0x3;
	s30 =	sshrl.u32 s11, $0x3;
	s31 =	sshrl.u32 s9, $0x3  }
0x11: {  	s11 =	simm.s32 $0x6;
	s4 =	sadd.s32 $0xEF80, s4;
	s7 =	sadd.s32 s7, s10  }
0x12: {  	s8 =	sadd.s32 s1, s10;
	s9 =	sadd.s32 s30, s10;
	s10 =	sadd.s32 s31, s10  }
.LBB2_1:
0x13: {  	[tilespmem:s2], [sflag:$0x6] =	stream.linear.gather [hbm4b:s4+s2], $0x1130, $0x38;
	[tilespmem:$0xD980] =	vst v63  }
0x14: {  	_ =	swait.ge [sflag:s11], $0x1130  }
0x15: {  	[sflag:s11] =	ssyncset.done $0x0  }
0x16: {  	s1 =	simm.s32 $0x0;
	[sflag:s11] =	ssyncadd.s32 $0xFFFFEED0  }
0x17: {  	[tilespmem:s13], [sflag:$0x1] =	stream.indirect.gather [hbm4b:s3+s12], $0x80, s1, s12, $0xb8;
	[tilespmem:$0xD980] =	vst v63  }
0x18: {  	s0 =	simm.s32 $0x50  }
0x19: {  	[tilespmem:s14], [sflag:$0x2] =	stream.indirect.gather [hbm4b:s3+s12], $0x80, s0, s12, $0xb8;
	[tilespmem:$0xD980] =	vst v63  }
0x1a: {  	s24 =	simm.s32 $0xA0  }
0x1b: {  	[tilespmem:s15], [sflag:$0x3] =	stream.indirect.gather [hbm4b:s3+s12], $0x80, s24, s12, $0xb8;
	[tilespmem:$0xD980] =	vst v63  }
0x1c: {  	s25 =	simm.s32 $0xF0  }
0x1d: {  	[tilespmem:s16], [sflag:$0x4] =	stream.indirect.gather [hbm4b:s3+s12], $0x80, s25, s12, $0xb8;
	[tilespmem:$0xD980] =	vst v63  }
0x1e: {  	s26 =	simm.s32 $0x140  }
0x1f: {  	[tilespmem:s17], [sflag:$0x5] =	stream.indirect.gather [hbm4b:s3+s12], $0x80, s26, s12, $0xb8;
	[tilespmem:$0xD980] =	vst v63  }
0x20: {  	_ =	swait.ge [sflag:s18], $0x2800  }
0x21: {  	[sflag:s18] =	ssyncset.done $0x0  }
0x22: {  	[sflag:s18] =	ssyncadd.s32 $0xFFFFD800  }
0x23: {  	[hbm4b:s6+s2] =	stream.linear.scatter [tilespmem:s13], [sflag:$0x6], $0x2800, $0x38;
	[tilespmem:$0xD980] =	vst v63  }
0x24: {  	_ =	swait.ge [sflag:s11], $0x2800  }
0x25: {  	[sflag:s11] =	ssyncset.done $0x0  }
0x26: {  	[sflag:s11] =	ssyncadd.s32 $0xFFFFD800  }
0x27: {  	_ =	swait.ge [sflag:s19], $0x2800  }
0x28: {  	[sflag:s19] =	ssyncset.done $0x0  }
0x29: {  	[sflag:s19] =	ssyncadd.s32 $0xFFFFD800  }
0x2a: {  	[hbm4b:s10+s2] =	stream.linear.scatter [tilespmem:s14], [sflag:$0x6], $0x2800, $0x38;
	[tilespmem:$0xD980] =	vst v63  }
0x2b: {  	_ =	swait.ge [sflag:s11], $0x2800  }
0x2c: {  	[sflag:s11] =	ssyncset.done $0x0  }
0x2d: {  	[sflag:s11] =	ssyncadd.s32 $0xFFFFD800  }
0x2e: {  	_ =	swait.ge [sflag:s20], $0x2800  }
0x2f: {  	[sflag:s20] =	ssyncset.done $0x0  }
0x30: {  	[sflag:s20] =	ssyncadd.s32 $0xFFFFD800  }
0x31: {  	[hbm4b:s9+s2] =	stream.linear.scatter [tilespmem:s15], [sflag:$0x6], $0x2800, $0x38;
	[tilespmem:$0xD980] =	vst v63  }
0x32: {  	_ =	swait.ge [sflag:s11], $0x2800  }
0x33: {  	[sflag:s11] =	ssyncset.done $0x0  }
0x34: {  	[sflag:s11] =	ssyncadd.s32 $0xFFFFD800  }
0x35: {  	_ =	swait.ge [sflag:s21], $0x2800  }
0x36: {  	[sflag:s21] =	ssyncset.done $0x0  }
0x37: {  	[sflag:s21] =	ssyncadd.s32 $0xFFFFD800  }
0x38: {  	[hbm4b:s8+s2] =	stream.linear.scatter [tilespmem:s16], [sflag:$0x6], $0x2800, $0x38;
	[tilespmem:$0xD980] =	vst v63  }
0x39: {  	_ =	swait.ge [sflag:s11], $0x2800  }
0x3a: {  	[sflag:s11] =	ssyncset.done $0x0  }
0x3b: {  	[sflag:s11] =	ssyncadd.s32 $0xFFFFD800  }
0x3c: {  	_ =	swait.ge [sflag:s22], $0x2800  }
0x3d: {  	s30 =	simm.s32 $0x640;
	[sflag:s22] =	ssyncset.done $0x0  }
0x3e: {  	s31 =	simm.s32 $0xC80;
	s28 =	sadd.s32 $0x1900, s10;
	[sflag:s22] =	ssyncadd.s32 $0xFFFFD800  }
0x3f: {  	[hbm4b:s7+s2] =	stream.linear.scatter [tilespmem:s17], [sflag:$0x6], $0x2800, $0x38;
	[tilespmem:$0xD980] =	vst v63  }
0x40: {  	s29 =	sadd.s32 $0x1900, s6;
	s24 =	sadd.s32 $0x1900, s7;
	_ =	swait.ge [sflag:s11], $0x2800  }
0x41: {  	s25 =	sadd.s32 $0x1900, s8;
	s26 =	sadd.s32 $0x1900, s9;
	[sflag:s11] =	ssyncset.done $0x0  }
.LBB2_2:
0x42: {  	s0 =	sshra.s32 s30, $0x2  }
0x43: {  	[sflag:s11] =	ssyncadd.s32 $0xFFFFD800;
	s30 =	smov.u32 s31;
	s1 =	sadd.s32 $0x640, s31  }
0x44: {  	[tilespmem:s13], [sflag:$0x1] =	stream.indirect.gather [hbm4b:s3+s12], $0x80, s0, s12, $0xb8;
	[tilespmem:$0xD980] =	vst v63  }
0x45: {  	p0 =	sne.s32 s31, $0x3E80;
	s31 =	sadd.s32 $0x50, s0  }
0x46: {  	[tilespmem:s14], [sflag:$0x2] =	stream.indirect.gather [hbm4b:s3+s12], $0x80, s31, s12, $0xb8;
	[tilespmem:$0xD980] =	vst v63  }
0x47: {  	s31 =	sadd.s32 $0xA0, s0  }
0x48: {  	[tilespmem:s15], [sflag:$0x3] =	stream.indirect.gather [hbm4b:s3+s12], $0x80, s31, s12, $0xb8;
	[tilespmem:$0xD980] =	vst v63  }
0x49: {  	s31 =	sadd.s32 $0xF0, s0  }
0x4a: {  	[tilespmem:s16], [sflag:$0x4] =	stream.indirect.gather [hbm4b:s3+s12], $0x80, s31, s12, $0xb8;
	[tilespmem:$0xD980] =	vst v63  }
0x4b: {  	s0 =	sadd.s32 $0x140, s0  }
0x4c: {  	[tilespmem:s17], [sflag:$0x5] =	stream.indirect.gather [hbm4b:s3+s12], $0x80, s0, s12, $0xb8;
	[tilespmem:$0xD980] =	vst v63  }
0x4d: {  	_ =	swait.ge [sflag:s18], $0x2800  }
0x4e: {  	[sflag:s18] =	ssyncset.done $0x0  }
0x4f: {  	[sflag:s18] =	ssyncadd.s32 $0xFFFFD800  }
0x50: {  	[hbm4b:s29+s2] =	stream.linear.scatter [tilespmem:s13], [sflag:$0x6], $0x2800, $0x38;
	[tilespmem:$0xD980] =	vst v63  }
0x51: {  	_ =	swait.ge [sflag:s11], $0x2800  }
0x52: {  	[sflag:s11] =	ssyncset.done $0x0  }
0x53: {  	[sflag:s11] =	ssyncadd.s32 $0xFFFFD800  }
0x54: {  	_ =	swait.ge [sflag:s19], $0x2800  }
0x55: {  	[sflag:s19] =	ssyncset.done $0x0  }
0x56: {  	[sflag:s19] =	ssyncadd.s32 $0xFFFFD800  }
0x57: {  	[hbm4b:s28+s2] =	stream.linear.scatter [tilespmem:s14], [sflag:$0x6], $0x2800, $0x38;
	[tilespmem:$0xD980] =	vst v63  }
0x58: {  	_ =	swait.ge [sflag:s11], $0x2800  }
0x59: {  	[sflag:s11] =	ssyncset.done $0x0  }
0x5a: {  	[sflag:s11] =	ssyncadd.s32 $0xFFFFD800  }
0x5b: {  	_ =	swait.ge [sflag:s20], $0x2800  }
0x5c: {  	[sflag:s20] =	ssyncset.done $0x0  }
0x5d: {  	[sflag:s20] =	ssyncadd.s32 $0xFFFFD800  }
0x5e: {  	[hbm4b:s26+s2] =	stream.linear.scatter [tilespmem:s15], [sflag:$0x6], $0x2800, $0x38;
	[tilespmem:$0xD980] =	vst v63  }
0x5f: {  	_ =	swait.ge [sflag:s11], $0x2800  }
0x60: {  	[sflag:s11] =	ssyncset.done $0x0  }
0x61: {  	[sflag:s11] =	ssyncadd.s32 $0xFFFFD800  }
0x62: {  	_ =	swait.ge [sflag:s21], $0x2800  }
0x63: {  	[sflag:s21] =	ssyncset.done $0x0  }
0x64: {  	[sflag:s21] =	ssyncadd.s32 $0xFFFFD800  }
0x65: {  	[hbm4b:s25+s2] =	stream.linear.scatter [tilespmem:s16], [sflag:$0x6], $0x2800, $0x38;
	[tilespmem:$0xD980] =	vst v63  }
0x66: {  	_ =	swait.ge [sflag:s11], $0x2800  }
0x67: {  	[sflag:s11] =	ssyncset.done $0x0  }
0x68: {  	[sflag:s11] =	ssyncadd.s32 $0xFFFFD800  }
0x69: {  	_ =	swait.ge [sflag:s22], $0x2800  }
.Ltmp0:
0x6a: {  	[sflag:s22] =	ssyncset.done $0x0;
	(pc) =	sbr.rel @p0 .LBB2_2-.Ltmp0, $4  }
0x6b: {  	s31 =	smov.u32 s1;
	s28 =	sadd.s32 $0x1900, s28;
	[sflag:s22] =	ssyncadd.s32 $0xFFFFD800  }
0x6c: {  	[hbm4b:s24+s2] =	stream.linear.scatter [tilespmem:s17], [sflag:$0x6], $0x2800, $0x38;
	[tilespmem:$0xD980] =	vst v63  }
0x6d: {  	s26 =	sadd.s32 $0x1900, s26;
	s25 =	sadd.s32 $0x1900, s25;
	_ =	swait.ge [sflag:s11], $0x2800  }
0x6e: {  	s29 =	sadd.s32 $0x1900, s29;
	s24 =	sadd.s32 $0x1900, s24;
	[sflag:s11] =	ssyncset.done $0x0  }
0x6f: {  	s0 =	sshra.s32 s30, $0x2;
	[sflag:s11] =	ssyncadd.s32 $0xFFFFD800  }
0x70: {  	[tilespmem:s13], [sflag:$0x1] =	stream.indirect.gather [hbm4b:s3+s12], $0x80, s0, s12, $0xb8;
	[tilespmem:$0xD980] =	vst v63  }
0x71: {  	s1 =	sadd.s32 $0x50, s0  }
0x72: {  	[tilespmem:s14], [sflag:$0x2] =	stream.indirect.gather [hbm4b:s3+s12], $0x80, s1, s12, $0xb8;
	[tilespmem:$0xD980] =	vst v63  }
0x73: {  	s30 =	sadd.s32 $0xA0, s0  }
0x74: {  	[tilespmem:s15], [sflag:$0x3] =	stream.indirect.gather [hbm4b:s3+s12], $0x80, s30, s12, $0xb8;
	[tilespmem:$0xD980] =	vst v63  }
0x75: {  	s31 =	sadd.s32 $0xF0, s0  }
0x76: {  	[tilespmem:s16], [sflag:$0x4] =	stream.indirect.gather [hbm4b:s3+s12], $0x80, s31, s12, $0xb8;
	[tilespmem:$0xD980] =	vst v63  }
0x77: {  	s0 =	sadd.s32 $0x140, s0  }
0x78: {  	[tilespmem:s17], [sflag:$0x5] =	stream.indirect.gather [hbm4b:s3+s12], $0x80, s0, s12, $0xb8;
	[tilespmem:$0xD980] =	vst v63  }
0x79: {  	_ =	swait.ge [sflag:s18], $0x2800  }
0x7a: {  	[sflag:s18] =	ssyncset.done $0x0  }
0x7b: {  	[sflag:s18] =	ssyncadd.s32 $0xFFFFD800  }
0x7c: {  	[hbm4b:s29+s2] =	stream.linear.scatter [tilespmem:s13], [sflag:$0x6], $0x2800, $0x38;
	[tilespmem:$0xD980] =	vst v63  }
0x7d: {  	_ =	swait.ge [sflag:s11], $0x2800  }
0x7e: {  	[sflag:s11] =	ssyncset.done $0x0  }
0x7f: {  	[sflag:s11] =	ssyncadd.s32 $0xFFFFD800  }
0x80: {  	_ =	swait.ge [sflag:s19], $0x2800  }
0x81: {  	[sflag:s19] =	ssyncset.done $0x0  }
0x82: {  	[sflag:s19] =	ssyncadd.s32 $0xFFFFD800  }
0x83: {  	[hbm4b:s28+s2] =	stream.linear.scatter [tilespmem:s14], [sflag:$0x6], $0x2800, $0x38;
	[tilespmem:$0xD980] =	vst v63  }
0x84: {  	_ =	swait.ge [sflag:s11], $0x2800  }
0x85: {  	[sflag:s11] =	ssyncset.done $0x0  }
0x86: {  	[sflag:s11] =	ssyncadd.s32 $0xFFFFD800  }
0x87: {  	_ =	swait.ge [sflag:s20], $0x2800  }
0x88: {  	[sflag:s20] =	ssyncset.done $0x0  }
0x89: {  	[sflag:s20] =	ssyncadd.s32 $0xFFFFD800  }
0x8a: {  	[hbm4b:s26+s2] =	stream.linear.scatter [tilespmem:s15], [sflag:$0x6], $0x2800, $0x38;
	[tilespmem:$0xD980] =	vst v63  }
0x8b: {  	_ =	swait.ge [sflag:s11], $0x2800  }
0x8c: {  	[sflag:s11] =	ssyncset.done $0x0  }
0x8d: {  	[sflag:s11] =	ssyncadd.s32 $0xFFFFD800  }
0x8e: {  	_ =	swait.ge [sflag:s21], $0x2800  }
0x8f: {  	[sflag:s21] =	ssyncset.done $0x0  }
0x90: {  	[sflag:s21] =	ssyncadd.s32 $0xFFFFD800  }
0x91: {  	[hbm4b:s25+s2] =	stream.linear.scatter [tilespmem:s16], [sflag:$0x6], $0x2800, $0x38;
	[tilespmem:$0xD980] =	vst v63  }
0x92: {  	_ =	swait.ge [sflag:s11], $0x2800  }
0x93: {  	[sflag:s11] =	ssyncset.done $0x0  }
0x94: {  	[sflag:s11] =	ssyncadd.s32 $0xFFFFD800  }
0x95: {  	s23 =	sadd.s32 $0x1, s23;
	_ =	swait.ge [sflag:s22], $0x2800  }
0x96: {  	p0 =	sne.s32 s23, s5;
	[sflag:s22] =	ssyncset.done $0x0  }
.Ltmp1:
0x97: {  	[sflag:s22] =	ssyncadd.s32 $0xFFFFD800;
	(pc) =	sbr.rel @p0 .LBB2_1-.Ltmp1, $4  }
0x98: {  	[hbm4b:s24+s2] =	stream.linear.scatter [tilespmem:s17], [sflag:$0x6], $0x2800, $0x38;
	[tilespmem:$0xD980] =	vst v63  }
0x99: {  	_ =	swait.ge [sflag:s11], $0x2800  }
0x9a: {  	[sflag:s11] =	ssyncset.done $0x0  }
0x9b: {  	[sflag:s11] =	ssyncadd.s32 $0xFFFFD800  }
0x9c: {  	_ =	sfence.sel $0x180000  }
0x9d: {  	[bflag:$0x0] =	sbarrier.arrive $0xFFFF  }
0x9e: {  	_ =	strace $0x90000047  }
0x9f: {  	s0 =	stileid.u32;
	[bflag:$0x2] =	sbarrier.arrive $0xFFFF  }
0xa0: {  	p0 =	sne.s32 s0, $0x0;
	s0 =	rddreg [dreg:$0x1]  }
0xa1: {  	s0 =	sadd.s32 @!p0 $0x100000, s0  }
0xa2: {  	[sflag:s0] =	ssyncadd.tile.s32 @!p0 $0x1;
	_ =	shalt  }
.Lfunc_end2:
_tile_overlayer_lowered:
.L_overlay_start_2:
0xa3: {  	(tag) =	ssettag $0x2  }
0xa4: {  	s0 =	rddreg [dreg:$0x0];
	s2 =	stileid.u32  }
0xa5: {  	s1 =	rddreg [dreg:$0x1];
	p0 =	sne.s32 s2, $0x0  }
0xa6: {  	s3 =	rddreg [dreg:$0x2];
	[bflag:$0x3] =	sbarrier.arrive $0xFFFF;
	s2 =	simm.s32 @!p0 $0x1C06  }
0xa7: {  	[timem:s3], [sflag:s2] =	dma.local @!p0 [hbm:s0], s1  }
0xa8: {  	s0 =	simm.s32 @!p0 $0x6  }
0xa9: {  	_ =	swait.ge @!p0 [sflag:s0], s1  }
0xaa: {  	s1 =	ssub.s32 @!p0 $0x0, s1;
	[sflag:s0] =	ssyncset.done @!p0 $0x0  }
0xab: {  	[sflag:s0] =	ssyncadd.s32 @!p0 s1  }
0xac: {  	[bflag:$0x3] =	sbarrier.arrive $0xFFFF  }
0xad: {  	_ =	shalt  }

// kernel: kernel.31.cloned.1.call-start
scs
__scs_entry_jumppad:
0x0: {  	(pc) =	sbr.rel $0x88, $3  }
0x1: {  	(tag) =	ssettag $0x0;
	lr =	simm.s32 $0x1  }
0x2: {  	[smem:$0x3F86] =	sst lr;
	_ =	strace $0xD0000000  }
0x3: {  	_ = 	snop  }
0x4: {  	_ = 	snop  }
0x5: {  	_ = 	snop  }
0x6: {  	_ = 	snop  }
0x7: {  	_ = 	snop  }
__scs_overlays_trampoline_lowered:
0x8: {  	[smem:$0x3F95] =	sst s0  }
0x9: {  	[smem:$0x3F96] =	sst s1  }
0xa: {  	[smem:$0x3F97] =	sst s2  }
0xb: {  	[smem:$0x3F98] =	sst s3  }
0xc: {  	[smem:$0x3F99] =	sst s4  }
0xd: {  	[smem:$0x3F9A] =	sst s5  }
0xe: {  	[smem:$0x3F9B] =	sst s6  }
0xf: {  	[smem:$0x3F9C] =	sst s7  }
0x10: {  	[smem:$0x3F9D] =	sst s8  }
0x11: {  	[smem:$0x3F9E] =	sst s9;
	s0 =	simm.s32 @!p0 $0x0  }
0x12: {  	s1 =	sld [smem:$0x3F84];
	s0 =	simm.s32 @p0 $0x1  }
0x13: {  	[smem:$0x3F9F] =	sst s0;
	s0 =	simm.s32 @!p1 $0x0  }
0x14: {  	s2 =	sld [smem:$0x3F83];
	s0 =	simm.s32 @p1 $0x1  }
0x15: {  	[smem:$0x3FA0] =	sst s0;
	s0 =	simm.s32 @!p2 $0x0  }
0x16: {  	s3 =	sld [smem:$0x3FDB];
	s0 =	simm.s32 @p2 $0x1  }
0x17: {  	s4 =	simm.s32 $0x1BF5;
	[smem:$0x3FA2] =	sst s0  }
0x18: {  	s0 =	sld [smem:$0x3F85];
	_ =	swait.ge [sflag:s4], $0x0  }
0x19: {  	s7 =	sld [smem:$0x3F86]  }
0x1a: {  	s8 =	sadd.s32 $0xFFFFE003, lr  }
0x1b: {  	s9 =	sadd.s32 $0xFFFFFEF7, lr;
	s5 =	simm.s32 $0xFFFFFFFF;
	p2 =	slt.u32 s8, $0xFFFFF086  }
0x1c: {  	p1 =	slt.u32 s9, $0xF7A;
	s5 =	simm.s32 @!p2 $0x0  }
0x1d: {  	s5 =	simm.s32 @p1 $0x1;
	p0 =	seq.s32 s7, s2  }
0x1e: {  	s7 =	smul.u32 @!p0 $0xF7A, s2;
	p2 =	seq.s32 @!p0 s5, $0x0  }
0x1f: {  	s9 =	smul.u32 $0xF7A, s1;
	s8 =	simm.s32 @!p0 $0x1BF5;
	p2 =	por !p2, p0  }
0x20: {  	[sflag:s8] =	ssyncset.s32 @!p0 $0xFFFFF086;
	s6 =	sadd.s32 @!p0 s3, s7;
	s7 =	simm.s32 @!p0 $0x108  }
0x21: {  	s3 =	sadd.s32 s3, s9;
	s6 =	sadd.s32 @!p0 $0x88, s6;
	s7 =	simm.s32 @p2 $0x1082  }
0x22: {  	[simem:s7], [sflag:s8] =	dma.local @!p0 [hbm:s6], $0xF7A  }
0x23: {  	s9 =	sor.u32 $0xD0000000, s2;
	s6 =	simm.s32 $0x108;
	_ =	swait.ge @!p0 [sflag:s8], $0x0  }
0x24: {  	s3 =	sadd.s32 $0x88, s3;
	s6 =	simm.s32 @!p1 $0x1082;
	[sflag:s4] =	ssyncset.s32 $0xFFFFF086  }
0x25: {  	[simem:s6], [sflag:s4] =	dma.local [hbm:s3], $0xF7A  }
0x26: {  	[smem:$0x3F86] =	sst s1;
	(tag) =	ssettag s2;
	_ =	strace s9  }
0x27: {  	s1 =	sld [smem:$0x3F96]  }
0x28: {  	s2 =	sld [smem:$0x3F97]  }
0x29: {  	s4 =	sld [smem:$0x3F99]  }
0x2a: {  	p0 =	seq.s32 s5, $0x0;
	s5 =	sld [smem:$0x3F9A]  }
0x2b: {  	s6 =	sld [smem:$0x3F9B]  }
0x2c: {  	s7 =	sld [smem:$0x3F9C]  }
0x2d: {  	s3 =	simm.s32 $0x108;
	s8 =	sld [smem:$0x3F9D]  }
0x2e: {  	s3 =	simm.s32 @!p0 $0x1082;
	s9 =	sld [smem:$0x3F9E]  }
0x2f: {  	lr =	sadd.s32 s0, s3;
	s0 =	sld [smem:$0x3F95]  }
0x30: {  	s3 =	sld [smem:$0x3F98]  }
0x31: {  	[smem:$0x3FA1] =	sst s10  }
0x32: {  	s10 =	sld [smem:$0x3F9F];
	_ =	sdelay $0x3  }
0x33: {  	p0 =	seq.s32 s10, $0x1;
	s10 =	sld [smem:$0x3FA1];
	_ =	sdelay $0x3  }
0x34: {  	[smem:$0x3FA1] =	sst s10  }
0x35: {  	s10 =	sld [smem:$0x3FA0];
	_ =	sdelay $0x3  }
0x36: {  	p1 =	seq.s32 s10, $0x1;
	s10 =	sld [smem:$0x3FA1];
	_ =	sdelay $0x3  }
0x37: {  	[smem:$0x3FA1] =	sst s10  }
0x38: {  	s10 =	sld [smem:$0x3FA2]  }
0x39: {  	_ = 	snop;
	(pc) =	sbr.ind lr, $3  }
0x3a: {  	_ = 	snop  }
0x3b: {  	_ = 	snop  }
0x3c: {  	p2 =	seq.s32 s10, $0x1;
	s10 =	sld [smem:$0x3FA1]  }
0x3d: {  	_ =	shalt  }
0x3e: {  	_ =	shalt  }
0x3f: {  	_ =	shalt  }
0x40: {  	_ =	shalt  }
0x41: {  	_ =	shalt  }
0x42: {  	_ =	shalt  }
0x43: {  	_ =	shalt  }
0x44: {  	_ =	shalt  }
0x45: {  	_ =	shalt  }
0x46: {  	_ =	shalt  }
0x47: {  	_ =	shalt  }
0x48: {  	_ =	shalt  }
0x49: {  	_ =	shalt  }
0x4a: {  	_ =	shalt  }
0x4b: {  	_ =	shalt  }
0x4c: {  	_ =	shalt  }
0x4d: {  	_ =	shalt  }
0x4e: {  	_ =	shalt  }
0x4f: {  	_ =	shalt  }
0x50: {  	_ =	shalt  }
0x51: {  	_ =	shalt  }
0x52: {  	_ =	shalt  }
0x53: {  	_ =	shalt  }
0x54: {  	_ =	shalt  }
0x55: {  	_ =	shalt  }
0x56: {  	_ =	shalt  }
0x57: {  	_ =	shalt  }
0x58: {  	_ =	shalt  }
0x59: {  	_ =	shalt  }
0x5a: {  	_ =	shalt  }
0x5b: {  	_ =	shalt  }
0x5c: {  	_ =	shalt  }
0x5d: {  	_ =	shalt  }
0x5e: {  	_ =	shalt  }
0x5f: {  	_ =	shalt  }
0x60: {  	_ =	shalt  }
0x61: {  	_ =	shalt  }
0x62: {  	_ =	shalt  }
0x63: {  	_ =	shalt  }
0x64: {  	_ =	shalt  }
0x65: {  	_ =	shalt  }
0x66: {  	_ =	shalt  }
0x67: {  	_ =	shalt  }
0x68: {  	_ =	shalt  }
0x69: {  	_ =	shalt  }
0x6a: {  	_ =	shalt  }
0x6b: {  	_ =	shalt  }
0x6c: {  	_ =	shalt  }
0x6d: {  	_ =	shalt  }
0x6e: {  	_ =	shalt  }
0x6f: {  	_ =	shalt  }
0x70: {  	_ =	shalt  }
0x71: {  	_ =	shalt  }
0x72: {  	_ =	shalt  }
0x73: {  	_ =	shalt  }
0x74: {  	_ =	shalt  }
0x75: {  	_ =	shalt  }
0x76: {  	_ =	shalt  }
0x77: {  	_ =	shalt  }
0x78: {  	_ =	shalt  }
0x79: {  	_ =	shalt  }
0x7a: {  	_ =	shalt  }
0x7b: {  	_ =	shalt  }
0x7c: {  	_ =	shalt  }
0x7d: {  	_ =	shalt  }
0x7e: {  	_ =	shalt  }
0x7f: {  	_ =	shalt  }
0x80: {  	_ =	shalt  }
0x81: {  	_ =	shalt  }
0x82: {  	_ =	shalt  }
0x83: {  	_ =	shalt  }
0x84: {  	_ =	shalt  }
0x85: {  	_ =	shalt  }
0x86: {  	_ =	shalt  }
0x87: {  	_ =	shalt  }
.Lfunc_end0:
.L_simem_size_0:
called_computation.2_lowered:
.L_overlay_start_0:
0x88: {  	s2 =	sld [smem:$0x3FD9]  }
0x89: {  	s3 =	sld [smem:$0x3FFE];
	_ =	sdelay $0x1  }
0x8a: {  	s1 =	srdreg.scid  }
0x8b: {  	s0 =	sand.u32 $0x1, s1  }
0x8c: {  	s17 =	sshll.u32 s0, $0xA;
	s2 =	sadd.s32 s3, s2  }
0x8d: {  	s2 =	sadd.s32 s2, s17  }
0x8e: {  	[smem:$0x3FAD] =	sst s2  }
0x8f: {  	_ = 	snop  }
0x90: {  	(tm) =	ssettm $0x1  }
0x91: {  	s18 =	sld [smem:$0x3FFB];
	_ =	sdelay $0x3  }
0x92: {  	_ =	strace s18  }
0x93: {  	s2 =	sld [smem:$0x3FFC];
	_ =	sdelay $0x3  }
0x94: {  	_ =	strace s2  }
0x95: {  	s2 =	sld [smem:$0x3FFD];
	_ =	sdelay $0x3  }
0x96: {  	_ =	strace s2  }
0x97: {  	_ =	strace $0x8FFFFFFF  }
0x98: {  	s19 =	sld [smem:$0x3FDB];
	_ =	sdelay $0x1  }
0x99: {  	s20 =	simm.s32 $_scs_section_size  }
0x9a: {  	s4 =	simm.s32 $_size__tile_overlayer_lowered;
	s5 =	simm.s32 $_tile_overlayer_lowered  }
0x9b: {  	s6 =	simm.s32 $0x1BFF;
	s21 =	sshll.u32 s5, $0x1;
	s3 =	sadd.s32 s20, s19  }
0x9c: {  	s22 =	simm.s32 $0x0;
	s4 =	sshll.u32 s4, $0x1;
	s5 =	sadd.s32 s21, s3  }
0x9d: {  	[timem:s22], [sflag:s6] =	dma.local [hbm:s5], s4  }
0x9e: {  	_ =	swait.ge [sflag:s6], s4  }
0x9f: {  	s4 =	ssub.s32 $0x0, s4;
	[sflag:s6] =	ssyncset.done $0x0  }
0xa0: {  	[sflag:s6] =	ssyncadd.s32 s4;
	_ =	sdelay $0x1  }
0xa1: {  	s23 =	simm.s32 $0x1B8B  }
0xa2: {  	_ =	swait.ge [sflag:s23], $0x1  }
0xa3: {  	[sflag:s23] =	ssyncset.done $0x0  }
0xa4: {  	[sflag:s23] =	ssyncadd.s32 $0xFFFFFFFF  }
0xa5: {  	s4 =	sld [smem:$0x0]  }
0xa6: {  	s5 =	sand.u32 $0xFFFFFFFE, s1  }
0xa7: {  	p0 =	sne.s32 s1, s5  }
0xa8: {  	s5 =	sshll.u32 @p0 s5, $0xE  }
0xa9: {  	s5 =	sadd.s32 @p0 $0x11B8D, s5;
	s6 =	sshll.u32 @p0 s4, $0x11  }
0xaa: {  	s5 =	sor.u32 @p0 s6, s5  }
0xab: {  	[sflag:s5] =	ssyncadd.remote.s32 @p0 $0x1;
	_ =	sdelay $0x1  }
0xac: {  	s5 =	simm.s32 @p0 $0x1B8D  }
0xad: {  	_ =	swait.eq @p0 [sflag:s5], $0x1  }
0xae: {  	[sflag:s5] =	ssyncadd.s32 @p0 $0xFFFFFFFF  }
0xaf: {  	s6 =	sshll.u32 @!p0 s1, $0xE  }
0xb0: {  	s6 =	sor.u32 @!p0 $0x4000, s6;
	s5 =	simm.s32 @!p0 $0x1B8D  }
0xb1: {  	s4 =	sshll.u32 @!p0 s4, $0x11;
	s6 =	sadd.s32 @!p0 $0x11B8D, s6;
	_ =	swait.eq @!p0 [sflag:s5], $0x1  }
0xb2: {  	s4 =	sor.u32 @!p0 s4, s6;
	[sflag:s5] =	ssyncadd.s32 @!p0 $0xFFFFFFFF  }
0xb3: {  	s25 =	simm.s32 $0x1B8E;
	s24 =	sld [smem:$0x3FFE];
	[sflag:s4] =	ssyncadd.remote.s32 @!p0 $0x1  }
0xb4: {  	s26 =	simm.s32 $execute0_lowered;
	[smem:$0x3FD2] =	sst s25  }
0xb5: {  	s5 =	sshll.u32 s26, $0x1;
	_ =	strace $0x8000004F;
	[dreg:$0x1] =	wrdreg $0xFFFFFFFF  }
0xb6: {  	s28 =	simm.s32 $_size_execute0_lowered;
	s3 =	sadd.s32 s3, s5;
	[dreg:$0x0] =	wrdreg $0x0  }
0xb7: {  	s5 =	sshll.u32 s28, $0x1;
	[dreg:$0x2] =	wrdreg s3  }
0xb8: {  	[dreg:$0x3] =	wrdreg s5  }
0xb9: {  	[dreg:$0x4] =	wrdreg $0xC0  }
0xba: {  	_ =	task [dreg:s22], $0x5FFFF  }
0xbb: {  	[dreg:$0x1] =	wrdreg $0xFFFFFFFF  }
0xbc: {  	[dreg:$0x0] =	wrdreg $0x60  }
0xbd: {  	[dreg:$0x2] =	wrdreg s24  }
0xbe: {  	[dreg:$0x3] =	wrdreg $0x9  }
0xbf: {  	_ =	task.clear_ibuf [dreg:s22], $0x4FFFF;
	_ =	strace $0x9000004F  }
0xc0: {  	s29 =	simm.s32 $0x9;
	_ =	strace $0x80000051  }
0xc1: {  	_ =	swait.ge [sflag:s29], $0x1  }
0xc2: {  	[sflag:s29] =	ssyncadd.s32 $0xFFFFFFFF  }
0xc3: {  	_ =	strace $0x90000051  }
0xc4: {  	_ =	sfence  }
0xc5: {  	s30 =	sld [smem:$0x0];
	_ =	sdelay $0x2  }
0xc6: {  	s31 =	sshll.u32 s1, $0xD;
	s1 =	sshrl.u32 s1, $0x2  }
0xc7: {  	s4 =	sand.u32 $0x4000, s31;
	s1 =	sadd.s32 s1, s30  }
0xc8: {  	s0 =	sor.u32 s4, s0;
	s1 =	sshll.u32 s1, $0x11  }
0xc9: {  	s0 =	sor.u32 s1, s0  }
0xca: {  	s0 =	sadd.s32 $0x8F2B, s0  }
0xcb: {  	[sflag:s0] =	ssyncadd.remote.s32 $0x1  }
0xcc: {  	_ =	sfence.sel $0xFFFF  }
0xcd: {  	[dreg:$0x0] =	wrdreg $0xFFFFFFFF;
	(pc) =	sbr.abs _section_cstart, $3  }
0xce: {  	[dreg:$0x1] =	wrdreg $0xFFFFFFFF  }
0xcf: {  	_ =	task.clear_ibuf [dreg:s22], $0x2FFFF;
	_ =	strace $0x9FFFFFFF  }
0xd0: {  	(tm) =	ssettm $0x7FFFFFFF  }
0xd1: {  	_ =	shalt  }
tec
execute0_lowered:
.L_overlay_start_1:
0x0: {  	(tag) =	ssettag $0x1  }
0x1: {  	s1 =	srdreg.scid;
	s0 =	stileid.u32  }
0x2: {  	s4 =	rddreg [dreg:$0x0];
	s2 =	simm.s32 $0x0;
	s12 =	simm.s32 $0x50  }
0x3: {  	s13 =	simm.s32 $0x1600;
	s14 =	simm.s32 $0x3E00;
	s15 =	simm.s32 $0x6600  }
0x4: {  	s16 =	simm.s32 $0x8E00;
	s17 =	simm.s32 $0xB600;
	s18 =	simm.s32 $0x1  }
0x5: {  	s19 =	simm.s32 $0x2;
	s20 =	simm.s32 $0x3;
	s21 =	simm.s32 $0x4  }
0x6: {  	s22 =	simm.s32 $0x5;
	s23 =	simm.s32 $0x0;
	s6 =	smul.u32 $0x15E000, s0  }
0x7: {  	s1 =	sand.u32 $0x1, s1;
	s3 =	sshll.u32 s0, $0x1;
	s9 =	smul.u32 $0x2BC00, s0  }
0x8: {  	[smem:$0x7FF] =	sst s2;
	s10 =	sadd.s32 $0x2AEC00, s4;
	s8 =	smul.u32 $0xAF000, s1  }
0x9: {  	s3 =	sor.u32 s1, s3;
	s7 =	ssub.s32 $0x2, s1;
	s1 =	smul.u32 $0x15E00, s1  }
0xa: {  	_ =	strace $0x80000050;
	s5 =	smul.u32 $0x2BC, s3;
	s3 =	sadd.s32 $0x13600, s4  }
0xb: {  	s25 =	sshrl.u32 s7, $0x1;
	s26 =	sadd.s32 s9, s10;
	s8 =	sadd.s32 s8, s6  }
0xc: {  	s7 =	ssub.s32 s7, s25;
	s5 =	sadd.s32 s5, s4;
	s6 =	sadd.s32 $0xA000, s8  }
0xd: {  	s29 =	sadd.s32 $0x7800, s8;
	s30 =	sadd.s32 $0x5000, s8;
	s11 =	sadd.s32 $0x2800, s8  }
0xe: {  	s4 =	sadd.s32 $0x9800, s5;
	s5 =	smax.u32 s7, $0x1;
	s28 =	sshrl.u32 s6, $0x3  }
0xf: {  	s6 =	sadd.s32 s1, s26;
	s1 =	sshrl.u32 s29, $0x3;
	s31 =	sshrl.u32 s30, $0x3  }
0x10: {  	s11 =	sshrl.u32 s11, $0x3;
	s7 =	sadd.s32 s28, s10;
	s8 =	sadd.s32 s1, s10  }
0x11: {  	s9 =	sadd.s32 s31, s10;
	s10 =	sadd.s32 s11, s10;
	s11 =	simm.s32 $0x6  }
.LBB2_1:
0x12: {  	[tilespmem:s2], [sflag:$0x6] =	stream.linear.gather [hbm4b:s4+s2], $0x15E0, $0x38;
	[tilespmem:$0xDE00] =	vst v63  }
0x13: {  	_ =	swait.ge [sflag:s11], $0x15E0  }
0x14: {  	[sflag:s11] =	ssyncset.done $0x0  }
0x15: {  	s1 =	simm.s32 $0x0;
	[sflag:s11] =	ssyncadd.s32 $0xFFFFEA20  }
0x16: {  	[tilespmem:s13], [sflag:$0x1] =	stream.indirect.gather [hbm4b:s3+s12], $0x80, s1, s12, $0xb8;
	[tilespmem:$0xDE00] =	vst v63  }
0x17: {  	s0 =	simm.s32 $0x50  }
0x18: {  	[tilespmem:s14], [sflag:$0x2] =	stream.indirect.gather [hbm4b:s3+s12], $0x80, s0, s12, $0xb8;
	[tilespmem:$0xDE00] =	vst v63  }
0x19: {  	s24 =	simm.s32 $0xA0  }
0x1a: {  	[tilespmem:s15], [sflag:$0x3] =	stream.indirect.gather [hbm4b:s3+s12], $0x80, s24, s12, $0xb8;
	[tilespmem:$0xDE00] =	vst v63  }
0x1b: {  	s25 =	simm.s32 $0xF0  }
0x1c: {  	[tilespmem:s16], [sflag:$0x4] =	stream.indirect.gather [hbm4b:s3+s12], $0x80, s25, s12, $0xb8;
	[tilespmem:$0xDE00] =	vst v63  }
0x1d: {  	s26 =	simm.s32 $0x140  }
0x1e: {  	[tilespmem:s17], [sflag:$0x5] =	stream.indirect.gather [hbm4b:s3+s12], $0x80, s26, s12, $0xb8;
	[tilespmem:$0xDE00] =	vst v63  }
0x1f: {  	_ =	swait.ge [sflag:s18], $0x2800  }
0x20: {  	[sflag:s18] =	ssyncset.done $0x0  }
0x21: {  	[sflag:s18] =	ssyncadd.s32 $0xFFFFD800  }
0x22: {  	[hbm4b:s6+s2] =	stream.linear.scatter [tilespmem:s13], [sflag:$0x6], $0x2800, $0x38;
	[tilespmem:$0xDE00] =	vst v63  }
0x23: {  	_ =	swait.ge [sflag:s11], $0x2800  }
0x24: {  	[sflag:s11] =	ssyncset.done $0x0  }
0x25: {  	[sflag:s11] =	ssyncadd.s32 $0xFFFFD800  }
0x26: {  	_ =	swait.ge [sflag:s19], $0x2800  }
0x27: {  	[sflag:s19] =	ssyncset.done $0x0  }
0x28: {  	[sflag:s19] =	ssyncadd.s32 $0xFFFFD800  }
0x29: {  	[hbm4b:s10+s2] =	stream.linear.scatter [tilespmem:s14], [sflag:$0x6], $0x2800, $0x38;
	[tilespmem:$0xDE00] =	vst v63  }
0x2a: {  	_ =	swait.ge [sflag:s11], $0x2800  }
0x2b: {  	[sflag:s11] =	ssyncset.done $0x0  }
0x2c: {  	[sflag:s11] =	ssyncadd.s32 $0xFFFFD800  }
0x2d: {  	_ =	swait.ge [sflag:s20], $0x2800  }
0x2e: {  	[sflag:s20] =	ssyncset.done $0x0  }
0x2f: {  	[sflag:s20] =	ssyncadd.s32 $0xFFFFD800  }
0x30: {  	[hbm4b:s9+s2] =	stream.linear.scatter [tilespmem:s15], [sflag:$0x6], $0x2800, $0x38;
	[tilespmem:$0xDE00] =	vst v63  }
0x31: {  	_ =	swait.ge [sflag:s11], $0x2800  }
0x32: {  	[sflag:s11] =	ssyncset.done $0x0  }
0x33: {  	[sflag:s11] =	ssyncadd.s32 $0xFFFFD800  }
0x34: {  	_ =	swait.ge [sflag:s21], $0x2800  }
0x35: {  	[sflag:s21] =	ssyncset.done $0x0  }
0x36: {  	[sflag:s21] =	ssyncadd.s32 $0xFFFFD800  }
0x37: {  	[hbm4b:s8+s2] =	stream.linear.scatter [tilespmem:s16], [sflag:$0x6], $0x2800, $0x38;
	[tilespmem:$0xDE00] =	vst v63  }
0x38: {  	_ =	swait.ge [sflag:s11], $0x2800  }
0x39: {  	[sflag:s11] =	ssyncset.done $0x0  }
0x3a: {  	[sflag:s11] =	ssyncadd.s32 $0xFFFFD800  }
0x3b: {  	_ =	swait.ge [sflag:s22], $0x2800  }
0x3c: {  	s30 =	simm.s32 $0x640;
	[sflag:s22] =	ssyncset.done $0x0  }
0x3d: {  	s31 =	simm.s32 $0xC80;
	s28 =	sadd.s32 $0x1900, s10;
	[sflag:s22] =	ssyncadd.s32 $0xFFFFD800  }
0x3e: {  	[hbm4b:s7+s2] =	stream.linear.scatter [tilespmem:s17], [sflag:$0x6], $0x2800, $0x38;
	[tilespmem:$0xDE00] =	vst v63  }
0x3f: {  	s29 =	sadd.s32 $0x1900, s6;
	s24 =	sadd.s32 $0x1900, s7;
	_ =	swait.ge [sflag:s11], $0x2800  }
0x40: {  	s25 =	sadd.s32 $0x1900, s8;
	s26 =	sadd.s32 $0x1900, s9;
	[sflag:s11] =	ssyncset.done $0x0  }
.LBB2_2:
0x41: {  	s0 =	sshra.s32 s30, $0x2  }
0x42: {  	[sflag:s11] =	ssyncadd.s32 $0xFFFFD800;
	s30 =	smov.u32 s31;
	s1 =	sadd.s32 $0x640, s31  }
0x43: {  	[tilespmem:s13], [sflag:$0x1] =	stream.indirect.gather [hbm4b:s3+s12], $0x80, s0, s12, $0xb8;
	[tilespmem:$0xDE00] =	vst v63  }
0x44: {  	p0 =	sne.s32 s31, $0x5140;
	s31 =	sadd.s32 $0x50, s0  }
0x45: {  	[tilespmem:s14], [sflag:$0x2] =	stream.indirect.gather [hbm4b:s3+s12], $0x80, s31, s12, $0xb8;
	[tilespmem:$0xDE00] =	vst v63  }
0x46: {  	s31 =	sadd.s32 $0xA0, s0  }
0x47: {  	[tilespmem:s15], [sflag:$0x3] =	stream.indirect.gather [hbm4b:s3+s12], $0x80, s31, s12, $0xb8;
	[tilespmem:$0xDE00] =	vst v63  }
0x48: {  	s31 =	sadd.s32 $0xF0, s0  }
0x49: {  	[tilespmem:s16], [sflag:$0x4] =	stream.indirect.gather [hbm4b:s3+s12], $0x80, s31, s12, $0xb8;
	[tilespmem:$0xDE00] =	vst v63  }
0x4a: {  	s0 =	sadd.s32 $0x140, s0  }
0x4b: {  	[tilespmem:s17], [sflag:$0x5] =	stream.indirect.gather [hbm4b:s3+s12], $0x80, s0, s12, $0xb8;
	[tilespmem:$0xDE00] =	vst v63  }
0x4c: {  	_ =	swait.ge [sflag:s18], $0x2800  }
0x4d: {  	[sflag:s18] =	ssyncset.done $0x0  }
0x4e: {  	[sflag:s18] =	ssyncadd.s32 $0xFFFFD800  }
0x4f: {  	[hbm4b:s29+s2] =	stream.linear.scatter [tilespmem:s13], [sflag:$0x6], $0x2800, $0x38;
	[tilespmem:$0xDE00] =	vst v63  }
0x50: {  	_ =	swait.ge [sflag:s11], $0x2800  }
0x51: {  	[sflag:s11] =	ssyncset.done $0x0  }
0x52: {  	[sflag:s11] =	ssyncadd.s32 $0xFFFFD800  }
0x53: {  	_ =	swait.ge [sflag:s19], $0x2800  }
0x54: {  	[sflag:s19] =	ssyncset.done $0x0  }
0x55: {  	[sflag:s19] =	ssyncadd.s32 $0xFFFFD800  }
0x56: {  	[hbm4b:s28+s2] =	stream.linear.scatter [tilespmem:s14], [sflag:$0x6], $0x2800, $0x38;
	[tilespmem:$0xDE00] =	vst v63  }
0x57: {  	_ =	swait.ge [sflag:s11], $0x2800  }
0x58: {  	[sflag:s11] =	ssyncset.done $0x0  }
0x59: {  	[sflag:s11] =	ssyncadd.s32 $0xFFFFD800  }
0x5a: {  	_ =	swait.ge [sflag:s20], $0x2800  }
0x5b: {  	[sflag:s20] =	ssyncset.done $0x0  }
0x5c: {  	[sflag:s20] =	ssyncadd.s32 $0xFFFFD800  }
0x5d: {  	[hbm4b:s26+s2] =	stream.linear.scatter [tilespmem:s15], [sflag:$0x6], $0x2800, $0x38;
	[tilespmem:$0xDE00] =	vst v63  }
0x5e: {  	_ =	swait.ge [sflag:s11], $0x2800  }
0x5f: {  	[sflag:s11] =	ssyncset.done $0x0  }
0x60: {  	[sflag:s11] =	ssyncadd.s32 $0xFFFFD800  }
0x61: {  	_ =	swait.ge [sflag:s21], $0x2800  }
0x62: {  	[sflag:s21] =	ssyncset.done $0x0  }
0x63: {  	[sflag:s21] =	ssyncadd.s32 $0xFFFFD800  }
0x64: {  	[hbm4b:s25+s2] =	stream.linear.scatter [tilespmem:s16], [sflag:$0x6], $0x2800, $0x38;
	[tilespmem:$0xDE00] =	vst v63  }
0x65: {  	_ =	swait.ge [sflag:s11], $0x2800  }
0x66: {  	[sflag:s11] =	ssyncset.done $0x0  }
0x67: {  	[sflag:s11] =	ssyncadd.s32 $0xFFFFD800  }
0x68: {  	_ =	swait.ge [sflag:s22], $0x2800  }
.Ltmp0:
0x69: {  	[sflag:s22] =	ssyncset.done $0x0;
	(pc) =	sbr.rel @p0 .LBB2_2-.Ltmp0, $4  }
0x6a: {  	s31 =	smov.u32 s1;
	s28 =	sadd.s32 $0x1900, s28;
	[sflag:s22] =	ssyncadd.s32 $0xFFFFD800  }
0x6b: {  	[hbm4b:s24+s2] =	stream.linear.scatter [tilespmem:s17], [sflag:$0x6], $0x2800, $0x38;
	[tilespmem:$0xDE00] =	vst v63  }
0x6c: {  	s26 =	sadd.s32 $0x1900, s26;
	s25 =	sadd.s32 $0x1900, s25;
	_ =	swait.ge [sflag:s11], $0x2800  }
0x6d: {  	s29 =	sadd.s32 $0x1900, s29;
	s24 =	sadd.s32 $0x1900, s24;
	[sflag:s11] =	ssyncset.done $0x0  }
0x6e: {  	s0 =	sshra.s32 s30, $0x2;
	[sflag:s11] =	ssyncadd.s32 $0xFFFFD800  }
0x6f: {  	[tilespmem:s13], [sflag:$0x1] =	stream.indirect.gather [hbm4b:s3+s12], $0x80, s0, s12, $0xb8;
	[tilespmem:$0xDE00] =	vst v63  }
0x70: {  	s1 =	sadd.s32 $0x50, s0  }
0x71: {  	[tilespmem:s14], [sflag:$0x2] =	stream.indirect.gather [hbm4b:s3+s12], $0x80, s1, s12, $0xb8;
	[tilespmem:$0xDE00] =	vst v63  }
0x72: {  	s30 =	sadd.s32 $0xA0, s0  }
0x73: {  	[tilespmem:s15], [sflag:$0x3] =	stream.indirect.gather [hbm4b:s3+s12], $0x80, s30, s12, $0xb8;
	[tilespmem:$0xDE00] =	vst v63  }
0x74: {  	s31 =	sadd.s32 $0xF0, s0  }
0x75: {  	[tilespmem:s16], [sflag:$0x4] =	stream.indirect.gather [hbm4b:s3+s12], $0x80, s31, s12, $0xb8;
	[tilespmem:$0xDE00] =	vst v63  }
0x76: {  	s0 =	sadd.s32 $0x140, s0  }
0x77: {  	[tilespmem:s17], [sflag:$0x5] =	stream.indirect.gather [hbm4b:s3+s12], $0x80, s0, s12, $0xb8;
	[tilespmem:$0xDE00] =	vst v63  }
0x78: {  	_ =	swait.ge [sflag:s18], $0x2800  }
0x79: {  	[sflag:s18] =	ssyncset.done $0x0  }
0x7a: {  	[sflag:s18] =	ssyncadd.s32 $0xFFFFD800  }
0x7b: {  	[hbm4b:s29+s2] =	stream.linear.scatter [tilespmem:s13], [sflag:$0x6], $0x2800, $0x38;
	[tilespmem:$0xDE00] =	vst v63  }
0x7c: {  	_ =	swait.ge [sflag:s11], $0x2800  }
0x7d: {  	[sflag:s11] =	ssyncset.done $0x0  }
0x7e: {  	[sflag:s11] =	ssyncadd.s32 $0xFFFFD800  }
0x7f: {  	_ =	swait.ge [sflag:s19], $0x2800  }
0x80: {  	[sflag:s19] =	ssyncset.done $0x0  }
0x81: {  	[sflag:s19] =	ssyncadd.s32 $0xFFFFD800  }
0x82: {  	[hbm4b:s28+s2] =	stream.linear.scatter [tilespmem:s14], [sflag:$0x6], $0x2800, $0x38;
	[tilespmem:$0xDE00] =	vst v63  }
0x83: {  	_ =	swait.ge [sflag:s11], $0x2800  }
0x84: {  	[sflag:s11] =	ssyncset.done $0x0  }
0x85: {  	[sflag:s11] =	ssyncadd.s32 $0xFFFFD800  }
0x86: {  	_ =	swait.ge [sflag:s20], $0x2800  }
0x87: {  	[sflag:s20] =	ssyncset.done $0x0  }
0x88: {  	[sflag:s20] =	ssyncadd.s32 $0xFFFFD800  }
0x89: {  	[hbm4b:s26+s2] =	stream.linear.scatter [tilespmem:s15], [sflag:$0x6], $0x2800, $0x38;
	[tilespmem:$0xDE00] =	vst v63  }
0x8a: {  	_ =	swait.ge [sflag:s11], $0x2800  }
0x8b: {  	[sflag:s11] =	ssyncset.done $0x0  }
0x8c: {  	[sflag:s11] =	ssyncadd.s32 $0xFFFFD800  }
0x8d: {  	_ =	swait.ge [sflag:s21], $0x2800  }
0x8e: {  	[sflag:s21] =	ssyncset.done $0x0  }
0x8f: {  	[sflag:s21] =	ssyncadd.s32 $0xFFFFD800  }
0x90: {  	[hbm4b:s25+s2] =	stream.linear.scatter [tilespmem:s16], [sflag:$0x6], $0x2800, $0x38;
	[tilespmem:$0xDE00] =	vst v63  }
0x91: {  	_ =	swait.ge [sflag:s11], $0x2800  }
0x92: {  	[sflag:s11] =	ssyncset.done $0x0  }
0x93: {  	[sflag:s11] =	ssyncadd.s32 $0xFFFFD800  }
0x94: {  	s23 =	sadd.s32 $0x1, s23;
	_ =	swait.ge [sflag:s22], $0x2800  }
0x95: {  	p0 =	sne.s32 s23, s5;
	[sflag:s22] =	ssyncset.done $0x0  }
.Ltmp1:
0x96: {  	[sflag:s22] =	ssyncadd.s32 $0xFFFFD800;
	(pc) =	sbr.rel @p0 .LBB2_1-.Ltmp1, $4  }
0x97: {  	[hbm4b:s24+s2] =	stream.linear.scatter [tilespmem:s17], [sflag:$0x6], $0x2800, $0x38;
	[tilespmem:$0xDE00] =	vst v63  }
0x98: {  	_ =	swait.ge [sflag:s11], $0x2800  }
0x99: {  	[sflag:s11] =	ssyncset.done $0x0  }
0x9a: {  	[sflag:s11] =	ssyncadd.s32 $0xFFFFD800  }
0x9b: {  	_ =	sfence.sel $0x180000  }
0x9c: {  	[bflag:$0x0] =	sbarrier.arrive $0xFFFF  }
0x9d: {  	_ =	strace $0x90000050  }
0x9e: {  	s0 =	stileid.u32;
	[bflag:$0x2] =	sbarrier.arrive $0xFFFF  }
0x9f: {  	p0 =	sne.s32 s0, $0x0;
	s0 =	rddreg [dreg:$0x1]  }
0xa0: {  	s0 =	sadd.s32 @!p0 $0x100000, s0  }
0xa1: {  	[sflag:s0] =	ssyncadd.tile.s32 @!p0 $0x1;
	_ =	shalt  }
.Lfunc_end2:
_tile_overlayer_lowered:
.L_overlay_start_2:
0xa2: {  	(tag) =	ssettag $0x2  }
0xa3: {  	s0 =	rddreg [dreg:$0x0];
	s2 =	stileid.u32  }
0xa4: {  	s1 =	rddreg [dreg:$0x1];
	p0 =	sne.s32 s2, $0x0  }
0xa5: {  	s3 =	rddreg [dreg:$0x2];
	[bflag:$0x3] =	sbarrier.arrive $0xFFFF;
	s2 =	simm.s32 @!p0 $0x1C06  }
0xa6: {  	[timem:s3], [sflag:s2] =	dma.local @!p0 [hbm:s0], s1  }
0xa7: {  	s0 =	simm.s32 @!p0 $0x6  }
0xa8: {  	_ =	swait.ge @!p0 [sflag:s0], s1  }
0xa9: {  	s1 =	ssub.s32 @!p0 $0x0, s1;
	[sflag:s0] =	ssyncset.done @!p0 $0x0  }
0xaa: {  	[sflag:s0] =	ssyncadd.s32 @!p0 s1  }
0xab: {  	[bflag:$0x3] =	sbarrier.arrive $0xFFFF  }
0xac: {  	_ =	shalt  }

// kernel: kernel.34.cloned.1.call-start
scs
__scs_entry_jumppad:
0x0: {  	(pc) =	sbr.rel $0x88, $3  }
0x1: {  	(tag) =	ssettag $0x0;
	lr =	simm.s32 $0x1  }
0x2: {  	[smem:$0x3F86] =	sst lr;
	_ =	strace $0xD0000000  }
0x3: {  	_ = 	snop  }
0x4: {  	_ = 	snop  }
0x5: {  	_ = 	snop  }
0x6: {  	_ = 	snop  }
0x7: {  	_ = 	snop  }
__scs_overlays_trampoline_lowered:
0x8: {  	[smem:$0x3F95] =	sst s0  }
0x9: {  	[smem:$0x3F96] =	sst s1  }
0xa: {  	[smem:$0x3F97] =	sst s2  }
0xb: {  	[smem:$0x3F98] =	sst s3  }
0xc: {  	[smem:$0x3F99] =	sst s4  }
0xd: {  	[smem:$0x3F9A] =	sst s5  }
0xe: {  	[smem:$0x3F9B] =	sst s6  }
0xf: {  	[smem:$0x3F9C] =	sst s7  }
0x10: {  	[smem:$0x3F9D] =	sst s8  }
0x11: {  	[smem:$0x3F9E] =	sst s9;
	s0 =	simm.s32 @!p0 $0x0  }
0x12: {  	s1 =	sld [smem:$0x3F84];
	s0 =	simm.s32 @p0 $0x1  }
0x13: {  	[smem:$0x3F9F] =	sst s0;
	s0 =	simm.s32 @!p1 $0x0  }
0x14: {  	s2 =	sld [smem:$0x3F83];
	s0 =	simm.s32 @p1 $0x1  }
0x15: {  	[smem:$0x3FA0] =	sst s0;
	s0 =	simm.s32 @!p2 $0x0  }
0x16: {  	s3 =	sld [smem:$0x3FDB];
	s0 =	simm.s32 @p2 $0x1  }
0x17: {  	s4 =	simm.s32 $0x1BF5;
	[smem:$0x3FA2] =	sst s0  }
0x18: {  	s0 =	sld [smem:$0x3F85];
	_ =	swait.ge [sflag:s4], $0x0  }
0x19: {  	s7 =	sld [smem:$0x3F86]  }
0x1a: {  	s8 =	sadd.s32 $0xFFFFE003, lr  }
0x1b: {  	s9 =	sadd.s32 $0xFFFFFEF7, lr;
	s5 =	simm.s32 $0xFFFFFFFF;
	p2 =	slt.u32 s8, $0xFFFFF086  }
0x1c: {  	p1 =	slt.u32 s9, $0xF7A;
	s5 =	simm.s32 @!p2 $0x0  }
0x1d: {  	s5 =	simm.s32 @p1 $0x1;
	p0 =	seq.s32 s7, s2  }
0x1e: {  	s7 =	smul.u32 @!p0 $0xF7A, s2;
	p2 =	seq.s32 @!p0 s5, $0x0  }
0x1f: {  	s9 =	smul.u32 $0xF7A, s1;
	s8 =	simm.s32 @!p0 $0x1BF5;
	p2 =	por !p2, p0  }
0x20: {  	[sflag:s8] =	ssyncset.s32 @!p0 $0xFFFFF086;
	s6 =	sadd.s32 @!p0 s3, s7;
	s7 =	simm.s32 @!p0 $0x108  }
0x21: {  	s3 =	sadd.s32 s3, s9;
	s6 =	sadd.s32 @!p0 $0x88, s6;
	s7 =	simm.s32 @p2 $0x1082  }
0x22: {  	[simem:s7], [sflag:s8] =	dma.local @!p0 [hbm:s6], $0xF7A  }
0x23: {  	s9 =	sor.u32 $0xD0000000, s2;
	s6 =	simm.s32 $0x108;
	_ =	swait.ge @!p0 [sflag:s8], $0x0  }
0x24: {  	s3 =	sadd.s32 $0x88, s3;
	s6 =	simm.s32 @!p1 $0x1082;
	[sflag:s4] =	ssyncset.s32 $0xFFFFF086  }
0x25: {  	[simem:s6], [sflag:s4] =	dma.local [hbm:s3], $0xF7A  }
0x26: {  	[smem:$0x3F86] =	sst s1;
	(tag) =	ssettag s2;
	_ =	strace s9  }
0x27: {  	s1 =	sld [smem:$0x3F96]  }
0x28: {  	s2 =	sld [smem:$0x3F97]  }
0x29: {  	s4 =	sld [smem:$0x3F99]  }
0x2a: {  	p0 =	seq.s32 s5, $0x0;
	s5 =	sld [smem:$0x3F9A]  }
0x2b: {  	s6 =	sld [smem:$0x3F9B]  }
0x2c: {  	s7 =	sld [smem:$0x3F9C]  }
0x2d: {  	s3 =	simm.s32 $0x108;
	s8 =	sld [smem:$0x3F9D]  }
0x2e: {  	s3 =	simm.s32 @!p0 $0x1082;
	s9 =	sld [smem:$0x3F9E]  }
0x2f: {  	lr =	sadd.s32 s0, s3;
	s0 =	sld [smem:$0x3F95]  }
0x30: {  	s3 =	sld [smem:$0x3F98]  }
0x31: {  	[smem:$0x3FA1] =	sst s10  }
0x32: {  	s10 =	sld [smem:$0x3F9F];
	_ =	sdelay $0x3  }
0x33: {  	p0 =	seq.s32 s10, $0x1;
	s10 =	sld [smem:$0x3FA1];
	_ =	sdelay $0x3  }
0x34: {  	[smem:$0x3FA1] =	sst s10  }
0x35: {  	s10 =	sld [smem:$0x3FA0];
	_ =	sdelay $0x3  }
0x36: {  	p1 =	seq.s32 s10, $0x1;
	s10 =	sld [smem:$0x3FA1];
	_ =	sdelay $0x3  }
0x37: {  	[smem:$0x3FA1] =	sst s10  }
0x38: {  	s10 =	sld [smem:$0x3FA2]  }
0x39: {  	_ = 	snop;
	(pc) =	sbr.ind lr, $3  }
0x3a: {  	_ = 	snop  }
0x3b: {  	_ = 	snop  }
0x3c: {  	p2 =	seq.s32 s10, $0x1;
	s10 =	sld [smem:$0x3FA1]  }
0x3d: {  	_ =	shalt  }
0x3e: {  	_ =	shalt  }
0x3f: {  	_ =	shalt  }
0x40: {  	_ =	shalt  }
0x41: {  	_ =	shalt  }
0x42: {  	_ =	shalt  }
0x43: {  	_ =	shalt  }
0x44: {  	_ =	shalt  }
0x45: {  	_ =	shalt  }
0x46: {  	_ =	shalt  }
0x47: {  	_ =	shalt  }
0x48: {  	_ =	shalt  }
0x49: {  	_ =	shalt  }
0x4a: {  	_ =	shalt  }
0x4b: {  	_ =	shalt  }
0x4c: {  	_ =	shalt  }
0x4d: {  	_ =	shalt  }
0x4e: {  	_ =	shalt  }
0x4f: {  	_ =	shalt  }
0x50: {  	_ =	shalt  }
0x51: {  	_ =	shalt  }
0x52: {  	_ =	shalt  }
0x53: {  	_ =	shalt  }
0x54: {  	_ =	shalt  }
0x55: {  	_ =	shalt  }
0x56: {  	_ =	shalt  }
0x57: {  	_ =	shalt  }
0x58: {  	_ =	shalt  }
0x59: {  	_ =	shalt  }
0x5a: {  	_ =	shalt  }
0x5b: {  	_ =	shalt  }
0x5c: {  	_ =	shalt  }
0x5d: {  	_ =	shalt  }
0x5e: {  	_ =	shalt  }
0x5f: {  	_ =	shalt  }
0x60: {  	_ =	shalt  }
0x61: {  	_ =	shalt  }
0x62: {  	_ =	shalt  }
0x63: {  	_ =	shalt  }
0x64: {  	_ =	shalt  }
0x65: {  	_ =	shalt  }
0x66: {  	_ =	shalt  }
0x67: {  	_ =	shalt  }
0x68: {  	_ =	shalt  }
0x69: {  	_ =	shalt  }
0x6a: {  	_ =	shalt  }
0x6b: {  	_ =	shalt  }
0x6c: {  	_ =	shalt  }
0x6d: {  	_ =	shalt  }
0x6e: {  	_ =	shalt  }
0x6f: {  	_ =	shalt  }
0x70: {  	_ =	shalt  }
0x71: {  	_ =	shalt  }
0x72: {  	_ =	shalt  }
0x73: {  	_ =	shalt  }
0x74: {  	_ =	shalt  }
0x75: {  	_ =	shalt  }
0x76: {  	_ =	shalt  }
0x77: {  	_ =	shalt  }
0x78: {  	_ =	shalt  }
0x79: {  	_ =	shalt  }
0x7a: {  	_ =	shalt  }
0x7b: {  	_ =	shalt  }
0x7c: {  	_ =	shalt  }
0x7d: {  	_ =	shalt  }
0x7e: {  	_ =	shalt  }
0x7f: {  	_ =	shalt  }
0x80: {  	_ =	shalt  }
0x81: {  	_ =	shalt  }
0x82: {  	_ =	shalt  }
0x83: {  	_ =	shalt  }
0x84: {  	_ =	shalt  }
0x85: {  	_ =	shalt  }
0x86: {  	_ =	shalt  }
0x87: {  	_ =	shalt  }
.Lfunc_end0:
.L_simem_size_0:
called_computation.3_lowered:
.L_overlay_start_0:
0x88: {  	s2 =	sld [smem:$0x3FD9]  }
0x89: {  	s3 =	sld [smem:$0x3FFE];
	_ =	sdelay $0x1  }
0x8a: {  	s1 =	srdreg.scid  }
0x8b: {  	s0 =	sand.u32 $0x1, s1  }
0x8c: {  	s16 =	sshll.u32 s0, $0xA;
	s2 =	sadd.s32 s3, s2  }
0x8d: {  	s2 =	sadd.s32 s2, s16  }
0x8e: {  	[smem:$0x3FAD] =	sst s2  }
0x8f: {  	_ = 	snop  }
0x90: {  	(tm) =	ssettm $0x1  }
0x91: {  	s17 =	sld [smem:$0x3FFB];
	_ =	sdelay $0x3  }
0x92: {  	_ =	strace s17  }
0x93: {  	s2 =	sld [smem:$0x3FFC];
	_ =	sdelay $0x3  }
0x94: {  	_ =	strace s2  }
0x95: {  	s2 =	sld [smem:$0x3FFD];
	_ =	sdelay $0x3  }
0x96: {  	_ =	strace s2  }
0x97: {  	_ =	strace $0x8FFFFFFF  }
0x98: {  	s18 =	sld [smem:$0x3FDB];
	_ =	sdelay $0x1  }
0x99: {  	s19 =	simm.s32 $_scs_section_size  }
0x9a: {  	s4 =	simm.s32 $_size__tile_overlayer_lowered;
	s5 =	simm.s32 $_tile_overlayer_lowered  }
0x9b: {  	s22 =	simm.s32 $0x1BFF;
	s21 =	sshll.u32 s5, $0x1;
	s2 =	sadd.s32 s19, s18  }
0x9c: {  	s6 =	simm.s32 $0x0;
	s20 =	sshll.u32 s4, $0x1;
	s4 =	sadd.s32 s21, s2  }
0x9d: {  	[timem:s6], [sflag:s22] =	dma.local [hbm:s4], s20  }
0x9e: {  	_ =	swait.ge [sflag:s22], s20  }
0x9f: {  	s3 =	ssub.s32 $0x0, s20;
	[sflag:s22] =	ssyncset.done $0x0  }
0xa0: {  	[sflag:s22] =	ssyncadd.s32 s3;
	_ =	sdelay $0x1  }
0xa1: {  	s23 =	simm.s32 $0x1B8B  }
0xa2: {  	_ =	swait.ge [sflag:s23], $0x1  }
0xa3: {  	[sflag:s23] =	ssyncset.done $0x0  }
0xa4: {  	s25 =	simm.s32 $0x1B8E;
	s24 =	sld [smem:$0x3FFE];
	[sflag:s23] =	ssyncadd.s32 $0xFFFFFFFF  }
0xa5: {  	s26 =	simm.s32 $execute0_lowered;
	[smem:$0x3FD2] =	sst s25  }
0xa6: {  	s4 =	sshll.u32 s26, $0x1;
	_ =	strace $0x8000004C;
	[dreg:$0x1] =	wrdreg $0xFFFFFFFF  }
0xa7: {  	s28 =	simm.s32 $_size_execute0_lowered;
	s2 =	sadd.s32 s2, s4;
	[dreg:$0x0] =	wrdreg $0x0  }
0xa8: {  	s4 =	sshll.u32 s28, $0x1;
	[dreg:$0x2] =	wrdreg s2  }
0xa9: {  	[dreg:$0x3] =	wrdreg s4  }
0xaa: {  	[dreg:$0x4] =	wrdreg $0xC0  }
0xab: {  	_ =	task [dreg:s6], $0x5FFFF  }
0xac: {  	[dreg:$0x1] =	wrdreg $0xFFFFFFFF  }
0xad: {  	[dreg:$0x0] =	wrdreg $0x60  }
0xae: {  	[dreg:$0x2] =	wrdreg s24  }
0xaf: {  	[dreg:$0x3] =	wrdreg $0xA  }
0xb0: {  	_ =	task.clear_ibuf [dreg:s6], $0x4FFFF;
	_ =	strace $0x9000004C  }
0xb1: {  	s29 =	simm.s32 $0xA;
	_ =	strace $0x8000004E  }
0xb2: {  	_ =	swait.ge [sflag:s29], $0x1  }
0xb3: {  	[sflag:s29] =	ssyncadd.s32 $0xFFFFFFFF  }
0xb4: {  	_ =	strace $0x9000004E  }
0xb5: {  	_ =	sfence  }
0xb6: {  	s30 =	sld [smem:$0x0];
	_ =	sdelay $0x2  }
0xb7: {  	s31 =	sshll.u32 s1, $0xD;
	s1 =	sshrl.u32 s1, $0x2  }
0xb8: {  	s3 =	sand.u32 $0x4000, s31;
	s1 =	sadd.s32 s1, s30  }
0xb9: {  	s0 =	sor.u32 s3, s0;
	s1 =	sshll.u32 s1, $0x11  }
0xba: {  	s0 =	sor.u32 s1, s0  }
0xbb: {  	s0 =	sadd.s32 $0x8F2B, s0  }
0xbc: {  	[sflag:s0] =	ssyncadd.remote.s32 $0x1  }
0xbd: {  	_ =	sfence.sel $0xFFFF  }
0xbe: {  	[dreg:$0x0] =	wrdreg $0xFFFFFFFF;
	(pc) =	sbr.abs _section_cstart, $3  }
0xbf: {  	[dreg:$0x1] =	wrdreg $0xFFFFFFFF  }
0xc0: {  	_ =	task.clear_ibuf [dreg:s6], $0x2FFFF;
	_ =	strace $0x9FFFFFFF  }
0xc1: {  	(tm) =	ssettm $0x7FFFFFFF  }
tec
execute0_lowered:
.L_overlay_start_1:
0x0: {  	(tag) =	ssettag $0x1  }
0x1: {  	s1 =	srdreg.scid  }
0x2: {  	s0 =	stileid.u32;
	s4 =	rddreg [dreg:$0x0]  }
0x3: {  	s2 =	simm.s32 $0x0;
	s12 =	simm.s32 $0x50;
	s13 =	simm.s32 $0x1180  }
0x4: {  	s14 =	simm.s32 $0x3980;
	s15 =	simm.s32 $0x6180;
	s16 =	simm.s32 $0x8980  }
0x5: {  	s17 =	simm.s32 $0xB180;
	s18 =	simm.s32 $0x1;
	s19 =	simm.s32 $0x2  }
0x6: {  	s20 =	simm.s32 $0x3;
	s21 =	simm.s32 $0x4;
	s22 =	simm.s32 $0x5  }
0x7: {  	s23 =	simm.s32 $0x0;
	s1 =	sand.u32 $0x1, s1;
	s7 =	smul.u32 $0x113000, s0  }
0x8: {  	s3 =	sshll.u32 s0, $0x1;
	[smem:$0x7FF] =	sst s2;
	s26 =	smul.u32 $0x22600, s0  }
0x9: {  	s10 =	sadd.s32 $0x88C00, s4;
	s3 =	sor.u32 s1, s3;
	s9 =	smul.u32 $0x89800, s1  }
0xa: {  	_ =	strace $0x8000004D;
	s6 =	ssub.s32 $0x2, s1;
	s1 =	smul.u32 $0x11300, s1  }
0xb: {  	s5 =	smul.u32 $0x1130, s3;
	s3 =	sadd.s32 $0x13600, s4;
	s8 =	sshrl.u32 s6, $0x1  }
0xc: {  	s28 =	sadd.s32 s26, s10;
	s6 =	ssub.s32 s6, s8;
	s9 =	sadd.s32 s9, s7  }
0xd: {  	s5 =	sshrl.u32 s5, $0x3;
	s7 =	sadd.s32 $0xA000, s9;
	s29 =	sadd.s32 $0x7800, s9  }
0xe: {  	s11 =	sadd.s32 $0x5000, s9;
	s9 =	sadd.s32 $0x2800, s9;
	s4 =	sadd.s32 s4, s5  }
0xf: {  	s5 =	smax.u32 s6, $0x1;
	s7 =	sshrl.u32 s7, $0x3;
	s6 =	sadd.s32 s1, s28  }
0x10: {  	s1 =	sshrl.u32 s29, $0x3;
	s30 =	sshrl.u32 s11, $0x3;
	s31 =	sshrl.u32 s9, $0x3  }
0x11: {  	s11 =	simm.s32 $0x6;
	s4 =	sadd.s32 $0xEF80, s4;
	s7 =	sadd.s32 s7, s10  }
0x12: {  	s8 =	sadd.s32 s1, s10;
	s9 =	sadd.s32 s30, s10;
	s10 =	sadd.s32 s31, s10  }
.LBB2_1:
0x13: {  	[tilespmem:s2], [sflag:$0x6] =	stream.linear.gather [hbm4b:s4+s2], $0x1130, $0x38;
	[tilespmem:$0xD980] =	vst v63  }
0x14: {  	_ =	swait.ge [sflag:s11], $0x1130  }
0x15: {  	[sflag:s11] =	ssyncset.done $0x0  }
0x16: {  	s1 =	simm.s32 $0x0;
	[sflag:s11] =	ssyncadd.s32 $0xFFFFEED0  }
0x17: {  	[tilespmem:s13], [sflag:$0x1] =	stream.indirect.gather [hbm4b:s3+s12], $0x80, s1, s12, $0xb8;
	[tilespmem:$0xD980] =	vst v63  }
0x18: {  	s0 =	simm.s32 $0x50  }
0x19: {  	[tilespmem:s14], [sflag:$0x2] =	stream.indirect.gather [hbm4b:s3+s12], $0x80, s0, s12, $0xb8;
	[tilespmem:$0xD980] =	vst v63  }
0x1a: {  	s24 =	simm.s32 $0xA0  }
0x1b: {  	[tilespmem:s15], [sflag:$0x3] =	stream.indirect.gather [hbm4b:s3+s12], $0x80, s24, s12, $0xb8;
	[tilespmem:$0xD980] =	vst v63  }
0x1c: {  	s25 =	simm.s32 $0xF0  }
0x1d: {  	[tilespmem:s16], [sflag:$0x4] =	stream.indirect.gather [hbm4b:s3+s12], $0x80, s25, s12, $0xb8;
	[tilespmem:$0xD980] =	vst v63  }
0x1e: {  	s26 =	simm.s32 $0x140  }
0x1f: {  	[tilespmem:s17], [sflag:$0x5] =	stream.indirect.gather [hbm4b:s3+s12], $0x80, s26, s12, $0xb8;
	[tilespmem:$0xD980] =	vst v63  }
0x20: {  	_ =	swait.ge [sflag:s18], $0x2800  }
0x21: {  	[sflag:s18] =	ssyncset.done $0x0  }
0x22: {  	[sflag:s18] =	ssyncadd.s32 $0xFFFFD800  }
0x23: {  	[hbm4b:s6+s2] =	stream.linear.scatter [tilespmem:s13], [sflag:$0x6], $0x2800, $0x38;
	[tilespmem:$0xD980] =	vst v63  }
0x24: {  	_ =	swait.ge [sflag:s11], $0x2800  }
0x25: {  	[sflag:s11] =	ssyncset.done $0x0  }
0x26: {  	[sflag:s11] =	ssyncadd.s32 $0xFFFFD800  }
0x27: {  	_ =	swait.ge [sflag:s19], $0x2800  }
0x28: {  	[sflag:s19] =	ssyncset.done $0x0  }
0x29: {  	[sflag:s19] =	ssyncadd.s32 $0xFFFFD800  }
0x2a: {  	[hbm4b:s10+s2] =	stream.linear.scatter [tilespmem:s14], [sflag:$0x6], $0x2800, $0x38;
	[tilespmem:$0xD980] =	vst v63  }
0x2b: {  	_ =	swait.ge [sflag:s11], $0x2800  }
0x2c: {  	[sflag:s11] =	ssyncset.done $0x0  }
0x2d: {  	[sflag:s11] =	ssyncadd.s32 $0xFFFFD800  }
0x2e: {  	_ =	swait.ge [sflag:s20], $0x2800  }
0x2f: {  	[sflag:s20] =	ssyncset.done $0x0  }
0x30: {  	[sflag:s20] =	ssyncadd.s32 $0xFFFFD800  }
0x31: {  	[hbm4b:s9+s2] =	stream.linear.scatter [tilespmem:s15], [sflag:$0x6], $0x2800, $0x38;
	[tilespmem:$0xD980] =	vst v63  }
0x32: {  	_ =	swait.ge [sflag:s11], $0x2800  }
0x33: {  	[sflag:s11] =	ssyncset.done $0x0  }
0x34: {  	[sflag:s11] =	ssyncadd.s32 $0xFFFFD800  }
0x35: {  	_ =	swait.ge [sflag:s21], $0x2800  }
0x36: {  	[sflag:s21] =	ssyncset.done $0x0  }
0x37: {  	[sflag:s21] =	ssyncadd.s32 $0xFFFFD800  }
0x38: {  	[hbm4b:s8+s2] =	stream.linear.scatter [tilespmem:s16], [sflag:$0x6], $0x2800, $0x38;
	[tilespmem:$0xD980] =	vst v63  }
0x39: {  	_ =	swait.ge [sflag:s11], $0x2800  }
0x3a: {  	[sflag:s11] =	ssyncset.done $0x0  }
0x3b: {  	[sflag:s11] =	ssyncadd.s32 $0xFFFFD800  }
0x3c: {  	_ =	swait.ge [sflag:s22], $0x2800  }
0x3d: {  	s30 =	simm.s32 $0x640;
	[sflag:s22] =	ssyncset.done $0x0  }
0x3e: {  	s31 =	simm.s32 $0xC80;
	s28 =	sadd.s32 $0x1900, s10;
	[sflag:s22] =	ssyncadd.s32 $0xFFFFD800  }
0x3f: {  	[hbm4b:s7+s2] =	stream.linear.scatter [tilespmem:s17], [sflag:$0x6], $0x2800, $0x38;
	[tilespmem:$0xD980] =	vst v63  }
0x40: {  	s29 =	sadd.s32 $0x1900, s6;
	s24 =	sadd.s32 $0x1900, s7;
	_ =	swait.ge [sflag:s11], $0x2800  }
0x41: {  	s25 =	sadd.s32 $0x1900, s8;
	s26 =	sadd.s32 $0x1900, s9;
	[sflag:s11] =	ssyncset.done $0x0  }
.LBB2_2:
0x42: {  	s0 =	sshra.s32 s30, $0x2  }
0x43: {  	[sflag:s11] =	ssyncadd.s32 $0xFFFFD800;
	s30 =	smov.u32 s31;
	s1 =	sadd.s32 $0x640, s31  }
0x44: {  	[tilespmem:s13], [sflag:$0x1] =	stream.indirect.gather [hbm4b:s3+s12], $0x80, s0, s12, $0xb8;
	[tilespmem:$0xD980] =	vst v63  }
0x45: {  	p0 =	sne.s32 s31, $0x3E80;
	s31 =	sadd.s32 $0x50, s0  }
0x46: {  	[tilespmem:s14], [sflag:$0x2] =	stream.indirect.gather [hbm4b:s3+s12], $0x80, s31, s12, $0xb8;
	[tilespmem:$0xD980] =	vst v63  }
0x47: {  	s31 =	sadd.s32 $0xA0, s0  }
0x48: {  	[tilespmem:s15], [sflag:$0x3] =	stream.indirect.gather [hbm4b:s3+s12], $0x80, s31, s12, $0xb8;
	[tilespmem:$0xD980] =	vst v63  }
0x49: {  	s31 =	sadd.s32 $0xF0, s0  }
0x4a: {  	[tilespmem:s16], [sflag:$0x4] =	stream.indirect.gather [hbm4b:s3+s12], $0x80, s31, s12, $0xb8;
	[tilespmem:$0xD980] =	vst v63  }
0x4b: {  	s0 =	sadd.s32 $0x140, s0  }
0x4c: {  	[tilespmem:s17], [sflag:$0x5] =	stream.indirect.gather [hbm4b:s3+s12], $0x80, s0, s12, $0xb8;
	[tilespmem:$0xD980] =	vst v63  }
0x4d: {  	_ =	swait.ge [sflag:s18], $0x2800  }
0x4e: {  	[sflag:s18] =	ssyncset.done $0x0  }
0x4f: {  	[sflag:s18] =	ssyncadd.s32 $0xFFFFD800  }
0x50: {  	[hbm4b:s29+s2] =	stream.linear.scatter [tilespmem:s13], [sflag:$0x6], $0x2800, $0x38;
	[tilespmem:$0xD980] =	vst v63  }
0x51: {  	_ =	swait.ge [sflag:s11], $0x2800  }
0x52: {  	[sflag:s11] =	ssyncset.done $0x0  }
0x53: {  	[sflag:s11] =	ssyncadd.s32 $0xFFFFD800  }
0x54: {  	_ =	swait.ge [sflag:s19], $0x2800  }
0x55: {  	[sflag:s19] =	ssyncset.done $0x0  }
0x56: {  	[sflag:s19] =	ssyncadd.s32 $0xFFFFD800  }
0x57: {  	[hbm4b:s28+s2] =	stream.linear.scatter [tilespmem:s14], [sflag:$0x6], $0x2800, $0x38;
	[tilespmem:$0xD980] =	vst v63  }
0x58: {  	_ =	swait.ge [sflag:s11], $0x2800  }
0x59: {  	[sflag:s11] =	ssyncset.done $0x0  }
0x5a: {  	[sflag:s11] =	ssyncadd.s32 $0xFFFFD800  }
0x5b: {  	_ =	swait.ge [sflag:s20], $0x2800  }
0x5c: {  	[sflag:s20] =	ssyncset.done $0x0  }
0x5d: {  	[sflag:s20] =	ssyncadd.s32 $0xFFFFD800  }
0x5e: {  	[hbm4b:s26+s2] =	stream.linear.scatter [tilespmem:s15], [sflag:$0x6], $0x2800, $0x38;
	[tilespmem:$0xD980] =	vst v63  }
0x5f: {  	_ =	swait.ge [sflag:s11], $0x2800  }
0x60: {  	[sflag:s11] =	ssyncset.done $0x0  }
0x61: {  	[sflag:s11] =	ssyncadd.s32 $0xFFFFD800  }
0x62: {  	_ =	swait.ge [sflag:s21], $0x2800  }
0x63: {  	[sflag:s21] =	ssyncset.done $0x0  }
0x64: {  	[sflag:s21] =	ssyncadd.s32 $0xFFFFD800  }
0x65: {  	[hbm4b:s25+s2] =	stream.linear.scatter [tilespmem:s16], [sflag:$0x6], $0x2800, $0x38;
	[tilespmem:$0xD980] =	vst v63  }
0x66: {  	_ =	swait.ge [sflag:s11], $0x2800  }
0x67: {  	[sflag:s11] =	ssyncset.done $0x0  }
0x68: {  	[sflag:s11] =	ssyncadd.s32 $0xFFFFD800  }
0x69: {  	_ =	swait.ge [sflag:s22], $0x2800  }
.Ltmp0:
0x6a: {  	[sflag:s22] =	ssyncset.done $0x0;
	(pc) =	sbr.rel @p0 .LBB2_2-.Ltmp0, $4  }
0x6b: {  	s31 =	smov.u32 s1;
	s28 =	sadd.s32 $0x1900, s28;
	[sflag:s22] =	ssyncadd.s32 $0xFFFFD800  }
0x6c: {  	[hbm4b:s24+s2] =	stream.linear.scatter [tilespmem:s17], [sflag:$0x6], $0x2800, $0x38;
	[tilespmem:$0xD980] =	vst v63  }
0x6d: {  	s26 =	sadd.s32 $0x1900, s26;
	s25 =	sadd.s32 $0x1900, s25;
	_ =	swait.ge [sflag:s11], $0x2800  }
0x6e: {  	s29 =	sadd.s32 $0x1900, s29;
	s24 =	sadd.s32 $0x1900, s24;
	[sflag:s11] =	ssyncset.done $0x0  }
0x6f: {  	s0 =	sshra.s32 s30, $0x2;
	[sflag:s11] =	ssyncadd.s32 $0xFFFFD800  }
0x70: {  	[tilespmem:s13], [sflag:$0x1] =	stream.indirect.gather [hbm4b:s3+s12], $0x80, s0, s12, $0xb8;
	[tilespmem:$0xD980] =	vst v63  }
0x71: {  	s1 =	sadd.s32 $0x50, s0  }
0x72: {  	[tilespmem:s14], [sflag:$0x2] =	stream.indirect.gather [hbm4b:s3+s12], $0x80, s1, s12, $0xb8;
	[tilespmem:$0xD980] =	vst v63  }
0x73: {  	s30 =	sadd.s32 $0xA0, s0  }
0x74: {  	[tilespmem:s15], [sflag:$0x3] =	stream.indirect.gather [hbm4b:s3+s12], $0x80, s30, s12, $0xb8;
	[tilespmem:$0xD980] =	vst v63  }
0x75: {  	s31 =	sadd.s32 $0xF0, s0  }
0x76: {  	[tilespmem:s16], [sflag:$0x4] =	stream.indirect.gather [hbm4b:s3+s12], $0x80, s31, s12, $0xb8;
	[tilespmem:$0xD980] =	vst v63  }
0x77: {  	s0 =	sadd.s32 $0x140, s0  }
0x78: {  	[tilespmem:s17], [sflag:$0x5] =	stream.indirect.gather [hbm4b:s3+s12], $0x80, s0, s12, $0xb8;
	[tilespmem:$0xD980] =	vst v63  }
0x79: {  	_ =	swait.ge [sflag:s18], $0x2800  }
0x7a: {  	[sflag:s18] =	ssyncset.done $0x0  }
0x7b: {  	[sflag:s18] =	ssyncadd.s32 $0xFFFFD800  }
0x7c: {  	[hbm4b:s29+s2] =	stream.linear.scatter [tilespmem:s13], [sflag:$0x6], $0x2800, $0x38;
	[tilespmem:$0xD980] =	vst v63  }
0x7d: {  	_ =	swait.ge [sflag:s11], $0x2800  }
0x7e: {  	[sflag:s11] =	ssyncset.done $0x0  }
0x7f: {  	[sflag:s11] =	ssyncadd.s32 $0xFFFFD800  }
0x80: {  	_ =	swait.ge [sflag:s19], $0x2800  }
0x81: {  	[sflag:s19] =	ssyncset.done $0x0  }
0x82: {  	[sflag:s19] =	ssyncadd.s32 $0xFFFFD800  }
0x83: {  	[hbm4b:s28+s2] =	stream.linear.scatter [tilespmem:s14], [sflag:$0x6], $0x2800, $0x38;
	[tilespmem:$0xD980] =	vst v63  }
0x84: {  	_ =	swait.ge [sflag:s11], $0x2800  }
0x85: {  	[sflag:s11] =	ssyncset.done $0x0  }
0x86: {  	[sflag:s11] =	ssyncadd.s32 $0xFFFFD800  }
0x87: {  	_ =	swait.ge [sflag:s20], $0x2800  }
0x88: {  	[sflag:s20] =	ssyncset.done $0x0  }
0x89: {  	[sflag:s20] =	ssyncadd.s32 $0xFFFFD800  }
0x8a: {  	[hbm4b:s26+s2] =	stream.linear.scatter [tilespmem:s15], [sflag:$0x6], $0x2800, $0x38;
	[tilespmem:$0xD980] =	vst v63  }
0x8b: {  	_ =	swait.ge [sflag:s11], $0x2800  }
0x8c: {  	[sflag:s11] =	ssyncset.done $0x0  }
0x8d: {  	[sflag:s11] =	ssyncadd.s32 $0xFFFFD800  }
0x8e: {  	_ =	swait.ge [sflag:s21], $0x2800  }
0x8f: {  	[sflag:s21] =	ssyncset.done $0x0  }
0x90: {  	[sflag:s21] =	ssyncadd.s32 $0xFFFFD800  }
0x91: {  	[hbm4b:s25+s2] =	stream.linear.scatter [tilespmem:s16], [sflag:$0x6], $0x2800, $0x38;
	[tilespmem:$0xD980] =	vst v63  }
0x92: {  	_ =	swait.ge [sflag:s11], $0x2800  }
0x93: {  	[sflag:s11] =	ssyncset.done $0x0  }
0x94: {  	[sflag:s11] =	ssyncadd.s32 $0xFFFFD800  }
0x95: {  	s23 =	sadd.s32 $0x1, s23;
	_ =	swait.ge [sflag:s22], $0x2800  }
0x96: {  	p0 =	sne.s32 s23, s5;
	[sflag:s22] =	ssyncset.done $0x0  }
.Ltmp1:
0x97: {  	[sflag:s22] =	ssyncadd.s32 $0xFFFFD800;
	(pc) =	sbr.rel @p0 .LBB2_1-.Ltmp1, $4  }
0x98: {  	[hbm4b:s24+s2] =	stream.linear.scatter [tilespmem:s17], [sflag:$0x6], $0x2800, $0x38;
	[tilespmem:$0xD980] =	vst v63  }
0x99: {  	_ =	swait.ge [sflag:s11], $0x2800  }
0x9a: {  	[sflag:s11] =	ssyncset.done $0x0  }
0x9b: {  	[sflag:s11] =	ssyncadd.s32 $0xFFFFD800  }
0x9c: {  	_ =	sfence.sel $0x180000  }
0x9d: {  	[bflag:$0x0] =	sbarrier.arrive $0xFFFF  }
0x9e: {  	_ =	strace $0x9000004D  }
0x9f: {  	s0 =	stileid.u32;
	[bflag:$0x2] =	sbarrier.arrive $0xFFFF  }
0xa0: {  	p0 =	sne.s32 s0, $0x0;
	s0 =	rddreg [dreg:$0x1]  }
0xa1: {  	s0 =	sadd.s32 @!p0 $0x100000, s0  }
0xa2: {  	[sflag:s0] =	ssyncadd.tile.s32 @!p0 $0x1;
	_ =	shalt  }
.Lfunc_end2:
_tile_overlayer_lowered:
.L_overlay_start_2:
0xa3: {  	(tag) =	ssettag $0x2  }
0xa4: {  	s0 =	rddreg [dreg:$0x0];
	s2 =	stileid.u32  }
0xa5: {  	s1 =	rddreg [dreg:$0x1];
	p0 =	sne.s32 s2, $0x0  }
0xa6: {  	s3 =	rddreg [dreg:$0x2];
	[bflag:$0x3] =	sbarrier.arrive $0xFFFF;
	s2 =	simm.s32 @!p0 $0x1C06  }
0xa7: {  	[timem:s3], [sflag:s2] =	dma.local @!p0 [hbm:s0], s1  }
0xa8: {  	s0 =	simm.s32 @!p0 $0x6  }
0xa9: {  	_ =	swait.ge @!p0 [sflag:s0], s1  }
0xaa: {  	s1 =	ssub.s32 @!p0 $0x0, s1;
	[sflag:s0] =	ssyncset.done @!p0 $0x0  }
0xab: {  	[sflag:s0] =	ssyncadd.s32 @!p0 s1  }
0xac: {  	[bflag:$0x3] =	sbarrier.arrive $0xFFFF  }
0xad: {  	_ =	shalt  }

// kernel: kernel.37.cloned.1.call-start
scs
__scs_entry_jumppad:
0x0: {  	(pc) =	sbr.rel $0x88, $3  }
0x1: {  	(tag) =	ssettag $0x0;
	lr =	simm.s32 $0x1  }
0x2: {  	[smem:$0x3F86] =	sst lr;
	_ =	strace $0xD0000000  }
0x3: {  	_ = 	snop  }
0x4: {  	_ = 	snop  }
0x5: {  	_ = 	snop  }
0x6: {  	_ = 	snop  }
0x7: {  	_ = 	snop  }
__scs_overlays_trampoline_lowered:
0x8: {  	[smem:$0x3F95] =	sst s0  }
0x9: {  	[smem:$0x3F96] =	sst s1  }
0xa: {  	[smem:$0x3F97] =	sst s2  }
0xb: {  	[smem:$0x3F98] =	sst s3  }
0xc: {  	[smem:$0x3F99] =	sst s4  }
0xd: {  	[smem:$0x3F9A] =	sst s5  }
0xe: {  	[smem:$0x3F9B] =	sst s6  }
0xf: {  	[smem:$0x3F9C] =	sst s7  }
0x10: {  	[smem:$0x3F9D] =	sst s8  }
0x11: {  	[smem:$0x3F9E] =	sst s9;
	s0 =	simm.s32 @!p0 $0x0  }
0x12: {  	s1 =	sld [smem:$0x3F84];
	s0 =	simm.s32 @p0 $0x1  }
0x13: {  	[smem:$0x3F9F] =	sst s0;
	s0 =	simm.s32 @!p1 $0x0  }
0x14: {  	s2 =	sld [smem:$0x3F83];
	s0 =	simm.s32 @p1 $0x1  }
0x15: {  	[smem:$0x3FA0] =	sst s0;
	s0 =	simm.s32 @!p2 $0x0  }
0x16: {  	s3 =	sld [smem:$0x3FDB];
	s0 =	simm.s32 @p2 $0x1  }
0x17: {  	s4 =	simm.s32 $0x1BF5;
	[smem:$0x3FA2] =	sst s0  }
0x18: {  	s0 =	sld [smem:$0x3F85];
	_ =	swait.ge [sflag:s4], $0x0  }
0x19: {  	s7 =	sld [smem:$0x3F86]  }
0x1a: {  	s8 =	sadd.s32 $0xFFFFE003, lr  }
0x1b: {  	s9 =	sadd.s32 $0xFFFFFEF7, lr;
	s5 =	simm.s32 $0xFFFFFFFF;
	p2 =	slt.u32 s8, $0xFFFFF086  }
0x1c: {  	p1 =	slt.u32 s9, $0xF7A;
	s5 =	simm.s32 @!p2 $0x0  }
0x1d: {  	s5 =	simm.s32 @p1 $0x1;
	p0 =	seq.s32 s7, s2  }
0x1e: {  	s7 =	smul.u32 @!p0 $0xF7A, s2;
	p2 =	seq.s32 @!p0 s5, $0x0  }
0x1f: {  	s9 =	smul.u32 $0xF7A, s1;
	s8 =	simm.s32 @!p0 $0x1BF5;
	p2 =	por !p2, p0  }
0x20: {  	[sflag:s8] =	ssyncset.s32 @!p0 $0xFFFFF086;
	s6 =	sadd.s32 @!p0 s3, s7;
	s7 =	simm.s32 @!p0 $0x108  }
0x21: {  	s3 =	sadd.s32 s3, s9;
	s6 =	sadd.s32 @!p0 $0x88, s6;
	s7 =	simm.s32 @p2 $0x1082  }
0x22: {  	[simem:s7], [sflag:s8] =	dma.local @!p0 [hbm:s6], $0xF7A  }
0x23: {  	s9 =	sor.u32 $0xD0000000, s2;
	s6 =	simm.s32 $0x108;
	_ =	swait.ge @!p0 [sflag:s8], $0x0  }
0x24: {  	s3 =	sadd.s32 $0x88, s3;
	s6 =	simm.s32 @!p1 $0x1082;
	[sflag:s4] =	ssyncset.s32 $0xFFFFF086  }
0x25: {  	[simem:s6], [sflag:s4] =	dma.local [hbm:s3], $0xF7A  }
0x26: {  	[smem:$0x3F86] =	sst s1;
	(tag) =	ssettag s2;
	_ =	strace s9  }
0x27: {  	s1 =	sld [smem:$0x3F96]  }
0x28: {  	s2 =	sld [smem:$0x3F97]  }
0x29: {  	s4 =	sld [smem:$0x3F99]  }
0x2a: {  	p0 =	seq.s32 s5, $0x0;
	s5 =	sld [smem:$0x3F9A]  }
0x2b: {  	s6 =	sld [smem:$0x3F9B]  }
0x2c: {  	s7 =	sld [smem:$0x3F9C]  }
0x2d: {  	s3 =	simm.s32 $0x108;
	s8 =	sld [smem:$0x3F9D]  }
0x2e: {  	s3 =	simm.s32 @!p0 $0x1082;
	s9 =	sld [smem:$0x3F9E]  }
0x2f: {  	lr =	sadd.s32 s0, s3;
	s0 =	sld [smem:$0x3F95]  }
0x30: {  	s3 =	sld [smem:$0x3F98]  }
0x31: {  	[smem:$0x3FA1] =	sst s10  }
0x32: {  	s10 =	sld [smem:$0x3F9F];
	_ =	sdelay $0x3  }
0x33: {  	p0 =	seq.s32 s10, $0x1;
	s10 =	sld [smem:$0x3FA1];
	_ =	sdelay $0x3  }
0x34: {  	[smem:$0x3FA1] =	sst s10  }
0x35: {  	s10 =	sld [smem:$0x3FA0];
	_ =	sdelay $0x3  }
0x36: {  	p1 =	seq.s32 s10, $0x1;
	s10 =	sld [smem:$0x3FA1];
	_ =	sdelay $0x3  }
0x37: {  	[smem:$0x3FA1] =	sst s10  }
0x38: {  	s10 =	sld [smem:$0x3FA2]  }
0x39: {  	_ = 	snop;
	(pc) =	sbr.ind lr, $3  }
0x3a: {  	_ = 	snop  }
0x3b: {  	_ = 	snop  }
0x3c: {  	p2 =	seq.s32 s10, $0x1;
	s10 =	sld [smem:$0x3FA1]  }
0x3d: {  	_ =	shalt  }
0x3e: {  	_ =	shalt  }
0x3f: {  	_ =	shalt  }
0x40: {  	_ =	shalt  }
0x41: {  	_ =	shalt  }
0x42: {  	_ =	shalt  }
0x43: {  	_ =	shalt  }
0x44: {  	_ =	shalt  }
0x45: {  	_ =	shalt  }
0x46: {  	_ =	shalt  }
0x47: {  	_ =	shalt  }
0x48: {  	_ =	shalt  }
0x49: {  	_ =	shalt  }
0x4a: {  	_ =	shalt  }
0x4b: {  	_ =	shalt  }
0x4c: {  	_ =	shalt  }
0x4d: {  	_ =	shalt  }
0x4e: {  	_ =	shalt  }
0x4f: {  	_ =	shalt  }
0x50: {  	_ =	shalt  }
0x51: {  	_ =	shalt  }
0x52: {  	_ =	shalt  }
0x53: {  	_ =	shalt  }
0x54: {  	_ =	shalt  }
0x55: {  	_ =	shalt  }
0x56: {  	_ =	shalt  }
0x57: {  	_ =	shalt  }
0x58: {  	_ =	shalt  }
0x59: {  	_ =	shalt  }
0x5a: {  	_ =	shalt  }
0x5b: {  	_ =	shalt  }
0x5c: {  	_ =	shalt  }
0x5d: {  	_ =	shalt  }
0x5e: {  	_ =	shalt  }
0x5f: {  	_ =	shalt  }
0x60: {  	_ =	shalt  }
0x61: {  	_ =	shalt  }
0x62: {  	_ =	shalt  }
0x63: {  	_ =	shalt  }
0x64: {  	_ =	shalt  }
0x65: {  	_ =	shalt  }
0x66: {  	_ =	shalt  }
0x67: {  	_ =	shalt  }
0x68: {  	_ =	shalt  }
0x69: {  	_ =	shalt  }
0x6a: {  	_ =	shalt  }
0x6b: {  	_ =	shalt  }
0x6c: {  	_ =	shalt  }
0x6d: {  	_ =	shalt  }
0x6e: {  	_ =	shalt  }
0x6f: {  	_ =	shalt  }
0x70: {  	_ =	shalt  }
0x71: {  	_ =	shalt  }
0x72: {  	_ =	shalt  }
0x73: {  	_ =	shalt  }
0x74: {  	_ =	shalt  }
0x75: {  	_ =	shalt  }
0x76: {  	_ =	shalt  }
0x77: {  	_ =	shalt  }
0x78: {  	_ =	shalt  }
0x79: {  	_ =	shalt  }
0x7a: {  	_ =	shalt  }
0x7b: {  	_ =	shalt  }
0x7c: {  	_ =	shalt  }
0x7d: {  	_ =	shalt  }
0x7e: {  	_ =	shalt  }
0x7f: {  	_ =	shalt  }
0x80: {  	_ =	shalt  }
0x81: {  	_ =	shalt  }
0x82: {  	_ =	shalt  }
0x83: {  	_ =	shalt  }
0x84: {  	_ =	shalt  }
0x85: {  	_ =	shalt  }
0x86: {  	_ =	shalt  }
0x87: {  	_ =	shalt  }
.Lfunc_end0:
.L_simem_size_0:
called_computation.4_lowered:
.L_overlay_start_0:
0x88: {  	s2 =	sld [smem:$0x3FD9]  }
0x89: {  	s3 =	sld [smem:$0x3FFE];
	_ =	sdelay $0x1  }
0x8a: {  	s1 =	srdreg.scid  }
0x8b: {  	s0 =	sand.u32 $0x1, s1  }
0x8c: {  	s17 =	sshll.u32 s0, $0xA;
	s2 =	sadd.s32 s3, s2  }
0x8d: {  	s2 =	sadd.s32 s2, s17  }
0x8e: {  	[smem:$0x3FAD] =	sst s2  }
0x8f: {  	_ = 	snop  }
0x90: {  	(tm) =	ssettm $0x1  }
0x91: {  	s18 =	sld [smem:$0x3FFB];
	_ =	sdelay $0x3  }
0x92: {  	_ =	strace s18  }
0x93: {  	s2 =	sld [smem:$0x3FFC];
	_ =	sdelay $0x3  }
0x94: {  	_ =	strace s2  }
0x95: {  	s2 =	sld [smem:$0x3FFD];
	_ =	sdelay $0x3  }
0x96: {  	_ =	strace s2  }
0x97: {  	_ =	strace $0x8FFFFFFF  }
0x98: {  	s19 =	sld [smem:$0x3FDB];
	_ =	sdelay $0x1  }
0x99: {  	s20 =	simm.s32 $_scs_section_size  }
0x9a: {  	s4 =	simm.s32 $_size__tile_overlayer_lowered;
	s5 =	simm.s32 $_tile_overlayer_lowered  }
0x9b: {  	s6 =	simm.s32 $0x1BFF;
	s21 =	sshll.u32 s5, $0x1;
	s3 =	sadd.s32 s20, s19  }
0x9c: {  	s22 =	simm.s32 $0x0;
	s4 =	sshll.u32 s4, $0x1;
	s5 =	sadd.s32 s21, s3  }
0x9d: {  	[timem:s22], [sflag:s6] =	dma.local [hbm:s5], s4  }
0x9e: {  	_ =	swait.ge [sflag:s6], s4  }
0x9f: {  	s4 =	ssub.s32 $0x0, s4;
	[sflag:s6] =	ssyncset.done $0x0  }
0xa0: {  	[sflag:s6] =	ssyncadd.s32 s4;
	_ =	sdelay $0x1  }
0xa1: {  	s23 =	simm.s32 $0x1B8B  }
0xa2: {  	_ =	swait.ge [sflag:s23], $0x1  }
0xa3: {  	[sflag:s23] =	ssyncset.done $0x0  }
0xa4: {  	[sflag:s23] =	ssyncadd.s32 $0xFFFFFFFF  }
0xa5: {  	s4 =	sld [smem:$0x0]  }
0xa6: {  	s5 =	sand.u32 $0xFFFFFFFE, s1  }
0xa7: {  	p0 =	sne.s32 s1, s5  }
0xa8: {  	s5 =	sshll.u32 @p0 s5, $0xE  }
0xa9: {  	s5 =	sadd.s32 @p0 $0x11B8D, s5;
	s6 =	sshll.u32 @p0 s4, $0x11  }
0xaa: {  	s5 =	sor.u32 @p0 s6, s5  }
0xab: {  	[sflag:s5] =	ssyncadd.remote.s32 @p0 $0x1;
	_ =	sdelay $0x1  }
0xac: {  	s5 =	simm.s32 @p0 $0x1B8D  }
0xad: {  	_ =	swait.eq @p0 [sflag:s5], $0x1  }
0xae: {  	[sflag:s5] =	ssyncadd.s32 @p0 $0xFFFFFFFF  }
0xaf: {  	s6 =	sshll.u32 @!p0 s1, $0xE  }
0xb0: {  	s6 =	sor.u32 @!p0 $0x4000, s6;
	s5 =	simm.s32 @!p0 $0x1B8D  }
0xb1: {  	s4 =	sshll.u32 @!p0 s4, $0x11;
	s6 =	sadd.s32 @!p0 $0x11B8D, s6;
	_ =	swait.eq @!p0 [sflag:s5], $0x1  }
0xb2: {  	s4 =	sor.u32 @!p0 s4, s6;
	[sflag:s5] =	ssyncadd.s32 @!p0 $0xFFFFFFFF  }
0xb3: {  	s25 =	simm.s32 $0x1B8E;
	s24 =	sld [smem:$0x3FFE];
	[sflag:s4] =	ssyncadd.remote.s32 @!p0 $0x1  }
0xb4: {  	s26 =	simm.s32 $execute0_lowered;
	[smem:$0x3FD2] =	sst s25  }
0xb5: {  	s5 =	sshll.u32 s26, $0x1;
	_ =	strace $0x80000055;
	[dreg:$0x1] =	wrdreg $0xFFFFFFFF  }
0xb6: {  	s28 =	simm.s32 $_size_execute0_lowered;
	s3 =	sadd.s32 s3, s5;
	[dreg:$0x0] =	wrdreg $0x0  }
0xb7: {  	s5 =	sshll.u32 s28, $0x1;
	[dreg:$0x2] =	wrdreg s3  }
0xb8: {  	[dreg:$0x3] =	wrdreg s5  }
0xb9: {  	[dreg:$0x4] =	wrdreg $0xC0  }
0xba: {  	_ =	task [dreg:s22], $0x5FFFF  }
0xbb: {  	[dreg:$0x1] =	wrdreg $0xFFFFFFFF  }
0xbc: {  	[dreg:$0x0] =	wrdreg $0x60  }
0xbd: {  	[dreg:$0x2] =	wrdreg s24  }
0xbe: {  	[dreg:$0x3] =	wrdreg $0x9  }
0xbf: {  	_ =	task.clear_ibuf [dreg:s22], $0x4FFFF;
	_ =	strace $0x90000055  }
0xc0: {  	s29 =	simm.s32 $0x9;
	_ =	strace $0x80000057  }
0xc1: {  	_ =	swait.ge [sflag:s29], $0x1  }
0xc2: {  	[sflag:s29] =	ssyncadd.s32 $0xFFFFFFFF  }
0xc3: {  	_ =	strace $0x90000057  }
0xc4: {  	_ =	sfence  }
0xc5: {  	s30 =	sld [smem:$0x0];
	_ =	sdelay $0x2  }
0xc6: {  	s31 =	sshll.u32 s1, $0xD;
	s1 =	sshrl.u32 s1, $0x2  }
0xc7: {  	s4 =	sand.u32 $0x4000, s31;
	s1 =	sadd.s32 s1, s30  }
0xc8: {  	s0 =	sor.u32 s4, s0;
	s1 =	sshll.u32 s1, $0x11  }
0xc9: {  	s0 =	sor.u32 s1, s0  }
0xca: {  	s0 =	sadd.s32 $0x8F2B, s0  }
0xcb: {  	[sflag:s0] =	ssyncadd.remote.s32 $0x1  }
0xcc: {  	_ =	sfence.sel $0xFFFF  }
0xcd: {  	[dreg:$0x0] =	wrdreg $0xFFFFFFFF;
	(pc) =	sbr.abs _section_cstart, $3  }
0xce: {  	[dreg:$0x1] =	wrdreg $0xFFFFFFFF  }
0xcf: {  	_ =	task.clear_ibuf [dreg:s22], $0x2FFFF;
	_ =	strace $0x9FFFFFFF  }
0xd0: {  	(tm) =	ssettm $0x7FFFFFFF  }
0xd1: {  	_ =	shalt  }
tec
execute0_lowered:
.L_overlay_start_1:
0x0: {  	(tag) =	ssettag $0x1  }
0x1: {  	s1 =	srdreg.scid;
	s0 =	stileid.u32  }
0x2: {  	s4 =	rddreg [dreg:$0x0];
	s2 =	simm.s32 $0x0;
	s12 =	simm.s32 $0x50  }
0x3: {  	s13 =	simm.s32 $0x1600;
	s14 =	simm.s32 $0x3E00;
	s15 =	simm.s32 $0x6600  }
0x4: {  	s16 =	simm.s32 $0x8E00;
	s17 =	simm.s32 $0xB600;
	s18 =	simm.s32 $0x1  }
0x5: {  	s19 =	simm.s32 $0x2;
	s20 =	simm.s32 $0x3;
	s21 =	simm.s32 $0x4  }
0x6: {  	s22 =	simm.s32 $0x5;
	s23 =	simm.s32 $0x0;
	s6 =	smul.u32 $0x15E000, s0  }
0x7: {  	s1 =	sand.u32 $0x1, s1;
	s3 =	sshll.u32 s0, $0x1;
	s9 =	smul.u32 $0x2BC00, s0  }
0x8: {  	[smem:$0x7FF] =	sst s2;
	s10 =	sadd.s32 $0x2AEC00, s4;
	s8 =	smul.u32 $0xAF000, s1  }
0x9: {  	s3 =	sor.u32 s1, s3;
	s7 =	ssub.s32 $0x2, s1;
	s1 =	smul.u32 $0x15E00, s1  }
0xa: {  	_ =	strace $0x80000056;
	s5 =	smul.u32 $0x2BC, s3;
	s3 =	sadd.s32 $0x13600, s4  }
0xb: {  	s25 =	sshrl.u32 s7, $0x1;
	s26 =	sadd.s32 s9, s10;
	s8 =	sadd.s32 s8, s6  }
0xc: {  	s7 =	ssub.s32 s7, s25;
	s5 =	sadd.s32 s5, s4;
	s6 =	sadd.s32 $0xA000, s8  }
0xd: {  	s29 =	sadd.s32 $0x7800, s8;
	s30 =	sadd.s32 $0x5000, s8;
	s11 =	sadd.s32 $0x2800, s8  }
0xe: {  	s4 =	sadd.s32 $0x9800, s5;
	s5 =	smax.u32 s7, $0x1;
	s28 =	sshrl.u32 s6, $0x3  }
0xf: {  	s6 =	sadd.s32 s1, s26;
	s1 =	sshrl.u32 s29, $0x3;
	s31 =	sshrl.u32 s30, $0x3  }
0x10: {  	s11 =	sshrl.u32 s11, $0x3;
	s7 =	sadd.s32 s28, s10;
	s8 =	sadd.s32 s1, s10  }
0x11: {  	s9 =	sadd.s32 s31, s10;
	s10 =	sadd.s32 s11, s10;
	s11 =	simm.s32 $0x6  }
.LBB2_1:
0x12: {  	[tilespmem:s2], [sflag:$0x6] =	stream.linear.gather [hbm4b:s4+s2], $0x15E0, $0x38;
	[tilespmem:$0xDE00] =	vst v63  }
0x13: {  	_ =	swait.ge [sflag:s11], $0x15E0  }
0x14: {  	[sflag:s11] =	ssyncset.done $0x0  }
0x15: {  	s1 =	simm.s32 $0x0;
	[sflag:s11] =	ssyncadd.s32 $0xFFFFEA20  }
0x16: {  	[tilespmem:s13], [sflag:$0x1] =	stream.indirect.gather [hbm4b:s3+s12], $0x80, s1, s12, $0xb8;
	[tilespmem:$0xDE00] =	vst v63  }
0x17: {  	s0 =	simm.s32 $0x50  }
0x18: {  	[tilespmem:s14], [sflag:$0x2] =	stream.indirect.gather [hbm4b:s3+s12], $0x80, s0, s12, $0xb8;
	[tilespmem:$0xDE00] =	vst v63  }
0x19: {  	s24 =	simm.s32 $0xA0  }
0x1a: {  	[tilespmem:s15], [sflag:$0x3] =	stream.indirect.gather [hbm4b:s3+s12], $0x80, s24, s12, $0xb8;
	[tilespmem:$0xDE00] =	vst v63  }
0x1b: {  	s25 =	simm.s32 $0xF0  }
0x1c: {  	[tilespmem:s16], [sflag:$0x4] =	stream.indirect.gather [hbm4b:s3+s12], $0x80, s25, s12, $0xb8;
	[tilespmem:$0xDE00] =	vst v63  }
0x1d: {  	s26 =	simm.s32 $0x140  }
0x1e: {  	[tilespmem:s17], [sflag:$0x5] =	stream.indirect.gather [hbm4b:s3+s12], $0x80, s26, s12, $0xb8;
	[tilespmem:$0xDE00] =	vst v63  }
0x1f: {  	_ =	swait.ge [sflag:s18], $0x2800  }
0x20: {  	[sflag:s18] =	ssyncset.done $0x0  }
0x21: {  	[sflag:s18] =	ssyncadd.s32 $0xFFFFD800  }
0x22: {  	[hbm4b:s6+s2] =	stream.linear.scatter [tilespmem:s13], [sflag:$0x6], $0x2800, $0x38;
	[tilespmem:$0xDE00] =	vst v63  }
0x23: {  	_ =	swait.ge [sflag:s11], $0x2800  }
0x24: {  	[sflag:s11] =	ssyncset.done $0x0  }
0x25: {  	[sflag:s11] =	ssyncadd.s32 $0xFFFFD800  }
0x26: {  	_ =	swait.ge [sflag:s19], $0x2800  }
0x27: {  	[sflag:s19] =	ssyncset.done $0x0  }
0x28: {  	[sflag:s19] =	ssyncadd.s32 $0xFFFFD800  }
0x29: {  	[hbm4b:s10+s2] =	stream.linear.scatter [tilespmem:s14], [sflag:$0x6], $0x2800, $0x38;
	[tilespmem:$0xDE00] =	vst v63  }
0x2a: {  	_ =	swait.ge [sflag:s11], $0x2800  }
0x2b: {  	[sflag:s11] =	ssyncset.done $0x0  }
0x2c: {  	[sflag:s11] =	ssyncadd.s32 $0xFFFFD800  }
0x2d: {  	_ =	swait.ge [sflag:s20], $0x2800  }
0x2e: {  	[sflag:s20] =	ssyncset.done $0x0  }
0x2f: {  	[sflag:s20] =	ssyncadd.s32 $0xFFFFD800  }
0x30: {  	[hbm4b:s9+s2] =	stream.linear.scatter [tilespmem:s15], [sflag:$0x6], $0x2800, $0x38;
	[tilespmem:$0xDE00] =	vst v63  }
0x31: {  	_ =	swait.ge [sflag:s11], $0x2800  }
0x32: {  	[sflag:s11] =	ssyncset.done $0x0  }
0x33: {  	[sflag:s11] =	ssyncadd.s32 $0xFFFFD800  }
0x34: {  	_ =	swait.ge [sflag:s21], $0x2800  }
0x35: {  	[sflag:s21] =	ssyncset.done $0x0  }
0x36: {  	[sflag:s21] =	ssyncadd.s32 $0xFFFFD800  }
0x37: {  	[hbm4b:s8+s2] =	stream.linear.scatter [tilespmem:s16], [sflag:$0x6], $0x2800, $0x38;
	[tilespmem:$0xDE00] =	vst v63  }
0x38: {  	_ =	swait.ge [sflag:s11], $0x2800  }
0x39: {  	[sflag:s11] =	ssyncset.done $0x0  }
0x3a: {  	[sflag:s11] =	ssyncadd.s32 $0xFFFFD800  }
0x3b: {  	_ =	swait.ge [sflag:s22], $0x2800  }
0x3c: {  	s30 =	simm.s32 $0x640;
	[sflag:s22] =	ssyncset.done $0x0  }
0x3d: {  	s31 =	simm.s32 $0xC80;
	s28 =	sadd.s32 $0x1900, s10;
	[sflag:s22] =	ssyncadd.s32 $0xFFFFD800  }
0x3e: {  	[hbm4b:s7+s2] =	stream.linear.scatter [tilespmem:s17], [sflag:$0x6], $0x2800, $0x38;
	[tilespmem:$0xDE00] =	vst v63  }
0x3f: {  	s29 =	sadd.s32 $0x1900, s6;
	s24 =	sadd.s32 $0x1900, s7;
	_ =	swait.ge [sflag:s11], $0x2800  }
0x40: {  	s25 =	sadd.s32 $0x1900, s8;
	s26 =	sadd.s32 $0x1900, s9;
	[sflag:s11] =	ssyncset.done $0x0  }
.LBB2_2:
0x41: {  	s0 =	sshra.s32 s30, $0x2  }
0x42: {  	[sflag:s11] =	ssyncadd.s32 $0xFFFFD800;
	s30 =	smov.u32 s31;
	s1 =	sadd.s32 $0x640, s31  }
0x43: {  	[tilespmem:s13], [sflag:$0x1] =	stream.indirect.gather [hbm4b:s3+s12], $0x80, s0, s12, $0xb8;
	[tilespmem:$0xDE00] =	vst v63  }
0x44: {  	p0 =	sne.s32 s31, $0x5140;
	s31 =	sadd.s32 $0x50, s0  }
0x45: {  	[tilespmem:s14], [sflag:$0x2] =	stream.indirect.gather [hbm4b:s3+s12], $0x80, s31, s12, $0xb8;
	[tilespmem:$0xDE00] =	vst v63  }
0x46: {  	s31 =	sadd.s32 $0xA0, s0  }
0x47: {  	[tilespmem:s15], [sflag:$0x3] =	stream.indirect.gather [hbm4b:s3+s12], $0x80, s31, s12, $0xb8;
	[tilespmem:$0xDE00] =	vst v63  }
0x48: {  	s31 =	sadd.s32 $0xF0, s0  }
0x49: {  	[tilespmem:s16], [sflag:$0x4] =	stream.indirect.gather [hbm4b:s3+s12], $0x80, s31, s12, $0xb8;
	[tilespmem:$0xDE00] =	vst v63  }
0x4a: {  	s0 =	sadd.s32 $0x140, s0  }
0x4b: {  	[tilespmem:s17], [sflag:$0x5] =	stream.indirect.gather [hbm4b:s3+s12], $0x80, s0, s12, $0xb8;
	[tilespmem:$0xDE00] =	vst v63  }
0x4c: {  	_ =	swait.ge [sflag:s18], $0x2800  }
0x4d: {  	[sflag:s18] =	ssyncset.done $0x0  }
0x4e: {  	[sflag:s18] =	ssyncadd.s32 $0xFFFFD800  }
0x4f: {  	[hbm4b:s29+s2] =	stream.linear.scatter [tilespmem:s13], [sflag:$0x6], $0x2800, $0x38;
	[tilespmem:$0xDE00] =	vst v63  }
0x50: {  	_ =	swait.ge [sflag:s11], $0x2800  }
0x51: {  	[sflag:s11] =	ssyncset.done $0x0  }
0x52: {  	[sflag:s11] =	ssyncadd.s32 $0xFFFFD800  }
0x53: {  	_ =	swait.ge [sflag:s19], $0x2800  }
0x54: {  	[sflag:s19] =	ssyncset.done $0x0  }
0x55: {  	[sflag:s19] =	ssyncadd.s32 $0xFFFFD800  }
0x56: {  	[hbm4b:s28+s2] =	stream.linear.scatter [tilespmem:s14], [sflag:$0x6], $0x2800, $0x38;
	[tilespmem:$0xDE00] =	vst v63  }
0x57: {  	_ =	swait.ge [sflag:s11], $0x2800  }
0x58: {  	[sflag:s11] =	ssyncset.done $0x0  }
0x59: {  	[sflag:s11] =	ssyncadd.s32 $0xFFFFD800  }
0x5a: {  	_ =	swait.ge [sflag:s20], $0x2800  }
0x5b: {  	[sflag:s20] =	ssyncset.done $0x0  }
0x5c: {  	[sflag:s20] =	ssyncadd.s32 $0xFFFFD800  }
0x5d: {  	[hbm4b:s26+s2] =	stream.linear.scatter [tilespmem:s15], [sflag:$0x6], $0x2800, $0x38;
	[tilespmem:$0xDE00] =	vst v63  }
0x5e: {  	_ =	swait.ge [sflag:s11], $0x2800  }
0x5f: {  	[sflag:s11] =	ssyncset.done $0x0  }
0x60: {  	[sflag:s11] =	ssyncadd.s32 $0xFFFFD800  }
0x61: {  	_ =	swait.ge [sflag:s21], $0x2800  }
0x62: {  	[sflag:s21] =	ssyncset.done $0x0  }
0x63: {  	[sflag:s21] =	ssyncadd.s32 $0xFFFFD800  }
0x64: {  	[hbm4b:s25+s2] =	stream.linear.scatter [tilespmem:s16], [sflag:$0x6], $0x2800, $0x38;
	[tilespmem:$0xDE00] =	vst v63  }
0x65: {  	_ =	swait.ge [sflag:s11], $0x2800  }
0x66: {  	[sflag:s11] =	ssyncset.done $0x0  }
0x67: {  	[sflag:s11] =	ssyncadd.s32 $0xFFFFD800  }
0x68: {  	_ =	swait.ge [sflag:s22], $0x2800  }
.Ltmp0:
0x69: {  	[sflag:s22] =	ssyncset.done $0x0;
	(pc) =	sbr.rel @p0 .LBB2_2-.Ltmp0, $4  }
0x6a: {  	s31 =	smov.u32 s1;
	s28 =	sadd.s32 $0x1900, s28;
	[sflag:s22] =	ssyncadd.s32 $0xFFFFD800  }
0x6b: {  	[hbm4b:s24+s2] =	stream.linear.scatter [tilespmem:s17], [sflag:$0x6], $0x2800, $0x38;
	[tilespmem:$0xDE00] =	vst v63  }
0x6c: {  	s26 =	sadd.s32 $0x1900, s26;
	s25 =	sadd.s32 $0x1900, s25;
	_ =	swait.ge [sflag:s11], $0x2800  }
0x6d: {  	s29 =	sadd.s32 $0x1900, s29;
	s24 =	sadd.s32 $0x1900, s24;
	[sflag:s11] =	ssyncset.done $0x0  }
0x6e: {  	s0 =	sshra.s32 s30, $0x2;
	[sflag:s11] =	ssyncadd.s32 $0xFFFFD800  }
0x6f: {  	[tilespmem:s13], [sflag:$0x1] =	stream.indirect.gather [hbm4b:s3+s12], $0x80, s0, s12, $0xb8;
	[tilespmem:$0xDE00] =	vst v63  }
0x70: {  	s1 =	sadd.s32 $0x50, s0  }
0x71: {  	[tilespmem:s14], [sflag:$0x2] =	stream.indirect.gather [hbm4b:s3+s12], $0x80, s1, s12, $0xb8;
	[tilespmem:$0xDE00] =	vst v63  }
0x72: {  	s30 =	sadd.s32 $0xA0, s0  }
0x73: {  	[tilespmem:s15], [sflag:$0x3] =	stream.indirect.gather [hbm4b:s3+s12], $0x80, s30, s12, $0xb8;
	[tilespmem:$0xDE00] =	vst v63  }
0x74: {  	s31 =	sadd.s32 $0xF0, s0  }
0x75: {  	[tilespmem:s16], [sflag:$0x4] =	stream.indirect.gather [hbm4b:s3+s12], $0x80, s31, s12, $0xb8;
	[tilespmem:$0xDE00] =	vst v63  }
0x76: {  	s0 =	sadd.s32 $0x140, s0  }
0x77: {  	[tilespmem:s17], [sflag:$0x5] =	stream.indirect.gather [hbm4b:s3+s12], $0x80, s0, s12, $0xb8;
	[tilespmem:$0xDE00] =	vst v63  }
0x78: {  	_ =	swait.ge [sflag:s18], $0x2800  }
0x79: {  	[sflag:s18] =	ssyncset.done $0x0  }
0x7a: {  	[sflag:s18] =	ssyncadd.s32 $0xFFFFD800  }
0x7b: {  	[hbm4b:s29+s2] =	stream.linear.scatter [tilespmem:s13], [sflag:$0x6], $0x2800, $0x38;
	[tilespmem:$0xDE00] =	vst v63  }
0x7c: {  	_ =	swait.ge [sflag:s11], $0x2800  }
0x7d: {  	[sflag:s11] =	ssyncset.done $0x0  }
0x7e: {  	[sflag:s11] =	ssyncadd.s32 $0xFFFFD800  }
0x7f: {  	_ =	swait.ge [sflag:s19], $0x2800  }
0x80: {  	[sflag:s19] =	ssyncset.done $0x0  }
0x81: {  	[sflag:s19] =	ssyncadd.s32 $0xFFFFD800  }
0x82: {  	[hbm4b:s28+s2] =	stream.linear.scatter [tilespmem:s14], [sflag:$0x6], $0x2800, $0x38;
	[tilespmem:$0xDE00] =	vst v63  }
0x83: {  	_ =	swait.ge [sflag:s11], $0x2800  }
0x84: {  	[sflag:s11] =	ssyncset.done $0x0  }
0x85: {  	[sflag:s11] =	ssyncadd.s32 $0xFFFFD800  }
0x86: {  	_ =	swait.ge [sflag:s20], $0x2800  }
0x87: {  	[sflag:s20] =	ssyncset.done $0x0  }
0x88: {  	[sflag:s20] =	ssyncadd.s32 $0xFFFFD800  }
0x89: {  	[hbm4b:s26+s2] =	stream.linear.scatter [tilespmem:s15], [sflag:$0x6], $0x2800, $0x38;
	[tilespmem:$0xDE00] =	vst v63  }
0x8a: {  	_ =	swait.ge [sflag:s11], $0x2800  }
0x8b: {  	[sflag:s11] =	ssyncset.done $0x0  }
0x8c: {  	[sflag:s11] =	ssyncadd.s32 $0xFFFFD800  }
0x8d: {  	_ =	swait.ge [sflag:s21], $0x2800  }
0x8e: {  	[sflag:s21] =	ssyncset.done $0x0  }
0x8f: {  	[sflag:s21] =	ssyncadd.s32 $0xFFFFD800  }
0x90: {  	[hbm4b:s25+s2] =	stream.linear.scatter [tilespmem:s16], [sflag:$0x6], $0x2800, $0x38;
	[tilespmem:$0xDE00] =	vst v63  }
0x91: {  	_ =	swait.ge [sflag:s11], $0x2800  }
0x92: {  	[sflag:s11] =	ssyncset.done $0x0  }
0x93: {  	[sflag:s11] =	ssyncadd.s32 $0xFFFFD800  }
0x94: {  	s23 =	sadd.s32 $0x1, s23;
	_ =	swait.ge [sflag:s22], $0x2800  }
0x95: {  	p0 =	sne.s32 s23, s5;
	[sflag:s22] =	ssyncset.done $0x0  }
.Ltmp1:
0x96: {  	[sflag:s22] =	ssyncadd.s32 $0xFFFFD800;
	(pc) =	sbr.rel @p0 .LBB2_1-.Ltmp1, $4  }
0x97: {  	[hbm4b:s24+s2] =	stream.linear.scatter [tilespmem:s17], [sflag:$0x6], $0x2800, $0x38;
	[tilespmem:$0xDE00] =	vst v63  }
0x98: {  	_ =	swait.ge [sflag:s11], $0x2800  }
0x99: {  	[sflag:s11] =	ssyncset.done $0x0  }
0x9a: {  	[sflag:s11] =	ssyncadd.s32 $0xFFFFD800  }
0x9b: {  	_ =	sfence.sel $0x180000  }
0x9c: {  	[bflag:$0x0] =	sbarrier.arrive $0xFFFF  }
0x9d: {  	_ =	strace $0x90000056  }
0x9e: {  	s0 =	stileid.u32;
	[bflag:$0x2] =	sbarrier.arrive $0xFFFF  }
0x9f: {  	p0 =	sne.s32 s0, $0x0;
	s0 =	rddreg [dreg:$0x1]  }
0xa0: {  	s0 =	sadd.s32 @!p0 $0x100000, s0  }
0xa1: {  	[sflag:s0] =	ssyncadd.tile.s32 @!p0 $0x1;
	_ =	shalt  }
.Lfunc_end2:
_tile_overlayer_lowered:
.L_overlay_start_2:
0xa2: {  	(tag) =	ssettag $0x2  }
0xa3: {  	s0 =	rddreg [dreg:$0x0];
	s2 =	stileid.u32  }
0xa4: {  	s1 =	rddreg [dreg:$0x1];
	p0 =	sne.s32 s2, $0x0  }
0xa5: {  	s3 =	rddreg [dreg:$0x2];
	[bflag:$0x3] =	sbarrier.arrive $0xFFFF;
	s2 =	simm.s32 @!p0 $0x1C06  }
0xa6: {  	[timem:s3], [sflag:s2] =	dma.local @!p0 [hbm:s0], s1  }
0xa7: {  	s0 =	simm.s32 @!p0 $0x6  }
0xa8: {  	_ =	swait.ge @!p0 [sflag:s0], s1  }
0xa9: {  	s1 =	ssub.s32 @!p0 $0x0, s1;
	[sflag:s0] =	ssyncset.done @!p0 $0x0  }
0xaa: {  	[sflag:s0] =	ssyncadd.s32 @!p0 s1  }
0xab: {  	[bflag:$0x3] =	sbarrier.arrive $0xFFFF  }
0xac: {  	_ =	shalt  }

// kernel: kernel.40.cloned.1.call-start
scs
__scs_entry_jumppad:
0x0: {  	(pc) =	sbr.rel $0x88, $3  }
0x1: {  	(tag) =	ssettag $0x0;
	lr =	simm.s32 $0x1  }
0x2: {  	[smem:$0x3F86] =	sst lr;
	_ =	strace $0xD0000000  }
0x3: {  	_ = 	snop  }
0x4: {  	_ = 	snop  }
0x5: {  	_ = 	snop  }
0x6: {  	_ = 	snop  }
0x7: {  	_ = 	snop  }
__scs_overlays_trampoline_lowered:
0x8: {  	[smem:$0x3F95] =	sst s0  }
0x9: {  	[smem:$0x3F96] =	sst s1  }
0xa: {  	[smem:$0x3F97] =	sst s2  }
0xb: {  	[smem:$0x3F98] =	sst s3  }
0xc: {  	[smem:$0x3F99] =	sst s4  }
0xd: {  	[smem:$0x3F9A] =	sst s5  }
0xe: {  	[smem:$0x3F9B] =	sst s6  }
0xf: {  	[smem:$0x3F9C] =	sst s7  }
0x10: {  	[smem:$0x3F9D] =	sst s8  }
0x11: {  	[smem:$0x3F9E] =	sst s9;
	s0 =	simm.s32 @!p0 $0x0  }
0x12: {  	s1 =	sld [smem:$0x3F84];
	s0 =	simm.s32 @p0 $0x1  }
0x13: {  	[smem:$0x3F9F] =	sst s0;
	s0 =	simm.s32 @!p1 $0x0  }
0x14: {  	s2 =	sld [smem:$0x3F83];
	s0 =	simm.s32 @p1 $0x1  }
0x15: {  	[smem:$0x3FA0] =	sst s0;
	s0 =	simm.s32 @!p2 $0x0  }
0x16: {  	s3 =	sld [smem:$0x3FDB];
	s0 =	simm.s32 @p2 $0x1  }
0x17: {  	s4 =	simm.s32 $0x1BF5;
	[smem:$0x3FA2] =	sst s0  }
0x18: {  	s0 =	sld [smem:$0x3F85];
	_ =	swait.ge [sflag:s4], $0x0  }
0x19: {  	s7 =	sld [smem:$0x3F86]  }
0x1a: {  	s8 =	sadd.s32 $0xFFFFE003, lr  }
0x1b: {  	s9 =	sadd.s32 $0xFFFFFEF7, lr;
	s5 =	simm.s32 $0xFFFFFFFF;
	p2 =	slt.u32 s8, $0xFFFFF086  }
0x1c: {  	p1 =	slt.u32 s9, $0xF7A;
	s5 =	simm.s32 @!p2 $0x0  }
0x1d: {  	s5 =	simm.s32 @p1 $0x1;
	p0 =	seq.s32 s7, s2  }
0x1e: {  	s7 =	smul.u32 @!p0 $0xF7A, s2;
	p2 =	seq.s32 @!p0 s5, $0x0  }
0x1f: {  	s9 =	smul.u32 $0xF7A, s1;
	s8 =	simm.s32 @!p0 $0x1BF5;
	p2 =	por !p2, p0  }
0x20: {  	[sflag:s8] =	ssyncset.s32 @!p0 $0xFFFFF086;
	s6 =	sadd.s32 @!p0 s3, s7;
	s7 =	simm.s32 @!p0 $0x108  }
0x21: {  	s3 =	sadd.s32 s3, s9;
	s6 =	sadd.s32 @!p0 $0x88, s6;
	s7 =	simm.s32 @p2 $0x1082  }
0x22: {  	[simem:s7], [sflag:s8] =	dma.local @!p0 [hbm:s6], $0xF7A  }
0x23: {  	s9 =	sor.u32 $0xD0000000, s2;
	s6 =	simm.s32 $0x108;
	_ =	swait.ge @!p0 [sflag:s8], $0x0  }
0x24: {  	s3 =	sadd.s32 $0x88, s3;
	s6 =	simm.s32 @!p1 $0x1082;
	[sflag:s4] =	ssyncset.s32 $0xFFFFF086  }
0x25: {  	[simem:s6], [sflag:s4] =	dma.local [hbm:s3], $0xF7A  }
0x26: {  	[smem:$0x3F86] =	sst s1;
	(tag) =	ssettag s2;
	_ =	strace s9  }
0x27: {  	s1 =	sld [smem:$0x3F96]  }
0x28: {  	s2 =	sld [smem:$0x3F97]  }
0x29: {  	s4 =	sld [smem:$0x3F99]  }
0x2a: {  	p0 =	seq.s32 s5, $0x0;
	s5 =	sld [smem:$0x3F9A]  }
0x2b: {  	s6 =	sld [smem:$0x3F9B]  }
0x2c: {  	s7 =	sld [smem:$0x3F9C]  }
0x2d: {  	s3 =	simm.s32 $0x108;
	s8 =	sld [smem:$0x3F9D]  }
0x2e: {  	s3 =	simm.s32 @!p0 $0x1082;
	s9 =	sld [smem:$0x3F9E]  }
0x2f: {  	lr =	sadd.s32 s0, s3;
	s0 =	sld [smem:$0x3F95]  }
0x30: {  	s3 =	sld [smem:$0x3F98]  }
0x31: {  	[smem:$0x3FA1] =	sst s10  }
0x32: {  	s10 =	sld [smem:$0x3F9F];
	_ =	sdelay $0x3  }
0x33: {  	p0 =	seq.s32 s10, $0x1;
	s10 =	sld [smem:$0x3FA1];
	_ =	sdelay $0x3  }
0x34: {  	[smem:$0x3FA1] =	sst s10  }
0x35: {  	s10 =	sld [smem:$0x3FA0];
	_ =	sdelay $0x3  }
0x36: {  	p1 =	seq.s32 s10, $0x1;
	s10 =	sld [smem:$0x3FA1];
	_ =	sdelay $0x3  }
0x37: {  	[smem:$0x3FA1] =	sst s10  }
0x38: {  	s10 =	sld [smem:$0x3FA2]  }
0x39: {  	_ = 	snop;
	(pc) =	sbr.ind lr, $3  }
0x3a: {  	_ = 	snop  }
0x3b: {  	_ = 	snop  }
0x3c: {  	p2 =	seq.s32 s10, $0x1;
	s10 =	sld [smem:$0x3FA1]  }
0x3d: {  	_ =	shalt  }
0x3e: {  	_ =	shalt  }
0x3f: {  	_ =	shalt  }
0x40: {  	_ =	shalt  }
0x41: {  	_ =	shalt  }
0x42: {  	_ =	shalt  }
0x43: {  	_ =	shalt  }
0x44: {  	_ =	shalt  }
0x45: {  	_ =	shalt  }
0x46: {  	_ =	shalt  }
0x47: {  	_ =	shalt  }
0x48: {  	_ =	shalt  }
0x49: {  	_ =	shalt  }
0x4a: {  	_ =	shalt  }
0x4b: {  	_ =	shalt  }
0x4c: {  	_ =	shalt  }
0x4d: {  	_ =	shalt  }
0x4e: {  	_ =	shalt  }
0x4f: {  	_ =	shalt  }
0x50: {  	_ =	shalt  }
0x51: {  	_ =	shalt  }
0x52: {  	_ =	shalt  }
0x53: {  	_ =	shalt  }
0x54: {  	_ =	shalt  }
0x55: {  	_ =	shalt  }
0x56: {  	_ =	shalt  }
0x57: {  	_ =	shalt  }
0x58: {  	_ =	shalt  }
0x59: {  	_ =	shalt  }
0x5a: {  	_ =	shalt  }
0x5b: {  	_ =	shalt  }
0x5c: {  	_ =	shalt  }
0x5d: {  	_ =	shalt  }
0x5e: {  	_ =	shalt  }
0x5f: {  	_ =	shalt  }
0x60: {  	_ =	shalt  }
0x61: {  	_ =	shalt  }
0x62: {  	_ =	shalt  }
0x63: {  	_ =	shalt  }
0x64: {  	_ =	shalt  }
0x65: {  	_ =	shalt  }
0x66: {  	_ =	shalt  }
0x67: {  	_ =	shalt  }
0x68: {  	_ =	shalt  }
0x69: {  	_ =	shalt  }
0x6a: {  	_ =	shalt  }
0x6b: {  	_ =	shalt  }
0x6c: {  	_ =	shalt  }
0x6d: {  	_ =	shalt  }
0x6e: {  	_ =	shalt  }
0x6f: {  	_ =	shalt  }
0x70: {  	_ =	shalt  }
0x71: {  	_ =	shalt  }
0x72: {  	_ =	shalt  }
0x73: {  	_ =	shalt  }
0x74: {  	_ =	shalt  }
0x75: {  	_ =	shalt  }
0x76: {  	_ =	shalt  }
0x77: {  	_ =	shalt  }
0x78: {  	_ =	shalt  }
0x79: {  	_ =	shalt  }
0x7a: {  	_ =	shalt  }
0x7b: {  	_ =	shalt  }
0x7c: {  	_ =	shalt  }
0x7d: {  	_ =	shalt  }
0x7e: {  	_ =	shalt  }
0x7f: {  	_ =	shalt  }
0x80: {  	_ =	shalt  }
0x81: {  	_ =	shalt  }
0x82: {  	_ =	shalt  }
0x83: {  	_ =	shalt  }
0x84: {  	_ =	shalt  }
0x85: {  	_ =	shalt  }
0x86: {  	_ =	shalt  }
0x87: {  	_ =	shalt  }
.Lfunc_end0:
.L_simem_size_0:
called_computation.5_lowered:
.L_overlay_start_0:
0x88: {  	s2 =	sld [smem:$0x3FD9]  }
0x89: {  	s3 =	sld [smem:$0x3FFE];
	_ =	sdelay $0x1  }
0x8a: {  	s1 =	srdreg.scid  }
0x8b: {  	s0 =	sand.u32 $0x1, s1  }
0x8c: {  	s16 =	sshll.u32 s0, $0xA;
	s2 =	sadd.s32 s3, s2  }
0x8d: {  	s2 =	sadd.s32 s2, s16  }
0x8e: {  	[smem:$0x3FAD] =	sst s2  }
0x8f: {  	_ = 	snop  }
0x90: {  	(tm) =	ssettm $0x1  }
0x91: {  	s17 =	sld [smem:$0x3FFB];
	_ =	sdelay $0x3  }
0x92: {  	_ =	strace s17  }
0x93: {  	s2 =	sld [smem:$0x3FFC];
	_ =	sdelay $0x3  }
0x94: {  	_ =	strace s2  }
0x95: {  	s2 =	sld [smem:$0x3FFD];
	_ =	sdelay $0x3  }
0x96: {  	_ =	strace s2  }
0x97: {  	_ =	strace $0x8FFFFFFF  }
0x98: {  	s18 =	sld [smem:$0x3FDB];
	_ =	sdelay $0x1  }
0x99: {  	s19 =	simm.s32 $_scs_section_size  }
0x9a: {  	s4 =	simm.s32 $_size__tile_overlayer_lowered;
	s5 =	simm.s32 $_tile_overlayer_lowered  }
0x9b: {  	s22 =	simm.s32 $0x1BFF;
	s21 =	sshll.u32 s5, $0x1;
	s2 =	sadd.s32 s19, s18  }
0x9c: {  	s6 =	simm.s32 $0x0;
	s20 =	sshll.u32 s4, $0x1;
	s4 =	sadd.s32 s21, s2  }
0x9d: {  	[timem:s6], [sflag:s22] =	dma.local [hbm:s4], s20  }
0x9e: {  	_ =	swait.ge [sflag:s22], s20  }
0x9f: {  	s3 =	ssub.s32 $0x0, s20;
	[sflag:s22] =	ssyncset.done $0x0  }
0xa0: {  	[sflag:s22] =	ssyncadd.s32 s3;
	_ =	sdelay $0x1  }
0xa1: {  	s23 =	simm.s32 $0x1B8B  }
0xa2: {  	_ =	swait.ge [sflag:s23], $0x1  }
0xa3: {  	[sflag:s23] =	ssyncset.done $0x0  }
0xa4: {  	s25 =	simm.s32 $0x1B8E;
	s24 =	sld [smem:$0x3FFE];
	[sflag:s23] =	ssyncadd.s32 $0xFFFFFFFF  }
0xa5: {  	s26 =	simm.s32 $execute0_lowered;
	[smem:$0x3FD2] =	sst s25  }
0xa6: {  	s4 =	sshll.u32 s26, $0x1;
	_ =	strace $0x80000052;
	[dreg:$0x1] =	wrdreg $0xFFFFFFFF  }
0xa7: {  	s28 =	simm.s32 $_size_execute0_lowered;
	s2 =	sadd.s32 s2, s4;
	[dreg:$0x0] =	wrdreg $0x0  }
0xa8: {  	s4 =	sshll.u32 s28, $0x1;
	[dreg:$0x2] =	wrdreg s2  }
0xa9: {  	[dreg:$0x3] =	wrdreg s4  }
0xaa: {  	[dreg:$0x4] =	wrdreg $0xC0  }
0xab: {  	_ =	task [dreg:s6], $0x5FFFF  }
0xac: {  	[dreg:$0x1] =	wrdreg $0xFFFFFFFF  }
0xad: {  	[dreg:$0x0] =	wrdreg $0x60  }
0xae: {  	[dreg:$0x2] =	wrdreg s24  }
0xaf: {  	[dreg:$0x3] =	wrdreg $0xA  }
0xb0: {  	_ =	task.clear_ibuf [dreg:s6], $0x4FFFF;
	_ =	strace $0x90000052  }
0xb1: {  	s29 =	simm.s32 $0xA;
	_ =	strace $0x80000054  }
0xb2: {  	_ =	swait.ge [sflag:s29], $0x1  }
0xb3: {  	[sflag:s29] =	ssyncadd.s32 $0xFFFFFFFF  }
0xb4: {  	_ =	strace $0x90000054  }
0xb5: {  	_ =	sfence  }
0xb6: {  	s30 =	sld [smem:$0x0];
	_ =	sdelay $0x2  }
0xb7: {  	s31 =	sshll.u32 s1, $0xD;
	s1 =	sshrl.u32 s1, $0x2  }
0xb8: {  	s3 =	sand.u32 $0x4000, s31;
	s1 =	sadd.s32 s1, s30  }
0xb9: {  	s0 =	sor.u32 s3, s0;
	s1 =	sshll.u32 s1, $0x11  }
0xba: {  	s0 =	sor.u32 s1, s0  }
0xbb: {  	s0 =	sadd.s32 $0x8F2B, s0  }
0xbc: {  	[sflag:s0] =	ssyncadd.remote.s32 $0x1  }
0xbd: {  	_ =	sfence.sel $0xFFFF  }
0xbe: {  	[dreg:$0x0] =	wrdreg $0xFFFFFFFF;
	(pc) =	sbr.abs _section_cstart, $3  }
0xbf: {  	[dreg:$0x1] =	wrdreg $0xFFFFFFFF  }
0xc0: {  	_ =	task.clear_ibuf [dreg:s6], $0x2FFFF;
	_ =	strace $0x9FFFFFFF  }
0xc1: {  	(tm) =	ssettm $0x7FFFFFFF  }
tec
execute0_lowered:
.L_overlay_start_1:
0x0: {  	(tag) =	ssettag $0x1  }
0x1: {  	s1 =	srdreg.scid  }
0x2: {  	s0 =	stileid.u32;
	s4 =	rddreg [dreg:$0x0]  }
0x3: {  	s2 =	simm.s32 $0x0;
	s12 =	simm.s32 $0x50;
	s13 =	simm.s32 $0x1180  }
0x4: {  	s14 =	simm.s32 $0x3980;
	s15 =	simm.s32 $0x6180;
	s16 =	simm.s32 $0x8980  }
0x5: {  	s17 =	simm.s32 $0xB180;
	s18 =	simm.s32 $0x1;
	s19 =	simm.s32 $0x2  }
0x6: {  	s20 =	simm.s32 $0x3;
	s21 =	simm.s32 $0x4;
	s22 =	simm.s32 $0x5  }
0x7: {  	s23 =	simm.s32 $0x0;
	s1 =	sand.u32 $0x1, s1;
	s7 =	smul.u32 $0x113000, s0  }
0x8: {  	s3 =	sshll.u32 s0, $0x1;
	[smem:$0x7FF] =	sst s2;
	s26 =	smul.u32 $0x22600, s0  }
0x9: {  	s10 =	sadd.s32 $0x88C00, s4;
	s3 =	sor.u32 s1, s3;
	s9 =	smul.u32 $0x89800, s1  }
0xa: {  	_ =	strace $0x80000053;
	s6 =	ssub.s32 $0x2, s1;
	s1 =	smul.u32 $0x11300, s1  }
0xb: {  	s5 =	smul.u32 $0x1130, s3;
	s3 =	sadd.s32 $0x13600, s4;
	s8 =	sshrl.u32 s6, $0x1  }
0xc: {  	s28 =	sadd.s32 s26, s10;
	s6 =	ssub.s32 s6, s8;
	s9 =	sadd.s32 s9, s7  }
0xd: {  	s5 =	sshrl.u32 s5, $0x3;
	s7 =	sadd.s32 $0xA000, s9;
	s29 =	sadd.s32 $0x7800, s9  }
0xe: {  	s11 =	sadd.s32 $0x5000, s9;
	s9 =	sadd.s32 $0x2800, s9;
	s4 =	sadd.s32 s4, s5  }
0xf: {  	s5 =	smax.u32 s6, $0x1;
	s7 =	sshrl.u32 s7, $0x3;
	s6 =	sadd.s32 s1, s28  }
0x10: {  	s1 =	sshrl.u32 s29, $0x3;
	s30 =	sshrl.u32 s11, $0x3;
	s31 =	sshrl.u32 s9, $0x3  }
0x11: {  	s11 =	simm.s32 $0x6;
	s4 =	sadd.s32 $0xEF80, s4;
	s7 =	sadd.s32 s7, s10  }
0x12: {  	s8 =	sadd.s32 s1, s10;
	s9 =	sadd.s32 s30, s10;
	s10 =	sadd.s32 s31, s10  }
.LBB2_1:
0x13: {  	[tilespmem:s2], [sflag:$0x6] =	stream.linear.gather [hbm4b:s4+s2], $0x1130, $0x38;
	[tilespmem:$0xD980] =	vst v63  }
0x14: {  	_ =	swait.ge [sflag:s11], $0x1130  }
0x15: {  	[sflag:s11] =	ssyncset.done $0x0  }
0x16: {  	s1 =	simm.s32 $0x0;
	[sflag:s11] =	ssyncadd.s32 $0xFFFFEED0  }
0x17: {  	[tilespmem:s13], [sflag:$0x1] =	stream.indirect.gather [hbm4b:s3+s12], $0x80, s1, s12, $0xb8;
	[tilespmem:$0xD980] =	vst v63  }
0x18: {  	s0 =	simm.s32 $0x50  }
0x19: {  	[tilespmem:s14], [sflag:$0x2] =	stream.indirect.gather [hbm4b:s3+s12], $0x80, s0, s12, $0xb8;
	[tilespmem:$0xD980] =	vst v63  }
0x1a: {  	s24 =	simm.s32 $0xA0  }
0x1b: {  	[tilespmem:s15], [sflag:$0x3] =	stream.indirect.gather [hbm4b:s3+s12], $0x80, s24, s12, $0xb8;
	[tilespmem:$0xD980] =	vst v63  }
0x1c: {  	s25 =	simm.s32 $0xF0  }
0x1d: {  	[tilespmem:s16], [sflag:$0x4] =	stream.indirect.gather [hbm4b:s3+s12], $0x80, s25, s12, $0xb8;
	[tilespmem:$0xD980] =	vst v63  }
0x1e: {  	s26 =	simm.s32 $0x140  }
0x1f: {  	[tilespmem:s17], [sflag:$0x5] =	stream.indirect.gather [hbm4b:s3+s12], $0x80, s26, s12, $0xb8;
	[tilespmem:$0xD980] =	vst v63  }
0x20: {  	_ =	swait.ge [sflag:s18], $0x2800  }
0x21: {  	[sflag:s18] =	ssyncset.done $0x0  }
0x22: {  	[sflag:s18] =	ssyncadd.s32 $0xFFFFD800  }
0x23: {  	[hbm4b:s6+s2] =	stream.linear.scatter [tilespmem:s13], [sflag:$0x6], $0x2800, $0x38;
	[tilespmem:$0xD980] =	vst v63  }
0x24: {  	_ =	swait.ge [sflag:s11], $0x2800  }
0x25: {  	[sflag:s11] =	ssyncset.done $0x0  }
0x26: {  	[sflag:s11] =	ssyncadd.s32 $0xFFFFD800  }
0x27: {  	_ =	swait.ge [sflag:s19], $0x2800  }
0x28: {  	[sflag:s19] =	ssyncset.done $0x0  }
0x29: {  	[sflag:s19] =	ssyncadd.s32 $0xFFFFD800  }
0x2a: {  	[hbm4b:s10+s2] =	stream.linear.scatter [tilespmem:s14], [sflag:$0x6], $0x2800, $0x38;
	[tilespmem:$0xD980] =	vst v63  }
0x2b: {  	_ =	swait.ge [sflag:s11], $0x2800  }
0x2c: {  	[sflag:s11] =	ssyncset.done $0x0  }
0x2d: {  	[sflag:s11] =	ssyncadd.s32 $0xFFFFD800  }
0x2e: {  	_ =	swait.ge [sflag:s20], $0x2800  }
0x2f: {  	[sflag:s20] =	ssyncset.done $0x0  }
0x30: {  	[sflag:s20] =	ssyncadd.s32 $0xFFFFD800  }
0x31: {  	[hbm4b:s9+s2] =	stream.linear.scatter [tilespmem:s15], [sflag:$0x6], $0x2800, $0x38;
	[tilespmem:$0xD980] =	vst v63  }
0x32: {  	_ =	swait.ge [sflag:s11], $0x2800  }
0x33: {  	[sflag:s11] =	ssyncset.done $0x0  }
0x34: {  	[sflag:s11] =	ssyncadd.s32 $0xFFFFD800  }
0x35: {  	_ =	swait.ge [sflag:s21], $0x2800  }
0x36: {  	[sflag:s21] =	ssyncset.done $0x0  }
0x37: {  	[sflag:s21] =	ssyncadd.s32 $0xFFFFD800  }
0x38: {  	[hbm4b:s8+s2] =	stream.linear.scatter [tilespmem:s16], [sflag:$0x6], $0x2800, $0x38;
	[tilespmem:$0xD980] =	vst v63  }
0x39: {  	_ =	swait.ge [sflag:s11], $0x2800  }
0x3a: {  	[sflag:s11] =	ssyncset.done $0x0  }
0x3b: {  	[sflag:s11] =	ssyncadd.s32 $0xFFFFD800  }
0x3c: {  	_ =	swait.ge [sflag:s22], $0x2800  }
0x3d: {  	s30 =	simm.s32 $0x640;
	[sflag:s22] =	ssyncset.done $0x0  }
0x3e: {  	s31 =	simm.s32 $0xC80;
	s28 =	sadd.s32 $0x1900, s10;
	[sflag:s22] =	ssyncadd.s32 $0xFFFFD800  }
0x3f: {  	[hbm4b:s7+s2] =	stream.linear.scatter [tilespmem:s17], [sflag:$0x6], $0x2800, $0x38;
	[tilespmem:$0xD980] =	vst v63  }
0x40: {  	s29 =	sadd.s32 $0x1900, s6;
	s24 =	sadd.s32 $0x1900, s7;
	_ =	swait.ge [sflag:s11], $0x2800  }
0x41: {  	s25 =	sadd.s32 $0x1900, s8;
	s26 =	sadd.s32 $0x1900, s9;
	[sflag:s11] =	ssyncset.done $0x0  }
.LBB2_2:
0x42: {  	s0 =	sshra.s32 s30, $0x2  }
0x43: {  	[sflag:s11] =	ssyncadd.s32 $0xFFFFD800;
	s30 =	smov.u32 s31;
	s1 =	sadd.s32 $0x640, s31  }
0x44: {  	[tilespmem:s13], [sflag:$0x1] =	stream.indirect.gather [hbm4b:s3+s12], $0x80, s0, s12, $0xb8;
	[tilespmem:$0xD980] =	vst v63  }
0x45: {  	p0 =	sne.s32 s31, $0x3E80;
	s31 =	sadd.s32 $0x50, s0  }
0x46: {  	[tilespmem:s14], [sflag:$0x2] =	stream.indirect.gather [hbm4b:s3+s12], $0x80, s31, s12, $0xb8;
	[tilespmem:$0xD980] =	vst v63  }
0x47: {  	s31 =	sadd.s32 $0xA0, s0  }
0x48: {  	[tilespmem:s15], [sflag:$0x3] =	stream.indirect.gather [hbm4b:s3+s12], $0x80, s31, s12, $0xb8;
	[tilespmem:$0xD980] =	vst v63  }
0x49: {  	s31 =	sadd.s32 $0xF0, s0  }
0x4a: {  	[tilespmem:s16], [sflag:$0x4] =	stream.indirect.gather [hbm4b:s3+s12], $0x80, s31, s12, $0xb8;
	[tilespmem:$0xD980] =	vst v63  }
0x4b: {  	s0 =	sadd.s32 $0x140, s0  }
0x4c: {  	[tilespmem:s17], [sflag:$0x5] =	stream.indirect.gather [hbm4b:s3+s12], $0x80, s0, s12, $0xb8;
	[tilespmem:$0xD980] =	vst v63  }
0x4d: {  	_ =	swait.ge [sflag:s18], $0x2800  }
0x4e: {  	[sflag:s18] =	ssyncset.done $0x0  }
0x4f: {  	[sflag:s18] =	ssyncadd.s32 $0xFFFFD800  }
0x50: {  	[hbm4b:s29+s2] =	stream.linear.scatter [tilespmem:s13], [sflag:$0x6], $0x2800, $0x38;
	[tilespmem:$0xD980] =	vst v63  }
0x51: {  	_ =	swait.ge [sflag:s11], $0x2800  }
0x52: {  	[sflag:s11] =	ssyncset.done $0x0  }
0x53: {  	[sflag:s11] =	ssyncadd.s32 $0xFFFFD800  }
0x54: {  	_ =	swait.ge [sflag:s19], $0x2800  }
0x55: {  	[sflag:s19] =	ssyncset.done $0x0  }
0x56: {  	[sflag:s19] =	ssyncadd.s32 $0xFFFFD800  }
0x57: {  	[hbm4b:s28+s2] =	stream.linear.scatter [tilespmem:s14], [sflag:$0x6], $0x2800, $0x38;
	[tilespmem:$0xD980] =	vst v63  }
0x58: {  	_ =	swait.ge [sflag:s11], $0x2800  }
0x59: {  	[sflag:s11] =	ssyncset.done $0x0  }
0x5a: {  	[sflag:s11] =	ssyncadd.s32 $0xFFFFD800  }
0x5b: {  	_ =	swait.ge [sflag:s20], $0x2800  }
0x5c: {  	[sflag:s20] =	ssyncset.done $0x0  }
0x5d: {  	[sflag:s20] =	ssyncadd.s32 $0xFFFFD800  }
0x5e: {  	[hbm4b:s26+s2] =	stream.linear.scatter [tilespmem:s15], [sflag:$0x6], $0x2800, $0x38;
	[tilespmem:$0xD980] =	vst v63  }
0x5f: {  	_ =	swait.ge [sflag:s11], $0x2800  }
0x60: {  	[sflag:s11] =	ssyncset.done $0x0  }
0x61: {  	[sflag:s11] =	ssyncadd.s32 $0xFFFFD800  }
0x62: {  	_ =	swait.ge [sflag:s21], $0x2800  }
0x63: {  	[sflag:s21] =	ssyncset.done $0x0  }
0x64: {  	[sflag:s21] =	ssyncadd.s32 $0xFFFFD800  }
0x65: {  	[hbm4b:s25+s2] =	stream.linear.scatter [tilespmem:s16], [sflag:$0x6], $0x2800, $0x38;
	[tilespmem:$0xD980] =	vst v63  }
0x66: {  	_ =	swait.ge [sflag:s11], $0x2800  }
0x67: {  	[sflag:s11] =	ssyncset.done $0x0  }
0x68: {  	[sflag:s11] =	ssyncadd.s32 $0xFFFFD800  }
0x69: {  	_ =	swait.ge [sflag:s22], $0x2800  }
.Ltmp0:
0x6a: {  	[sflag:s22] =	ssyncset.done $0x0;
	(pc) =	sbr.rel @p0 .LBB2_2-.Ltmp0, $4  }
0x6b: {  	s31 =	smov.u32 s1;
	s28 =	sadd.s32 $0x1900, s28;
	[sflag:s22] =	ssyncadd.s32 $0xFFFFD800  }
0x6c: {  	[hbm4b:s24+s2] =	stream.linear.scatter [tilespmem:s17], [sflag:$0x6], $0x2800, $0x38;
	[tilespmem:$0xD980] =	vst v63  }
0x6d: {  	s26 =	sadd.s32 $0x1900, s26;
	s25 =	sadd.s32 $0x1900, s25;
	_ =	swait.ge [sflag:s11], $0x2800  }
0x6e: {  	s29 =	sadd.s32 $0x1900, s29;
	s24 =	sadd.s32 $0x1900, s24;
	[sflag:s11] =	ssyncset.done $0x0  }
0x6f: {  	s0 =	sshra.s32 s30, $0x2;
	[sflag:s11] =	ssyncadd.s32 $0xFFFFD800  }
0x70: {  	[tilespmem:s13], [sflag:$0x1] =	stream.indirect.gather [hbm4b:s3+s12], $0x80, s0, s12, $0xb8;
	[tilespmem:$0xD980] =	vst v63  }
0x71: {  	s1 =	sadd.s32 $0x50, s0  }
0x72: {  	[tilespmem:s14], [sflag:$0x2] =	stream.indirect.gather [hbm4b:s3+s12], $0x80, s1, s12, $0xb8;
	[tilespmem:$0xD980] =	vst v63  }
0x73: {  	s30 =	sadd.s32 $0xA0, s0  }
0x74: {  	[tilespmem:s15], [sflag:$0x3] =	stream.indirect.gather [hbm4b:s3+s12], $0x80, s30, s12, $0xb8;
	[tilespmem:$0xD980] =	vst v63  }
0x75: {  	s31 =	sadd.s32 $0xF0, s0  }
0x76: {  	[tilespmem:s16], [sflag:$0x4] =	stream.indirect.gather [hbm4b:s3+s12], $0x80, s31, s12, $0xb8;
	[tilespmem:$0xD980] =	vst v63  }
0x77: {  	s0 =	sadd.s32 $0x140, s0  }
0x78: {  	[tilespmem:s17], [sflag:$0x5] =	stream.indirect.gather [hbm4b:s3+s12], $0x80, s0, s12, $0xb8;
	[tilespmem:$0xD980] =	vst v63  }
0x79: {  	_ =	swait.ge [sflag:s18], $0x2800  }
0x7a: {  	[sflag:s18] =	ssyncset.done $0x0  }
0x7b: {  	[sflag:s18] =	ssyncadd.s32 $0xFFFFD800  }
0x7c: {  	[hbm4b:s29+s2] =	stream.linear.scatter [tilespmem:s13], [sflag:$0x6], $0x2800, $0x38;
	[tilespmem:$0xD980] =	vst v63  }
0x7d: {  	_ =	swait.ge [sflag:s11], $0x2800  }
0x7e: {  	[sflag:s11] =	ssyncset.done $0x0  }
0x7f: {  	[sflag:s11] =	ssyncadd.s32 $0xFFFFD800  }
0x80: {  	_ =	swait.ge [sflag:s19], $0x2800  }
0x81: {  	[sflag:s19] =	ssyncset.done $0x0  }
0x82: {  	[sflag:s19] =	ssyncadd.s32 $0xFFFFD800  }
0x83: {  	[hbm4b:s28+s2] =	stream.linear.scatter [tilespmem:s14], [sflag:$0x6], $0x2800, $0x38;
	[tilespmem:$0xD980] =	vst v63  }
0x84: {  	_ =	swait.ge [sflag:s11], $0x2800  }
0x85: {  	[sflag:s11] =	ssyncset.done $0x0  }
0x86: {  	[sflag:s11] =	ssyncadd.s32 $0xFFFFD800  }
0x87: {  	_ =	swait.ge [sflag:s20], $0x2800  }
0x88: {  	[sflag:s20] =	ssyncset.done $0x0  }
0x89: {  	[sflag:s20] =	ssyncadd.s32 $0xFFFFD800  }
0x8a: {  	[hbm4b:s26+s2] =	stream.linear.scatter [tilespmem:s15], [sflag:$0x6], $0x2800, $0x38;
	[tilespmem:$0xD980] =	vst v63  }
0x8b: {  	_ =	swait.ge [sflag:s11], $0x2800  }
0x8c: {  	[sflag:s11] =	ssyncset.done $0x0  }
0x8d: {  	[sflag:s11] =	ssyncadd.s32 $0xFFFFD800  }
0x8e: {  	_ =	swait.ge [sflag:s21], $0x2800  }
0x8f: {  	[sflag:s21] =	ssyncset.done $0x0  }
0x90: {  	[sflag:s21] =	ssyncadd.s32 $0xFFFFD800  }
0x91: {  	[hbm4b:s25+s2] =	stream.linear.scatter [tilespmem:s16], [sflag:$0x6], $0x2800, $0x38;
	[tilespmem:$0xD980] =	vst v63  }
0x92: {  	_ =	swait.ge [sflag:s11], $0x2800  }
0x93: {  	[sflag:s11] =	ssyncset.done $0x0  }
0x94: {  	[sflag:s11] =	ssyncadd.s32 $0xFFFFD800  }
0x95: {  	s23 =	sadd.s32 $0x1, s23;
	_ =	swait.ge [sflag:s22], $0x2800  }
0x96: {  	p0 =	sne.s32 s23, s5;
	[sflag:s22] =	ssyncset.done $0x0  }
.Ltmp1:
0x97: {  	[sflag:s22] =	ssyncadd.s32 $0xFFFFD800;
	(pc) =	sbr.rel @p0 .LBB2_1-.Ltmp1, $4  }
0x98: {  	[hbm4b:s24+s2] =	stream.linear.scatter [tilespmem:s17], [sflag:$0x6], $0x2800, $0x38;
	[tilespmem:$0xD980] =	vst v63  }
0x99: {  	_ =	swait.ge [sflag:s11], $0x2800  }
0x9a: {  	[sflag:s11] =	ssyncset.done $0x0  }
0x9b: {  	[sflag:s11] =	ssyncadd.s32 $0xFFFFD800  }
0x9c: {  	_ =	sfence.sel $0x180000  }
0x9d: {  	[bflag:$0x0] =	sbarrier.arrive $0xFFFF  }
0x9e: {  	_ =	strace $0x90000053  }
0x9f: {  	s0 =	stileid.u32;
	[bflag:$0x2] =	sbarrier.arrive $0xFFFF  }
0xa0: {  	p0 =	sne.s32 s0, $0x0;
	s0 =	rddreg [dreg:$0x1]  }
0xa1: {  	s0 =	sadd.s32 @!p0 $0x100000, s0  }
0xa2: {  	[sflag:s0] =	ssyncadd.tile.s32 @!p0 $0x1;
	_ =	shalt  }
.Lfunc_end2:
_tile_overlayer_lowered:
.L_overlay_start_2:
0xa3: {  	(tag) =	ssettag $0x2  }
0xa4: {  	s0 =	rddreg [dreg:$0x0];
	s2 =	stileid.u32  }
0xa5: {  	s1 =	rddreg [dreg:$0x1];
	p0 =	sne.s32 s2, $0x0  }
0xa6: {  	s3 =	rddreg [dreg:$0x2];
	[bflag:$0x3] =	sbarrier.arrive $0xFFFF;
	s2 =	simm.s32 @!p0 $0x1C06  }
0xa7: {  	[timem:s3], [sflag:s2] =	dma.local @!p0 [hbm:s0], s1  }
0xa8: {  	s0 =	simm.s32 @!p0 $0x6  }
0xa9: {  	_ =	swait.ge @!p0 [sflag:s0], s1  }
0xaa: {  	s1 =	ssub.s32 @!p0 $0x0, s1;
	[sflag:s0] =	ssyncset.done @!p0 $0x0  }
0xab: {  	[sflag:s0] =	ssyncadd.s32 @!p0 s1  }
0xac: {  	[bflag:$0x3] =	sbarrier.arrive $0xFFFF  }
0xad: {  	_ =	shalt  }

</sc_bundles>
